<compile_context>
chip_gen: v7x
topology: tpu7x:2x2x1
jax: 0.10.2.dev20260603
libtpu: 0.0.44.dev20260713+nightly
codegen_flags: <defaults>
</compile_context>

<pallas_src>
import functools

import jax
import jax.numpy as jnp
from jax import lax
from jax.experimental import pallas as pl
from jax.experimental.pallas import tpu as pltpu
from jax.experimental.pallas import tpu_sc as plsc

NC, NS = 2, 16
NW = NC * NS
IDX_W = 128
T = 1024
MT = 4096
D = 128


QT = 256


def _make_sc_gather(n_tokens):
    tpw = n_tokens // NW
    steps = tpw // T
    nq = T // QT
    mesh = plsc.VectorSubcoreMesh(core_axis_name="c", subcore_axis_name="s")

    @functools.partial(
        pl.kernel,
        out_type=jax.ShapeDtypeStruct((n_tokens, D), jnp.float32),
        mesh=mesh,
        compiler_params=pltpu.CompilerParams(use_tc_tiling_on_sc=True),
        scratch_types=[
            pltpu.VMEM((T // IDX_W, IDX_W), jnp.int32),
            pltpu.VMEM((QT, D), jnp.float32),
            pltpu.VMEM((QT, D), jnp.float32),
            pltpu.SemaphoreType.DMA,
            pltpu.SemaphoreType.DMA,
            pltpu.SemaphoreType.DMA,
            pltpu.SemaphoreType.DMA,
        ],
    )
    def sc_gather(idx_hbm, table_hbm, out_hbm, idx_v, rows0, rows1,
                  semg0, semg1, semw0, semw1):
        cid = lax.axis_index("c")
        sid = lax.axis_index("s")
        wid = sid * NC + cid
        row_base = wid * (tpw // IDX_W)
        bufs = (rows0, rows1)
        semg = (semg0, semg1)
        semw = (semw0, semw1)

        def drain_write(par):
            pltpu.make_async_copy(out_hbm.at[pl.ds(0, QT)], bufs[par],
                                  semw[par]).wait()

        def body(step, carry):
            row_off = row_base + step * (T // IDX_W)
            tok0 = row_off * IDX_W
            pltpu.sync_copy(idx_hbm.at[pl.ds(row_off, T // IDX_W)], idx_v)
            gathers = [None, None]
            for q in range(nq):
                par = q & 1
                if q >= 2:
                    drain_write(par)
                else:
                    @pl.when(step > 0)
                    def _():
                        drain_write(par)
                gathers[par] = [
                    pltpu.async_copy(
                        table_hbm.at[idx_v.at[q * (QT // IDX_W) + j]],
                        bufs[par].at[pl.ds(j * IDX_W, IDX_W)], semg[par])
                    for j in range(QT // IDX_W)
                ]
                if q >= 1:
                    prev = 1 - par
                    for cp in gathers[prev]:
                        cp.wait()
                    pltpu.async_copy(
                        bufs[prev],
                        out_hbm.at[pl.ds(tok0 + (q - 1) * QT, QT)],
                        semw[prev])
            last = (nq - 1) & 1
            for cp in gathers[last]:
                cp.wait()
            pltpu.async_copy(bufs[last],
                             out_hbm.at[pl.ds(tok0 + (nq - 1) * QT, QT)],
                             semw[last])
            return carry

        lax.fori_loop(0, steps, body, 0)
        drain_write(0)
        drain_write(1)

    return sc_gather


def _proj_body(t_ref, w_ref, o_ref):
    o_ref[...] = jnp.dot(t_ref[...], w_ref[...][0:64, :],
                         preferred_element_type=jnp.float32)


def _project_table(url_table, w):
    v, du = url_table.shape
    rb = 4000
    return pl.pallas_call(
        _proj_body,
        grid=(v // rb,),
        in_specs=[
            pl.BlockSpec((rb, du), lambda i: (i, 0)),
            pl.BlockSpec((80, 128), lambda i: (0, 0)),
        ],
        out_specs=pl.BlockSpec((rb, D), lambda i: (i, 0)),
        out_shape=jax.ShapeDtypeStruct((v, D), jnp.float32),
    )(url_table, w)


def _tc_body(g_ref, c_ref, w_ref, b_ref, cat_ref, o_ref):
    w_small = w_ref[...][64:80, :]
    small_proj = jnp.dot(cat_ref[...], w_small,
                         preferred_element_type=jnp.float32)
    code = c_ref[0]
    r = code & 15
    v = (code >> 4) & 127
    q = code >> 11
    ji = lax.broadcasted_iota(jnp.int32, (128, MT), 0)
    mh = (ji == r) | (ji == v + 11) | (ji == q + 111)
    mhf = jnp.where(mh, 1.0, 0.0).astype(jnp.float32)
    small = lax.dot_general(mhf, small_proj, (((0,), (0,)), ((), ())),
                            preferred_element_type=jnp.float32)
    o_ref[...] = jnp.tanh(g_ref[...] + small + b_ref[...])


def _tc_body_prev(prev_ref, g_ref, c_ref, w_ref, b_ref, cat_ref, o_ref):
    del prev_ref
    _tc_body(g_ref, c_ref, w_ref, b_ref, cat_ref, o_ref)


def _tc_call_slab(prev, g_s, c3, w, b2, small_cat, tile_off, n):
    nbs = g_s.shape[0] // MT
    data_specs = [
        pl.BlockSpec((MT, D), lambda i: (i, 0)),
        pl.BlockSpec((1, 1, MT), lambda i: (i, 0, 0)),
        pl.BlockSpec((80, 128), lambda i: (0, 0)),
        pl.BlockSpec((1, 128), lambda i: (0, 0)),
        pl.BlockSpec((128, 16), lambda i: (0, 0)),
    ]
    out_spec = pl.BlockSpec((MT, 128), lambda i: (i + tile_off, 0))
    out_shape = jax.ShapeDtypeStruct((n, 128), jnp.float32)
    if prev is None:
        return pl.pallas_call(
            _tc_body, grid=(nbs,), in_specs=data_specs,
            out_specs=out_spec, out_shape=out_shape,
        )(g_s, c3, w, b2, small_cat)
    return pl.pallas_call(
        _tc_body_prev, grid=(nbs,),
        in_specs=[pl.BlockSpec(memory_space=pl.ANY)] + data_specs,
        out_specs=out_spec, out_shape=out_shape,
        input_output_aliases={0: 0},
    )(prev, g_s, c3, w, b2, small_cat)


def kernel(urls, ranks, vtypes, q_iter, url_table, rank_table, vtype_table,
           qcnt_table, W, b):
    B, L = urls.shape
    n = B * L
    unit = NW * T
    parts = (1, 2, 3, 4, 4, 4, 4, 3)
    url_proj = _project_table(url_table, W)
    idx2 = urls.reshape(n // IDX_W, IDX_W).astype(jnp.int32)
    gather_fns = {u: _make_sc_gather(u * unit) for u in set(parts)}
    g_slabs = []
    row_off = 0
    for u in parts:
        rows = u * unit // IDX_W
        g_slabs.append(
            gather_fns[u](idx2[row_off:row_off + rows], url_proj))
        row_off += rows

    small_cat = jnp.zeros((128, 16), jnp.float32)
    small_cat = small_cat.at[0:11, 0:4].set(rank_table)
    small_cat = small_cat.at[11:111, 4:12].set(vtype_table)
    small_cat = small_cat.at[111:122, 12:16].set(qcnt_table)

    nb = n // MT
    code = (ranks | (vtypes << 4) | (q_iter << 11)).astype(jnp.int32)
    c3 = code.reshape(nb, 1, MT)
    b2 = b.reshape(1, 128)
    out = None
    tile_off = 0
    for s, u in enumerate(parts):
        nbs = u * unit // MT
        sl = slice(tile_off, tile_off + nbs)
        out = _tc_call_slab(out, g_slabs[s], c3[sl],
                            W, b2, small_cat, tile_off, n)
        tile_off += nbs
    return out.reshape(B, L, 128)

# --- scband reference (transcript-rebuilt; emitter-appended) ---
"""Pipeline reference for scband-document-encoder-75453985456879 (READ-ONLY COPY).

The authoritative reference and input builder live on the scoring server;
editing this copy changes nothing except your own understanding.
"""

import jax, jax.numpy as jnp
import numpy as np


def setup_inputs(seed: int = 0) -> dict:
    key = jax.random.key(seed)
    ks = jax.random.split(key, 10)
    B, L = 4096, 200
    url_size, vtype_size, rank_size, qcnt_size = 100000, 100, 11, 11
    embed_size, hidden_size = 64, 128
    urls = jax.random.randint(ks[0], (B, L), 0, url_size)
    ranks = jax.random.randint(ks[1], (B, L), 0, rank_size)
    vtypes = jax.random.randint(ks[2], (B, L), 0, vtype_size)
    q_iter = jax.random.randint(ks[3], (B, L), 0, qcnt_size)
    url_table = jax.random.normal(ks[4], (url_size, embed_size), dtype=jnp.float32)
    rank_table = jax.random.normal(ks[5], (rank_size, 4), dtype=jnp.float32)
    vtype_table = jax.random.normal(ks[6], (vtype_size, 8), dtype=jnp.float32)
    qcnt_table = jax.random.normal(ks[7], (qcnt_size, 4), dtype=jnp.float32)
    W = jax.random.normal(ks[8], (embed_size + 16, hidden_size), dtype=jnp.float32) * 0.05
    b = jnp.zeros((hidden_size,), dtype=jnp.float32)
    return {"urls": urls, "ranks": ranks, "vtypes": vtypes, "q_iter": q_iter,
            "url_table": url_table, "rank_table": rank_table,
            "vtype_table": vtype_table, "qcnt_table": qcnt_table, "W": W, "b": b}


def reference(urls, ranks, vtypes, q_iter, url_table, rank_table, vtype_table, qcnt_table, W, b):
    # use_knowledge=False path: plain embedding lookups
    url_embed = jnp.take(url_table, urls, axis=0)
    rank_embed = jnp.take(rank_table, ranks, axis=0)
    vtype_embed = jnp.take(vtype_table, vtypes, axis=0)
    qcnt_embed = jnp.take(qcnt_table, q_iter, axis=0)
    doc_embed = jnp.concatenate((url_embed, rank_embed, vtype_embed, qcnt_embed), axis=2)
    doc_embed = jnp.tanh(doc_embed @ W + b)
    return doc_embed

if __name__ == "__main__":
    import jax
    _d = setup_inputs()
    print(jax.jit(kernel)(*tuple(_d.values())))

</pallas_src>

<mosaic_0001>
#map = affine_map<(d0, d1) -> (0, 0)>
module attributes {stable_mosaic.version = 14 : i64} {
  func.func @sc_gather(%arg0: i32, %arg1: i32, %arg2: memref<768x128xi32, #tpu.memory_space<hbm>>, %arg3: memref<100000x128xf32, #tpu.memory_space<hbm>>, %arg4: memref<98304x128xf32, #tpu.memory_space<hbm>>, %arg5: memref<8x128xi32, #tpu.memory_space<vmem>>, %arg6: memref<256x128xf32, #tpu.memory_space<vmem>>, %arg7: memref<256x128xf32, #tpu.memory_space<vmem>>, %arg8: memref<!tpu.dma_semaphore, #tpu.memory_space<semaphore_mem>>, %arg9: memref<!tpu.dma_semaphore, #tpu.memory_space<semaphore_mem>>, %arg10: memref<!tpu.dma_semaphore, #tpu.memory_space<semaphore_mem>>, %arg11: memref<!tpu.dma_semaphore, #tpu.memory_space<semaphore_mem>>) attributes {dimension_semantics = [#tpu.dimension_semantics<core_parallel>, #tpu.dimension_semantics<subcore_parallel>], iteration_bounds = array<i64: 2, 16>, scalar_prefetch = 0 : i64, scratch_operands = 7 : i64, tpu.core_type = #tpu.core_type<sc_vector_subcore>, window_params = [{transform_indices = #map}, {transform_indices = #map}, {transform_indices = #map}]} {
    %mul3A = arith.constant 2 : i32
    %mul3A_0 = arith.muli %arg1, %mul3A : i32
    %add3A = arith.addi %mul3A_0, %arg0 : i32
    %mul3A_1 = arith.constant 24 : i32
    %mul3A_2 = arith.muli %add3A, %mul3A_1 : i32
    %scan3A = arith.constant 0 : i32
    %scan3A_3 = arith.constant 0 : i32
    %scan3A_4 = arith.constant 3 : i32
    %scan3A_5 = arith.addi %scan3A_3, %scan3A_4 : i32
    %scan3A_6 = arith.constant 1 : i32
    scf.for %scan3A_19 = %scan3A_3 to %scan3A_5 step %scan3A_6  : i32 {
      %mul3A_20 = arith.constant 8 : i32
      %mul3A_21 = arith.muli %scan3A_19, %mul3A_20 : i32
      %add3A_22 = arith.addi %mul3A_2, %mul3A_21 : i32
      %mul3A_23 = arith.constant 128 : i32
      %mul3A_24 = arith.muli %add3A_22, %mul3A_23 : i32
      "tpu.region"() ({
        %run_scoped3A = tpu.sem_alloc : memref<!tpu.dma_semaphore, #tpu.memory_space<semaphore_mem>>
        %dma_start3A_227 = arith.constant 0 : i32
        %dma_start3A_228 = tpu.memref_slice %arg2[%add3A_22, %dma_start3A_227] : memref<768x128xi32, #tpu.memory_space<hbm>> -> memref<8x128xi32, #tpu.memory_space<hbm>>
        %dma_start3A_229 = arith.constant 0 : i32
        %dma_start3A_230 = tpu.memref_slice %arg2[%add3A_22, %dma_start3A_229] : memref<768x128xi32, #tpu.memory_space<hbm>> -> memref<8x128xi32, #tpu.memory_space<hbm>>
        tpu.enqueue_dma source(%dma_start3A_230 : memref<8x128xi32, #tpu.memory_space<hbm>>) target(%arg5 : memref<8x128xi32, #tpu.memory_space<vmem>>) target_semaphore(%run_scoped3A : memref<!tpu.dma_semaphore, #tpu.memory_space<semaphore_mem>>)
        %dma_wait3A_231 = arith.constant 0 : i32
        %dma_wait3A_232 = tpu.memref_slice %arg2[%add3A_22, %dma_wait3A_231] : memref<768x128xi32, #tpu.memory_space<hbm>> -> memref<8x128xi32, #tpu.memory_space<hbm>>
        %dma_wait3A_233 = arith.constant 0 : i32
        %dma_wait3A_234 = tpu.memref_slice %arg2[%add3A_22, %dma_wait3A_233] : memref<768x128xi32, #tpu.memory_space<hbm>> -> memref<8x128xi32, #tpu.memory_space<hbm>>
        tpu.wait_dma2 semaphore(%run_scoped3A : memref<!tpu.dma_semaphore, #tpu.memory_space<semaphore_mem>>) src(%dma_wait3A_234 : memref<8x128xi32, #tpu.memory_space<hbm>>) dst(%arg5 : memref<8x128xi32, #tpu.memory_space<vmem>>)
        tpu.yield
      }) : () -> ()
      %gt3A = arith.constant 0 : i32
      %gt3A_25 = arith.cmpi sgt, %scan3A_19, %gt3A : i32
      %convert_element_type3A = arith.extui %gt3A_25 : i1 to i32
      %cond3A = arith.constant 0 : i32
      %cond3A_26 = arith.cmpi ne, %convert_element_type3A, %cond3A : i32
      scf.if %cond3A_26 {
        %dma_wait3A_227 = arith.constant 0 : i32
        %dma_wait3A_228 = arith.constant 0 : i32
        %dma_wait3A_229 = tpu.memref_slice %arg4[%dma_wait3A_227, %dma_wait3A_228] : memref<98304x128xf32, #tpu.memory_space<hbm>> -> memref<256x128xf32, #tpu.memory_space<hbm>>
        %dma_wait3A_230 = arith.constant 0 : i32
        %dma_wait3A_231 = arith.constant 0 : i32
        %dma_wait3A_232 = tpu.memref_slice %arg4[%dma_wait3A_230, %dma_wait3A_231] : memref<98304x128xf32, #tpu.memory_space<hbm>> -> memref<256x128xf32, #tpu.memory_space<hbm>>
        tpu.wait_dma2 semaphore(%arg10 : memref<!tpu.dma_semaphore, #tpu.memory_space<semaphore_mem>>) src(%dma_wait3A_232 : memref<256x128xf32, #tpu.memory_space<hbm>>) dst(%arg6 : memref<256x128xf32, #tpu.memory_space<vmem>>)
      } else {
      }
      %dma_start3A = arith.constant 0 : i32
      %dma_start3A_27 = arith.constant 0 : i32
      %dma_start3A_28 = arith.constant 0 : i32
      %dma_start3A_29 = tpu.memref_slice %arg6[%dma_start3A_27, %dma_start3A_28] : memref<256x128xf32, #tpu.memory_space<vmem>> -> memref<128x128xf32, #tpu.memory_space<vmem>>
      %dma_start3A_30 = arith.constant 0 : i32
      %dma_start3A_31 = tpu.memref_slice %arg5[%dma_start3A, %dma_start3A_30] : memref<8x128xi32, #tpu.memory_space<vmem>> -> memref<1x128xi32, #tpu.memory_space<vmem>>
      %dma_start3A_32 = tpu.memref_squeeze %dma_start3A_31 : memref<1x128xi32, #tpu.memory_space<vmem>> -> memref<128xi32, #tpu.memory_space<vmem>>
      %dma_start3A_33 = arith.constant 0 : i32
      %dma_start3A_34 = arith.constant 0 : i32
      %dma_start3A_35 = tpu.memref_slice %arg3[%dma_start3A_33, %dma_start3A_34] : memref<100000x128xf32, #tpu.memory_space<hbm>> -> memref<100000x128xf32, #tpu.memory_space<hbm>>
      tpu.enqueue_indirect_dma source(%dma_start3A_35 : memref<100000x128xf32, #tpu.memory_space<hbm>>) target(%dma_start3A_29 : memref<128x128xf32, #tpu.memory_space<vmem>>) offsets(%dma_start3A_32 : memref<128xi32, #tpu.memory_space<vmem>>) semaphore(%arg8 : memref<!tpu.dma_semaphore, #tpu.memory_space<semaphore_mem>>)
      %dma_start3A_36 = arith.constant 1 : i32
      %dma_start3A_37 = arith.constant 128 : i32
      %dma_start3A_38 = arith.constant 0 : i32
      %dma_start3A_39 = tpu.memref_slice %arg6[%dma_start3A_37, %dma_start3A_38] : memref<256x128xf32, #tpu.memory_space<vmem>> -> memref<128x128xf32, #tpu.memory_space<vmem>>
      %dma_start3A_40 = arith.constant 0 : i32
      %dma_start3A_41 = tpu.memref_slice %arg5[%dma_start3A_36, %dma_start3A_40] : memref<8x128xi32, #tpu.memory_space<vmem>> -> memref<1x128xi32, #tpu.memory_space<vmem>>
      %dma_start3A_42 = tpu.memref_squeeze %dma_start3A_41 : memref<1x128xi32, #tpu.memory_space<vmem>> -> memref<128xi32, #tpu.memory_space<vmem>>
      %dma_start3A_43 = arith.constant 0 : i32
      %dma_start3A_44 = arith.constant 0 : i32
      %dma_start3A_45 = tpu.memref_slice %arg3[%dma_start3A_43, %dma_start3A_44] : memref<100000x128xf32, #tpu.memory_space<hbm>> -> memref<100000x128xf32, #tpu.memory_space<hbm>>
      tpu.enqueue_indirect_dma source(%dma_start3A_45 : memref<100000x128xf32, #tpu.memory_space<hbm>>) target(%dma_start3A_39 : memref<128x128xf32, #tpu.memory_space<vmem>>) offsets(%dma_start3A_42 : memref<128xi32, #tpu.memory_space<vmem>>) semaphore(%arg8 : memref<!tpu.dma_semaphore, #tpu.memory_space<semaphore_mem>>)
      %gt3A_46 = arith.constant 0 : i32
      %gt3A_47 = arith.cmpi sgt, %scan3A_19, %gt3A_46 : i32
      %convert_element_type3A_48 = arith.extui %gt3A_47 : i1 to i32
      %cond3A_49 = arith.constant 0 : i32
      %cond3A_50 = arith.cmpi ne, %convert_element_type3A_48, %cond3A_49 : i32
      scf.if %cond3A_50 {
        %dma_wait3A_227 = arith.constant 0 : i32
        %dma_wait3A_228 = arith.constant 0 : i32
        %dma_wait3A_229 = tpu.memref_slice %arg4[%dma_wait3A_227, %dma_wait3A_228] : memref<98304x128xf32, #tpu.memory_space<hbm>> -> memref<256x128xf32, #tpu.memory_space<hbm>>
        %dma_wait3A_230 = arith.constant 0 : i32
        %dma_wait3A_231 = arith.constant 0 : i32
        %dma_wait3A_232 = tpu.memref_slice %arg4[%dma_wait3A_230, %dma_wait3A_231] : memref<98304x128xf32, #tpu.memory_space<hbm>> -> memref<256x128xf32, #tpu.memory_space<hbm>>
        tpu.wait_dma2 semaphore(%arg11 : memref<!tpu.dma_semaphore, #tpu.memory_space<semaphore_mem>>) src(%dma_wait3A_232 : memref<256x128xf32, #tpu.memory_space<hbm>>) dst(%arg7 : memref<256x128xf32, #tpu.memory_space<vmem>>)
      } else {
      }
      %dma_start3A_51 = arith.constant 2 : i32
      %dma_start3A_52 = arith.constant 0 : i32
      %dma_start3A_53 = arith.constant 0 : i32
      %dma_start3A_54 = tpu.memref_slice %arg7[%dma_start3A_52, %dma_start3A_53] : memref<256x128xf32, #tpu.memory_space<vmem>> -> memref<128x128xf32, #tpu.memory_space<vmem>>
      %dma_start3A_55 = arith.constant 0 : i32
      %dma_start3A_56 = tpu.memref_slice %arg5[%dma_start3A_51, %dma_start3A_55] : memref<8x128xi32, #tpu.memory_space<vmem>> -> memref<1x128xi32, #tpu.memory_space<vmem>>
      %dma_start3A_57 = tpu.memref_squeeze %dma_start3A_56 : memref<1x128xi32, #tpu.memory_space<vmem>> -> memref<128xi32, #tpu.memory_space<vmem>>
      %dma_start3A_58 = arith.constant 0 : i32
      %dma_start3A_59 = arith.constant 0 : i32
      %dma_start3A_60 = tpu.memref_slice %arg3[%dma_start3A_58, %dma_start3A_59] : memref<100000x128xf32, #tpu.memory_space<hbm>> -> memref<100000x128xf32, #tpu.memory_space<hbm>>
      tpu.enqueue_indirect_dma source(%dma_start3A_60 : memref<100000x128xf32, #tpu.memory_space<hbm>>) target(%dma_start3A_54 : memref<128x128xf32, #tpu.memory_space<vmem>>) offsets(%dma_start3A_57 : memref<128xi32, #tpu.memory_space<vmem>>) semaphore(%arg9 : memref<!tpu.dma_semaphore, #tpu.memory_space<semaphore_mem>>)
      %dma_start3A_61 = arith.constant 3 : i32
      %dma_start3A_62 = arith.constant 128 : i32
      %dma_start3A_63 = arith.constant 0 : i32
      %dma_start3A_64 = tpu.memref_slice %arg7[%dma_start3A_62, %dma_start3A_63] : memref<256x128xf32, #tpu.memory_space<vmem>> -> memref<128x128xf32, #tpu.memory_space<vmem>>
      %dma_start3A_65 = arith.constant 0 : i32
      %dma_start3A_66 = tpu.memref_slice %arg5[%dma_start3A_61, %dma_start3A_65] : memref<8x128xi32, #tpu.memory_space<vmem>> -> memref<1x128xi32, #tpu.memory_space<vmem>>
      %dma_start3A_67 = tpu.memref_squeeze %dma_start3A_66 : memref<1x128xi32, #tpu.memory_space<vmem>> -> memref<128xi32, #tpu.memory_space<vmem>>
      %dma_start3A_68 = arith.constant 0 : i32
      %dma_start3A_69 = arith.constant 0 : i32
      %dma_start3A_70 = tpu.memref_slice %arg3[%dma_start3A_68, %dma_start3A_69] : memref<100000x128xf32, #tpu.memory_space<hbm>> -> memref<100000x128xf32, #tpu.memory_space<hbm>>
      tpu.enqueue_indirect_dma source(%dma_start3A_70 : memref<100000x128xf32, #tpu.memory_space<hbm>>) target(%dma_start3A_64 : memref<128x128xf32, #tpu.memory_space<vmem>>) offsets(%dma_start3A_67 : memref<128xi32, #tpu.memory_space<vmem>>) semaphore(%arg9 : memref<!tpu.dma_semaphore, #tpu.memory_space<semaphore_mem>>)
      %dma_wait3A_71 = arith.constant 0 : i32
      %dma_wait3A_72 = arith.constant 0 : i32
      %dma_wait3A_73 = arith.constant 0 : i32
      %dma_wait3A_74 = tpu.memref_slice %arg6[%dma_wait3A_72, %dma_wait3A_73] : memref<256x128xf32, #tpu.memory_space<vmem>> -> memref<128x128xf32, #tpu.memory_space<vmem>>
      %dma_wait3A_75 = arith.constant 0 : i32
      %dma_wait3A_76 = tpu.memref_slice %arg5[%dma_wait3A_71, %dma_wait3A_75] : memref<8x128xi32, #tpu.memory_space<vmem>> -> memref<1x128xi32, #tpu.memory_space<vmem>>
      %dma_wait3A_77 = tpu.memref_squeeze %dma_wait3A_76 : memref<1x128xi32, #tpu.memory_space<vmem>> -> memref<128xi32, #tpu.memory_space<vmem>>
      %dma_wait3A_78 = arith.constant 0 : i32
      %dma_wait3A_79 = arith.constant 0 : i32
      %dma_wait3A_80 = tpu.memref_slice %arg3[%dma_wait3A_78, %dma_wait3A_79] : memref<100000x128xf32, #tpu.memory_space<hbm>> -> memref<100000x128xf32, #tpu.memory_space<hbm>>
      tpu.wait_indirect_dma semaphore(%arg8 : memref<!tpu.dma_semaphore, #tpu.memory_space<semaphore_mem>>) src(%dma_wait3A_80 : memref<100000x128xf32, #tpu.memory_space<hbm>>) dst(%dma_wait3A_74 : memref<128x128xf32, #tpu.memory_space<vmem>>)
      %dma_wait3A_81 = arith.constant 1 : i32
      %dma_wait3A_82 = arith.constant 128 : i32
      %dma_wait3A_83 = arith.constant 0 : i32
      %dma_wait3A_84 = tpu.memref_slice %arg6[%dma_wait3A_82, %dma_wait3A_83] : memref<256x128xf32, #tpu.memory_space<vmem>> -> memref<128x128xf32, #tpu.memory_space<vmem>>
      %dma_wait3A_85 = arith.constant 0 : i32
      %dma_wait3A_86 = tpu.memref_slice %arg5[%dma_wait3A_81, %dma_wait3A_85] : memref<8x128xi32, #tpu.memory_space<vmem>> -> memref<1x128xi32, #tpu.memory_space<vmem>>
      %dma_wait3A_87 = tpu.memref_squeeze %dma_wait3A_86 : memref<1x128xi32, #tpu.memory_space<vmem>> -> memref<128xi32, #tpu.memory_space<vmem>>
      %dma_wait3A_88 = arith.constant 0 : i32
      %dma_wait3A_89 = arith.constant 0 : i32
      %dma_wait3A_90 = tpu.memref_slice %arg3[%dma_wait3A_88, %dma_wait3A_89] : memref<100000x128xf32, #tpu.memory_space<hbm>> -> memref<100000x128xf32, #tpu.memory_space<hbm>>
      tpu.wait_indirect_dma semaphore(%arg8 : memref<!tpu.dma_semaphore, #tpu.memory_space<semaphore_mem>>) src(%dma_wait3A_90 : memref<100000x128xf32, #tpu.memory_space<hbm>>) dst(%dma_wait3A_84 : memref<128x128xf32, #tpu.memory_space<vmem>>)
      %add3A_91 = arith.constant 0 : i32
      %add3A_92 = arith.addi %mul3A_24, %add3A_91 : i32
      %dma_start3A_93 = arith.constant 0 : i32
      %dma_start3A_94 = tpu.memref_slice %arg4[%add3A_92, %dma_start3A_93] : memref<98304x128xf32, #tpu.memory_space<hbm>> -> memref<256x128xf32, #tpu.memory_space<hbm>>
      %dma_start3A_95 = arith.constant 0 : i32
      %dma_start3A_96 = tpu.memref_slice %arg4[%add3A_92, %dma_start3A_95] : memref<98304x128xf32, #tpu.memory_space<hbm>> -> memref<256x128xf32, #tpu.memory_space<hbm>>
      tpu.enqueue_dma source(%arg6 : memref<256x128xf32, #tpu.memory_space<vmem>>) target(%dma_start3A_96 : memref<256x128xf32, #tpu.memory_space<hbm>>) target_semaphore(%arg10 : memref<!tpu.dma_semaphore, #tpu.memory_space<semaphore_mem>>)
      %dma_wait3A_97 = arith.constant 0 : i32
      %dma_wait3A_98 = arith.constant 0 : i32
      %dma_wait3A_99 = tpu.memref_slice %arg4[%dma_wait3A_97, %dma_wait3A_98] : memref<98304x128xf32, #tpu.memory_space<hbm>> -> memref<256x128xf32, #tpu.memory_space<hbm>>
      %dma_wait3A_100 = arith.constant 0 : i32
      %dma_wait3A_101 = arith.constant 0 : i32
      %dma_wait3A_102 = tpu.memref_slice %arg4[%dma_wait3A_100, %dma_wait3A_101] : memref<98304x128xf32, #tpu.memory_space<hbm>> -> memref<256x128xf32, #tpu.memory_space<hbm>>
      tpu.wait_dma2 semaphore(%arg10 : memref<!tpu.dma_semaphore, #tpu.memory_space<semaphore_mem>>) src(%dma_wait3A_102 : memref<256x128xf32, #tpu.memory_space<hbm>>) dst(%arg6 : memref<256x128xf32, #tpu.memory_space<vmem>>)
      %dma_start3A_103 = arith.constant 4 : i32
      %dma_start3A_104 = arith.constant 0 : i32
      %dma_start3A_105 = arith.constant 0 : i32
      %dma_start3A_106 = tpu.memref_slice %arg6[%dma_start3A_104, %dma_start3A_105] : memref<256x128xf32, #tpu.memory_space<vmem>> -> memref<128x128xf32, #tpu.memory_space<vmem>>
      %dma_start3A_107 = arith.constant 0 : i32
      %dma_start3A_108 = tpu.memref_slice %arg5[%dma_start3A_103, %dma_start3A_107] : memref<8x128xi32, #tpu.memory_space<vmem>> -> memref<1x128xi32, #tpu.memory_space<vmem>>
      %dma_start3A_109 = tpu.memref_squeeze %dma_start3A_108 : memref<1x128xi32, #tpu.memory_space<vmem>> -> memref<128xi32, #tpu.memory_space<vmem>>
      %dma_start3A_110 = arith.constant 0 : i32
      %dma_start3A_111 = arith.constant 0 : i32
      %dma_start3A_112 = tpu.memref_slice %arg3[%dma_start3A_110, %dma_start3A_111] : memref<100000x128xf32, #tpu.memory_space<hbm>> -> memref<100000x128xf32, #tpu.memory_space<hbm>>
      tpu.enqueue_indirect_dma source(%dma_start3A_112 : memref<100000x128xf32, #tpu.memory_space<hbm>>) target(%dma_start3A_106 : memref<128x128xf32, #tpu.memory_space<vmem>>) offsets(%dma_start3A_109 : memref<128xi32, #tpu.memory_space<vmem>>) semaphore(%arg8 : memref<!tpu.dma_semaphore, #tpu.memory_space<semaphore_mem>>)
      %dma_start3A_113 = arith.constant 5 : i32
      %dma_start3A_114 = arith.constant 128 : i32
      %dma_start3A_115 = arith.constant 0 : i32
      %dma_start3A_116 = tpu.memref_slice %arg6[%dma_start3A_114, %dma_start3A_115] : memref<256x128xf32, #tpu.memory_space<vmem>> -> memref<128x128xf32, #tpu.memory_space<vmem>>
      %dma_start3A_117 = arith.constant 0 : i32
      %dma_start3A_118 = tpu.memref_slice %arg5[%dma_start3A_113, %dma_start3A_117] : memref<8x128xi32, #tpu.memory_space<vmem>> -> memref<1x128xi32, #tpu.memory_space<vmem>>
      %dma_start3A_119 = tpu.memref_squeeze %dma_start3A_118 : memref<1x128xi32, #tpu.memory_space<vmem>> -> memref<128xi32, #tpu.memory_space<vmem>>
      %dma_start3A_120 = arith.constant 0 : i32
      %dma_start3A_121 = arith.constant 0 : i32
      %dma_start3A_122 = tpu.memref_slice %arg3[%dma_start3A_120, %dma_start3A_121] : memref<100000x128xf32, #tpu.memory_space<hbm>> -> memref<100000x128xf32, #tpu.memory_space<hbm>>
      tpu.enqueue_indirect_dma source(%dma_start3A_122 : memref<100000x128xf32, #tpu.memory_space<hbm>>) target(%dma_start3A_116 : memref<128x128xf32, #tpu.memory_space<vmem>>) offsets(%dma_start3A_119 : memref<128xi32, #tpu.memory_space<vmem>>) semaphore(%arg8 : memref<!tpu.dma_semaphore, #tpu.memory_space<semaphore_mem>>)
      %dma_wait3A_123 = arith.constant 2 : i32
      %dma_wait3A_124 = arith.constant 0 : i32
      %dma_wait3A_125 = arith.constant 0 : i32
      %dma_wait3A_126 = tpu.memref_slice %arg7[%dma_wait3A_124, %dma_wait3A_125] : memref<256x128xf32, #tpu.memory_space<vmem>> -> memref<128x128xf32, #tpu.memory_space<vmem>>
      %dma_wait3A_127 = arith.constant 0 : i32
      %dma_wait3A_128 = tpu.memref_slice %arg5[%dma_wait3A_123, %dma_wait3A_127] : memref<8x128xi32, #tpu.memory_space<vmem>> -> memref<1x128xi32, #tpu.memory_space<vmem>>
      %dma_wait3A_129 = tpu.memref_squeeze %dma_wait3A_128 : memref<1x128xi32, #tpu.memory_space<vmem>> -> memref<128xi32, #tpu.memory_space<vmem>>
      %dma_wait3A_130 = arith.constant 0 : i32
      %dma_wait3A_131 = arith.constant 0 : i32
      %dma_wait3A_132 = tpu.memref_slice %arg3[%dma_wait3A_130, %dma_wait3A_131] : memref<100000x128xf32, #tpu.memory_space<hbm>> -> memref<100000x128xf32, #tpu.memory_space<hbm>>
      tpu.wait_indirect_dma semaphore(%arg9 : memref<!tpu.dma_semaphore, #tpu.memory_space<semaphore_mem>>) src(%dma_wait3A_132 : memref<100000x128xf32, #tpu.memory_space<hbm>>) dst(%dma_wait3A_126 : memref<128x128xf32, #tpu.memory_space<vmem>>)
      %dma_wait3A_133 = arith.constant 3 : i32
      %dma_wait3A_134 = arith.constant 128 : i32
      %dma_wait3A_135 = arith.constant 0 : i32
      %dma_wait3A_136 = tpu.memref_slice %arg7[%dma_wait3A_134, %dma_wait3A_135] : memref<256x128xf32, #tpu.memory_space<vmem>> -> memref<128x128xf32, #tpu.memory_space<vmem>>
      %dma_wait3A_137 = arith.constant 0 : i32
      %dma_wait3A_138 = tpu.memref_slice %arg5[%dma_wait3A_133, %dma_wait3A_137] : memref<8x128xi32, #tpu.memory_space<vmem>> -> memref<1x128xi32, #tpu.memory_space<vmem>>
      %dma_wait3A_139 = tpu.memref_squeeze %dma_wait3A_138 : memref<1x128xi32, #tpu.memory_space<vmem>> -> memref<128xi32, #tpu.memory_space<vmem>>
      %dma_wait3A_140 = arith.constant 0 : i32
      %dma_wait3A_141 = arith.constant 0 : i32
      %dma_wait3A_142 = tpu.memref_slice %arg3[%dma_wait3A_140, %dma_wait3A_141] : memref<100000x128xf32, #tpu.memory_space<hbm>> -> memref<100000x128xf32, #tpu.memory_space<hbm>>
      tpu.wait_indirect_dma semaphore(%arg9 : memref<!tpu.dma_semaphore, #tpu.memory_space<semaphore_mem>>) src(%dma_wait3A_142 : memref<100000x128xf32, #tpu.memory_space<hbm>>) dst(%dma_wait3A_136 : memref<128x128xf32, #tpu.memory_space<vmem>>)
      %add3A_143 = arith.constant 256 : i32
      %add3A_144 = arith.addi %mul3A_24, %add3A_143 : i32
      %dma_start3A_145 = arith.constant 0 : i32
      %dma_start3A_146 = tpu.memref_slice %arg4[%add3A_144, %dma_start3A_145] : memref<98304x128xf32, #tpu.memory_space<hbm>> -> memref<256x128xf32, #tpu.memory_space<hbm>>
      %dma_start3A_147 = arith.constant 0 : i32
      %dma_start3A_148 = tpu.memref_slice %arg4[%add3A_144, %dma_start3A_147] : memref<98304x128xf32, #tpu.memory_space<hbm>> -> memref<256x128xf32, #tpu.memory_space<hbm>>
      tpu.enqueue_dma source(%arg7 : memref<256x128xf32, #tpu.memory_space<vmem>>) target(%dma_start3A_148 : memref<256x128xf32, #tpu.memory_space<hbm>>) target_semaphore(%arg11 : memref<!tpu.dma_semaphore, #tpu.memory_space<semaphore_mem>>)
      %dma_wait3A_149 = arith.constant 0 : i32
      %dma_wait3A_150 = arith.constant 0 : i32
      %dma_wait3A_151 = tpu.memref_slice %arg4[%dma_wait3A_149, %dma_wait3A_150] : memref<98304x128xf32, #tpu.memory_space<hbm>> -> memref<256x128xf32, #tpu.memory_space<hbm>>
      %dma_wait3A_152 = arith.constant 0 : i32
      %dma_wait3A_153 = arith.constant 0 : i32
      %dma_wait3A_154 = tpu.memref_slice %arg4[%dma_wait3A_152, %dma_wait3A_153] : memref<98304x128xf32, #tpu.memory_space<hbm>> -> memref<256x128xf32, #tpu.memory_space<hbm>>
      tpu.wait_dma2 semaphore(%arg11 : memref<!tpu.dma_semaphore, #tpu.memory_space<semaphore_mem>>) src(%dma_wait3A_154 : memref<256x128xf32, #tpu.memory_space<hbm>>) dst(%arg7 : memref<256x128xf32, #tpu.memory_space<vmem>>)
      %dma_start3A_155 = arith.constant 6 : i32
      %dma_start3A_156 = arith.constant 0 : i32
      %dma_start3A_157 = arith.constant 0 : i32
      %dma_start3A_158 = tpu.memref_slice %arg7[%dma_start3A_156, %dma_start3A_157] : memref<256x128xf32, #tpu.memory_space<vmem>> -> memref<128x128xf32, #tpu.memory_space<vmem>>
      %dma_start3A_159 = arith.constant 0 : i32
      %dma_start3A_160 = tpu.memref_slice %arg5[%dma_start3A_155, %dma_start3A_159] : memref<8x128xi32, #tpu.memory_space<vmem>> -> memref<1x128xi32, #tpu.memory_space<vmem>>
      %dma_start3A_161 = tpu.memref_squeeze %dma_start3A_160 : memref<1x128xi32, #tpu.memory_space<vmem>> -> memref<128xi32, #tpu.memory_space<vmem>>
      %dma_start3A_162 = arith.constant 0 : i32
      %dma_start3A_163 = arith.constant 0 : i32
      %dma_start3A_164 = tpu.memref_slice %arg3[%dma_start3A_162, %dma_start3A_163] : memref<100000x128xf32, #tpu.memory_space<hbm>> -> memref<100000x128xf32, #tpu.memory_space<hbm>>
      tpu.enqueue_indirect_dma source(%dma_start3A_164 : memref<100000x128xf32, #tpu.memory_space<hbm>>) target(%dma_start3A_158 : memref<128x128xf32, #tpu.memory_space<vmem>>) offsets(%dma_start3A_161 : memref<128xi32, #tpu.memory_space<vmem>>) semaphore(%arg9 : memref<!tpu.dma_semaphore, #tpu.memory_space<semaphore_mem>>)
      %dma_start3A_165 = arith.constant 7 : i32
      %dma_start3A_166 = arith.constant 128 : i32
      %dma_start3A_167 = arith.constant 0 : i32
      %dma_start3A_168 = tpu.memref_slice %arg7[%dma_start3A_166, %dma_start3A_167] : memref<256x128xf32, #tpu.memory_space<vmem>> -> memref<128x128xf32, #tpu.memory_space<vmem>>
      %dma_start3A_169 = arith.constant 0 : i32
      %dma_start3A_170 = tpu.memref_slice %arg5[%dma_start3A_165, %dma_start3A_169] : memref<8x128xi32, #tpu.memory_space<vmem>> -> memref<1x128xi32, #tpu.memory_space<vmem>>
      %dma_start3A_171 = tpu.memref_squeeze %dma_start3A_170 : memref<1x128xi32, #tpu.memory_space<vmem>> -> memref<128xi32, #tpu.memory_space<vmem>>
      %dma_start3A_172 = arith.constant 0 : i32
      %dma_start3A_173 = arith.constant 0 : i32
      %dma_start3A_174 = tpu.memref_slice %arg3[%dma_start3A_172, %dma_start3A_173] : memref<100000x128xf32, #tpu.memory_space<hbm>> -> memref<100000x128xf32, #tpu.memory_space<hbm>>
      tpu.enqueue_indirect_dma source(%dma_start3A_174 : memref<100000x128xf32, #tpu.memory_space<hbm>>) target(%dma_start3A_168 : memref<128x128xf32, #tpu.memory_space<vmem>>) offsets(%dma_start3A_171 : memref<128xi32, #tpu.memory_space<vmem>>) semaphore(%arg9 : memref<!tpu.dma_semaphore, #tpu.memory_space<semaphore_mem>>)
      %dma_wait3A_175 = arith.constant 4 : i32
      %dma_wait3A_176 = arith.constant 0 : i32
      %dma_wait3A_177 = arith.constant 0 : i32
      %dma_wait3A_178 = tpu.memref_slice %arg6[%dma_wait3A_176, %dma_wait3A_177] : memref<256x128xf32, #tpu.memory_space<vmem>> -> memref<128x128xf32, #tpu.memory_space<vmem>>
      %dma_wait3A_179 = arith.constant 0 : i32
      %dma_wait3A_180 = tpu.memref_slice %arg5[%dma_wait3A_175, %dma_wait3A_179] : memref<8x128xi32, #tpu.memory_space<vmem>> -> memref<1x128xi32, #tpu.memory_space<vmem>>
      %dma_wait3A_181 = tpu.memref_squeeze %dma_wait3A_180 : memref<1x128xi32, #tpu.memory_space<vmem>> -> memref<128xi32, #tpu.memory_space<vmem>>
      %dma_wait3A_182 = arith.constant 0 : i32
      %dma_wait3A_183 = arith.constant 0 : i32
      %dma_wait3A_184 = tpu.memref_slice %arg3[%dma_wait3A_182, %dma_wait3A_183] : memref<100000x128xf32, #tpu.memory_space<hbm>> -> memref<100000x128xf32, #tpu.memory_space<hbm>>
      tpu.wait_indirect_dma semaphore(%arg8 : memref<!tpu.dma_semaphore, #tpu.memory_space<semaphore_mem>>) src(%dma_wait3A_184 : memref<100000x128xf32, #tpu.memory_space<hbm>>) dst(%dma_wait3A_178 : memref<128x128xf32, #tpu.memory_space<vmem>>)
      %dma_wait3A_185 = arith.constant 5 : i32
      %dma_wait3A_186 = arith.constant 128 : i32
      %dma_wait3A_187 = arith.constant 0 : i32
      %dma_wait3A_188 = tpu.memref_slice %arg6[%dma_wait3A_186, %dma_wait3A_187] : memref<256x128xf32, #tpu.memory_space<vmem>> -> memref<128x128xf32, #tpu.memory_space<vmem>>
      %dma_wait3A_189 = arith.constant 0 : i32
      %dma_wait3A_190 = tpu.memref_slice %arg5[%dma_wait3A_185, %dma_wait3A_189] : memref<8x128xi32, #tpu.memory_space<vmem>> -> memref<1x128xi32, #tpu.memory_space<vmem>>
      %dma_wait3A_191 = tpu.memref_squeeze %dma_wait3A_190 : memref<1x128xi32, #tpu.memory_space<vmem>> -> memref<128xi32, #tpu.memory_space<vmem>>
      %dma_wait3A_192 = arith.constant 0 : i32
      %dma_wait3A_193 = arith.constant 0 : i32
      %dma_wait3A_194 = tpu.memref_slice %arg3[%dma_wait3A_192, %dma_wait3A_193] : memref<100000x128xf32, #tpu.memory_space<hbm>> -> memref<100000x128xf32, #tpu.memory_space<hbm>>
      tpu.wait_indirect_dma semaphore(%arg8 : memref<!tpu.dma_semaphore, #tpu.memory_space<semaphore_mem>>) src(%dma_wait3A_194 : memref<100000x128xf32, #tpu.memory_space<hbm>>) dst(%dma_wait3A_188 : memref<128x128xf32, #tpu.memory_space<vmem>>)
      %add3A_195 = arith.constant 512 : i32
      %add3A_196 = arith.addi %mul3A_24, %add3A_195 : i32
      %dma_start3A_197 = arith.constant 0 : i32
      %dma_start3A_198 = tpu.memref_slice %arg4[%add3A_196, %dma_start3A_197] : memref<98304x128xf32, #tpu.memory_space<hbm>> -> memref<256x128xf32, #tpu.memory_space<hbm>>
      %dma_start3A_199 = arith.constant 0 : i32
      %dma_start3A_200 = tpu.memref_slice %arg4[%add3A_196, %dma_start3A_199] : memref<98304x128xf32, #tpu.memory_space<hbm>> -> memref<256x128xf32, #tpu.memory_space<hbm>>
      tpu.enqueue_dma source(%arg6 : memref<256x128xf32, #tpu.memory_space<vmem>>) target(%dma_start3A_200 : memref<256x128xf32, #tpu.memory_space<hbm>>) target_semaphore(%arg10 : memref<!tpu.dma_semaphore, #tpu.memory_space<semaphore_mem>>)
      %dma_wait3A_201 = arith.constant 6 : i32
      %dma_wait3A_202 = arith.constant 0 : i32
      %dma_wait3A_203 = arith.constant 0 : i32
      %dma_wait3A_204 = tpu.memref_slice %arg7[%dma_wait3A_202, %dma_wait3A_203] : memref<256x128xf32, #tpu.memory_space<vmem>> -> memref<128x128xf32, #tpu.memory_space<vmem>>
      %dma_wait3A_205 = arith.constant 0 : i32
      %dma_wait3A_206 = tpu.memref_slice %arg5[%dma_wait3A_201, %dma_wait3A_205] : memref<8x128xi32, #tpu.memory_space<vmem>> -> memref<1x128xi32, #tpu.memory_space<vmem>>
      %dma_wait3A_207 = tpu.memref_squeeze %dma_wait3A_206 : memref<1x128xi32, #tpu.memory_space<vmem>> -> memref<128xi32, #tpu.memory_space<vmem>>
      %dma_wait3A_208 = arith.constant 0 : i32
      %dma_wait3A_209 = arith.constant 0 : i32
      %dma_wait3A_210 = tpu.memref_slice %arg3[%dma_wait3A_208, %dma_wait3A_209] : memref<100000x128xf32, #tpu.memory_space<hbm>> -> memref<100000x128xf32, #tpu.memory_space<hbm>>
      tpu.wait_indirect_dma semaphore(%arg9 : memref<!tpu.dma_semaphore, #tpu.memory_space<semaphore_mem>>) src(%dma_wait3A_210 : memref<100000x128xf32, #tpu.memory_space<hbm>>) dst(%dma_wait3A_204 : memref<128x128xf32, #tpu.memory_space<vmem>>)
      %dma_wait3A_211 = arith.constant 7 : i32
      %dma_wait3A_212 = arith.constant 128 : i32
      %dma_wait3A_213 = arith.constant 0 : i32
      %dma_wait3A_214 = tpu.memref_slice %arg7[%dma_wait3A_212, %dma_wait3A_213] : memref<256x128xf32, #tpu.memory_space<vmem>> -> memref<128x128xf32, #tpu.memory_space<vmem>>
      %dma_wait3A_215 = arith.constant 0 : i32
      %dma_wait3A_216 = tpu.memref_slice %arg5[%dma_wait3A_211, %dma_wait3A_215] : memref<8x128xi32, #tpu.memory_space<vmem>> -> memref<1x128xi32, #tpu.memory_space<vmem>>
      %dma_wait3A_217 = tpu.memref_squeeze %dma_wait3A_216 : memref<1x128xi32, #tpu.memory_space<vmem>> -> memref<128xi32, #tpu.memory_space<vmem>>
      %dma_wait3A_218 = arith.constant 0 : i32
      %dma_wait3A_219 = arith.constant 0 : i32
      %dma_wait3A_220 = tpu.memref_slice %arg3[%dma_wait3A_218, %dma_wait3A_219] : memref<100000x128xf32, #tpu.memory_space<hbm>> -> memref<100000x128xf32, #tpu.memory_space<hbm>>
      tpu.wait_indirect_dma semaphore(%arg9 : memref<!tpu.dma_semaphore, #tpu.memory_space<semaphore_mem>>) src(%dma_wait3A_220 : memref<100000x128xf32, #tpu.memory_space<hbm>>) dst(%dma_wait3A_214 : memref<128x128xf32, #tpu.memory_space<vmem>>)
      %add3A_221 = arith.constant 768 : i32
      %add3A_222 = arith.addi %mul3A_24, %add3A_221 : i32
      %dma_start3A_223 = arith.constant 0 : i32
      %dma_start3A_224 = tpu.memref_slice %arg4[%add3A_222, %dma_start3A_223] : memref<98304x128xf32, #tpu.memory_space<hbm>> -> memref<256x128xf32, #tpu.memory_space<hbm>>
      %dma_start3A_225 = arith.constant 0 : i32
      %dma_start3A_226 = tpu.memref_slice %arg4[%add3A_222, %dma_start3A_225] : memref<98304x128xf32, #tpu.memory_space<hbm>> -> memref<256x128xf32, #tpu.memory_space<hbm>>
      tpu.enqueue_dma source(%arg7 : memref<256x128xf32, #tpu.memory_space<vmem>>) target(%dma_start3A_226 : memref<256x128xf32, #tpu.memory_space<hbm>>) target_semaphore(%arg11 : memref<!tpu.dma_semaphore, #tpu.memory_space<semaphore_mem>>)
    }
    %scan3A_7 = arith.constant 3 : i32
    %dma_wait3A = arith.constant 0 : i32
    %dma_wait3A_8 = arith.constant 0 : i32
    %dma_wait3A_9 = tpu.memref_slice %arg4[%dma_wait3A, %dma_wait3A_8] : memref<98304x128xf32, #tpu.memory_space<hbm>> -> memref<256x128xf32, #tpu.memory_space<hbm>>
    %dma_wait3A_10 = arith.constant 0 : i32
    %dma_wait3A_11 = arith.constant 0 : i32
    %dma_wait3A_12 = tpu.memref_slice %arg4[%dma_wait3A_10, %dma_wait3A_11] : memref<98304x128xf32, #tpu.memory_space<hbm>> -> memref<256x128xf32, #tpu.memory_space<hbm>>
    tpu.wait_dma2 semaphore(%arg10 : memref<!tpu.dma_semaphore, #tpu.memory_space<semaphore_mem>>) src(%dma_wait3A_12 : memref<256x128xf32, #tpu.memory_space<hbm>>) dst(%arg6 : memref<256x128xf32, #tpu.memory_space<vmem>>)
    %dma_wait3A_13 = arith.constant 0 : i32
    %dma_wait3A_14 = arith.constant 0 : i32
    %dma_wait3A_15 = tpu.memref_slice %arg4[%dma_wait3A_13, %dma_wait3A_14] : memref<98304x128xf32, #tpu.memory_space<hbm>> -> memref<256x128xf32, #tpu.memory_space<hbm>>
    %dma_wait3A_16 = arith.constant 0 : i32
    %dma_wait3A_17 = arith.constant 0 : i32
    %dma_wait3A_18 = tpu.memref_slice %arg4[%dma_wait3A_16, %dma_wait3A_17] : memref<98304x128xf32, #tpu.memory_space<hbm>> -> memref<256x128xf32, #tpu.memory_space<hbm>>
    tpu.wait_dma2 semaphore(%arg11 : memref<!tpu.dma_semaphore, #tpu.memory_space<semaphore_mem>>) src(%dma_wait3A_18 : memref<256x128xf32, #tpu.memory_space<hbm>>) dst(%arg7 : memref<256x128xf32, #tpu.memory_space<vmem>>)
    return
  }
}

#map = affine_map<(d0, d1) -> (0, 0)>
module attributes {stable_mosaic.version = 14 : i64} {
  func.func @sc_gather(%arg0: i32, %arg1: i32, %arg2: memref<512x128xi32, #tpu.memory_space<hbm>>, %arg3: memref<100000x128xf32, #tpu.memory_space<hbm>>, %arg4: memref<65536x128xf32, #tpu.memory_space<hbm>>, %arg5: memref<8x128xi32, #tpu.memory_space<vmem>>, %arg6: memref<256x128xf32, #tpu.memory_space<vmem>>, %arg7: memref<256x128xf32, #tpu.memory_space<vmem>>, %arg8: memref<!tpu.dma_semaphore, #tpu.memory_space<semaphore_mem>>, %arg9: memref<!tpu.dma_semaphore, #tpu.memory_space<semaphore_mem>>, %arg10: memref<!tpu.dma_semaphore, #tpu.memory_space<semaphore_mem>>, %arg11: memref<!tpu.dma_semaphore, #tpu.memory_space<semaphore_mem>>) attributes {dimension_semantics = [#tpu.dimension_semantics<core_parallel>, #tpu.dimension_semantics<subcore_parallel>], iteration_bounds = array<i64: 2, 16>, scalar_prefetch = 0 : i64, scratch_operands = 7 : i64, tpu.core_type = #tpu.core_type<sc_vector_subcore>, window_params = [{transform_indices = #map}, {transform_indices = #map}, {transform_indices = #map}]} {
    %mul3A = arith.constant 2 : i32
    %mul3A_0 = arith.muli %arg1, %mul3A : i32
    %add3A = arith.addi %mul3A_0, %arg0 : i32
    %mul3A_1 = arith.constant 16 : i32
    %mul3A_2 = arith.muli %add3A, %mul3A_1 : i32
    %scan3A = arith.constant 0 : i32
    %scan3A_3 = arith.constant 0 : i32
    %scan3A_4 = arith.constant 2 : i32
    %scan3A_5 = arith.addi %scan3A_3, %scan3A_4 : i32
    %scan3A_6 = arith.constant 1 : i32
    scf.for %scan3A_19 = %scan3A_3 to %scan3A_5 step %scan3A_6  : i32 {
      %mul3A_20 = arith.constant 8 : i32
      %mul3A_21 = arith.muli %scan3A_19, %mul3A_20 : i32
      %add3A_22 = arith.addi %mul3A_2, %mul3A_21 : i32
      %mul3A_23 = arith.constant 128 : i32
      %mul3A_24 = arith.muli %add3A_22, %mul3A_23 : i32
      "tpu.region"() ({
        %run_scoped3A = tpu.sem_alloc : memref<!tpu.dma_semaphore, #tpu.memory_space<semaphore_mem>>
        %dma_start3A_227 = arith.constant 0 : i32
        %dma_start3A_228 = tpu.memref_slice %arg2[%add3A_22, %dma_start3A_227] : memref<512x128xi32, #tpu.memory_space<hbm>> -> memref<8x128xi32, #tpu.memory_space<hbm>>
        %dma_start3A_229 = arith.constant 0 : i32
        %dma_start3A_230 = tpu.memref_slice %arg2[%add3A_22, %dma_start3A_229] : memref<512x128xi32, #tpu.memory_space<hbm>> -> memref<8x128xi32, #tpu.memory_space<hbm>>
        tpu.enqueue_dma source(%dma_start3A_230 : memref<8x128xi32, #tpu.memory_space<hbm>>) target(%arg5 : memref<8x128xi32, #tpu.memory_space<vmem>>) target_semaphore(%run_scoped3A : memref<!tpu.dma_semaphore, #tpu.memory_space<semaphore_mem>>)
        %dma_wait3A_231 = arith.constant 0 : i32
        %dma_wait3A_232 = tpu.memref_slice %arg2[%add3A_22, %dma_wait3A_231] : memref<512x128xi32, #tpu.memory_space<hbm>> -> memref<8x128xi32, #tpu.memory_space<hbm>>
        %dma_wait3A_233 = arith.constant 0 : i32
        %dma_wait3A_234 = tpu.memref_slice %arg2[%add3A_22, %dma_wait3A_233] : memref<512x128xi32, #tpu.memory_space<hbm>> -> memref<8x128xi32, #tpu.memory_space<hbm>>
        tpu.wait_dma2 semaphore(%run_scoped3A : memref<!tpu.dma_semaphore, #tpu.memory_space<semaphore_mem>>) src(%dma_wait3A_234 : memref<8x128xi32, #tpu.memory_space<hbm>>) dst(%arg5 : memref<8x128xi32, #tpu.memory_space<vmem>>)
        tpu.yield
      }) : () -> ()
      %gt3A = arith.constant 0 : i32
      %gt3A_25 = arith.cmpi sgt, %scan3A_19, %gt3A : i32
      %convert_element_type3A = arith.extui %gt3A_25 : i1 to i32
      %cond3A = arith.constant 0 : i32
      %cond3A_26 = arith.cmpi ne, %convert_element_type3A, %cond3A : i32
      scf.if %cond3A_26 {
        %dma_wait3A_227 = arith.constant 0 : i32
        %dma_wait3A_228 = arith.constant 0 : i32
        %dma_wait3A_229 = tpu.memref_slice %arg4[%dma_wait3A_227, %dma_wait3A_228] : memref<65536x128xf32, #tpu.memory_space<hbm>> -> memref<256x128xf32, #tpu.memory_space<hbm>>
        %dma_wait3A_230 = arith.constant 0 : i32
        %dma_wait3A_231 = arith.constant 0 : i32
        %dma_wait3A_232 = tpu.memref_slice %arg4[%dma_wait3A_230, %dma_wait3A_231] : memref<65536x128xf32, #tpu.memory_space<hbm>> -> memref<256x128xf32, #tpu.memory_space<hbm>>
        tpu.wait_dma2 semaphore(%arg10 : memref<!tpu.dma_semaphore, #tpu.memory_space<semaphore_mem>>) src(%dma_wait3A_232 : memref<256x128xf32, #tpu.memory_space<hbm>>) dst(%arg6 : memref<256x128xf32, #tpu.memory_space<vmem>>)
      } else {
      }
      %dma_start3A = arith.constant 0 : i32
      %dma_start3A_27 = arith.constant 0 : i32
      %dma_start3A_28 = arith.constant 0 : i32
      %dma_start3A_29 = tpu.memref_slice %arg6[%dma_start3A_27, %dma_start3A_28] : memref<256x128xf32, #tpu.memory_space<vmem>> -> memref<128x128xf32, #tpu.memory_space<vmem>>
      %dma_start3A_30 = arith.constant 0 : i32
      %dma_start3A_31 = tpu.memref_slice %arg5[%dma_start3A, %dma_start3A_30] : memref<8x128xi32, #tpu.memory_space<vmem>> -> memref<1x128xi32, #tpu.memory_space<vmem>>
      %dma_start3A_32 = tpu.memref_squeeze %dma_start3A_31 : memref<1x128xi32, #tpu.memory_space<vmem>> -> memref<128xi32, #tpu.memory_space<vmem>>
      %dma_start3A_33 = arith.constant 0 : i32
      %dma_start3A_34 = arith.constant 0 : i32
      %dma_start3A_35 = tpu.memref_slice %arg3[%dma_start3A_33, %dma_start3A_34] : memref<100000x128xf32, #tpu.memory_space<hbm>> -> memref<100000x128xf32, #tpu.memory_space<hbm>>
      tpu.enqueue_indirect_dma source(%dma_start3A_35 : memref<100000x128xf32, #tpu.memory_space<hbm>>) target(%dma_start3A_29 : memref<128x128xf32, #tpu.memory_space<vmem>>) offsets(%dma_start3A_32 : memref<128xi32, #tpu.memory_space<vmem>>) semaphore(%arg8 : memref<!tpu.dma_semaphore, #tpu.memory_space<semaphore_mem>>)
      %dma_start3A_36 = arith.constant 1 : i32
      %dma_start3A_37 = arith.constant 128 : i32
      %dma_start3A_38 = arith.constant 0 : i32
      %dma_start3A_39 = tpu.memref_slice %arg6[%dma_start3A_37, %dma_start3A_38] : memref<256x128xf32, #tpu.memory_space<vmem>> -> memref<128x128xf32, #tpu.memory_space<vmem>>
      %dma_start3A_40 = arith.constant 0 : i32
      %dma_start3A_41 = tpu.memref_slice %arg5[%dma_start3A_36, %dma_start3A_40] : memref<8x128xi32, #tpu.memory_space<vmem>> -> memref<1x128xi32, #tpu.memory_space<vmem>>
      %dma_start3A_42 = tpu.memref_squeeze %dma_start3A_41 : memref<1x128xi32, #tpu.memory_space<vmem>> -> memref<128xi32, #tpu.memory_space<vmem>>
      %dma_start3A_43 = arith.constant 0 : i32
      %dma_start3A_44 = arith.constant 0 : i32
      %dma_start3A_45 = tpu.memref_slice %arg3[%dma_start3A_43, %dma_start3A_44] : memref<100000x128xf32, #tpu.memory_space<hbm>> -> memref<100000x128xf32, #tpu.memory_space<hbm>>
      tpu.enqueue_indirect_dma source(%dma_start3A_45 : memref<100000x128xf32, #tpu.memory_space<hbm>>) target(%dma_start3A_39 : memref<128x128xf32, #tpu.memory_space<vmem>>) offsets(%dma_start3A_42 : memref<128xi32, #tpu.memory_space<vmem>>) semaphore(%arg8 : memref<!tpu.dma_semaphore, #tpu.memory_space<semaphore_mem>>)
      %gt3A_46 = arith.constant 0 : i32
      %gt3A_47 = arith.cmpi sgt, %scan3A_19, %gt3A_46 : i32
      %convert_element_type3A_48 = arith.extui %gt3A_47 : i1 to i32
      %cond3A_49 = arith.constant 0 : i32
      %cond3A_50 = arith.cmpi ne, %convert_element_type3A_48, %cond3A_49 : i32
      scf.if %cond3A_50 {
        %dma_wait3A_227 = arith.constant 0 : i32
        %dma_wait3A_228 = arith.constant 0 : i32
        %dma_wait3A_229 = tpu.memref_slice %arg4[%dma_wait3A_227, %dma_wait3A_228] : memref<65536x128xf32, #tpu.memory_space<hbm>> -> memref<256x128xf32, #tpu.memory_space<hbm>>
        %dma_wait3A_230 = arith.constant 0 : i32
        %dma_wait3A_231 = arith.constant 0 : i32
        %dma_wait3A_232 = tpu.memref_slice %arg4[%dma_wait3A_230, %dma_wait3A_231] : memref<65536x128xf32, #tpu.memory_space<hbm>> -> memref<256x128xf32, #tpu.memory_space<hbm>>
        tpu.wait_dma2 semaphore(%arg11 : memref<!tpu.dma_semaphore, #tpu.memory_space<semaphore_mem>>) src(%dma_wait3A_232 : memref<256x128xf32, #tpu.memory_space<hbm>>) dst(%arg7 : memref<256x128xf32, #tpu.memory_space<vmem>>)
      } else {
      }
      %dma_start3A_51 = arith.constant 2 : i32
      %dma_start3A_52 = arith.constant 0 : i32
      %dma_start3A_53 = arith.constant 0 : i32
      %dma_start3A_54 = tpu.memref_slice %arg7[%dma_start3A_52, %dma_start3A_53] : memref<256x128xf32, #tpu.memory_space<vmem>> -> memref<128x128xf32, #tpu.memory_space<vmem>>
      %dma_start3A_55 = arith.constant 0 : i32
      %dma_start3A_56 = tpu.memref_slice %arg5[%dma_start3A_51, %dma_start3A_55] : memref<8x128xi32, #tpu.memory_space<vmem>> -> memref<1x128xi32, #tpu.memory_space<vmem>>
      %dma_start3A_57 = tpu.memref_squeeze %dma_start3A_56 : memref<1x128xi32, #tpu.memory_space<vmem>> -> memref<128xi32, #tpu.memory_space<vmem>>
      %dma_start3A_58 = arith.constant 0 : i32
      %dma_start3A_59 = arith.constant 0 : i32
      %dma_start3A_60 = tpu.memref_slice %arg3[%dma_start3A_58, %dma_start3A_59] : memref<100000x128xf32, #tpu.memory_space<hbm>> -> memref<100000x128xf32, #tpu.memory_space<hbm>>
      tpu.enqueue_indirect_dma source(%dma_start3A_60 : memref<100000x128xf32, #tpu.memory_space<hbm>>) target(%dma_start3A_54 : memref<128x128xf32, #tpu.memory_space<vmem>>) offsets(%dma_start3A_57 : memref<128xi32, #tpu.memory_space<vmem>>) semaphore(%arg9 : memref<!tpu.dma_semaphore, #tpu.memory_space<semaphore_mem>>)
      %dma_start3A_61 = arith.constant 3 : i32
      %dma_start3A_62 = arith.constant 128 : i32
      %dma_start3A_63 = arith.constant 0 : i32
      %dma_start3A_64 = tpu.memref_slice %arg7[%dma_start3A_62, %dma_start3A_63] : memref<256x128xf32, #tpu.memory_space<vmem>> -> memref<128x128xf32, #tpu.memory_space<vmem>>
      %dma_start3A_65 = arith.constant 0 : i32
      %dma_start3A_66 = tpu.memref_slice %arg5[%dma_start3A_61, %dma_start3A_65] : memref<8x128xi32, #tpu.memory_space<vmem>> -> memref<1x128xi32, #tpu.memory_space<vmem>>
      %dma_start3A_67 = tpu.memref_squeeze %dma_start3A_66 : memref<1x128xi32, #tpu.memory_space<vmem>> -> memref<128xi32, #tpu.memory_space<vmem>>
      %dma_start3A_68 = arith.constant 0 : i32
      %dma_start3A_69 = arith.constant 0 : i32
      %dma_start3A_70 = tpu.memref_slice %arg3[%dma_start3A_68, %dma_start3A_69] : memref<100000x128xf32, #tpu.memory_space<hbm>> -> memref<100000x128xf32, #tpu.memory_space<hbm>>
      tpu.enqueue_indirect_dma source(%dma_start3A_70 : memref<100000x128xf32, #tpu.memory_space<hbm>>) target(%dma_start3A_64 : memref<128x128xf32, #tpu.memory_space<vmem>>) offsets(%dma_start3A_67 : memref<128xi32, #tpu.memory_space<vmem>>) semaphore(%arg9 : memref<!tpu.dma_semaphore, #tpu.memory_space<semaphore_mem>>)
      %dma_wait3A_71 = arith.constant 0 : i32
      %dma_wait3A_72 = arith.constant 0 : i32
      %dma_wait3A_73 = arith.constant 0 : i32
      %dma_wait3A_74 = tpu.memref_slice %arg6[%dma_wait3A_72, %dma_wait3A_73] : memref<256x128xf32, #tpu.memory_space<vmem>> -> memref<128x128xf32, #tpu.memory_space<vmem>>
      %dma_wait3A_75 = arith.constant 0 : i32
      %dma_wait3A_76 = tpu.memref_slice %arg5[%dma_wait3A_71, %dma_wait3A_75] : memref<8x128xi32, #tpu.memory_space<vmem>> -> memref<1x128xi32, #tpu.memory_space<vmem>>
      %dma_wait3A_77 = tpu.memref_squeeze %dma_wait3A_76 : memref<1x128xi32, #tpu.memory_space<vmem>> -> memref<128xi32, #tpu.memory_space<vmem>>
      %dma_wait3A_78 = arith.constant 0 : i32
      %dma_wait3A_79 = arith.constant 0 : i32
      %dma_wait3A_80 = tpu.memref_slice %arg3[%dma_wait3A_78, %dma_wait3A_79] : memref<100000x128xf32, #tpu.memory_space<hbm>> -> memref<100000x128xf32, #tpu.memory_space<hbm>>
      tpu.wait_indirect_dma semaphore(%arg8 : memref<!tpu.dma_semaphore, #tpu.memory_space<semaphore_mem>>) src(%dma_wait3A_80 : memref<100000x128xf32, #tpu.memory_space<hbm>>) dst(%dma_wait3A_74 : memref<128x128xf32, #tpu.memory_space<vmem>>)
      %dma_wait3A_81 = arith.constant 1 : i32
      %dma_wait3A_82 = arith.constant 128 : i32
      %dma_wait3A_83 = arith.constant 0 : i32
      %dma_wait3A_84 = tpu.memref_slice %arg6[%dma_wait3A_82, %dma_wait3A_83] : memref<256x128xf32, #tpu.memory_space<vmem>> -> memref<128x128xf32, #tpu.memory_space<vmem>>
      %dma_wait3A_85 = arith.constant 0 : i32
      %dma_wait3A_86 = tpu.memref_slice %arg5[%dma_wait3A_81, %dma_wait3A_85] : memref<8x128xi32, #tpu.memory_space<vmem>> -> memref<1x128xi32, #tpu.memory_space<vmem>>
      %dma_wait3A_87 = tpu.memref_squeeze %dma_wait3A_86 : memref<1x128xi32, #tpu.memory_space<vmem>> -> memref<128xi32, #tpu.memory_space<vmem>>
      %dma_wait3A_88 = arith.constant 0 : i32
      %dma_wait3A_89 = arith.constant 0 : i32
      %dma_wait3A_90 = tpu.memref_slice %arg3[%dma_wait3A_88, %dma_wait3A_89] : memref<100000x128xf32, #tpu.memory_space<hbm>> -> memref<100000x128xf32, #tpu.memory_space<hbm>>
      tpu.wait_indirect_dma semaphore(%arg8 : memref<!tpu.dma_semaphore, #tpu.memory_space<semaphore_mem>>) src(%dma_wait3A_90 : memref<100000x128xf32, #tpu.memory_space<hbm>>) dst(%dma_wait3A_84 : memref<128x128xf32, #tpu.memory_space<vmem>>)
      %add3A_91 = arith.constant 0 : i32
      %add3A_92 = arith.addi %mul3A_24, %add3A_91 : i32
      %dma_start3A_93 = arith.constant 0 : i32
      %dma_start3A_94 = tpu.memref_slice %arg4[%add3A_92, %dma_start3A_93] : memref<65536x128xf32, #tpu.memory_space<hbm>> -> memref<256x128xf32, #tpu.memory_space<hbm>>
      %dma_start3A_95 = arith.constant 0 : i32
      %dma_start3A_96 = tpu.memref_slice %arg4[%add3A_92, %dma_start3A_95] : memref<65536x128xf32, #tpu.memory_space<hbm>> -> memref<256x128xf32, #tpu.memory_space<hbm>>
      tpu.enqueue_dma source(%arg6 : memref<256x128xf32, #tpu.memory_space<vmem>>) target(%dma_start3A_96 : memref<256x128xf32, #tpu.memory_space<hbm>>) target_semaphore(%arg10 : memref<!tpu.dma_semaphore, #tpu.memory_space<semaphore_mem>>)
      %dma_wait3A_97 = arith.constant 0 : i32
      %dma_wait3A_98 = arith.constant 0 : i32
      %dma_wait3A_99 = tpu.memref_slice %arg4[%dma_wait3A_97, %dma_wait3A_98] : memref<65536x128xf32, #tpu.memory_space<hbm>> -> memref<256x128xf32, #tpu.memory_space<hbm>>
      %dma_wait3A_100 = arith.constant 0 : i32
      %dma_wait3A_101 = arith.constant 0 : i32
      %dma_wait3A_102 = tpu.memref_slice %arg4[%dma_wait3A_100, %dma_wait3A_101] : memref<65536x128xf32, #tpu.memory_space<hbm>> -> memref<256x128xf32, #tpu.memory_space<hbm>>
      tpu.wait_dma2 semaphore(%arg10 : memref<!tpu.dma_semaphore, #tpu.memory_space<semaphore_mem>>) src(%dma_wait3A_102 : memref<256x128xf32, #tpu.memory_space<hbm>>) dst(%arg6 : memref<256x128xf32, #tpu.memory_space<vmem>>)
      %dma_start3A_103 = arith.constant 4 : i32
      %dma_start3A_104 = arith.constant 0 : i32
      %dma_start3A_105 = arith.constant 0 : i32
      %dma_start3A_106 = tpu.memref_slice %arg6[%dma_start3A_104, %dma_start3A_105] : memref<256x128xf32, #tpu.memory_space<vmem>> -> memref<128x128xf32, #tpu.memory_space<vmem>>
      %dma_start3A_107 = arith.constant 0 : i32
      %dma_start3A_108 = tpu.memref_slice %arg5[%dma_start3A_103, %dma_start3A_107] : memref<8x128xi32, #tpu.memory_space<vmem>> -> memref<1x128xi32, #tpu.memory_space<vmem>>
      %dma_start3A_109 = tpu.memref_squeeze %dma_start3A_108 : memref<1x128xi32, #tpu.memory_space<vmem>> -> memref<128xi32, #tpu.memory_space<vmem>>
      %dma_start3A_110 = arith.constant 0 : i32
      %dma_start3A_111 = arith.constant 0 : i32
      %dma_start3A_112 = tpu.memref_slice %arg3[%dma_start3A_110, %dma_start3A_111] : memref<100000x128xf32, #tpu.memory_space<hbm>> -> memref<100000x128xf32, #tpu.memory_space<hbm>>
      tpu.enqueue_indirect_dma source(%dma_start3A_112 : memref<100000x128xf32, #tpu.memory_space<hbm>>) target(%dma_start3A_106 : memref<128x128xf32, #tpu.memory_space<vmem>>) offsets(%dma_start3A_109 : memref<128xi32, #tpu.memory_space<vmem>>) semaphore(%arg8 : memref<!tpu.dma_semaphore, #tpu.memory_space<semaphore_mem>>)
      %dma_start3A_113 = arith.constant 5 : i32
      %dma_start3A_114 = arith.constant 128 : i32
      %dma_start3A_115 = arith.constant 0 : i32
      %dma_start3A_116 = tpu.memref_slice %arg6[%dma_start3A_114, %dma_start3A_115] : memref<256x128xf32, #tpu.memory_space<vmem>> -> memref<128x128xf32, #tpu.memory_space<vmem>>
      %dma_start3A_117 = arith.constant 0 : i32
      %dma_start3A_118 = tpu.memref_slice %arg5[%dma_start3A_113, %dma_start3A_117] : memref<8x128xi32, #tpu.memory_space<vmem>> -> memref<1x128xi32, #tpu.memory_space<vmem>>
      %dma_start3A_119 = tpu.memref_squeeze %dma_start3A_118 : memref<1x128xi32, #tpu.memory_space<vmem>> -> memref<128xi32, #tpu.memory_space<vmem>>
      %dma_start3A_120 = arith.constant 0 : i32
      %dma_start3A_121 = arith.constant 0 : i32
      %dma_start3A_122 = tpu.memref_slice %arg3[%dma_start3A_120, %dma_start3A_121] : memref<100000x128xf32, #tpu.memory_space<hbm>> -> memref<100000x128xf32, #tpu.memory_space<hbm>>
      tpu.enqueue_indirect_dma source(%dma_start3A_122 : memref<100000x128xf32, #tpu.memory_space<hbm>>) target(%dma_start3A_116 : memref<128x128xf32, #tpu.memory_space<vmem>>) offsets(%dma_start3A_119 : memref<128xi32, #tpu.memory_space<vmem>>) semaphore(%arg8 : memref<!tpu.dma_semaphore, #tpu.memory_space<semaphore_mem>>)
      %dma_wait3A_123 = arith.constant 2 : i32
      %dma_wait3A_124 = arith.constant 0 : i32
      %dma_wait3A_125 = arith.constant 0 : i32
      %dma_wait3A_126 = tpu.memref_slice %arg7[%dma_wait3A_124, %dma_wait3A_125] : memref<256x128xf32, #tpu.memory_space<vmem>> -> memref<128x128xf32, #tpu.memory_space<vmem>>
      %dma_wait3A_127 = arith.constant 0 : i32
      %dma_wait3A_128 = tpu.memref_slice %arg5[%dma_wait3A_123, %dma_wait3A_127] : memref<8x128xi32, #tpu.memory_space<vmem>> -> memref<1x128xi32, #tpu.memory_space<vmem>>
      %dma_wait3A_129 = tpu.memref_squeeze %dma_wait3A_128 : memref<1x128xi32, #tpu.memory_space<vmem>> -> memref<128xi32, #tpu.memory_space<vmem>>
      %dma_wait3A_130 = arith.constant 0 : i32
      %dma_wait3A_131 = arith.constant 0 : i32
      %dma_wait3A_132 = tpu.memref_slice %arg3[%dma_wait3A_130, %dma_wait3A_131] : memref<100000x128xf32, #tpu.memory_space<hbm>> -> memref<100000x128xf32, #tpu.memory_space<hbm>>
      tpu.wait_indirect_dma semaphore(%arg9 : memref<!tpu.dma_semaphore, #tpu.memory_space<semaphore_mem>>) src(%dma_wait3A_132 : memref<100000x128xf32, #tpu.memory_space<hbm>>) dst(%dma_wait3A_126 : memref<128x128xf32, #tpu.memory_space<vmem>>)
      %dma_wait3A_133 = arith.constant 3 : i32
      %dma_wait3A_134 = arith.constant 128 : i32
      %dma_wait3A_135 = arith.constant 0 : i32
      %dma_wait3A_136 = tpu.memref_slice %arg7[%dma_wait3A_134, %dma_wait3A_135] : memref<256x128xf32, #tpu.memory_space<vmem>> -> memref<128x128xf32, #tpu.memory_space<vmem>>
      %dma_wait3A_137 = arith.constant 0 : i32
      %dma_wait3A_138 = tpu.memref_slice %arg5[%dma_wait3A_133, %dma_wait3A_137] : memref<8x128xi32, #tpu.memory_space<vmem>> -> memref<1x128xi32, #tpu.memory_space<vmem>>
      %dma_wait3A_139 = tpu.memref_squeeze %dma_wait3A_138 : memref<1x128xi32, #tpu.memory_space<vmem>> -> memref<128xi32, #tpu.memory_space<vmem>>
      %dma_wait3A_140 = arith.constant 0 : i32
      %dma_wait3A_141 = arith.constant 0 : i32
      %dma_wait3A_142 = tpu.memref_slice %arg3[%dma_wait3A_140, %dma_wait3A_141] : memref<100000x128xf32, #tpu.memory_space<hbm>> -> memref<100000x128xf32, #tpu.memory_space<hbm>>
      tpu.wait_indirect_dma semaphore(%arg9 : memref<!tpu.dma_semaphore, #tpu.memory_space<semaphore_mem>>) src(%dma_wait3A_142 : memref<100000x128xf32, #tpu.memory_space<hbm>>) dst(%dma_wait3A_136 : memref<128x128xf32, #tpu.memory_space<vmem>>)
      %add3A_143 = arith.constant 256 : i32
      %add3A_144 = arith.addi %mul3A_24, %add3A_143 : i32
      %dma_start3A_145 = arith.constant 0 : i32
      %dma_start3A_146 = tpu.memref_slice %arg4[%add3A_144, %dma_start3A_145] : memref<65536x128xf32, #tpu.memory_space<hbm>> -> memref<256x128xf32, #tpu.memory_space<hbm>>
      %dma_start3A_147 = arith.constant 0 : i32
      %dma_start3A_148 = tpu.memref_slice %arg4[%add3A_144, %dma_start3A_147] : memref<65536x128xf32, #tpu.memory_space<hbm>> -> memref<256x128xf32, #tpu.memory_space<hbm>>
      tpu.enqueue_dma source(%arg7 : memref<256x128xf32, #tpu.memory_space<vmem>>) target(%dma_start3A_148 : memref<256x128xf32, #tpu.memory_space<hbm>>) target_semaphore(%arg11 : memref<!tpu.dma_semaphore, #tpu.memory_space<semaphore_mem>>)
      %dma_wait3A_149 = arith.constant 0 : i32
      %dma_wait3A_150 = arith.constant 0 : i32
      %dma_wait3A_151 = tpu.memref_slice %arg4[%dma_wait3A_149, %dma_wait3A_150] : memref<65536x128xf32, #tpu.memory_space<hbm>> -> memref<256x128xf32, #tpu.memory_space<hbm>>
      %dma_wait3A_152 = arith.constant 0 : i32
      %dma_wait3A_153 = arith.constant 0 : i32
      %dma_wait3A_154 = tpu.memref_slice %arg4[%dma_wait3A_152, %dma_wait3A_153] : memref<65536x128xf32, #tpu.memory_space<hbm>> -> memref<256x128xf32, #tpu.memory_space<hbm>>
      tpu.wait_dma2 semaphore(%arg11 : memref<!tpu.dma_semaphore, #tpu.memory_space<semaphore_mem>>) src(%dma_wait3A_154 : memref<256x128xf32, #tpu.memory_space<hbm>>) dst(%arg7 : memref<256x128xf32, #tpu.memory_space<vmem>>)
      %dma_start3A_155 = arith.constant 6 : i32
      %dma_start3A_156 = arith.constant 0 : i32
      %dma_start3A_157 = arith.constant 0 : i32
      %dma_start3A_158 = tpu.memref_slice %arg7[%dma_start3A_156, %dma_start3A_157] : memref<256x128xf32, #tpu.memory_space<vmem>> -> memref<128x128xf32, #tpu.memory_space<vmem>>
      %dma_start3A_159 = arith.constant 0 : i32
      %dma_start3A_160 = tpu.memref_slice %arg5[%dma_start3A_155, %dma_start3A_159] : memref<8x128xi32, #tpu.memory_space<vmem>> -> memref<1x128xi32, #tpu.memory_space<vmem>>
      %dma_start3A_161 = tpu.memref_squeeze %dma_start3A_160 : memref<1x128xi32, #tpu.memory_space<vmem>> -> memref<128xi32, #tpu.memory_space<vmem>>
      %dma_start3A_162 = arith.constant 0 : i32
      %dma_start3A_163 = arith.constant 0 : i32
      %dma_start3A_164 = tpu.memref_slice %arg3[%dma_start3A_162, %dma_start3A_163] : memref<100000x128xf32, #tpu.memory_space<hbm>> -> memref<100000x128xf32, #tpu.memory_space<hbm>>
      tpu.enqueue_indirect_dma source(%dma_start3A_164 : memref<100000x128xf32, #tpu.memory_space<hbm>>) target(%dma_start3A_158 : memref<128x128xf32, #tpu.memory_space<vmem>>) offsets(%dma_start3A_161 : memref<128xi32, #tpu.memory_space<vmem>>) semaphore(%arg9 : memref<!tpu.dma_semaphore, #tpu.memory_space<semaphore_mem>>)
      %dma_start3A_165 = arith.constant 7 : i32
      %dma_start3A_166 = arith.constant 128 : i32
      %dma_start3A_167 = arith.constant 0 : i32
      %dma_start3A_168 = tpu.memref_slice %arg7[%dma_start3A_166, %dma_start3A_167] : memref<256x128xf32, #tpu.memory_space<vmem>> -> memref<128x128xf32, #tpu.memory_space<vmem>>
      %dma_start3A_169 = arith.constant 0 : i32
      %dma_start3A_170 = tpu.memref_slice %arg5[%dma_start3A_165, %dma_start3A_169] : memref<8x128xi32, #tpu.memory_space<vmem>> -> memref<1x128xi32, #tpu.memory_space<vmem>>
      %dma_start3A_171 = tpu.memref_squeeze %dma_start3A_170 : memref<1x128xi32, #tpu.memory_space<vmem>> -> memref<128xi32, #tpu.memory_space<vmem>>
      %dma_start3A_172 = arith.constant 0 : i32
      %dma_start3A_173 = arith.constant 0 : i32
      %dma_start3A_174 = tpu.memref_slice %arg3[%dma_start3A_172, %dma_start3A_173] : memref<100000x128xf32, #tpu.memory_space<hbm>> -> memref<100000x128xf32, #tpu.memory_space<hbm>>
      tpu.enqueue_indirect_dma source(%dma_start3A_174 : memref<100000x128xf32, #tpu.memory_space<hbm>>) target(%dma_start3A_168 : memref<128x128xf32, #tpu.memory_space<vmem>>) offsets(%dma_start3A_171 : memref<128xi32, #tpu.memory_space<vmem>>) semaphore(%arg9 : memref<!tpu.dma_semaphore, #tpu.memory_space<semaphore_mem>>)
      %dma_wait3A_175 = arith.constant 4 : i32
      %dma_wait3A_176 = arith.constant 0 : i32
      %dma_wait3A_177 = arith.constant 0 : i32
      %dma_wait3A_178 = tpu.memref_slice %arg6[%dma_wait3A_176, %dma_wait3A_177] : memref<256x128xf32, #tpu.memory_space<vmem>> -> memref<128x128xf32, #tpu.memory_space<vmem>>
      %dma_wait3A_179 = arith.constant 0 : i32
      %dma_wait3A_180 = tpu.memref_slice %arg5[%dma_wait3A_175, %dma_wait3A_179] : memref<8x128xi32, #tpu.memory_space<vmem>> -> memref<1x128xi32, #tpu.memory_space<vmem>>
      %dma_wait3A_181 = tpu.memref_squeeze %dma_wait3A_180 : memref<1x128xi32, #tpu.memory_space<vmem>> -> memref<128xi32, #tpu.memory_space<vmem>>
      %dma_wait3A_182 = arith.constant 0 : i32
      %dma_wait3A_183 = arith.constant 0 : i32
      %dma_wait3A_184 = tpu.memref_slice %arg3[%dma_wait3A_182, %dma_wait3A_183] : memref<100000x128xf32, #tpu.memory_space<hbm>> -> memref<100000x128xf32, #tpu.memory_space<hbm>>
      tpu.wait_indirect_dma semaphore(%arg8 : memref<!tpu.dma_semaphore, #tpu.memory_space<semaphore_mem>>) src(%dma_wait3A_184 : memref<100000x128xf32, #tpu.memory_space<hbm>>) dst(%dma_wait3A_178 : memref<128x128xf32, #tpu.memory_space<vmem>>)
      %dma_wait3A_185 = arith.constant 5 : i32
      %dma_wait3A_186 = arith.constant 128 : i32
      %dma_wait3A_187 = arith.constant 0 : i32
      %dma_wait3A_188 = tpu.memref_slice %arg6[%dma_wait3A_186, %dma_wait3A_187] : memref<256x128xf32, #tpu.memory_space<vmem>> -> memref<128x128xf32, #tpu.memory_space<vmem>>
      %dma_wait3A_189 = arith.constant 0 : i32
      %dma_wait3A_190 = tpu.memref_slice %arg5[%dma_wait3A_185, %dma_wait3A_189] : memref<8x128xi32, #tpu.memory_space<vmem>> -> memref<1x128xi32, #tpu.memory_space<vmem>>
      %dma_wait3A_191 = tpu.memref_squeeze %dma_wait3A_190 : memref<1x128xi32, #tpu.memory_space<vmem>> -> memref<128xi32, #tpu.memory_space<vmem>>
      %dma_wait3A_192 = arith.constant 0 : i32
      %dma_wait3A_193 = arith.constant 0 : i32
      %dma_wait3A_194 = tpu.memref_slice %arg3[%dma_wait3A_192, %dma_wait3A_193] : memref<100000x128xf32, #tpu.memory_space<hbm>> -> memref<100000x128xf32, #tpu.memory_space<hbm>>
      tpu.wait_indirect_dma semaphore(%arg8 : memref<!tpu.dma_semaphore, #tpu.memory_space<semaphore_mem>>) src(%dma_wait3A_194 : memref<100000x128xf32, #tpu.memory_space<hbm>>) dst(%dma_wait3A_188 : memref<128x128xf32, #tpu.memory_space<vmem>>)
      %add3A_195 = arith.constant 512 : i32
      %add3A_196 = arith.addi %mul3A_24, %add3A_195 : i32
      %dma_start3A_197 = arith.constant 0 : i32
      %dma_start3A_198 = tpu.memref_slice %arg4[%add3A_196, %dma_start3A_197] : memref<65536x128xf32, #tpu.memory_space<hbm>> -> memref<256x128xf32, #tpu.memory_space<hbm>>
      %dma_start3A_199 = arith.constant 0 : i32
      %dma_start3A_200 = tpu.memref_slice %arg4[%add3A_196, %dma_start3A_199] : memref<65536x128xf32, #tpu.memory_space<hbm>> -> memref<256x128xf32, #tpu.memory_space<hbm>>
      tpu.enqueue_dma source(%arg6 : memref<256x128xf32, #tpu.memory_space<vmem>>) target(%dma_start3A_200 : memref<256x128xf32, #tpu.memory_space<hbm>>) target_semaphore(%arg10 : memref<!tpu.dma_semaphore, #tpu.memory_space<semaphore_mem>>)
      %dma_wait3A_201 = arith.constant 6 : i32
      %dma_wait3A_202 = arith.constant 0 : i32
      %dma_wait3A_203 = arith.constant 0 : i32
      %dma_wait3A_204 = tpu.memref_slice %arg7[%dma_wait3A_202, %dma_wait3A_203] : memref<256x128xf32, #tpu.memory_space<vmem>> -> memref<128x128xf32, #tpu.memory_space<vmem>>
      %dma_wait3A_205 = arith.constant 0 : i32
      %dma_wait3A_206 = tpu.memref_slice %arg5[%dma_wait3A_201, %dma_wait3A_205] : memref<8x128xi32, #tpu.memory_space<vmem>> -> memref<1x128xi32, #tpu.memory_space<vmem>>
      %dma_wait3A_207 = tpu.memref_squeeze %dma_wait3A_206 : memref<1x128xi32, #tpu.memory_space<vmem>> -> memref<128xi32, #tpu.memory_space<vmem>>
      %dma_wait3A_208 = arith.constant 0 : i32
      %dma_wait3A_209 = arith.constant 0 : i32
      %dma_wait3A_210 = tpu.memref_slice %arg3[%dma_wait3A_208, %dma_wait3A_209] : memref<100000x128xf32, #tpu.memory_space<hbm>> -> memref<100000x128xf32, #tpu.memory_space<hbm>>
      tpu.wait_indirect_dma semaphore(%arg9 : memref<!tpu.dma_semaphore, #tpu.memory_space<semaphore_mem>>) src(%dma_wait3A_210 : memref<100000x128xf32, #tpu.memory_space<hbm>>) dst(%dma_wait3A_204 : memref<128x128xf32, #tpu.memory_space<vmem>>)
      %dma_wait3A_211 = arith.constant 7 : i32
      %dma_wait3A_212 = arith.constant 128 : i32
      %dma_wait3A_213 = arith.constant 0 : i32
      %dma_wait3A_214 = tpu.memref_slice %arg7[%dma_wait3A_212, %dma_wait3A_213] : memref<256x128xf32, #tpu.memory_space<vmem>> -> memref<128x128xf32, #tpu.memory_space<vmem>>
      %dma_wait3A_215 = arith.constant 0 : i32
      %dma_wait3A_216 = tpu.memref_slice %arg5[%dma_wait3A_211, %dma_wait3A_215] : memref<8x128xi32, #tpu.memory_space<vmem>> -> memref<1x128xi32, #tpu.memory_space<vmem>>
      %dma_wait3A_217 = tpu.memref_squeeze %dma_wait3A_216 : memref<1x128xi32, #tpu.memory_space<vmem>> -> memref<128xi32, #tpu.memory_space<vmem>>
      %dma_wait3A_218 = arith.constant 0 : i32
      %dma_wait3A_219 = arith.constant 0 : i32
      %dma_wait3A_220 = tpu.memref_slice %arg3[%dma_wait3A_218, %dma_wait3A_219] : memref<100000x128xf32, #tpu.memory_space<hbm>> -> memref<100000x128xf32, #tpu.memory_space<hbm>>
      tpu.wait_indirect_dma semaphore(%arg9 : memref<!tpu.dma_semaphore, #tpu.memory_space<semaphore_mem>>) src(%dma_wait3A_220 : memref<100000x128xf32, #tpu.memory_space<hbm>>) dst(%dma_wait3A_214 : memref<128x128xf32, #tpu.memory_space<vmem>>)
      %add3A_221 = arith.constant 768 : i32
      %add3A_222 = arith.addi %mul3A_24, %add3A_221 : i32
      %dma_start3A_223 = arith.constant 0 : i32
      %dma_start3A_224 = tpu.memref_slice %arg4[%add3A_222, %dma_start3A_223] : memref<65536x128xf32, #tpu.memory_space<hbm>> -> memref<256x128xf32, #tpu.memory_space<hbm>>
      %dma_start3A_225 = arith.constant 0 : i32
      %dma_start3A_226 = tpu.memref_slice %arg4[%add3A_222, %dma_start3A_225] : memref<65536x128xf32, #tpu.memory_space<hbm>> -> memref<256x128xf32, #tpu.memory_space<hbm>>
      tpu.enqueue_dma source(%arg7 : memref<256x128xf32, #tpu.memory_space<vmem>>) target(%dma_start3A_226 : memref<256x128xf32, #tpu.memory_space<hbm>>) target_semaphore(%arg11 : memref<!tpu.dma_semaphore, #tpu.memory_space<semaphore_mem>>)
    }
    %scan3A_7 = arith.constant 2 : i32
    %dma_wait3A = arith.constant 0 : i32
    %dma_wait3A_8 = arith.constant 0 : i32
    %dma_wait3A_9 = tpu.memref_slice %arg4[%dma_wait3A, %dma_wait3A_8] : memref<65536x128xf32, #tpu.memory_space<hbm>> -> memref<256x128xf32, #tpu.memory_space<hbm>>
    %dma_wait3A_10 = arith.constant 0 : i32
    %dma_wait3A_11 = arith.constant 0 : i32
    %dma_wait3A_12 = tpu.memref_slice %arg4[%dma_wait3A_10, %dma_wait3A_11] : memref<65536x128xf32, #tpu.memory_space<hbm>> -> memref<256x128xf32, #tpu.memory_space<hbm>>
    tpu.wait_dma2 semaphore(%arg10 : memref<!tpu.dma_semaphore, #tpu.memory_space<semaphore_mem>>) src(%dma_wait3A_12 : memref<256x128xf32, #tpu.memory_space<hbm>>) dst(%arg6 : memref<256x128xf32, #tpu.memory_space<vmem>>)
    %dma_wait3A_13 = arith.constant 0 : i32
    %dma_wait3A_14 = arith.constant 0 : i32
    %dma_wait3A_15 = tpu.memref_slice %arg4[%dma_wait3A_13, %dma_wait3A_14] : memref<65536x128xf32, #tpu.memory_space<hbm>> -> memref<256x128xf32, #tpu.memory_space<hbm>>
    %dma_wait3A_16 = arith.constant 0 : i32
    %dma_wait3A_17 = arith.constant 0 : i32
    %dma_wait3A_18 = tpu.memref_slice %arg4[%dma_wait3A_16, %dma_wait3A_17] : memref<65536x128xf32, #tpu.memory_space<hbm>> -> memref<256x128xf32, #tpu.memory_space<hbm>>
    tpu.wait_dma2 semaphore(%arg11 : memref<!tpu.dma_semaphore, #tpu.memory_space<semaphore_mem>>) src(%dma_wait3A_18 : memref<256x128xf32, #tpu.memory_space<hbm>>) dst(%arg7 : memref<256x128xf32, #tpu.memory_space<vmem>>)
    return
  }
}

#map = affine_map<(d0, d1) -> (0, 0)>
module attributes {stable_mosaic.version = 14 : i64} {
  func.func @sc_gather(%arg0: i32, %arg1: i32, %arg2: memref<256x128xi32, #tpu.memory_space<hbm>>, %arg3: memref<100000x128xf32, #tpu.memory_space<hbm>>, %arg4: memref<32768x128xf32, #tpu.memory_space<hbm>>, %arg5: memref<8x128xi32, #tpu.memory_space<vmem>>, %arg6: memref<256x128xf32, #tpu.memory_space<vmem>>, %arg7: memref<256x128xf32, #tpu.memory_space<vmem>>, %arg8: memref<!tpu.dma_semaphore, #tpu.memory_space<semaphore_mem>>, %arg9: memref<!tpu.dma_semaphore, #tpu.memory_space<semaphore_mem>>, %arg10: memref<!tpu.dma_semaphore, #tpu.memory_space<semaphore_mem>>, %arg11: memref<!tpu.dma_semaphore, #tpu.memory_space<semaphore_mem>>) attributes {dimension_semantics = [#tpu.dimension_semantics<core_parallel>, #tpu.dimension_semantics<subcore_parallel>], iteration_bounds = array<i64: 2, 16>, scalar_prefetch = 0 : i64, scratch_operands = 7 : i64, tpu.core_type = #tpu.core_type<sc_vector_subcore>, window_params = [{transform_indices = #map}, {transform_indices = #map}, {transform_indices = #map}]} {
    %mul3A = arith.constant 2 : i32
    %mul3A_0 = arith.muli %arg1, %mul3A : i32
    %add3A = arith.addi %mul3A_0, %arg0 : i32
    %mul3A_1 = arith.constant 8 : i32
    %mul3A_2 = arith.muli %add3A, %mul3A_1 : i32
    %scan3A = arith.constant 0 : i32
    %scan3A_3 = arith.constant 0 : i32
    %mul3A_4 = arith.constant 8 : i32
    %mul3A_5 = arith.muli %scan3A_3, %mul3A_4 : i32
    %add3A_6 = arith.addi %mul3A_2, %mul3A_5 : i32
    %mul3A_7 = arith.constant 128 : i32
    %mul3A_8 = arith.muli %add3A_6, %mul3A_7 : i32
    "tpu.region"() ({
      %run_scoped3A = tpu.sem_alloc : memref<!tpu.dma_semaphore, #tpu.memory_space<semaphore_mem>>
      %dma_start3A_223 = arith.constant 0 : i32
      %dma_start3A_224 = tpu.memref_slice %arg2[%add3A_6, %dma_start3A_223] : memref<256x128xi32, #tpu.memory_space<hbm>> -> memref<8x128xi32, #tpu.memory_space<hbm>>
      %dma_start3A_225 = arith.constant 0 : i32
      %dma_start3A_226 = tpu.memref_slice %arg2[%add3A_6, %dma_start3A_225] : memref<256x128xi32, #tpu.memory_space<hbm>> -> memref<8x128xi32, #tpu.memory_space<hbm>>
      tpu.enqueue_dma source(%dma_start3A_226 : memref<8x128xi32, #tpu.memory_space<hbm>>) target(%arg5 : memref<8x128xi32, #tpu.memory_space<vmem>>) target_semaphore(%run_scoped3A : memref<!tpu.dma_semaphore, #tpu.memory_space<semaphore_mem>>)
      %dma_wait3A_227 = arith.constant 0 : i32
      %dma_wait3A_228 = tpu.memref_slice %arg2[%add3A_6, %dma_wait3A_227] : memref<256x128xi32, #tpu.memory_space<hbm>> -> memref<8x128xi32, #tpu.memory_space<hbm>>
      %dma_wait3A_229 = arith.constant 0 : i32
      %dma_wait3A_230 = tpu.memref_slice %arg2[%add3A_6, %dma_wait3A_229] : memref<256x128xi32, #tpu.memory_space<hbm>> -> memref<8x128xi32, #tpu.memory_space<hbm>>
      tpu.wait_dma2 semaphore(%run_scoped3A : memref<!tpu.dma_semaphore, #tpu.memory_space<semaphore_mem>>) src(%dma_wait3A_230 : memref<8x128xi32, #tpu.memory_space<hbm>>) dst(%arg5 : memref<8x128xi32, #tpu.memory_space<vmem>>)
      tpu.yield
    }) : () -> ()
    %gt3A = arith.constant 0 : i32
    %gt3A_9 = arith.cmpi sgt, %scan3A_3, %gt3A : i32
    %convert_element_type3A = arith.extui %gt3A_9 : i1 to i32
    %cond3A = arith.constant 0 : i32
    %cond3A_10 = arith.cmpi ne, %convert_element_type3A, %cond3A : i32
    scf.if %cond3A_10 {
      %dma_wait3A_223 = arith.constant 0 : i32
      %dma_wait3A_224 = arith.constant 0 : i32
      %dma_wait3A_225 = tpu.memref_slice %arg4[%dma_wait3A_223, %dma_wait3A_224] : memref<32768x128xf32, #tpu.memory_space<hbm>> -> memref<256x128xf32, #tpu.memory_space<hbm>>
      %dma_wait3A_226 = arith.constant 0 : i32
      %dma_wait3A_227 = arith.constant 0 : i32
      %dma_wait3A_228 = tpu.memref_slice %arg4[%dma_wait3A_226, %dma_wait3A_227] : memref<32768x128xf32, #tpu.memory_space<hbm>> -> memref<256x128xf32, #tpu.memory_space<hbm>>
      tpu.wait_dma2 semaphore(%arg10 : memref<!tpu.dma_semaphore, #tpu.memory_space<semaphore_mem>>) src(%dma_wait3A_228 : memref<256x128xf32, #tpu.memory_space<hbm>>) dst(%arg6 : memref<256x128xf32, #tpu.memory_space<vmem>>)
    } else {
    }
    %dma_start3A = arith.constant 0 : i32
    %dma_start3A_11 = arith.constant 0 : i32
    %dma_start3A_12 = arith.constant 0 : i32
    %dma_start3A_13 = tpu.memref_slice %arg6[%dma_start3A_11, %dma_start3A_12] : memref<256x128xf32, #tpu.memory_space<vmem>> -> memref<128x128xf32, #tpu.memory_space<vmem>>
    %dma_start3A_14 = arith.constant 0 : i32
    %dma_start3A_15 = tpu.memref_slice %arg5[%dma_start3A, %dma_start3A_14] : memref<8x128xi32, #tpu.memory_space<vmem>> -> memref<1x128xi32, #tpu.memory_space<vmem>>
    %dma_start3A_16 = tpu.memref_squeeze %dma_start3A_15 : memref<1x128xi32, #tpu.memory_space<vmem>> -> memref<128xi32, #tpu.memory_space<vmem>>
    %dma_start3A_17 = arith.constant 0 : i32
    %dma_start3A_18 = arith.constant 0 : i32
    %dma_start3A_19 = tpu.memref_slice %arg3[%dma_start3A_17, %dma_start3A_18] : memref<100000x128xf32, #tpu.memory_space<hbm>> -> memref<100000x128xf32, #tpu.memory_space<hbm>>
    tpu.enqueue_indirect_dma source(%dma_start3A_19 : memref<100000x128xf32, #tpu.memory_space<hbm>>) target(%dma_start3A_13 : memref<128x128xf32, #tpu.memory_space<vmem>>) offsets(%dma_start3A_16 : memref<128xi32, #tpu.memory_space<vmem>>) semaphore(%arg8 : memref<!tpu.dma_semaphore, #tpu.memory_space<semaphore_mem>>)
    %dma_start3A_20 = arith.constant 1 : i32
    %dma_start3A_21 = arith.constant 128 : i32
    %dma_start3A_22 = arith.constant 0 : i32
    %dma_start3A_23 = tpu.memref_slice %arg6[%dma_start3A_21, %dma_start3A_22] : memref<256x128xf32, #tpu.memory_space<vmem>> -> memref<128x128xf32, #tpu.memory_space<vmem>>
    %dma_start3A_24 = arith.constant 0 : i32
    %dma_start3A_25 = tpu.memref_slice %arg5[%dma_start3A_20, %dma_start3A_24] : memref<8x128xi32, #tpu.memory_space<vmem>> -> memref<1x128xi32, #tpu.memory_space<vmem>>
    %dma_start3A_26 = tpu.memref_squeeze %dma_start3A_25 : memref<1x128xi32, #tpu.memory_space<vmem>> -> memref<128xi32, #tpu.memory_space<vmem>>
    %dma_start3A_27 = arith.constant 0 : i32
    %dma_start3A_28 = arith.constant 0 : i32
    %dma_start3A_29 = tpu.memref_slice %arg3[%dma_start3A_27, %dma_start3A_28] : memref<100000x128xf32, #tpu.memory_space<hbm>> -> memref<100000x128xf32, #tpu.memory_space<hbm>>
    tpu.enqueue_indirect_dma source(%dma_start3A_29 : memref<100000x128xf32, #tpu.memory_space<hbm>>) target(%dma_start3A_23 : memref<128x128xf32, #tpu.memory_space<vmem>>) offsets(%dma_start3A_26 : memref<128xi32, #tpu.memory_space<vmem>>) semaphore(%arg8 : memref<!tpu.dma_semaphore, #tpu.memory_space<semaphore_mem>>)
    %gt3A_30 = arith.constant 0 : i32
    %gt3A_31 = arith.cmpi sgt, %scan3A_3, %gt3A_30 : i32
    %convert_element_type3A_32 = arith.extui %gt3A_31 : i1 to i32
    %cond3A_33 = arith.constant 0 : i32
    %cond3A_34 = arith.cmpi ne, %convert_element_type3A_32, %cond3A_33 : i32
    scf.if %cond3A_34 {
      %dma_wait3A_223 = arith.constant 0 : i32
      %dma_wait3A_224 = arith.constant 0 : i32
      %dma_wait3A_225 = tpu.memref_slice %arg4[%dma_wait3A_223, %dma_wait3A_224] : memref<32768x128xf32, #tpu.memory_space<hbm>> -> memref<256x128xf32, #tpu.memory_space<hbm>>
      %dma_wait3A_226 = arith.constant 0 : i32
      %dma_wait3A_227 = arith.constant 0 : i32
      %dma_wait3A_228 = tpu.memref_slice %arg4[%dma_wait3A_226, %dma_wait3A_227] : memref<32768x128xf32, #tpu.memory_space<hbm>> -> memref<256x128xf32, #tpu.memory_space<hbm>>
      tpu.wait_dma2 semaphore(%arg11 : memref<!tpu.dma_semaphore, #tpu.memory_space<semaphore_mem>>) src(%dma_wait3A_228 : memref<256x128xf32, #tpu.memory_space<hbm>>) dst(%arg7 : memref<256x128xf32, #tpu.memory_space<vmem>>)
    } else {
    }
    %dma_start3A_35 = arith.constant 2 : i32
    %dma_start3A_36 = arith.constant 0 : i32
    %dma_start3A_37 = arith.constant 0 : i32
    %dma_start3A_38 = tpu.memref_slice %arg7[%dma_start3A_36, %dma_start3A_37] : memref<256x128xf32, #tpu.memory_space<vmem>> -> memref<128x128xf32, #tpu.memory_space<vmem>>
    %dma_start3A_39 = arith.constant 0 : i32
    %dma_start3A_40 = tpu.memref_slice %arg5[%dma_start3A_35, %dma_start3A_39] : memref<8x128xi32, #tpu.memory_space<vmem>> -> memref<1x128xi32, #tpu.memory_space<vmem>>
    %dma_start3A_41 = tpu.memref_squeeze %dma_start3A_40 : memref<1x128xi32, #tpu.memory_space<vmem>> -> memref<128xi32, #tpu.memory_space<vmem>>
    %dma_start3A_42 = arith.constant 0 : i32
    %dma_start3A_43 = arith.constant 0 : i32
    %dma_start3A_44 = tpu.memref_slice %arg3[%dma_start3A_42, %dma_start3A_43] : memref<100000x128xf32, #tpu.memory_space<hbm>> -> memref<100000x128xf32, #tpu.memory_space<hbm>>
    tpu.enqueue_indirect_dma source(%dma_start3A_44 : memref<100000x128xf32, #tpu.memory_space<hbm>>) target(%dma_start3A_38 : memref<128x128xf32, #tpu.memory_space<vmem>>) offsets(%dma_start3A_41 : memref<128xi32, #tpu.memory_space<vmem>>) semaphore(%arg9 : memref<!tpu.dma_semaphore, #tpu.memory_space<semaphore_mem>>)
    %dma_start3A_45 = arith.constant 3 : i32
    %dma_start3A_46 = arith.constant 128 : i32
    %dma_start3A_47 = arith.constant 0 : i32
    %dma_start3A_48 = tpu.memref_slice %arg7[%dma_start3A_46, %dma_start3A_47] : memref<256x128xf32, #tpu.memory_space<vmem>> -> memref<128x128xf32, #tpu.memory_space<vmem>>
    %dma_start3A_49 = arith.constant 0 : i32
    %dma_start3A_50 = tpu.memref_slice %arg5[%dma_start3A_45, %dma_start3A_49] : memref<8x128xi32, #tpu.memory_space<vmem>> -> memref<1x128xi32, #tpu.memory_space<vmem>>
    %dma_start3A_51 = tpu.memref_squeeze %dma_start3A_50 : memref<1x128xi32, #tpu.memory_space<vmem>> -> memref<128xi32, #tpu.memory_space<vmem>>
    %dma_start3A_52 = arith.constant 0 : i32
    %dma_start3A_53 = arith.constant 0 : i32
    %dma_start3A_54 = tpu.memref_slice %arg3[%dma_start3A_52, %dma_start3A_53] : memref<100000x128xf32, #tpu.memory_space<hbm>> -> memref<100000x128xf32, #tpu.memory_space<hbm>>
    tpu.enqueue_indirect_dma source(%dma_start3A_54 : memref<100000x128xf32, #tpu.memory_space<hbm>>) target(%dma_start3A_48 : memref<128x128xf32, #tpu.memory_space<vmem>>) offsets(%dma_start3A_51 : memref<128xi32, #tpu.memory_space<vmem>>) semaphore(%arg9 : memref<!tpu.dma_semaphore, #tpu.memory_space<semaphore_mem>>)
    %dma_wait3A = arith.constant 0 : i32
    %dma_wait3A_55 = arith.constant 0 : i32
    %dma_wait3A_56 = arith.constant 0 : i32
    %dma_wait3A_57 = tpu.memref_slice %arg6[%dma_wait3A_55, %dma_wait3A_56] : memref<256x128xf32, #tpu.memory_space<vmem>> -> memref<128x128xf32, #tpu.memory_space<vmem>>
    %dma_wait3A_58 = arith.constant 0 : i32
    %dma_wait3A_59 = tpu.memref_slice %arg5[%dma_wait3A, %dma_wait3A_58] : memref<8x128xi32, #tpu.memory_space<vmem>> -> memref<1x128xi32, #tpu.memory_space<vmem>>
    %dma_wait3A_60 = tpu.memref_squeeze %dma_wait3A_59 : memref<1x128xi32, #tpu.memory_space<vmem>> -> memref<128xi32, #tpu.memory_space<vmem>>
    %dma_wait3A_61 = arith.constant 0 : i32
    %dma_wait3A_62 = arith.constant 0 : i32
    %dma_wait3A_63 = tpu.memref_slice %arg3[%dma_wait3A_61, %dma_wait3A_62] : memref<100000x128xf32, #tpu.memory_space<hbm>> -> memref<100000x128xf32, #tpu.memory_space<hbm>>
    tpu.wait_indirect_dma semaphore(%arg8 : memref<!tpu.dma_semaphore, #tpu.memory_space<semaphore_mem>>) src(%dma_wait3A_63 : memref<100000x128xf32, #tpu.memory_space<hbm>>) dst(%dma_wait3A_57 : memref<128x128xf32, #tpu.memory_space<vmem>>)
    %dma_wait3A_64 = arith.constant 1 : i32
    %dma_wait3A_65 = arith.constant 128 : i32
    %dma_wait3A_66 = arith.constant 0 : i32
    %dma_wait3A_67 = tpu.memref_slice %arg6[%dma_wait3A_65, %dma_wait3A_66] : memref<256x128xf32, #tpu.memory_space<vmem>> -> memref<128x128xf32, #tpu.memory_space<vmem>>
    %dma_wait3A_68 = arith.constant 0 : i32
    %dma_wait3A_69 = tpu.memref_slice %arg5[%dma_wait3A_64, %dma_wait3A_68] : memref<8x128xi32, #tpu.memory_space<vmem>> -> memref<1x128xi32, #tpu.memory_space<vmem>>
    %dma_wait3A_70 = tpu.memref_squeeze %dma_wait3A_69 : memref<1x128xi32, #tpu.memory_space<vmem>> -> memref<128xi32, #tpu.memory_space<vmem>>
    %dma_wait3A_71 = arith.constant 0 : i32
    %dma_wait3A_72 = arith.constant 0 : i32
    %dma_wait3A_73 = tpu.memref_slice %arg3[%dma_wait3A_71, %dma_wait3A_72] : memref<100000x128xf32, #tpu.memory_space<hbm>> -> memref<100000x128xf32, #tpu.memory_space<hbm>>
    tpu.wait_indirect_dma semaphore(%arg8 : memref<!tpu.dma_semaphore, #tpu.memory_space<semaphore_mem>>) src(%dma_wait3A_73 : memref<100000x128xf32, #tpu.memory_space<hbm>>) dst(%dma_wait3A_67 : memref<128x128xf32, #tpu.memory_space<vmem>>)
    %add3A_74 = arith.constant 0 : i32
    %add3A_75 = arith.addi %mul3A_8, %add3A_74 : i32
    %dma_start3A_76 = arith.constant 0 : i32
    %dma_start3A_77 = tpu.memref_slice %arg4[%add3A_75, %dma_start3A_76] : memref<32768x128xf32, #tpu.memory_space<hbm>> -> memref<256x128xf32, #tpu.memory_space<hbm>>
    %dma_start3A_78 = arith.constant 0 : i32
    %dma_start3A_79 = tpu.memref_slice %arg4[%add3A_75, %dma_start3A_78] : memref<32768x128xf32, #tpu.memory_space<hbm>> -> memref<256x128xf32, #tpu.memory_space<hbm>>
    tpu.enqueue_dma source(%arg6 : memref<256x128xf32, #tpu.memory_space<vmem>>) target(%dma_start3A_79 : memref<256x128xf32, #tpu.memory_space<hbm>>) target_semaphore(%arg10 : memref<!tpu.dma_semaphore, #tpu.memory_space<semaphore_mem>>)
    %dma_wait3A_80 = arith.constant 0 : i32
    %dma_wait3A_81 = arith.constant 0 : i32
    %dma_wait3A_82 = tpu.memref_slice %arg4[%dma_wait3A_80, %dma_wait3A_81] : memref<32768x128xf32, #tpu.memory_space<hbm>> -> memref<256x128xf32, #tpu.memory_space<hbm>>
    %dma_wait3A_83 = arith.constant 0 : i32
    %dma_wait3A_84 = arith.constant 0 : i32
    %dma_wait3A_85 = tpu.memref_slice %arg4[%dma_wait3A_83, %dma_wait3A_84] : memref<32768x128xf32, #tpu.memory_space<hbm>> -> memref<256x128xf32, #tpu.memory_space<hbm>>
    tpu.wait_dma2 semaphore(%arg10 : memref<!tpu.dma_semaphore, #tpu.memory_space<semaphore_mem>>) src(%dma_wait3A_85 : memref<256x128xf32, #tpu.memory_space<hbm>>) dst(%arg6 : memref<256x128xf32, #tpu.memory_space<vmem>>)
    %dma_start3A_86 = arith.constant 4 : i32
    %dma_start3A_87 = arith.constant 0 : i32
    %dma_start3A_88 = arith.constant 0 : i32
    %dma_start3A_89 = tpu.memref_slice %arg6[%dma_start3A_87, %dma_start3A_88] : memref<256x128xf32, #tpu.memory_space<vmem>> -> memref<128x128xf32, #tpu.memory_space<vmem>>
    %dma_start3A_90 = arith.constant 0 : i32
    %dma_start3A_91 = tpu.memref_slice %arg5[%dma_start3A_86, %dma_start3A_90] : memref<8x128xi32, #tpu.memory_space<vmem>> -> memref<1x128xi32, #tpu.memory_space<vmem>>
    %dma_start3A_92 = tpu.memref_squeeze %dma_start3A_91 : memref<1x128xi32, #tpu.memory_space<vmem>> -> memref<128xi32, #tpu.memory_space<vmem>>
    %dma_start3A_93 = arith.constant 0 : i32
    %dma_start3A_94 = arith.constant 0 : i32
    %dma_start3A_95 = tpu.memref_slice %arg3[%dma_start3A_93, %dma_start3A_94] : memref<100000x128xf32, #tpu.memory_space<hbm>> -> memref<100000x128xf32, #tpu.memory_space<hbm>>
    tpu.enqueue_indirect_dma source(%dma_start3A_95 : memref<100000x128xf32, #tpu.memory_space<hbm>>) target(%dma_start3A_89 : memref<128x128xf32, #tpu.memory_space<vmem>>) offsets(%dma_start3A_92 : memref<128xi32, #tpu.memory_space<vmem>>) semaphore(%arg8 : memref<!tpu.dma_semaphore, #tpu.memory_space<semaphore_mem>>)
    %dma_start3A_96 = arith.constant 5 : i32
    %dma_start3A_97 = arith.constant 128 : i32
    %dma_start3A_98 = arith.constant 0 : i32
    %dma_start3A_99 = tpu.memref_slice %arg6[%dma_start3A_97, %dma_start3A_98] : memref<256x128xf32, #tpu.memory_space<vmem>> -> memref<128x128xf32, #tpu.memory_space<vmem>>
    %dma_start3A_100 = arith.constant 0 : i32
    %dma_start3A_101 = tpu.memref_slice %arg5[%dma_start3A_96, %dma_start3A_100] : memref<8x128xi32, #tpu.memory_space<vmem>> -> memref<1x128xi32, #tpu.memory_space<vmem>>
    %dma_start3A_102 = tpu.memref_squeeze %dma_start3A_101 : memref<1x128xi32, #tpu.memory_space<vmem>> -> memref<128xi32, #tpu.memory_space<vmem>>
    %dma_start3A_103 = arith.constant 0 : i32
    %dma_start3A_104 = arith.constant 0 : i32
    %dma_start3A_105 = tpu.memref_slice %arg3[%dma_start3A_103, %dma_start3A_104] : memref<100000x128xf32, #tpu.memory_space<hbm>> -> memref<100000x128xf32, #tpu.memory_space<hbm>>
    tpu.enqueue_indirect_dma source(%dma_start3A_105 : memref<100000x128xf32, #tpu.memory_space<hbm>>) target(%dma_start3A_99 : memref<128x128xf32, #tpu.memory_space<vmem>>) offsets(%dma_start3A_102 : memref<128xi32, #tpu.memory_space<vmem>>) semaphore(%arg8 : memref<!tpu.dma_semaphore, #tpu.memory_space<semaphore_mem>>)
    %dma_wait3A_106 = arith.constant 2 : i32
    %dma_wait3A_107 = arith.constant 0 : i32
    %dma_wait3A_108 = arith.constant 0 : i32
    %dma_wait3A_109 = tpu.memref_slice %arg7[%dma_wait3A_107, %dma_wait3A_108] : memref<256x128xf32, #tpu.memory_space<vmem>> -> memref<128x128xf32, #tpu.memory_space<vmem>>
    %dma_wait3A_110 = arith.constant 0 : i32
    %dma_wait3A_111 = tpu.memref_slice %arg5[%dma_wait3A_106, %dma_wait3A_110] : memref<8x128xi32, #tpu.memory_space<vmem>> -> memref<1x128xi32, #tpu.memory_space<vmem>>
    %dma_wait3A_112 = tpu.memref_squeeze %dma_wait3A_111 : memref<1x128xi32, #tpu.memory_space<vmem>> -> memref<128xi32, #tpu.memory_space<vmem>>
    %dma_wait3A_113 = arith.constant 0 : i32
    %dma_wait3A_114 = arith.constant 0 : i32
    %dma_wait3A_115 = tpu.memref_slice %arg3[%dma_wait3A_113, %dma_wait3A_114] : memref<100000x128xf32, #tpu.memory_space<hbm>> -> memref<100000x128xf32, #tpu.memory_space<hbm>>
    tpu.wait_indirect_dma semaphore(%arg9 : memref<!tpu.dma_semaphore, #tpu.memory_space<semaphore_mem>>) src(%dma_wait3A_115 : memref<100000x128xf32, #tpu.memory_space<hbm>>) dst(%dma_wait3A_109 : memref<128x128xf32, #tpu.memory_space<vmem>>)
    %dma_wait3A_116 = arith.constant 3 : i32
    %dma_wait3A_117 = arith.constant 128 : i32
    %dma_wait3A_118 = arith.constant 0 : i32
    %dma_wait3A_119 = tpu.memref_slice %arg7[%dma_wait3A_117, %dma_wait3A_118] : memref<256x128xf32, #tpu.memory_space<vmem>> -> memref<128x128xf32, #tpu.memory_space<vmem>>
    %dma_wait3A_120 = arith.constant 0 : i32
    %dma_wait3A_121 = tpu.memref_slice %arg5[%dma_wait3A_116, %dma_wait3A_120] : memref<8x128xi32, #tpu.memory_space<vmem>> -> memref<1x128xi32, #tpu.memory_space<vmem>>
    %dma_wait3A_122 = tpu.memref_squeeze %dma_wait3A_121 : memref<1x128xi32, #tpu.memory_space<vmem>> -> memref<128xi32, #tpu.memory_space<vmem>>
    %dma_wait3A_123 = arith.constant 0 : i32
    %dma_wait3A_124 = arith.constant 0 : i32
    %dma_wait3A_125 = tpu.memref_slice %arg3[%dma_wait3A_123, %dma_wait3A_124] : memref<100000x128xf32, #tpu.memory_space<hbm>> -> memref<100000x128xf32, #tpu.memory_space<hbm>>
    tpu.wait_indirect_dma semaphore(%arg9 : memref<!tpu.dma_semaphore, #tpu.memory_space<semaphore_mem>>) src(%dma_wait3A_125 : memref<100000x128xf32, #tpu.memory_space<hbm>>) dst(%dma_wait3A_119 : memref<128x128xf32, #tpu.memory_space<vmem>>)
    %add3A_126 = arith.constant 256 : i32
    %add3A_127 = arith.addi %mul3A_8, %add3A_126 : i32
    %dma_start3A_128 = arith.constant 0 : i32
    %dma_start3A_129 = tpu.memref_slice %arg4[%add3A_127, %dma_start3A_128] : memref<32768x128xf32, #tpu.memory_space<hbm>> -> memref<256x128xf32, #tpu.memory_space<hbm>>
    %dma_start3A_130 = arith.constant 0 : i32
    %dma_start3A_131 = tpu.memref_slice %arg4[%add3A_127, %dma_start3A_130] : memref<32768x128xf32, #tpu.memory_space<hbm>> -> memref<256x128xf32, #tpu.memory_space<hbm>>
    tpu.enqueue_dma source(%arg7 : memref<256x128xf32, #tpu.memory_space<vmem>>) target(%dma_start3A_131 : memref<256x128xf32, #tpu.memory_space<hbm>>) target_semaphore(%arg11 : memref<!tpu.dma_semaphore, #tpu.memory_space<semaphore_mem>>)
    %dma_wait3A_132 = arith.constant 0 : i32
    %dma_wait3A_133 = arith.constant 0 : i32
    %dma_wait3A_134 = tpu.memref_slice %arg4[%dma_wait3A_132, %dma_wait3A_133] : memref<32768x128xf32, #tpu.memory_space<hbm>> -> memref<256x128xf32, #tpu.memory_space<hbm>>
    %dma_wait3A_135 = arith.constant 0 : i32
    %dma_wait3A_136 = arith.constant 0 : i32
    %dma_wait3A_137 = tpu.memref_slice %arg4[%dma_wait3A_135, %dma_wait3A_136] : memref<32768x128xf32, #tpu.memory_space<hbm>> -> memref<256x128xf32, #tpu.memory_space<hbm>>
    tpu.wait_dma2 semaphore(%arg11 : memref<!tpu.dma_semaphore, #tpu.memory_space<semaphore_mem>>) src(%dma_wait3A_137 : memref<256x128xf32, #tpu.memory_space<hbm>>) dst(%arg7 : memref<256x128xf32, #tpu.memory_space<vmem>>)
    %dma_start3A_138 = arith.constant 6 : i32
    %dma_start3A_139 = arith.constant 0 : i32
    %dma_start3A_140 = arith.constant 0 : i32
    %dma_start3A_141 = tpu.memref_slice %arg7[%dma_start3A_139, %dma_start3A_140] : memref<256x128xf32, #tpu.memory_space<vmem>> -> memref<128x128xf32, #tpu.memory_space<vmem>>
    %dma_start3A_142 = arith.constant 0 : i32
    %dma_start3A_143 = tpu.memref_slice %arg5[%dma_start3A_138, %dma_start3A_142] : memref<8x128xi32, #tpu.memory_space<vmem>> -> memref<1x128xi32, #tpu.memory_space<vmem>>
    %dma_start3A_144 = tpu.memref_squeeze %dma_start3A_143 : memref<1x128xi32, #tpu.memory_space<vmem>> -> memref<128xi32, #tpu.memory_space<vmem>>
    %dma_start3A_145 = arith.constant 0 : i32
    %dma_start3A_146 = arith.constant 0 : i32
    %dma_start3A_147 = tpu.memref_slice %arg3[%dma_start3A_145, %dma_start3A_146] : memref<100000x128xf32, #tpu.memory_space<hbm>> -> memref<100000x128xf32, #tpu.memory_space<hbm>>
    tpu.enqueue_indirect_dma source(%dma_start3A_147 : memref<100000x128xf32, #tpu.memory_space<hbm>>) target(%dma_start3A_141 : memref<128x128xf32, #tpu.memory_space<vmem>>) offsets(%dma_start3A_144 : memref<128xi32, #tpu.memory_space<vmem>>) semaphore(%arg9 : memref<!tpu.dma_semaphore, #tpu.memory_space<semaphore_mem>>)
    %dma_start3A_148 = arith.constant 7 : i32
    %dma_start3A_149 = arith.constant 128 : i32
    %dma_start3A_150 = arith.constant 0 : i32
    %dma_start3A_151 = tpu.memref_slice %arg7[%dma_start3A_149, %dma_start3A_150] : memref<256x128xf32, #tpu.memory_space<vmem>> -> memref<128x128xf32, #tpu.memory_space<vmem>>
    %dma_start3A_152 = arith.constant 0 : i32
    %dma_start3A_153 = tpu.memref_slice %arg5[%dma_start3A_148, %dma_start3A_152] : memref<8x128xi32, #tpu.memory_space<vmem>> -> memref<1x128xi32, #tpu.memory_space<vmem>>
    %dma_start3A_154 = tpu.memref_squeeze %dma_start3A_153 : memref<1x128xi32, #tpu.memory_space<vmem>> -> memref<128xi32, #tpu.memory_space<vmem>>
    %dma_start3A_155 = arith.constant 0 : i32
    %dma_start3A_156 = arith.constant 0 : i32
    %dma_start3A_157 = tpu.memref_slice %arg3[%dma_start3A_155, %dma_start3A_156] : memref<100000x128xf32, #tpu.memory_space<hbm>> -> memref<100000x128xf32, #tpu.memory_space<hbm>>
    tpu.enqueue_indirect_dma source(%dma_start3A_157 : memref<100000x128xf32, #tpu.memory_space<hbm>>) target(%dma_start3A_151 : memref<128x128xf32, #tpu.memory_space<vmem>>) offsets(%dma_start3A_154 : memref<128xi32, #tpu.memory_space<vmem>>) semaphore(%arg9 : memref<!tpu.dma_semaphore, #tpu.memory_space<semaphore_mem>>)
    %dma_wait3A_158 = arith.constant 4 : i32
    %dma_wait3A_159 = arith.constant 0 : i32
    %dma_wait3A_160 = arith.constant 0 : i32
    %dma_wait3A_161 = tpu.memref_slice %arg6[%dma_wait3A_159, %dma_wait3A_160] : memref<256x128xf32, #tpu.memory_space<vmem>> -> memref<128x128xf32, #tpu.memory_space<vmem>>
    %dma_wait3A_162 = arith.constant 0 : i32
    %dma_wait3A_163 = tpu.memref_slice %arg5[%dma_wait3A_158, %dma_wait3A_162] : memref<8x128xi32, #tpu.memory_space<vmem>> -> memref<1x128xi32, #tpu.memory_space<vmem>>
    %dma_wait3A_164 = tpu.memref_squeeze %dma_wait3A_163 : memref<1x128xi32, #tpu.memory_space<vmem>> -> memref<128xi32, #tpu.memory_space<vmem>>
    %dma_wait3A_165 = arith.constant 0 : i32
    %dma_wait3A_166 = arith.constant 0 : i32
    %dma_wait3A_167 = tpu.memref_slice %arg3[%dma_wait3A_165, %dma_wait3A_166] : memref<100000x128xf32, #tpu.memory_space<hbm>> -> memref<100000x128xf32, #tpu.memory_space<hbm>>
    tpu.wait_indirect_dma semaphore(%arg8 : memref<!tpu.dma_semaphore, #tpu.memory_space<semaphore_mem>>) src(%dma_wait3A_167 : memref<100000x128xf32, #tpu.memory_space<hbm>>) dst(%dma_wait3A_161 : memref<128x128xf32, #tpu.memory_space<vmem>>)
    %dma_wait3A_168 = arith.constant 5 : i32
    %dma_wait3A_169 = arith.constant 128 : i32
    %dma_wait3A_170 = arith.constant 0 : i32
    %dma_wait3A_171 = tpu.memref_slice %arg6[%dma_wait3A_169, %dma_wait3A_170] : memref<256x128xf32, #tpu.memory_space<vmem>> -> memref<128x128xf32, #tpu.memory_space<vmem>>
    %dma_wait3A_172 = arith.constant 0 : i32
    %dma_wait3A_173 = tpu.memref_slice %arg5[%dma_wait3A_168, %dma_wait3A_172] : memref<8x128xi32, #tpu.memory_space<vmem>> -> memref<1x128xi32, #tpu.memory_space<vmem>>
    %dma_wait3A_174 = tpu.memref_squeeze %dma_wait3A_173 : memref<1x128xi32, #tpu.memory_space<vmem>> -> memref<128xi32, #tpu.memory_space<vmem>>
    %dma_wait3A_175 = arith.constant 0 : i32
    %dma_wait3A_176 = arith.constant 0 : i32
    %dma_wait3A_177 = tpu.memref_slice %arg3[%dma_wait3A_175, %dma_wait3A_176] : memref<100000x128xf32, #tpu.memory_space<hbm>> -> memref<100000x128xf32, #tpu.memory_space<hbm>>
    tpu.wait_indirect_dma semaphore(%arg8 : memref<!tpu.dma_semaphore, #tpu.memory_space<semaphore_mem>>) src(%dma_wait3A_177 : memref<100000x128xf32, #tpu.memory_space<hbm>>) dst(%dma_wait3A_171 : memref<128x128xf32, #tpu.memory_space<vmem>>)
    %add3A_178 = arith.constant 512 : i32
    %add3A_179 = arith.addi %mul3A_8, %add3A_178 : i32
    %dma_start3A_180 = arith.constant 0 : i32
    %dma_start3A_181 = tpu.memref_slice %arg4[%add3A_179, %dma_start3A_180] : memref<32768x128xf32, #tpu.memory_space<hbm>> -> memref<256x128xf32, #tpu.memory_space<hbm>>
    %dma_start3A_182 = arith.constant 0 : i32
    %dma_start3A_183 = tpu.memref_slice %arg4[%add3A_179, %dma_start3A_182] : memref<32768x128xf32, #tpu.memory_space<hbm>> -> memref<256x128xf32, #tpu.memory_space<hbm>>
    tpu.enqueue_dma source(%arg6 : memref<256x128xf32, #tpu.memory_space<vmem>>) target(%dma_start3A_183 : memref<256x128xf32, #tpu.memory_space<hbm>>) target_semaphore(%arg10 : memref<!tpu.dma_semaphore, #tpu.memory_space<semaphore_mem>>)
    %dma_wait3A_184 = arith.constant 6 : i32
    %dma_wait3A_185 = arith.constant 0 : i32
    %dma_wait3A_186 = arith.constant 0 : i32
    %dma_wait3A_187 = tpu.memref_slice %arg7[%dma_wait3A_185, %dma_wait3A_186] : memref<256x128xf32, #tpu.memory_space<vmem>> -> memref<128x128xf32, #tpu.memory_space<vmem>>
    %dma_wait3A_188 = arith.constant 0 : i32
    %dma_wait3A_189 = tpu.memref_slice %arg5[%dma_wait3A_184, %dma_wait3A_188] : memref<8x128xi32, #tpu.memory_space<vmem>> -> memref<1x128xi32, #tpu.memory_space<vmem>>
    %dma_wait3A_190 = tpu.memref_squeeze %dma_wait3A_189 : memref<1x128xi32, #tpu.memory_space<vmem>> -> memref<128xi32, #tpu.memory_space<vmem>>
    %dma_wait3A_191 = arith.constant 0 : i32
    %dma_wait3A_192 = arith.constant 0 : i32
    %dma_wait3A_193 = tpu.memref_slice %arg3[%dma_wait3A_191, %dma_wait3A_192] : memref<100000x128xf32, #tpu.memory_space<hbm>> -> memref<100000x128xf32, #tpu.memory_space<hbm>>
    tpu.wait_indirect_dma semaphore(%arg9 : memref<!tpu.dma_semaphore, #tpu.memory_space<semaphore_mem>>) src(%dma_wait3A_193 : memref<100000x128xf32, #tpu.memory_space<hbm>>) dst(%dma_wait3A_187 : memref<128x128xf32, #tpu.memory_space<vmem>>)
    %dma_wait3A_194 = arith.constant 7 : i32
    %dma_wait3A_195 = arith.constant 128 : i32
    %dma_wait3A_196 = arith.constant 0 : i32
    %dma_wait3A_197 = tpu.memref_slice %arg7[%dma_wait3A_195, %dma_wait3A_196] : memref<256x128xf32, #tpu.memory_space<vmem>> -> memref<128x128xf32, #tpu.memory_space<vmem>>
    %dma_wait3A_198 = arith.constant 0 : i32
    %dma_wait3A_199 = tpu.memref_slice %arg5[%dma_wait3A_194, %dma_wait3A_198] : memref<8x128xi32, #tpu.memory_space<vmem>> -> memref<1x128xi32, #tpu.memory_space<vmem>>
    %dma_wait3A_200 = tpu.memref_squeeze %dma_wait3A_199 : memref<1x128xi32, #tpu.memory_space<vmem>> -> memref<128xi32, #tpu.memory_space<vmem>>
    %dma_wait3A_201 = arith.constant 0 : i32
    %dma_wait3A_202 = arith.constant 0 : i32
    %dma_wait3A_203 = tpu.memref_slice %arg3[%dma_wait3A_201, %dma_wait3A_202] : memref<100000x128xf32, #tpu.memory_space<hbm>> -> memref<100000x128xf32, #tpu.memory_space<hbm>>
    tpu.wait_indirect_dma semaphore(%arg9 : memref<!tpu.dma_semaphore, #tpu.memory_space<semaphore_mem>>) src(%dma_wait3A_203 : memref<100000x128xf32, #tpu.memory_space<hbm>>) dst(%dma_wait3A_197 : memref<128x128xf32, #tpu.memory_space<vmem>>)
    %add3A_204 = arith.constant 768 : i32
    %add3A_205 = arith.addi %mul3A_8, %add3A_204 : i32
    %dma_start3A_206 = arith.constant 0 : i32
    %dma_start3A_207 = tpu.memref_slice %arg4[%add3A_205, %dma_start3A_206] : memref<32768x128xf32, #tpu.memory_space<hbm>> -> memref<256x128xf32, #tpu.memory_space<hbm>>
    %dma_start3A_208 = arith.constant 0 : i32
    %dma_start3A_209 = tpu.memref_slice %arg4[%add3A_205, %dma_start3A_208] : memref<32768x128xf32, #tpu.memory_space<hbm>> -> memref<256x128xf32, #tpu.memory_space<hbm>>
    tpu.enqueue_dma source(%arg7 : memref<256x128xf32, #tpu.memory_space<vmem>>) target(%dma_start3A_209 : memref<256x128xf32, #tpu.memory_space<hbm>>) target_semaphore(%arg11 : memref<!tpu.dma_semaphore, #tpu.memory_space<semaphore_mem>>)
    %scan3A_210 = arith.constant 1 : i32
    %dma_wait3A_211 = arith.constant 0 : i32
    %dma_wait3A_212 = arith.constant 0 : i32
    %dma_wait3A_213 = tpu.memref_slice %arg4[%dma_wait3A_211, %dma_wait3A_212] : memref<32768x128xf32, #tpu.memory_space<hbm>> -> memref<256x128xf32, #tpu.memory_space<hbm>>
    %dma_wait3A_214 = arith.constant 0 : i32
    %dma_wait3A_215 = arith.constant 0 : i32
    %dma_wait3A_216 = tpu.memref_slice %arg4[%dma_wait3A_214, %dma_wait3A_215] : memref<32768x128xf32, #tpu.memory_space<hbm>> -> memref<256x128xf32, #tpu.memory_space<hbm>>
    tpu.wait_dma2 semaphore(%arg10 : memref<!tpu.dma_semaphore, #tpu.memory_space<semaphore_mem>>) src(%dma_wait3A_216 : memref<256x128xf32, #tpu.memory_space<hbm>>) dst(%arg6 : memref<256x128xf32, #tpu.memory_space<vmem>>)
    %dma_wait3A_217 = arith.constant 0 : i32
    %dma_wait3A_218 = arith.constant 0 : i32
    %dma_wait3A_219 = tpu.memref_slice %arg4[%dma_wait3A_217, %dma_wait3A_218] : memref<32768x128xf32, #tpu.memory_space<hbm>> -> memref<256x128xf32, #tpu.memory_space<hbm>>
    %dma_wait3A_220 = arith.constant 0 : i32
    %dma_wait3A_221 = arith.constant 0 : i32
    %dma_wait3A_222 = tpu.memref_slice %arg4[%dma_wait3A_220, %dma_wait3A_221] : memref<32768x128xf32, #tpu.memory_space<hbm>> -> memref<256x128xf32, #tpu.memory_space<hbm>>
    tpu.wait_dma2 semaphore(%arg11 : memref<!tpu.dma_semaphore, #tpu.memory_space<semaphore_mem>>) src(%dma_wait3A_222 : memref<256x128xf32, #tpu.memory_space<hbm>>) dst(%arg7 : memref<256x128xf32, #tpu.memory_space<vmem>>)
    return
  }
}

#map = affine_map<(d0, d1) -> (0, 0)>
module attributes {stable_mosaic.version = 14 : i64} {
  func.func @sc_gather(%arg0: i32, %arg1: i32, %arg2: memref<1024x128xi32, #tpu.memory_space<hbm>>, %arg3: memref<100000x128xf32, #tpu.memory_space<hbm>>, %arg4: memref<131072x128xf32, #tpu.memory_space<hbm>>, %arg5: memref<8x128xi32, #tpu.memory_space<vmem>>, %arg6: memref<256x128xf32, #tpu.memory_space<vmem>>, %arg7: memref<256x128xf32, #tpu.memory_space<vmem>>, %arg8: memref<!tpu.dma_semaphore, #tpu.memory_space<semaphore_mem>>, %arg9: memref<!tpu.dma_semaphore, #tpu.memory_space<semaphore_mem>>, %arg10: memref<!tpu.dma_semaphore, #tpu.memory_space<semaphore_mem>>, %arg11: memref<!tpu.dma_semaphore, #tpu.memory_space<semaphore_mem>>) attributes {dimension_semantics = [#tpu.dimension_semantics<core_parallel>, #tpu.dimension_semantics<subcore_parallel>], iteration_bounds = array<i64: 2, 16>, scalar_prefetch = 0 : i64, scratch_operands = 7 : i64, tpu.core_type = #tpu.core_type<sc_vector_subcore>, window_params = [{transform_indices = #map}, {transform_indices = #map}, {transform_indices = #map}]} {
    %mul3A = arith.constant 2 : i32
    %mul3A_0 = arith.muli %arg1, %mul3A : i32
    %add3A = arith.addi %mul3A_0, %arg0 : i32
    %mul3A_1 = arith.constant 32 : i32
    %mul3A_2 = arith.muli %add3A, %mul3A_1 : i32
    %scan3A = arith.constant 0 : i32
    %scan3A_3 = arith.constant 0 : i32
    %scan3A_4 = arith.constant 4 : i32
    %scan3A_5 = arith.addi %scan3A_3, %scan3A_4 : i32
    %scan3A_6 = arith.constant 1 : i32
    scf.for %scan3A_19 = %scan3A_3 to %scan3A_5 step %scan3A_6  : i32 {
      %mul3A_20 = arith.constant 8 : i32
      %mul3A_21 = arith.muli %scan3A_19, %mul3A_20 : i32
      %add3A_22 = arith.addi %mul3A_2, %mul3A_21 : i32
      %mul3A_23 = arith.constant 128 : i32
      %mul3A_24 = arith.muli %add3A_22, %mul3A_23 : i32
      "tpu.region"() ({
        %run_scoped3A = tpu.sem_alloc : memref<!tpu.dma_semaphore, #tpu.memory_space<semaphore_mem>>
        %dma_start3A_227 = arith.constant 0 : i32
        %dma_start3A_228 = tpu.memref_slice %arg2[%add3A_22, %dma_start3A_227] : memref<1024x128xi32, #tpu.memory_space<hbm>> -> memref<8x128xi32, #tpu.memory_space<hbm>>
        %dma_start3A_229 = arith.constant 0 : i32
        %dma_start3A_230 = tpu.memref_slice %arg2[%add3A_22, %dma_start3A_229] : memref<1024x128xi32, #tpu.memory_space<hbm>> -> memref<8x128xi32, #tpu.memory_space<hbm>>
        tpu.enqueue_dma source(%dma_start3A_230 : memref<8x128xi32, #tpu.memory_space<hbm>>) target(%arg5 : memref<8x128xi32, #tpu.memory_space<vmem>>) target_semaphore(%run_scoped3A : memref<!tpu.dma_semaphore, #tpu.memory_space<semaphore_mem>>)
        %dma_wait3A_231 = arith.constant 0 : i32
        %dma_wait3A_232 = tpu.memref_slice %arg2[%add3A_22, %dma_wait3A_231] : memref<1024x128xi32, #tpu.memory_space<hbm>> -> memref<8x128xi32, #tpu.memory_space<hbm>>
        %dma_wait3A_233 = arith.constant 0 : i32
        %dma_wait3A_234 = tpu.memref_slice %arg2[%add3A_22, %dma_wait3A_233] : memref<1024x128xi32, #tpu.memory_space<hbm>> -> memref<8x128xi32, #tpu.memory_space<hbm>>
        tpu.wait_dma2 semaphore(%run_scoped3A : memref<!tpu.dma_semaphore, #tpu.memory_space<semaphore_mem>>) src(%dma_wait3A_234 : memref<8x128xi32, #tpu.memory_space<hbm>>) dst(%arg5 : memref<8x128xi32, #tpu.memory_space<vmem>>)
        tpu.yield
      }) : () -> ()
      %gt3A = arith.constant 0 : i32
      %gt3A_25 = arith.cmpi sgt, %scan3A_19, %gt3A : i32
      %convert_element_type3A = arith.extui %gt3A_25 : i1 to i32
      %cond3A = arith.constant 0 : i32
      %cond3A_26 = arith.cmpi ne, %convert_element_type3A, %cond3A : i32
      scf.if %cond3A_26 {
        %dma_wait3A_227 = arith.constant 0 : i32
        %dma_wait3A_228 = arith.constant 0 : i32
        %dma_wait3A_229 = tpu.memref_slice %arg4[%dma_wait3A_227, %dma_wait3A_228] : memref<131072x128xf32, #tpu.memory_space<hbm>> -> memref<256x128xf32, #tpu.memory_space<hbm>>
        %dma_wait3A_230 = arith.constant 0 : i32
        %dma_wait3A_231 = arith.constant 0 : i32
        %dma_wait3A_232 = tpu.memref_slice %arg4[%dma_wait3A_230, %dma_wait3A_231] : memref<131072x128xf32, #tpu.memory_space<hbm>> -> memref<256x128xf32, #tpu.memory_space<hbm>>
        tpu.wait_dma2 semaphore(%arg10 : memref<!tpu.dma_semaphore, #tpu.memory_space<semaphore_mem>>) src(%dma_wait3A_232 : memref<256x128xf32, #tpu.memory_space<hbm>>) dst(%arg6 : memref<256x128xf32, #tpu.memory_space<vmem>>)
      } else {
      }
      %dma_start3A = arith.constant 0 : i32
      %dma_start3A_27 = arith.constant 0 : i32
      %dma_start3A_28 = arith.constant 0 : i32
      %dma_start3A_29 = tpu.memref_slice %arg6[%dma_start3A_27, %dma_start3A_28] : memref<256x128xf32, #tpu.memory_space<vmem>> -> memref<128x128xf32, #tpu.memory_space<vmem>>
      %dma_start3A_30 = arith.constant 0 : i32
      %dma_start3A_31 = tpu.memref_slice %arg5[%dma_start3A, %dma_start3A_30] : memref<8x128xi32, #tpu.memory_space<vmem>> -> memref<1x128xi32, #tpu.memory_space<vmem>>
      %dma_start3A_32 = tpu.memref_squeeze %dma_start3A_31 : memref<1x128xi32, #tpu.memory_space<vmem>> -> memref<128xi32, #tpu.memory_space<vmem>>
      %dma_start3A_33 = arith.constant 0 : i32
      %dma_start3A_34 = arith.constant 0 : i32
      %dma_start3A_35 = tpu.memref_slice %arg3[%dma_start3A_33, %dma_start3A_34] : memref<100000x128xf32, #tpu.memory_space<hbm>> -> memref<100000x128xf32, #tpu.memory_space<hbm>>
      tpu.enqueue_indirect_dma source(%dma_start3A_35 : memref<100000x128xf32, #tpu.memory_space<hbm>>) target(%dma_start3A_29 : memref<128x128xf32, #tpu.memory_space<vmem>>) offsets(%dma_start3A_32 : memref<128xi32, #tpu.memory_space<vmem>>) semaphore(%arg8 : memref<!tpu.dma_semaphore, #tpu.memory_space<semaphore_mem>>)
      %dma_start3A_36 = arith.constant 1 : i32
      %dma_start3A_37 = arith.constant 128 : i32
      %dma_start3A_38 = arith.constant 0 : i32
      %dma_start3A_39 = tpu.memref_slice %arg6[%dma_start3A_37, %dma_start3A_38] : memref<256x128xf32, #tpu.memory_space<vmem>> -> memref<128x128xf32, #tpu.memory_space<vmem>>
      %dma_start3A_40 = arith.constant 0 : i32
      %dma_start3A_41 = tpu.memref_slice %arg5[%dma_start3A_36, %dma_start3A_40] : memref<8x128xi32, #tpu.memory_space<vmem>> -> memref<1x128xi32, #tpu.memory_space<vmem>>
      %dma_start3A_42 = tpu.memref_squeeze %dma_start3A_41 : memref<1x128xi32, #tpu.memory_space<vmem>> -> memref<128xi32, #tpu.memory_space<vmem>>
      %dma_start3A_43 = arith.constant 0 : i32
      %dma_start3A_44 = arith.constant 0 : i32
      %dma_start3A_45 = tpu.memref_slice %arg3[%dma_start3A_43, %dma_start3A_44] : memref<100000x128xf32, #tpu.memory_space<hbm>> -> memref<100000x128xf32, #tpu.memory_space<hbm>>
      tpu.enqueue_indirect_dma source(%dma_start3A_45 : memref<100000x128xf32, #tpu.memory_space<hbm>>) target(%dma_start3A_39 : memref<128x128xf32, #tpu.memory_space<vmem>>) offsets(%dma_start3A_42 : memref<128xi32, #tpu.memory_space<vmem>>) semaphore(%arg8 : memref<!tpu.dma_semaphore, #tpu.memory_space<semaphore_mem>>)
      %gt3A_46 = arith.constant 0 : i32
      %gt3A_47 = arith.cmpi sgt, %scan3A_19, %gt3A_46 : i32
      %convert_element_type3A_48 = arith.extui %gt3A_47 : i1 to i32
      %cond3A_49 = arith.constant 0 : i32
      %cond3A_50 = arith.cmpi ne, %convert_element_type3A_48, %cond3A_49 : i32
      scf.if %cond3A_50 {
        %dma_wait3A_227 = arith.constant 0 : i32
        %dma_wait3A_228 = arith.constant 0 : i32
        %dma_wait3A_229 = tpu.memref_slice %arg4[%dma_wait3A_227, %dma_wait3A_228] : memref<131072x128xf32, #tpu.memory_space<hbm>> -> memref<256x128xf32, #tpu.memory_space<hbm>>
        %dma_wait3A_230 = arith.constant 0 : i32
        %dma_wait3A_231 = arith.constant 0 : i32
        %dma_wait3A_232 = tpu.memref_slice %arg4[%dma_wait3A_230, %dma_wait3A_231] : memref<131072x128xf32, #tpu.memory_space<hbm>> -> memref<256x128xf32, #tpu.memory_space<hbm>>
        tpu.wait_dma2 semaphore(%arg11 : memref<!tpu.dma_semaphore, #tpu.memory_space<semaphore_mem>>) src(%dma_wait3A_232 : memref<256x128xf32, #tpu.memory_space<hbm>>) dst(%arg7 : memref<256x128xf32, #tpu.memory_space<vmem>>)
      } else {
      }
      %dma_start3A_51 = arith.constant 2 : i32
      %dma_start3A_52 = arith.constant 0 : i32
      %dma_start3A_53 = arith.constant 0 : i32
      %dma_start3A_54 = tpu.memref_slice %arg7[%dma_start3A_52, %dma_start3A_53] : memref<256x128xf32, #tpu.memory_space<vmem>> -> memref<128x128xf32, #tpu.memory_space<vmem>>
      %dma_start3A_55 = arith.constant 0 : i32
      %dma_start3A_56 = tpu.memref_slice %arg5[%dma_start3A_51, %dma_start3A_55] : memref<8x128xi32, #tpu.memory_space<vmem>> -> memref<1x128xi32, #tpu.memory_space<vmem>>
      %dma_start3A_57 = tpu.memref_squeeze %dma_start3A_56 : memref<1x128xi32, #tpu.memory_space<vmem>> -> memref<128xi32, #tpu.memory_space<vmem>>
      %dma_start3A_58 = arith.constant 0 : i32
      %dma_start3A_59 = arith.constant 0 : i32
      %dma_start3A_60 = tpu.memref_slice %arg3[%dma_start3A_58, %dma_start3A_59] : memref<100000x128xf32, #tpu.memory_space<hbm>> -> memref<100000x128xf32, #tpu.memory_space<hbm>>
      tpu.enqueue_indirect_dma source(%dma_start3A_60 : memref<100000x128xf32, #tpu.memory_space<hbm>>) target(%dma_start3A_54 : memref<128x128xf32, #tpu.memory_space<vmem>>) offsets(%dma_start3A_57 : memref<128xi32, #tpu.memory_space<vmem>>) semaphore(%arg9 : memref<!tpu.dma_semaphore, #tpu.memory_space<semaphore_mem>>)
      %dma_start3A_61 = arith.constant 3 : i32
      %dma_start3A_62 = arith.constant 128 : i32
      %dma_start3A_63 = arith.constant 0 : i32
      %dma_start3A_64 = tpu.memref_slice %arg7[%dma_start3A_62, %dma_start3A_63] : memref<256x128xf32, #tpu.memory_space<vmem>> -> memref<128x128xf32, #tpu.memory_space<vmem>>
      %dma_start3A_65 = arith.constant 0 : i32
      %dma_start3A_66 = tpu.memref_slice %arg5[%dma_start3A_61, %dma_start3A_65] : memref<8x128xi32, #tpu.memory_space<vmem>> -> memref<1x128xi32, #tpu.memory_space<vmem>>
      %dma_start3A_67 = tpu.memref_squeeze %dma_start3A_66 : memref<1x128xi32, #tpu.memory_space<vmem>> -> memref<128xi32, #tpu.memory_space<vmem>>
      %dma_start3A_68 = arith.constant 0 : i32
      %dma_start3A_69 = arith.constant 0 : i32
      %dma_start3A_70 = tpu.memref_slice %arg3[%dma_start3A_68, %dma_start3A_69] : memref<100000x128xf32, #tpu.memory_space<hbm>> -> memref<100000x128xf32, #tpu.memory_space<hbm>>
      tpu.enqueue_indirect_dma source(%dma_start3A_70 : memref<100000x128xf32, #tpu.memory_space<hbm>>) target(%dma_start3A_64 : memref<128x128xf32, #tpu.memory_space<vmem>>) offsets(%dma_start3A_67 : memref<128xi32, #tpu.memory_space<vmem>>) semaphore(%arg9 : memref<!tpu.dma_semaphore, #tpu.memory_space<semaphore_mem>>)
      %dma_wait3A_71 = arith.constant 0 : i32
      %dma_wait3A_72 = arith.constant 0 : i32
      %dma_wait3A_73 = arith.constant 0 : i32
      %dma_wait3A_74 = tpu.memref_slice %arg6[%dma_wait3A_72, %dma_wait3A_73] : memref<256x128xf32, #tpu.memory_space<vmem>> -> memref<128x128xf32, #tpu.memory_space<vmem>>
      %dma_wait3A_75 = arith.constant 0 : i32
      %dma_wait3A_76 = tpu.memref_slice %arg5[%dma_wait3A_71, %dma_wait3A_75] : memref<8x128xi32, #tpu.memory_space<vmem>> -> memref<1x128xi32, #tpu.memory_space<vmem>>
      %dma_wait3A_77 = tpu.memref_squeeze %dma_wait3A_76 : memref<1x128xi32, #tpu.memory_space<vmem>> -> memref<128xi32, #tpu.memory_space<vmem>>
      %dma_wait3A_78 = arith.constant 0 : i32
      %dma_wait3A_79 = arith.constant 0 : i32
      %dma_wait3A_80 = tpu.memref_slice %arg3[%dma_wait3A_78, %dma_wait3A_79] : memref<100000x128xf32, #tpu.memory_space<hbm>> -> memref<100000x128xf32, #tpu.memory_space<hbm>>
      tpu.wait_indirect_dma semaphore(%arg8 : memref<!tpu.dma_semaphore, #tpu.memory_space<semaphore_mem>>) src(%dma_wait3A_80 : memref<100000x128xf32, #tpu.memory_space<hbm>>) dst(%dma_wait3A_74 : memref<128x128xf32, #tpu.memory_space<vmem>>)
      %dma_wait3A_81 = arith.constant 1 : i32
      %dma_wait3A_82 = arith.constant 128 : i32
      %dma_wait3A_83 = arith.constant 0 : i32
      %dma_wait3A_84 = tpu.memref_slice %arg6[%dma_wait3A_82, %dma_wait3A_83] : memref<256x128xf32, #tpu.memory_space<vmem>> -> memref<128x128xf32, #tpu.memory_space<vmem>>
      %dma_wait3A_85 = arith.constant 0 : i32
      %dma_wait3A_86 = tpu.memref_slice %arg5[%dma_wait3A_81, %dma_wait3A_85] : memref<8x128xi32, #tpu.memory_space<vmem>> -> memref<1x128xi32, #tpu.memory_space<vmem>>
      %dma_wait3A_87 = tpu.memref_squeeze %dma_wait3A_86 : memref<1x128xi32, #tpu.memory_space<vmem>> -> memref<128xi32, #tpu.memory_space<vmem>>
      %dma_wait3A_88 = arith.constant 0 : i32
      %dma_wait3A_89 = arith.constant 0 : i32
      %dma_wait3A_90 = tpu.memref_slice %arg3[%dma_wait3A_88, %dma_wait3A_89] : memref<100000x128xf32, #tpu.memory_space<hbm>> -> memref<100000x128xf32, #tpu.memory_space<hbm>>
      tpu.wait_indirect_dma semaphore(%arg8 : memref<!tpu.dma_semaphore, #tpu.memory_space<semaphore_mem>>) src(%dma_wait3A_90 : memref<100000x128xf32, #tpu.memory_space<hbm>>) dst(%dma_wait3A_84 : memref<128x128xf32, #tpu.memory_space<vmem>>)
      %add3A_91 = arith.constant 0 : i32
      %add3A_92 = arith.addi %mul3A_24, %add3A_91 : i32
      %dma_start3A_93 = arith.constant 0 : i32
      %dma_start3A_94 = tpu.memref_slice %arg4[%add3A_92, %dma_start3A_93] : memref<131072x128xf32, #tpu.memory_space<hbm>> -> memref<256x128xf32, #tpu.memory_space<hbm>>
      %dma_start3A_95 = arith.constant 0 : i32
      %dma_start3A_96 = tpu.memref_slice %arg4[%add3A_92, %dma_start3A_95] : memref<131072x128xf32, #tpu.memory_space<hbm>> -> memref<256x128xf32, #tpu.memory_space<hbm>>
      tpu.enqueue_dma source(%arg6 : memref<256x128xf32, #tpu.memory_space<vmem>>) target(%dma_start3A_96 : memref<256x128xf32, #tpu.memory_space<hbm>>) target_semaphore(%arg10 : memref<!tpu.dma_semaphore, #tpu.memory_space<semaphore_mem>>)
      %dma_wait3A_97 = arith.constant 0 : i32
      %dma_wait3A_98 = arith.constant 0 : i32
      %dma_wait3A_99 = tpu.memref_slice %arg4[%dma_wait3A_97, %dma_wait3A_98] : memref<131072x128xf32, #tpu.memory_space<hbm>> -> memref<256x128xf32, #tpu.memory_space<hbm>>
      %dma_wait3A_100 = arith.constant 0 : i32
      %dma_wait3A_101 = arith.constant 0 : i32
      %dma_wait3A_102 = tpu.memref_slice %arg4[%dma_wait3A_100, %dma_wait3A_101] : memref<131072x128xf32, #tpu.memory_space<hbm>> -> memref<256x128xf32, #tpu.memory_space<hbm>>
      tpu.wait_dma2 semaphore(%arg10 : memref<!tpu.dma_semaphore, #tpu.memory_space<semaphore_mem>>) src(%dma_wait3A_102 : memref<256x128xf32, #tpu.memory_space<hbm>>) dst(%arg6 : memref<256x128xf32, #tpu.memory_space<vmem>>)
      %dma_start3A_103 = arith.constant 4 : i32
      %dma_start3A_104 = arith.constant 0 : i32
      %dma_start3A_105 = arith.constant 0 : i32
      %dma_start3A_106 = tpu.memref_slice %arg6[%dma_start3A_104, %dma_start3A_105] : memref<256x128xf32, #tpu.memory_space<vmem>> -> memref<128x128xf32, #tpu.memory_space<vmem>>
      %dma_start3A_107 = arith.constant 0 : i32
      %dma_start3A_108 = tpu.memref_slice %arg5[%dma_start3A_103, %dma_start3A_107] : memref<8x128xi32, #tpu.memory_space<vmem>> -> memref<1x128xi32, #tpu.memory_space<vmem>>
      %dma_start3A_109 = tpu.memref_squeeze %dma_start3A_108 : memref<1x128xi32, #tpu.memory_space<vmem>> -> memref<128xi32, #tpu.memory_space<vmem>>
      %dma_start3A_110 = arith.constant 0 : i32
      %dma_start3A_111 = arith.constant 0 : i32
      %dma_start3A_112 = tpu.memref_slice %arg3[%dma_start3A_110, %dma_start3A_111] : memref<100000x128xf32, #tpu.memory_space<hbm>> -> memref<100000x128xf32, #tpu.memory_space<hbm>>
      tpu.enqueue_indirect_dma source(%dma_start3A_112 : memref<100000x128xf32, #tpu.memory_space<hbm>>) target(%dma_start3A_106 : memref<128x128xf32, #tpu.memory_space<vmem>>) offsets(%dma_start3A_109 : memref<128xi32, #tpu.memory_space<vmem>>) semaphore(%arg8 : memref<!tpu.dma_semaphore, #tpu.memory_space<semaphore_mem>>)
      %dma_start3A_113 = arith.constant 5 : i32
      %dma_start3A_114 = arith.constant 128 : i32
      %dma_start3A_115 = arith.constant 0 : i32
      %dma_start3A_116 = tpu.memref_slice %arg6[%dma_start3A_114, %dma_start3A_115] : memref<256x128xf32, #tpu.memory_space<vmem>> -> memref<128x128xf32, #tpu.memory_space<vmem>>
      %dma_start3A_117 = arith.constant 0 : i32
      %dma_start3A_118 = tpu.memref_slice %arg5[%dma_start3A_113, %dma_start3A_117] : memref<8x128xi32, #tpu.memory_space<vmem>> -> memref<1x128xi32, #tpu.memory_space<vmem>>
      %dma_start3A_119 = tpu.memref_squeeze %dma_start3A_118 : memref<1x128xi32, #tpu.memory_space<vmem>> -> memref<128xi32, #tpu.memory_space<vmem>>
      %dma_start3A_120 = arith.constant 0 : i32
      %dma_start3A_121 = arith.constant 0 : i32
      %dma_start3A_122 = tpu.memref_slice %arg3[%dma_start3A_120, %dma_start3A_121] : memref<100000x128xf32, #tpu.memory_space<hbm>> -> memref<100000x128xf32, #tpu.memory_space<hbm>>
      tpu.enqueue_indirect_dma source(%dma_start3A_122 : memref<100000x128xf32, #tpu.memory_space<hbm>>) target(%dma_start3A_116 : memref<128x128xf32, #tpu.memory_space<vmem>>) offsets(%dma_start3A_119 : memref<128xi32, #tpu.memory_space<vmem>>) semaphore(%arg8 : memref<!tpu.dma_semaphore, #tpu.memory_space<semaphore_mem>>)
      %dma_wait3A_123 = arith.constant 2 : i32
      %dma_wait3A_124 = arith.constant 0 : i32
      %dma_wait3A_125 = arith.constant 0 : i32
      %dma_wait3A_126 = tpu.memref_slice %arg7[%dma_wait3A_124, %dma_wait3A_125] : memref<256x128xf32, #tpu.memory_space<vmem>> -> memref<128x128xf32, #tpu.memory_space<vmem>>
      %dma_wait3A_127 = arith.constant 0 : i32
      %dma_wait3A_128 = tpu.memref_slice %arg5[%dma_wait3A_123, %dma_wait3A_127] : memref<8x128xi32, #tpu.memory_space<vmem>> -> memref<1x128xi32, #tpu.memory_space<vmem>>
      %dma_wait3A_129 = tpu.memref_squeeze %dma_wait3A_128 : memref<1x128xi32, #tpu.memory_space<vmem>> -> memref<128xi32, #tpu.memory_space<vmem>>
      %dma_wait3A_130 = arith.constant 0 : i32
      %dma_wait3A_131 = arith.constant 0 : i32
      %dma_wait3A_132 = tpu.memref_slice %arg3[%dma_wait3A_130, %dma_wait3A_131] : memref<100000x128xf32, #tpu.memory_space<hbm>> -> memref<100000x128xf32, #tpu.memory_space<hbm>>
      tpu.wait_indirect_dma semaphore(%arg9 : memref<!tpu.dma_semaphore, #tpu.memory_space<semaphore_mem>>) src(%dma_wait3A_132 : memref<100000x128xf32, #tpu.memory_space<hbm>>) dst(%dma_wait3A_126 : memref<128x128xf32, #tpu.memory_space<vmem>>)
      %dma_wait3A_133 = arith.constant 3 : i32
      %dma_wait3A_134 = arith.constant 128 : i32
      %dma_wait3A_135 = arith.constant 0 : i32
      %dma_wait3A_136 = tpu.memref_slice %arg7[%dma_wait3A_134, %dma_wait3A_135] : memref<256x128xf32, #tpu.memory_space<vmem>> -> memref<128x128xf32, #tpu.memory_space<vmem>>
      %dma_wait3A_137 = arith.constant 0 : i32
      %dma_wait3A_138 = tpu.memref_slice %arg5[%dma_wait3A_133, %dma_wait3A_137] : memref<8x128xi32, #tpu.memory_space<vmem>> -> memref<1x128xi32, #tpu.memory_space<vmem>>
      %dma_wait3A_139 = tpu.memref_squeeze %dma_wait3A_138 : memref<1x128xi32, #tpu.memory_space<vmem>> -> memref<128xi32, #tpu.memory_space<vmem>>
      %dma_wait3A_140 = arith.constant 0 : i32
      %dma_wait3A_141 = arith.constant 0 : i32
      %dma_wait3A_142 = tpu.memref_slice %arg3[%dma_wait3A_140, %dma_wait3A_141] : memref<100000x128xf32, #tpu.memory_space<hbm>> -> memref<100000x128xf32, #tpu.memory_space<hbm>>
      tpu.wait_indirect_dma semaphore(%arg9 : memref<!tpu.dma_semaphore, #tpu.memory_space<semaphore_mem>>) src(%dma_wait3A_142 : memref<100000x128xf32, #tpu.memory_space<hbm>>) dst(%dma_wait3A_136 : memref<128x128xf32, #tpu.memory_space<vmem>>)
      %add3A_143 = arith.constant 256 : i32
      %add3A_144 = arith.addi %mul3A_24, %add3A_143 : i32
      %dma_start3A_145 = arith.constant 0 : i32
      %dma_start3A_146 = tpu.memref_slice %arg4[%add3A_144, %dma_start3A_145] : memref<131072x128xf32, #tpu.memory_space<hbm>> -> memref<256x128xf32, #tpu.memory_space<hbm>>
      %dma_start3A_147 = arith.constant 0 : i32
      %dma_start3A_148 = tpu.memref_slice %arg4[%add3A_144, %dma_start3A_147] : memref<131072x128xf32, #tpu.memory_space<hbm>> -> memref<256x128xf32, #tpu.memory_space<hbm>>
      tpu.enqueue_dma source(%arg7 : memref<256x128xf32, #tpu.memory_space<vmem>>) target(%dma_start3A_148 : memref<256x128xf32, #tpu.memory_space<hbm>>) target_semaphore(%arg11 : memref<!tpu.dma_semaphore, #tpu.memory_space<semaphore_mem>>)
      %dma_wait3A_149 = arith.constant 0 : i32
      %dma_wait3A_150 = arith.constant 0 : i32
      %dma_wait3A_151 = tpu.memref_slice %arg4[%dma_wait3A_149, %dma_wait3A_150] : memref<131072x128xf32, #tpu.memory_space<hbm>> -> memref<256x128xf32, #tpu.memory_space<hbm>>
      %dma_wait3A_152 = arith.constant 0 : i32
      %dma_wait3A_153 = arith.constant 0 : i32
      %dma_wait3A_154 = tpu.memref_slice %arg4[%dma_wait3A_152, %dma_wait3A_153] : memref<131072x128xf32, #tpu.memory_space<hbm>> -> memref<256x128xf32, #tpu.memory_space<hbm>>
      tpu.wait_dma2 semaphore(%arg11 : memref<!tpu.dma_semaphore, #tpu.memory_space<semaphore_mem>>) src(%dma_wait3A_154 : memref<256x128xf32, #tpu.memory_space<hbm>>) dst(%arg7 : memref<256x128xf32, #tpu.memory_space<vmem>>)
      %dma_start3A_155 = arith.constant 6 : i32
      %dma_start3A_156 = arith.constant 0 : i32
      %dma_start3A_157 = arith.constant 0 : i32
      %dma_start3A_158 = tpu.memref_slice %arg7[%dma_start3A_156, %dma_start3A_157] : memref<256x128xf32, #tpu.memory_space<vmem>> -> memref<128x128xf32, #tpu.memory_space<vmem>>
      %dma_start3A_159 = arith.constant 0 : i32
      %dma_start3A_160 = tpu.memref_slice %arg5[%dma_start3A_155, %dma_start3A_159] : memref<8x128xi32, #tpu.memory_space<vmem>> -> memref<1x128xi32, #tpu.memory_space<vmem>>
      %dma_start3A_161 = tpu.memref_squeeze %dma_start3A_160 : memref<1x128xi32, #tpu.memory_space<vmem>> -> memref<128xi32, #tpu.memory_space<vmem>>
      %dma_start3A_162 = arith.constant 0 : i32
      %dma_start3A_163 = arith.constant 0 : i32
      %dma_start3A_164 = tpu.memref_slice %arg3[%dma_start3A_162, %dma_start3A_163] : memref<100000x128xf32, #tpu.memory_space<hbm>> -> memref<100000x128xf32, #tpu.memory_space<hbm>>
      tpu.enqueue_indirect_dma source(%dma_start3A_164 : memref<100000x128xf32, #tpu.memory_space<hbm>>) target(%dma_start3A_158 : memref<128x128xf32, #tpu.memory_space<vmem>>) offsets(%dma_start3A_161 : memref<128xi32, #tpu.memory_space<vmem>>) semaphore(%arg9 : memref<!tpu.dma_semaphore, #tpu.memory_space<semaphore_mem>>)
      %dma_start3A_165 = arith.constant 7 : i32
      %dma_start3A_166 = arith.constant 128 : i32
      %dma_start3A_167 = arith.constant 0 : i32
      %dma_start3A_168 = tpu.memref_slice %arg7[%dma_start3A_166, %dma_start3A_167] : memref<256x128xf32, #tpu.memory_space<vmem>> -> memref<128x128xf32, #tpu.memory_space<vmem>>
      %dma_start3A_169 = arith.constant 0 : i32
      %dma_start3A_170 = tpu.memref_slice %arg5[%dma_start3A_165, %dma_start3A_169] : memref<8x128xi32, #tpu.memory_space<vmem>> -> memref<1x128xi32, #tpu.memory_space<vmem>>
      %dma_start3A_171 = tpu.memref_squeeze %dma_start3A_170 : memref<1x128xi32, #tpu.memory_space<vmem>> -> memref<128xi32, #tpu.memory_space<vmem>>
      %dma_start3A_172 = arith.constant 0 : i32
      %dma_start3A_173 = arith.constant 0 : i32
      %dma_start3A_174 = tpu.memref_slice %arg3[%dma_start3A_172, %dma_start3A_173] : memref<100000x128xf32, #tpu.memory_space<hbm>> -> memref<100000x128xf32, #tpu.memory_space<hbm>>
      tpu.enqueue_indirect_dma source(%dma_start3A_174 : memref<100000x128xf32, #tpu.memory_space<hbm>>) target(%dma_start3A_168 : memref<128x128xf32, #tpu.memory_space<vmem>>) offsets(%dma_start3A_171 : memref<128xi32, #tpu.memory_space<vmem>>) semaphore(%arg9 : memref<!tpu.dma_semaphore, #tpu.memory_space<semaphore_mem>>)
      %dma_wait3A_175 = arith.constant 4 : i32
      %dma_wait3A_176 = arith.constant 0 : i32
      %dma_wait3A_177 = arith.constant 0 : i32
      %dma_wait3A_178 = tpu.memref_slice %arg6[%dma_wait3A_176, %dma_wait3A_177] : memref<256x128xf32, #tpu.memory_space<vmem>> -> memref<128x128xf32, #tpu.memory_space<vmem>>
      %dma_wait3A_179 = arith.constant 0 : i32
      %dma_wait3A_180 = tpu.memref_slice %arg5[%dma_wait3A_175, %dma_wait3A_179] : memref<8x128xi32, #tpu.memory_space<vmem>> -> memref<1x128xi32, #tpu.memory_space<vmem>>
      %dma_wait3A_181 = tpu.memref_squeeze %dma_wait3A_180 : memref<1x128xi32, #tpu.memory_space<vmem>> -> memref<128xi32, #tpu.memory_space<vmem>>
      %dma_wait3A_182 = arith.constant 0 : i32
      %dma_wait3A_183 = arith.constant 0 : i32
      %dma_wait3A_184 = tpu.memref_slice %arg3[%dma_wait3A_182, %dma_wait3A_183] : memref<100000x128xf32, #tpu.memory_space<hbm>> -> memref<100000x128xf32, #tpu.memory_space<hbm>>
      tpu.wait_indirect_dma semaphore(%arg8 : memref<!tpu.dma_semaphore, #tpu.memory_space<semaphore_mem>>) src(%dma_wait3A_184 : memref<100000x128xf32, #tpu.memory_space<hbm>>) dst(%dma_wait3A_178 : memref<128x128xf32, #tpu.memory_space<vmem>>)
      %dma_wait3A_185 = arith.constant 5 : i32
      %dma_wait3A_186 = arith.constant 128 : i32
      %dma_wait3A_187 = arith.constant 0 : i32
      %dma_wait3A_188 = tpu.memref_slice %arg6[%dma_wait3A_186, %dma_wait3A_187] : memref<256x128xf32, #tpu.memory_space<vmem>> -> memref<128x128xf32, #tpu.memory_space<vmem>>
      %dma_wait3A_189 = arith.constant 0 : i32
      %dma_wait3A_190 = tpu.memref_slice %arg5[%dma_wait3A_185, %dma_wait3A_189] : memref<8x128xi32, #tpu.memory_space<vmem>> -> memref<1x128xi32, #tpu.memory_space<vmem>>
      %dma_wait3A_191 = tpu.memref_squeeze %dma_wait3A_190 : memref<1x128xi32, #tpu.memory_space<vmem>> -> memref<128xi32, #tpu.memory_space<vmem>>
      %dma_wait3A_192 = arith.constant 0 : i32
      %dma_wait3A_193 = arith.constant 0 : i32
      %dma_wait3A_194 = tpu.memref_slice %arg3[%dma_wait3A_192, %dma_wait3A_193] : memref<100000x128xf32, #tpu.memory_space<hbm>> -> memref<100000x128xf32, #tpu.memory_space<hbm>>
      tpu.wait_indirect_dma semaphore(%arg8 : memref<!tpu.dma_semaphore, #tpu.memory_space<semaphore_mem>>) src(%dma_wait3A_194 : memref<100000x128xf32, #tpu.memory_space<hbm>>) dst(%dma_wait3A_188 : memref<128x128xf32, #tpu.memory_space<vmem>>)
      %add3A_195 = arith.constant 512 : i32
      %add3A_196 = arith.addi %mul3A_24, %add3A_195 : i32
      %dma_start3A_197 = arith.constant 0 : i32
      %dma_start3A_198 = tpu.memref_slice %arg4[%add3A_196, %dma_start3A_197] : memref<131072x128xf32, #tpu.memory_space<hbm>> -> memref<256x128xf32, #tpu.memory_space<hbm>>
      %dma_start3A_199 = arith.constant 0 : i32
      %dma_start3A_200 = tpu.memref_slice %arg4[%add3A_196, %dma_start3A_199] : memref<131072x128xf32, #tpu.memory_space<hbm>> -> memref<256x128xf32, #tpu.memory_space<hbm>>
      tpu.enqueue_dma source(%arg6 : memref<256x128xf32, #tpu.memory_space<vmem>>) target(%dma_start3A_200 : memref<256x128xf32, #tpu.memory_space<hbm>>) target_semaphore(%arg10 : memref<!tpu.dma_semaphore, #tpu.memory_space<semaphore_mem>>)
      %dma_wait3A_201 = arith.constant 6 : i32
      %dma_wait3A_202 = arith.constant 0 : i32
      %dma_wait3A_203 = arith.constant 0 : i32
      %dma_wait3A_204 = tpu.memref_slice %arg7[%dma_wait3A_202, %dma_wait3A_203] : memref<256x128xf32, #tpu.memory_space<vmem>> -> memref<128x128xf32, #tpu.memory_space<vmem>>
      %dma_wait3A_205 = arith.constant 0 : i32
      %dma_wait3A_206 = tpu.memref_slice %arg5[%dma_wait3A_201, %dma_wait3A_205] : memref<8x128xi32, #tpu.memory_space<vmem>> -> memref<1x128xi32, #tpu.memory_space<vmem>>
      %dma_wait3A_207 = tpu.memref_squeeze %dma_wait3A_206 : memref<1x128xi32, #tpu.memory_space<vmem>> -> memref<128xi32, #tpu.memory_space<vmem>>
      %dma_wait3A_208 = arith.constant 0 : i32
      %dma_wait3A_209 = arith.constant 0 : i32
      %dma_wait3A_210 = tpu.memref_slice %arg3[%dma_wait3A_208, %dma_wait3A_209] : memref<100000x128xf32, #tpu.memory_space<hbm>> -> memref<100000x128xf32, #tpu.memory_space<hbm>>
      tpu.wait_indirect_dma semaphore(%arg9 : memref<!tpu.dma_semaphore, #tpu.memory_space<semaphore_mem>>) src(%dma_wait3A_210 : memref<100000x128xf32, #tpu.memory_space<hbm>>) dst(%dma_wait3A_204 : memref<128x128xf32, #tpu.memory_space<vmem>>)
      %dma_wait3A_211 = arith.constant 7 : i32
      %dma_wait3A_212 = arith.constant 128 : i32
      %dma_wait3A_213 = arith.constant 0 : i32
      %dma_wait3A_214 = tpu.memref_slice %arg7[%dma_wait3A_212, %dma_wait3A_213] : memref<256x128xf32, #tpu.memory_space<vmem>> -> memref<128x128xf32, #tpu.memory_space<vmem>>
      %dma_wait3A_215 = arith.constant 0 : i32
      %dma_wait3A_216 = tpu.memref_slice %arg5[%dma_wait3A_211, %dma_wait3A_215] : memref<8x128xi32, #tpu.memory_space<vmem>> -> memref<1x128xi32, #tpu.memory_space<vmem>>
      %dma_wait3A_217 = tpu.memref_squeeze %dma_wait3A_216 : memref<1x128xi32, #tpu.memory_space<vmem>> -> memref<128xi32, #tpu.memory_space<vmem>>
      %dma_wait3A_218 = arith.constant 0 : i32
      %dma_wait3A_219 = arith.constant 0 : i32
      %dma_wait3A_220 = tpu.memref_slice %arg3[%dma_wait3A_218, %dma_wait3A_219] : memref<100000x128xf32, #tpu.memory_space<hbm>> -> memref<100000x128xf32, #tpu.memory_space<hbm>>
      tpu.wait_indirect_dma semaphore(%arg9 : memref<!tpu.dma_semaphore, #tpu.memory_space<semaphore_mem>>) src(%dma_wait3A_220 : memref<100000x128xf32, #tpu.memory_space<hbm>>) dst(%dma_wait3A_214 : memref<128x128xf32, #tpu.memory_space<vmem>>)
      %add3A_221 = arith.constant 768 : i32
      %add3A_222 = arith.addi %mul3A_24, %add3A_221 : i32
      %dma_start3A_223 = arith.constant 0 : i32
      %dma_start3A_224 = tpu.memref_slice %arg4[%add3A_222, %dma_start3A_223] : memref<131072x128xf32, #tpu.memory_space<hbm>> -> memref<256x128xf32, #tpu.memory_space<hbm>>
      %dma_start3A_225 = arith.constant 0 : i32
      %dma_start3A_226 = tpu.memref_slice %arg4[%add3A_222, %dma_start3A_225] : memref<131072x128xf32, #tpu.memory_space<hbm>> -> memref<256x128xf32, #tpu.memory_space<hbm>>
      tpu.enqueue_dma source(%arg7 : memref<256x128xf32, #tpu.memory_space<vmem>>) target(%dma_start3A_226 : memref<256x128xf32, #tpu.memory_space<hbm>>) target_semaphore(%arg11 : memref<!tpu.dma_semaphore, #tpu.memory_space<semaphore_mem>>)
    }
    %scan3A_7 = arith.constant 4 : i32
    %dma_wait3A = arith.constant 0 : i32
    %dma_wait3A_8 = arith.constant 0 : i32
    %dma_wait3A_9 = tpu.memref_slice %arg4[%dma_wait3A, %dma_wait3A_8] : memref<131072x128xf32, #tpu.memory_space<hbm>> -> memref<256x128xf32, #tpu.memory_space<hbm>>
    %dma_wait3A_10 = arith.constant 0 : i32
    %dma_wait3A_11 = arith.constant 0 : i32
    %dma_wait3A_12 = tpu.memref_slice %arg4[%dma_wait3A_10, %dma_wait3A_11] : memref<131072x128xf32, #tpu.memory_space<hbm>> -> memref<256x128xf32, #tpu.memory_space<hbm>>
    tpu.wait_dma2 semaphore(%arg10 : memref<!tpu.dma_semaphore, #tpu.memory_space<semaphore_mem>>) src(%dma_wait3A_12 : memref<256x128xf32, #tpu.memory_space<hbm>>) dst(%arg6 : memref<256x128xf32, #tpu.memory_space<vmem>>)
    %dma_wait3A_13 = arith.constant 0 : i32
    %dma_wait3A_14 = arith.constant 0 : i32
    %dma_wait3A_15 = tpu.memref_slice %arg4[%dma_wait3A_13, %dma_wait3A_14] : memref<131072x128xf32, #tpu.memory_space<hbm>> -> memref<256x128xf32, #tpu.memory_space<hbm>>
    %dma_wait3A_16 = arith.constant 0 : i32
    %dma_wait3A_17 = arith.constant 0 : i32
    %dma_wait3A_18 = tpu.memref_slice %arg4[%dma_wait3A_16, %dma_wait3A_17] : memref<131072x128xf32, #tpu.memory_space<hbm>> -> memref<256x128xf32, #tpu.memory_space<hbm>>
    tpu.wait_dma2 semaphore(%arg11 : memref<!tpu.dma_semaphore, #tpu.memory_space<semaphore_mem>>) src(%dma_wait3A_18 : memref<256x128xf32, #tpu.memory_space<hbm>>) dst(%arg7 : memref<256x128xf32, #tpu.memory_space<vmem>>)
    return
  }
}

#map = affine_map<(d0, d1) -> (0, 0)>
module attributes {stable_mosaic.version = 14 : i64} {
  func.func @sc_gather(%arg0: i32, %arg1: i32, %arg2: memref<1024x128xi32, #tpu.memory_space<hbm>>, %arg3: memref<100000x128xf32, #tpu.memory_space<hbm>>, %arg4: memref<131072x128xf32, #tpu.memory_space<hbm>>, %arg5: memref<8x128xi32, #tpu.memory_space<vmem>>, %arg6: memref<256x128xf32, #tpu.memory_space<vmem>>, %arg7: memref<256x128xf32, #tpu.memory_space<vmem>>, %arg8: memref<!tpu.dma_semaphore, #tpu.memory_space<semaphore_mem>>, %arg9: memref<!tpu.dma_semaphore, #tpu.memory_space<semaphore_mem>>, %arg10: memref<!tpu.dma_semaphore, #tpu.memory_space<semaphore_mem>>, %arg11: memref<!tpu.dma_semaphore, #tpu.memory_space<semaphore_mem>>) attributes {dimension_semantics = [#tpu.dimension_semantics<core_parallel>, #tpu.dimension_semantics<subcore_parallel>], iteration_bounds = array<i64: 2, 16>, scalar_prefetch = 0 : i64, scratch_operands = 7 : i64, tpu.core_type = #tpu.core_type<sc_vector_subcore>, window_params = [{transform_indices = #map}, {transform_indices = #map}, {transform_indices = #map}]} {
    %mul3A = arith.constant 2 : i32
    %mul3A_0 = arith.muli %arg1, %mul3A : i32
    %add3A = arith.addi %mul3A_0, %arg0 : i32
    %mul3A_1 = arith.constant 32 : i32
    %mul3A_2 = arith.muli %add3A, %mul3A_1 : i32
    %scan3A = arith.constant 0 : i32
    %scan3A_3 = arith.constant 0 : i32
    %scan3A_4 = arith.constant 4 : i32
    %scan3A_5 = arith.addi %scan3A_3, %scan3A_4 : i32
    %scan3A_6 = arith.constant 1 : i32
    scf.for %scan3A_19 = %scan3A_3 to %scan3A_5 step %scan3A_6  : i32 {
      %mul3A_20 = arith.constant 8 : i32
      %mul3A_21 = arith.muli %scan3A_19, %mul3A_20 : i32
      %add3A_22 = arith.addi %mul3A_2, %mul3A_21 : i32
      %mul3A_23 = arith.constant 128 : i32
      %mul3A_24 = arith.muli %add3A_22, %mul3A_23 : i32
      "tpu.region"() ({
        %run_scoped3A = tpu.sem_alloc : memref<!tpu.dma_semaphore, #tpu.memory_space<semaphore_mem>>
        %dma_start3A_227 = arith.constant 0 : i32
        %dma_start3A_228 = tpu.memref_slice %arg2[%add3A_22, %dma_start3A_227] : memref<1024x128xi32, #tpu.memory_space<hbm>> -> memref<8x128xi32, #tpu.memory_space<hbm>>
        %dma_start3A_229 = arith.constant 0 : i32
        %dma_start3A_230 = tpu.memref_slice %arg2[%add3A_22, %dma_start3A_229] : memref<1024x128xi32, #tpu.memory_space<hbm>> -> memref<8x128xi32, #tpu.memory_space<hbm>>
        tpu.enqueue_dma source(%dma_start3A_230 : memref<8x128xi32, #tpu.memory_space<hbm>>) target(%arg5 : memref<8x128xi32, #tpu.memory_space<vmem>>) target_semaphore(%run_scoped3A : memref<!tpu.dma_semaphore, #tpu.memory_space<semaphore_mem>>)
        %dma_wait3A_231 = arith.constant 0 : i32
        %dma_wait3A_232 = tpu.memref_slice %arg2[%add3A_22, %dma_wait3A_231] : memref<1024x128xi32, #tpu.memory_space<hbm>> -> memref<8x128xi32, #tpu.memory_space<hbm>>
        %dma_wait3A_233 = arith.constant 0 : i32
        %dma_wait3A_234 = tpu.memref_slice %arg2[%add3A_22, %dma_wait3A_233] : memref<1024x128xi32, #tpu.memory_space<hbm>> -> memref<8x128xi32, #tpu.memory_space<hbm>>
        tpu.wait_dma2 semaphore(%run_scoped3A : memref<!tpu.dma_semaphore, #tpu.memory_space<semaphore_mem>>) src(%dma_wait3A_234 : memref<8x128xi32, #tpu.memory_space<hbm>>) dst(%arg5 : memref<8x128xi32, #tpu.memory_space<vmem>>)
        tpu.yield
      }) : () -> ()
      %gt3A = arith.constant 0 : i32
      %gt3A_25 = arith.cmpi sgt, %scan3A_19, %gt3A : i32
      %convert_element_type3A = arith.extui %gt3A_25 : i1 to i32
      %cond3A = arith.constant 0 : i32
      %cond3A_26 = arith.cmpi ne, %convert_element_type3A, %cond3A : i32
      scf.if %cond3A_26 {
        %dma_wait3A_227 = arith.constant 0 : i32
        %dma_wait3A_228 = arith.constant 0 : i32
        %dma_wait3A_229 = tpu.memref_slice %arg4[%dma_wait3A_227, %dma_wait3A_228] : memref<131072x128xf32, #tpu.memory_space<hbm>> -> memref<256x128xf32, #tpu.memory_space<hbm>>
        %dma_wait3A_230 = arith.constant 0 : i32
        %dma_wait3A_231 = arith.constant 0 : i32
        %dma_wait3A_232 = tpu.memref_slice %arg4[%dma_wait3A_230, %dma_wait3A_231] : memref<131072x128xf32, #tpu.memory_space<hbm>> -> memref<256x128xf32, #tpu.memory_space<hbm>>
        tpu.wait_dma2 semaphore(%arg10 : memref<!tpu.dma_semaphore, #tpu.memory_space<semaphore_mem>>) src(%dma_wait3A_232 : memref<256x128xf32, #tpu.memory_space<hbm>>) dst(%arg6 : memref<256x128xf32, #tpu.memory_space<vmem>>)
      } else {
      }
      %dma_start3A = arith.constant 0 : i32
      %dma_start3A_27 = arith.constant 0 : i32
      %dma_start3A_28 = arith.constant 0 : i32
      %dma_start3A_29 = tpu.memref_slice %arg6[%dma_start3A_27, %dma_start3A_28] : memref<256x128xf32, #tpu.memory_space<vmem>> -> memref<128x128xf32, #tpu.memory_space<vmem>>
      %dma_start3A_30 = arith.constant 0 : i32
      %dma_start3A_31 = tpu.memref_slice %arg5[%dma_start3A, %dma_start3A_30] : memref<8x128xi32, #tpu.memory_space<vmem>> -> memref<1x128xi32, #tpu.memory_space<vmem>>
      %dma_start3A_32 = tpu.memref_squeeze %dma_start3A_31 : memref<1x128xi32, #tpu.memory_space<vmem>> -> memref<128xi32, #tpu.memory_space<vmem>>
      %dma_start3A_33 = arith.constant 0 : i32
      %dma_start3A_34 = arith.constant 0 : i32
      %dma_start3A_35 = tpu.memref_slice %arg3[%dma_start3A_33, %dma_start3A_34] : memref<100000x128xf32, #tpu.memory_space<hbm>> -> memref<100000x128xf32, #tpu.memory_space<hbm>>
      tpu.enqueue_indirect_dma source(%dma_start3A_35 : memref<100000x128xf32, #tpu.memory_space<hbm>>) target(%dma_start3A_29 : memref<128x128xf32, #tpu.memory_space<vmem>>) offsets(%dma_start3A_32 : memref<128xi32, #tpu.memory_space<vmem>>) semaphore(%arg8 : memref<!tpu.dma_semaphore, #tpu.memory_space<semaphore_mem>>)
      %dma_start3A_36 = arith.constant 1 : i32
      %dma_start3A_37 = arith.constant 128 : i32
      %dma_start3A_38 = arith.constant 0 : i32
      %dma_start3A_39 = tpu.memref_slice %arg6[%dma_start3A_37, %dma_start3A_38] : memref<256x128xf32, #tpu.memory_space<vmem>> -> memref<128x128xf32, #tpu.memory_space<vmem>>
      %dma_start3A_40 = arith.constant 0 : i32
      %dma_start3A_41 = tpu.memref_slice %arg5[%dma_start3A_36, %dma_start3A_40] : memref<8x128xi32, #tpu.memory_space<vmem>> -> memref<1x128xi32, #tpu.memory_space<vmem>>
      %dma_start3A_42 = tpu.memref_squeeze %dma_start3A_41 : memref<1x128xi32, #tpu.memory_space<vmem>> -> memref<128xi32, #tpu.memory_space<vmem>>
      %dma_start3A_43 = arith.constant 0 : i32
      %dma_start3A_44 = arith.constant 0 : i32
      %dma_start3A_45 = tpu.memref_slice %arg3[%dma_start3A_43, %dma_start3A_44] : memref<100000x128xf32, #tpu.memory_space<hbm>> -> memref<100000x128xf32, #tpu.memory_space<hbm>>
      tpu.enqueue_indirect_dma source(%dma_start3A_45 : memref<100000x128xf32, #tpu.memory_space<hbm>>) target(%dma_start3A_39 : memref<128x128xf32, #tpu.memory_space<vmem>>) offsets(%dma_start3A_42 : memref<128xi32, #tpu.memory_space<vmem>>) semaphore(%arg8 : memref<!tpu.dma_semaphore, #tpu.memory_space<semaphore_mem>>)
      %gt3A_46 = arith.constant 0 : i32
      %gt3A_47 = arith.cmpi sgt, %scan3A_19, %gt3A_46 : i32
      %convert_element_type3A_48 = arith.extui %gt3A_47 : i1 to i32
      %cond3A_49 = arith.constant 0 : i32
      %cond3A_50 = arith.cmpi ne, %convert_element_type3A_48, %cond3A_49 : i32
      scf.if %cond3A_50 {
        %dma_wait3A_227 = arith.constant 0 : i32
        %dma_wait3A_228 = arith.constant 0 : i32
        %dma_wait3A_229 = tpu.memref_slice %arg4[%dma_wait3A_227, %dma_wait3A_228] : memref<131072x128xf32, #tpu.memory_space<hbm>> -> memref<256x128xf32, #tpu.memory_space<hbm>>
        %dma_wait3A_230 = arith.constant 0 : i32
        %dma_wait3A_231 = arith.constant 0 : i32
        %dma_wait3A_232 = tpu.memref_slice %arg4[%dma_wait3A_230, %dma_wait3A_231] : memref<131072x128xf32, #tpu.memory_space<hbm>> -> memref<256x128xf32, #tpu.memory_space<hbm>>
        tpu.wait_dma2 semaphore(%arg11 : memref<!tpu.dma_semaphore, #tpu.memory_space<semaphore_mem>>) src(%dma_wait3A_232 : memref<256x128xf32, #tpu.memory_space<hbm>>) dst(%arg7 : memref<256x128xf32, #tpu.memory_space<vmem>>)
      } else {
      }
      %dma_start3A_51 = arith.constant 2 : i32
      %dma_start3A_52 = arith.constant 0 : i32
      %dma_start3A_53 = arith.constant 0 : i32
      %dma_start3A_54 = tpu.memref_slice %arg7[%dma_start3A_52, %dma_start3A_53] : memref<256x128xf32, #tpu.memory_space<vmem>> -> memref<128x128xf32, #tpu.memory_space<vmem>>
      %dma_start3A_55 = arith.constant 0 : i32
      %dma_start3A_56 = tpu.memref_slice %arg5[%dma_start3A_51, %dma_start3A_55] : memref<8x128xi32, #tpu.memory_space<vmem>> -> memref<1x128xi32, #tpu.memory_space<vmem>>
      %dma_start3A_57 = tpu.memref_squeeze %dma_start3A_56 : memref<1x128xi32, #tpu.memory_space<vmem>> -> memref<128xi32, #tpu.memory_space<vmem>>
      %dma_start3A_58 = arith.constant 0 : i32
      %dma_start3A_59 = arith.constant 0 : i32
      %dma_start3A_60 = tpu.memref_slice %arg3[%dma_start3A_58, %dma_start3A_59] : memref<100000x128xf32, #tpu.memory_space<hbm>> -> memref<100000x128xf32, #tpu.memory_space<hbm>>
      tpu.enqueue_indirect_dma source(%dma_start3A_60 : memref<100000x128xf32, #tpu.memory_space<hbm>>) target(%dma_start3A_54 : memref<128x128xf32, #tpu.memory_space<vmem>>) offsets(%dma_start3A_57 : memref<128xi32, #tpu.memory_space<vmem>>) semaphore(%arg9 : memref<!tpu.dma_semaphore, #tpu.memory_space<semaphore_mem>>)
      %dma_start3A_61 = arith.constant 3 : i32
      %dma_start3A_62 = arith.constant 128 : i32
      %dma_start3A_63 = arith.constant 0 : i32
      %dma_start3A_64 = tpu.memref_slice %arg7[%dma_start3A_62, %dma_start3A_63] : memref<256x128xf32, #tpu.memory_space<vmem>> -> memref<128x128xf32, #tpu.memory_space<vmem>>
      %dma_start3A_65 = arith.constant 0 : i32
      %dma_start3A_66 = tpu.memref_slice %arg5[%dma_start3A_61, %dma_start3A_65] : memref<8x128xi32, #tpu.memory_space<vmem>> -> memref<1x128xi32, #tpu.memory_space<vmem>>
      %dma_start3A_67 = tpu.memref_squeeze %dma_start3A_66 : memref<1x128xi32, #tpu.memory_space<vmem>> -> memref<128xi32, #tpu.memory_space<vmem>>
      %dma_start3A_68 = arith.constant 0 : i32
      %dma_start3A_69 = arith.constant 0 : i32
      %dma_start3A_70 = tpu.memref_slice %arg3[%dma_start3A_68, %dma_start3A_69] : memref<100000x128xf32, #tpu.memory_space<hbm>> -> memref<100000x128xf32, #tpu.memory_space<hbm>>
      tpu.enqueue_indirect_dma source(%dma_start3A_70 : memref<100000x128xf32, #tpu.memory_space<hbm>>) target(%dma_start3A_64 : memref<128x128xf32, #tpu.memory_space<vmem>>) offsets(%dma_start3A_67 : memref<128xi32, #tpu.memory_space<vmem>>) semaphore(%arg9 : memref<!tpu.dma_semaphore, #tpu.memory_space<semaphore_mem>>)
      %dma_wait3A_71 = arith.constant 0 : i32
      %dma_wait3A_72 = arith.constant 0 : i32
      %dma_wait3A_73 = arith.constant 0 : i32
      %dma_wait3A_74 = tpu.memref_slice %arg6[%dma_wait3A_72, %dma_wait3A_73] : memref<256x128xf32, #tpu.memory_space<vmem>> -> memref<128x128xf32, #tpu.memory_space<vmem>>
      %dma_wait3A_75 = arith.constant 0 : i32
      %dma_wait3A_76 = tpu.memref_slice %arg5[%dma_wait3A_71, %dma_wait3A_75] : memref<8x128xi32, #tpu.memory_space<vmem>> -> memref<1x128xi32, #tpu.memory_space<vmem>>
      %dma_wait3A_77 = tpu.memref_squeeze %dma_wait3A_76 : memref<1x128xi32, #tpu.memory_space<vmem>> -> memref<128xi32, #tpu.memory_space<vmem>>
      %dma_wait3A_78 = arith.constant 0 : i32
      %dma_wait3A_79 = arith.constant 0 : i32
      %dma_wait3A_80 = tpu.memref_slice %arg3[%dma_wait3A_78, %dma_wait3A_79] : memref<100000x128xf32, #tpu.memory_space<hbm>> -> memref<100000x128xf32, #tpu.memory_space<hbm>>
      tpu.wait_indirect_dma semaphore(%arg8 : memref<!tpu.dma_semaphore, #tpu.memory_space<semaphore_mem>>) src(%dma_wait3A_80 : memref<100000x128xf32, #tpu.memory_space<hbm>>) dst(%dma_wait3A_74 : memref<128x128xf32, #tpu.memory_space<vmem>>)
      %dma_wait3A_81 = arith.constant 1 : i32
      %dma_wait3A_82 = arith.constant 128 : i32
      %dma_wait3A_83 = arith.constant 0 : i32
      %dma_wait3A_84 = tpu.memref_slice %arg6[%dma_wait3A_82, %dma_wait3A_83] : memref<256x128xf32, #tpu.memory_space<vmem>> -> memref<128x128xf32, #tpu.memory_space<vmem>>
      %dma_wait3A_85 = arith.constant 0 : i32
      %dma_wait3A_86 = tpu.memref_slice %arg5[%dma_wait3A_81, %dma_wait3A_85] : memref<8x128xi32, #tpu.memory_space<vmem>> -> memref<1x128xi32, #tpu.memory_space<vmem>>
      %dma_wait3A_87 = tpu.memref_squeeze %dma_wait3A_86 : memref<1x128xi32, #tpu.memory_space<vmem>> -> memref<128xi32, #tpu.memory_space<vmem>>
      %dma_wait3A_88 = arith.constant 0 : i32
      %dma_wait3A_89 = arith.constant 0 : i32
      %dma_wait3A_90 = tpu.memref_slice %arg3[%dma_wait3A_88, %dma_wait3A_89] : memref<100000x128xf32, #tpu.memory_space<hbm>> -> memref<100000x128xf32, #tpu.memory_space<hbm>>
      tpu.wait_indirect_dma semaphore(%arg8 : memref<!tpu.dma_semaphore, #tpu.memory_space<semaphore_mem>>) src(%dma_wait3A_90 : memref<100000x128xf32, #tpu.memory_space<hbm>>) dst(%dma_wait3A_84 : memref<128x128xf32, #tpu.memory_space<vmem>>)
      %add3A_91 = arith.constant 0 : i32
      %add3A_92 = arith.addi %mul3A_24, %add3A_91 : i32
      %dma_start3A_93 = arith.constant 0 : i32
      %dma_start3A_94 = tpu.memref_slice %arg4[%add3A_92, %dma_start3A_93] : memref<131072x128xf32, #tpu.memory_space<hbm>> -> memref<256x128xf32, #tpu.memory_space<hbm>>
      %dma_start3A_95 = arith.constant 0 : i32
      %dma_start3A_96 = tpu.memref_slice %arg4[%add3A_92, %dma_start3A_95] : memref<131072x128xf32, #tpu.memory_space<hbm>> -> memref<256x128xf32, #tpu.memory_space<hbm>>
      tpu.enqueue_dma source(%arg6 : memref<256x128xf32, #tpu.memory_space<vmem>>) target(%dma_start3A_96 : memref<256x128xf32, #tpu.memory_space<hbm>>) target_semaphore(%arg10 : memref<!tpu.dma_semaphore, #tpu.memory_space<semaphore_mem>>)
      %dma_wait3A_97 = arith.constant 0 : i32
      %dma_wait3A_98 = arith.constant 0 : i32
      %dma_wait3A_99 = tpu.memref_slice %arg4[%dma_wait3A_97, %dma_wait3A_98] : memref<131072x128xf32, #tpu.memory_space<hbm>> -> memref<256x128xf32, #tpu.memory_space<hbm>>
      %dma_wait3A_100 = arith.constant 0 : i32
      %dma_wait3A_101 = arith.constant 0 : i32
      %dma_wait3A_102 = tpu.memref_slice %arg4[%dma_wait3A_100, %dma_wait3A_101] : memref<131072x128xf32, #tpu.memory_space<hbm>> -> memref<256x128xf32, #tpu.memory_space<hbm>>
      tpu.wait_dma2 semaphore(%arg10 : memref<!tpu.dma_semaphore, #tpu.memory_space<semaphore_mem>>) src(%dma_wait3A_102 : memref<256x128xf32, #tpu.memory_space<hbm>>) dst(%arg6 : memref<256x128xf32, #tpu.memory_space<vmem>>)
      %dma_start3A_103 = arith.constant 4 : i32
      %dma_start3A_104 = arith.constant 0 : i32
      %dma_start3A_105 = arith.constant 0 : i32
      %dma_start3A_106 = tpu.memref_slice %arg6[%dma_start3A_104, %dma_start3A_105] : memref<256x128xf32, #tpu.memory_space<vmem>> -> memref<128x128xf32, #tpu.memory_space<vmem>>
      %dma_start3A_107 = arith.constant 0 : i32
      %dma_start3A_108 = tpu.memref_slice %arg5[%dma_start3A_103, %dma_start3A_107] : memref<8x128xi32, #tpu.memory_space<vmem>> -> memref<1x128xi32, #tpu.memory_space<vmem>>
      %dma_start3A_109 = tpu.memref_squeeze %dma_start3A_108 : memref<1x128xi32, #tpu.memory_space<vmem>> -> memref<128xi32, #tpu.memory_space<vmem>>
      %dma_start3A_110 = arith.constant 0 : i32
      %dma_start3A_111 = arith.constant 0 : i32
      %dma_start3A_112 = tpu.memref_slice %arg3[%dma_start3A_110, %dma_start3A_111] : memref<100000x128xf32, #tpu.memory_space<hbm>> -> memref<100000x128xf32, #tpu.memory_space<hbm>>
      tpu.enqueue_indirect_dma source(%dma_start3A_112 : memref<100000x128xf32, #tpu.memory_space<hbm>>) target(%dma_start3A_106 : memref<128x128xf32, #tpu.memory_space<vmem>>) offsets(%dma_start3A_109 : memref<128xi32, #tpu.memory_space<vmem>>) semaphore(%arg8 : memref<!tpu.dma_semaphore, #tpu.memory_space<semaphore_mem>>)
      %dma_start3A_113 = arith.constant 5 : i32
      %dma_start3A_114 = arith.constant 128 : i32
      %dma_start3A_115 = arith.constant 0 : i32
      %dma_start3A_116 = tpu.memref_slice %arg6[%dma_start3A_114, %dma_start3A_115] : memref<256x128xf32, #tpu.memory_space<vmem>> -> memref<128x128xf32, #tpu.memory_space<vmem>>
      %dma_start3A_117 = arith.constant 0 : i32
      %dma_start3A_118 = tpu.memref_slice %arg5[%dma_start3A_113, %dma_start3A_117] : memref<8x128xi32, #tpu.memory_space<vmem>> -> memref<1x128xi32, #tpu.memory_space<vmem>>
      %dma_start3A_119 = tpu.memref_squeeze %dma_start3A_118 : memref<1x128xi32, #tpu.memory_space<vmem>> -> memref<128xi32, #tpu.memory_space<vmem>>
      %dma_start3A_120 = arith.constant 0 : i32
      %dma_start3A_121 = arith.constant 0 : i32
      %dma_start3A_122 = tpu.memref_slice %arg3[%dma_start3A_120, %dma_start3A_121] : memref<100000x128xf32, #tpu.memory_space<hbm>> -> memref<100000x128xf32, #tpu.memory_space<hbm>>
      tpu.enqueue_indirect_dma source(%dma_start3A_122 : memref<100000x128xf32, #tpu.memory_space<hbm>>) target(%dma_start3A_116 : memref<128x128xf32, #tpu.memory_space<vmem>>) offsets(%dma_start3A_119 : memref<128xi32, #tpu.memory_space<vmem>>) semaphore(%arg8 : memref<!tpu.dma_semaphore, #tpu.memory_space<semaphore_mem>>)
      %dma_wait3A_123 = arith.constant 2 : i32
      %dma_wait3A_124 = arith.constant 0 : i32
      %dma_wait3A_125 = arith.constant 0 : i32
      %dma_wait3A_126 = tpu.memref_slice %arg7[%dma_wait3A_124, %dma_wait3A_125] : memref<256x128xf32, #tpu.memory_space<vmem>> -> memref<128x128xf32, #tpu.memory_space<vmem>>
      %dma_wait3A_127 = arith.constant 0 : i32
      %dma_wait3A_128 = tpu.memref_slice %arg5[%dma_wait3A_123, %dma_wait3A_127] : memref<8x128xi32, #tpu.memory_space<vmem>> -> memref<1x128xi32, #tpu.memory_space<vmem>>
      %dma_wait3A_129 = tpu.memref_squeeze %dma_wait3A_128 : memref<1x128xi32, #tpu.memory_space<vmem>> -> memref<128xi32, #tpu.memory_space<vmem>>
      %dma_wait3A_130 = arith.constant 0 : i32
      %dma_wait3A_131 = arith.constant 0 : i32
      %dma_wait3A_132 = tpu.memref_slice %arg3[%dma_wait3A_130, %dma_wait3A_131] : memref<100000x128xf32, #tpu.memory_space<hbm>> -> memref<100000x128xf32, #tpu.memory_space<hbm>>
      tpu.wait_indirect_dma semaphore(%arg9 : memref<!tpu.dma_semaphore, #tpu.memory_space<semaphore_mem>>) src(%dma_wait3A_132 : memref<100000x128xf32, #tpu.memory_space<hbm>>) dst(%dma_wait3A_126 : memref<128x128xf32, #tpu.memory_space<vmem>>)
      %dma_wait3A_133 = arith.constant 3 : i32
      %dma_wait3A_134 = arith.constant 128 : i32
      %dma_wait3A_135 = arith.constant 0 : i32
      %dma_wait3A_136 = tpu.memref_slice %arg7[%dma_wait3A_134, %dma_wait3A_135] : memref<256x128xf32, #tpu.memory_space<vmem>> -> memref<128x128xf32, #tpu.memory_space<vmem>>
      %dma_wait3A_137 = arith.constant 0 : i32
      %dma_wait3A_138 = tpu.memref_slice %arg5[%dma_wait3A_133, %dma_wait3A_137] : memref<8x128xi32, #tpu.memory_space<vmem>> -> memref<1x128xi32, #tpu.memory_space<vmem>>
      %dma_wait3A_139 = tpu.memref_squeeze %dma_wait3A_138 : memref<1x128xi32, #tpu.memory_space<vmem>> -> memref<128xi32, #tpu.memory_space<vmem>>
      %dma_wait3A_140 = arith.constant 0 : i32
      %dma_wait3A_141 = arith.constant 0 : i32
      %dma_wait3A_142 = tpu.memref_slice %arg3[%dma_wait3A_140, %dma_wait3A_141] : memref<100000x128xf32, #tpu.memory_space<hbm>> -> memref<100000x128xf32, #tpu.memory_space<hbm>>
      tpu.wait_indirect_dma semaphore(%arg9 : memref<!tpu.dma_semaphore, #tpu.memory_space<semaphore_mem>>) src(%dma_wait3A_142 : memref<100000x128xf32, #tpu.memory_space<hbm>>) dst(%dma_wait3A_136 : memref<128x128xf32, #tpu.memory_space<vmem>>)
      %add3A_143 = arith.constant 256 : i32
      %add3A_144 = arith.addi %mul3A_24, %add3A_143 : i32
      %dma_start3A_145 = arith.constant 0 : i32
      %dma_start3A_146 = tpu.memref_slice %arg4[%add3A_144, %dma_start3A_145] : memref<131072x128xf32, #tpu.memory_space<hbm>> -> memref<256x128xf32, #tpu.memory_space<hbm>>
      %dma_start3A_147 = arith.constant 0 : i32
      %dma_start3A_148 = tpu.memref_slice %arg4[%add3A_144, %dma_start3A_147] : memref<131072x128xf32, #tpu.memory_space<hbm>> -> memref<256x128xf32, #tpu.memory_space<hbm>>
      tpu.enqueue_dma source(%arg7 : memref<256x128xf32, #tpu.memory_space<vmem>>) target(%dma_start3A_148 : memref<256x128xf32, #tpu.memory_space<hbm>>) target_semaphore(%arg11 : memref<!tpu.dma_semaphore, #tpu.memory_space<semaphore_mem>>)
      %dma_wait3A_149 = arith.constant 0 : i32
      %dma_wait3A_150 = arith.constant 0 : i32
      %dma_wait3A_151 = tpu.memref_slice %arg4[%dma_wait3A_149, %dma_wait3A_150] : memref<131072x128xf32, #tpu.memory_space<hbm>> -> memref<256x128xf32, #tpu.memory_space<hbm>>
      %dma_wait3A_152 = arith.constant 0 : i32
      %dma_wait3A_153 = arith.constant 0 : i32
      %dma_wait3A_154 = tpu.memref_slice %arg4[%dma_wait3A_152, %dma_wait3A_153] : memref<131072x128xf32, #tpu.memory_space<hbm>> -> memref<256x128xf32, #tpu.memory_space<hbm>>
      tpu.wait_dma2 semaphore(%arg11 : memref<!tpu.dma_semaphore, #tpu.memory_space<semaphore_mem>>) src(%dma_wait3A_154 : memref<256x128xf32, #tpu.memory_space<hbm>>) dst(%arg7 : memref<256x128xf32, #tpu.memory_space<vmem>>)
      %dma_start3A_155 = arith.constant 6 : i32
      %dma_start3A_156 = arith.constant 0 : i32
      %dma_start3A_157 = arith.constant 0 : i32
      %dma_start3A_158 = tpu.memref_slice %arg7[%dma_start3A_156, %dma_start3A_157] : memref<256x128xf32, #tpu.memory_space<vmem>> -> memref<128x128xf32, #tpu.memory_space<vmem>>
      %dma_start3A_159 = arith.constant 0 : i32
      %dma_start3A_160 = tpu.memref_slice %arg5[%dma_start3A_155, %dma_start3A_159] : memref<8x128xi32, #tpu.memory_space<vmem>> -> memref<1x128xi32, #tpu.memory_space<vmem>>
      %dma_start3A_161 = tpu.memref_squeeze %dma_start3A_160 : memref<1x128xi32, #tpu.memory_space<vmem>> -> memref<128xi32, #tpu.memory_space<vmem>>
      %dma_start3A_162 = arith.constant 0 : i32
      %dma_start3A_163 = arith.constant 0 : i32
      %dma_start3A_164 = tpu.memref_slice %arg3[%dma_start3A_162, %dma_start3A_163] : memref<100000x128xf32, #tpu.memory_space<hbm>> -> memref<100000x128xf32, #tpu.memory_space<hbm>>
      tpu.enqueue_indirect_dma source(%dma_start3A_164 : memref<100000x128xf32, #tpu.memory_space<hbm>>) target(%dma_start3A_158 : memref<128x128xf32, #tpu.memory_space<vmem>>) offsets(%dma_start3A_161 : memref<128xi32, #tpu.memory_space<vmem>>) semaphore(%arg9 : memref<!tpu.dma_semaphore, #tpu.memory_space<semaphore_mem>>)
      %dma_start3A_165 = arith.constant 7 : i32
      %dma_start3A_166 = arith.constant 128 : i32
      %dma_start3A_167 = arith.constant 0 : i32
      %dma_start3A_168 = tpu.memref_slice %arg7[%dma_start3A_166, %dma_start3A_167] : memref<256x128xf32, #tpu.memory_space<vmem>> -> memref<128x128xf32, #tpu.memory_space<vmem>>
      %dma_start3A_169 = arith.constant 0 : i32
      %dma_start3A_170 = tpu.memref_slice %arg5[%dma_start3A_165, %dma_start3A_169] : memref<8x128xi32, #tpu.memory_space<vmem>> -> memref<1x128xi32, #tpu.memory_space<vmem>>
      %dma_start3A_171 = tpu.memref_squeeze %dma_start3A_170 : memref<1x128xi32, #tpu.memory_space<vmem>> -> memref<128xi32, #tpu.memory_space<vmem>>
      %dma_start3A_172 = arith.constant 0 : i32
      %dma_start3A_173 = arith.constant 0 : i32
      %dma_start3A_174 = tpu.memref_slice %arg3[%dma_start3A_172, %dma_start3A_173] : memref<100000x128xf32, #tpu.memory_space<hbm>> -> memref<100000x128xf32, #tpu.memory_space<hbm>>
      tpu.enqueue_indirect_dma source(%dma_start3A_174 : memref<100000x128xf32, #tpu.memory_space<hbm>>) target(%dma_start3A_168 : memref<128x128xf32, #tpu.memory_space<vmem>>) offsets(%dma_start3A_171 : memref<128xi32, #tpu.memory_space<vmem>>) semaphore(%arg9 : memref<!tpu.dma_semaphore, #tpu.memory_space<semaphore_mem>>)
      %dma_wait3A_175 = arith.constant 4 : i32
      %dma_wait3A_176 = arith.constant 0 : i32
      %dma_wait3A_177 = arith.constant 0 : i32
      %dma_wait3A_178 = tpu.memref_slice %arg6[%dma_wait3A_176, %dma_wait3A_177] : memref<256x128xf32, #tpu.memory_space<vmem>> -> memref<128x128xf32, #tpu.memory_space<vmem>>
      %dma_wait3A_179 = arith.constant 0 : i32
      %dma_wait3A_180 = tpu.memref_slice %arg5[%dma_wait3A_175, %dma_wait3A_179] : memref<8x128xi32, #tpu.memory_space<vmem>> -> memref<1x128xi32, #tpu.memory_space<vmem>>
      %dma_wait3A_181 = tpu.memref_squeeze %dma_wait3A_180 : memref<1x128xi32, #tpu.memory_space<vmem>> -> memref<128xi32, #tpu.memory_space<vmem>>
      %dma_wait3A_182 = arith.constant 0 : i32
      %dma_wait3A_183 = arith.constant 0 : i32
      %dma_wait3A_184 = tpu.memref_slice %arg3[%dma_wait3A_182, %dma_wait3A_183] : memref<100000x128xf32, #tpu.memory_space<hbm>> -> memref<100000x128xf32, #tpu.memory_space<hbm>>
      tpu.wait_indirect_dma semaphore(%arg8 : memref<!tpu.dma_semaphore, #tpu.memory_space<semaphore_mem>>) src(%dma_wait3A_184 : memref<100000x128xf32, #tpu.memory_space<hbm>>) dst(%dma_wait3A_178 : memref<128x128xf32, #tpu.memory_space<vmem>>)
      %dma_wait3A_185 = arith.constant 5 : i32
      %dma_wait3A_186 = arith.constant 128 : i32
      %dma_wait3A_187 = arith.constant 0 : i32
      %dma_wait3A_188 = tpu.memref_slice %arg6[%dma_wait3A_186, %dma_wait3A_187] : memref<256x128xf32, #tpu.memory_space<vmem>> -> memref<128x128xf32, #tpu.memory_space<vmem>>
      %dma_wait3A_189 = arith.constant 0 : i32
      %dma_wait3A_190 = tpu.memref_slice %arg5[%dma_wait3A_185, %dma_wait3A_189] : memref<8x128xi32, #tpu.memory_space<vmem>> -> memref<1x128xi32, #tpu.memory_space<vmem>>
      %dma_wait3A_191 = tpu.memref_squeeze %dma_wait3A_190 : memref<1x128xi32, #tpu.memory_space<vmem>> -> memref<128xi32, #tpu.memory_space<vmem>>
      %dma_wait3A_192 = arith.constant 0 : i32
      %dma_wait3A_193 = arith.constant 0 : i32
      %dma_wait3A_194 = tpu.memref_slice %arg3[%dma_wait3A_192, %dma_wait3A_193] : memref<100000x128xf32, #tpu.memory_space<hbm>> -> memref<100000x128xf32, #tpu.memory_space<hbm>>
      tpu.wait_indirect_dma semaphore(%arg8 : memref<!tpu.dma_semaphore, #tpu.memory_space<semaphore_mem>>) src(%dma_wait3A_194 : memref<100000x128xf32, #tpu.memory_space<hbm>>) dst(%dma_wait3A_188 : memref<128x128xf32, #tpu.memory_space<vmem>>)
      %add3A_195 = arith.constant 512 : i32
      %add3A_196 = arith.addi %mul3A_24, %add3A_195 : i32
      %dma_start3A_197 = arith.constant 0 : i32
      %dma_start3A_198 = tpu.memref_slice %arg4[%add3A_196, %dma_start3A_197] : memref<131072x128xf32, #tpu.memory_space<hbm>> -> memref<256x128xf32, #tpu.memory_space<hbm>>
      %dma_start3A_199 = arith.constant 0 : i32
      %dma_start3A_200 = tpu.memref_slice %arg4[%add3A_196, %dma_start3A_199] : memref<131072x128xf32, #tpu.memory_space<hbm>> -> memref<256x128xf32, #tpu.memory_space<hbm>>
      tpu.enqueue_dma source(%arg6 : memref<256x128xf32, #tpu.memory_space<vmem>>) target(%dma_start3A_200 : memref<256x128xf32, #tpu.memory_space<hbm>>) target_semaphore(%arg10 : memref<!tpu.dma_semaphore, #tpu.memory_space<semaphore_mem>>)
      %dma_wait3A_201 = arith.constant 6 : i32
      %dma_wait3A_202 = arith.constant 0 : i32
      %dma_wait3A_203 = arith.constant 0 : i32
      %dma_wait3A_204 = tpu.memref_slice %arg7[%dma_wait3A_202, %dma_wait3A_203] : memref<256x128xf32, #tpu.memory_space<vmem>> -> memref<128x128xf32, #tpu.memory_space<vmem>>
      %dma_wait3A_205 = arith.constant 0 : i32
      %dma_wait3A_206 = tpu.memref_slice %arg5[%dma_wait3A_201, %dma_wait3A_205] : memref<8x128xi32, #tpu.memory_space<vmem>> -> memref<1x128xi32, #tpu.memory_space<vmem>>
      %dma_wait3A_207 = tpu.memref_squeeze %dma_wait3A_206 : memref<1x128xi32, #tpu.memory_space<vmem>> -> memref<128xi32, #tpu.memory_space<vmem>>
      %dma_wait3A_208 = arith.constant 0 : i32
      %dma_wait3A_209 = arith.constant 0 : i32
      %dma_wait3A_210 = tpu.memref_slice %arg3[%dma_wait3A_208, %dma_wait3A_209] : memref<100000x128xf32, #tpu.memory_space<hbm>> -> memref<100000x128xf32, #tpu.memory_space<hbm>>
      tpu.wait_indirect_dma semaphore(%arg9 : memref<!tpu.dma_semaphore, #tpu.memory_space<semaphore_mem>>) src(%dma_wait3A_210 : memref<100000x128xf32, #tpu.memory_space<hbm>>) dst(%dma_wait3A_204 : memref<128x128xf32, #tpu.memory_space<vmem>>)
      %dma_wait3A_211 = arith.constant 7 : i32
      %dma_wait3A_212 = arith.constant 128 : i32
      %dma_wait3A_213 = arith.constant 0 : i32
      %dma_wait3A_214 = tpu.memref_slice %arg7[%dma_wait3A_212, %dma_wait3A_213] : memref<256x128xf32, #tpu.memory_space<vmem>> -> memref<128x128xf32, #tpu.memory_space<vmem>>
      %dma_wait3A_215 = arith.constant 0 : i32
      %dma_wait3A_216 = tpu.memref_slice %arg5[%dma_wait3A_211, %dma_wait3A_215] : memref<8x128xi32, #tpu.memory_space<vmem>> -> memref<1x128xi32, #tpu.memory_space<vmem>>
      %dma_wait3A_217 = tpu.memref_squeeze %dma_wait3A_216 : memref<1x128xi32, #tpu.memory_space<vmem>> -> memref<128xi32, #tpu.memory_space<vmem>>
      %dma_wait3A_218 = arith.constant 0 : i32
      %dma_wait3A_219 = arith.constant 0 : i32
      %dma_wait3A_220 = tpu.memref_slice %arg3[%dma_wait3A_218, %dma_wait3A_219] : memref<100000x128xf32, #tpu.memory_space<hbm>> -> memref<100000x128xf32, #tpu.memory_space<hbm>>
      tpu.wait_indirect_dma semaphore(%arg9 : memref<!tpu.dma_semaphore, #tpu.memory_space<semaphore_mem>>) src(%dma_wait3A_220 : memref<100000x128xf32, #tpu.memory_space<hbm>>) dst(%dma_wait3A_214 : memref<128x128xf32, #tpu.memory_space<vmem>>)
      %add3A_221 = arith.constant 768 : i32
      %add3A_222 = arith.addi %mul3A_24, %add3A_221 : i32
      %dma_start3A_223 = arith.constant 0 : i32
      %dma_start3A_224 = tpu.memref_slice %arg4[%add3A_222, %dma_start3A_223] : memref<131072x128xf32, #tpu.memory_space<hbm>> -> memref<256x128xf32, #tpu.memory_space<hbm>>
      %dma_start3A_225 = arith.constant 0 : i32
      %dma_start3A_226 = tpu.memref_slice %arg4[%add3A_222, %dma_start3A_225] : memref<131072x128xf32, #tpu.memory_space<hbm>> -> memref<256x128xf32, #tpu.memory_space<hbm>>
      tpu.enqueue_dma source(%arg7 : memref<256x128xf32, #tpu.memory_space<vmem>>) target(%dma_start3A_226 : memref<256x128xf32, #tpu.memory_space<hbm>>) target_semaphore(%arg11 : memref<!tpu.dma_semaphore, #tpu.memory_space<semaphore_mem>>)
    }
    %scan3A_7 = arith.constant 4 : i32
    %dma_wait3A = arith.constant 0 : i32
    %dma_wait3A_8 = arith.constant 0 : i32
    %dma_wait3A_9 = tpu.memref_slice %arg4[%dma_wait3A, %dma_wait3A_8] : memref<131072x128xf32, #tpu.memory_space<hbm>> -> memref<256x128xf32, #tpu.memory_space<hbm>>
    %dma_wait3A_10 = arith.constant 0 : i32
    %dma_wait3A_11 = arith.constant 0 : i32
    %dma_wait3A_12 = tpu.memref_slice %arg4[%dma_wait3A_10, %dma_wait3A_11] : memref<131072x128xf32, #tpu.memory_space<hbm>> -> memref<256x128xf32, #tpu.memory_space<hbm>>
    tpu.wait_dma2 semaphore(%arg10 : memref<!tpu.dma_semaphore, #tpu.memory_space<semaphore_mem>>) src(%dma_wait3A_12 : memref<256x128xf32, #tpu.memory_space<hbm>>) dst(%arg6 : memref<256x128xf32, #tpu.memory_space<vmem>>)
    %dma_wait3A_13 = arith.constant 0 : i32
    %dma_wait3A_14 = arith.constant 0 : i32
    %dma_wait3A_15 = tpu.memref_slice %arg4[%dma_wait3A_13, %dma_wait3A_14] : memref<131072x128xf32, #tpu.memory_space<hbm>> -> memref<256x128xf32, #tpu.memory_space<hbm>>
    %dma_wait3A_16 = arith.constant 0 : i32
    %dma_wait3A_17 = arith.constant 0 : i32
    %dma_wait3A_18 = tpu.memref_slice %arg4[%dma_wait3A_16, %dma_wait3A_17] : memref<131072x128xf32, #tpu.memory_space<hbm>> -> memref<256x128xf32, #tpu.memory_space<hbm>>
    tpu.wait_dma2 semaphore(%arg11 : memref<!tpu.dma_semaphore, #tpu.memory_space<semaphore_mem>>) src(%dma_wait3A_18 : memref<256x128xf32, #tpu.memory_space<hbm>>) dst(%arg7 : memref<256x128xf32, #tpu.memory_space<vmem>>)
    return
  }
}

#map = affine_map<(d0, d1) -> (0, 0)>
module attributes {stable_mosaic.version = 14 : i64} {
  func.func @sc_gather(%arg0: i32, %arg1: i32, %arg2: memref<1024x128xi32, #tpu.memory_space<hbm>>, %arg3: memref<100000x128xf32, #tpu.memory_space<hbm>>, %arg4: memref<131072x128xf32, #tpu.memory_space<hbm>>, %arg5: memref<8x128xi32, #tpu.memory_space<vmem>>, %arg6: memref<256x128xf32, #tpu.memory_space<vmem>>, %arg7: memref<256x128xf32, #tpu.memory_space<vmem>>, %arg8: memref<!tpu.dma_semaphore, #tpu.memory_space<semaphore_mem>>, %arg9: memref<!tpu.dma_semaphore, #tpu.memory_space<semaphore_mem>>, %arg10: memref<!tpu.dma_semaphore, #tpu.memory_space<semaphore_mem>>, %arg11: memref<!tpu.dma_semaphore, #tpu.memory_space<semaphore_mem>>) attributes {dimension_semantics = [#tpu.dimension_semantics<core_parallel>, #tpu.dimension_semantics<subcore_parallel>], iteration_bounds = array<i64: 2, 16>, scalar_prefetch = 0 : i64, scratch_operands = 7 : i64, tpu.core_type = #tpu.core_type<sc_vector_subcore>, window_params = [{transform_indices = #map}, {transform_indices = #map}, {transform_indices = #map}]} {
    %mul3A = arith.constant 2 : i32
    %mul3A_0 = arith.muli %arg1, %mul3A : i32
    %add3A = arith.addi %mul3A_0, %arg0 : i32
    %mul3A_1 = arith.constant 32 : i32
    %mul3A_2 = arith.muli %add3A, %mul3A_1 : i32
    %scan3A = arith.constant 0 : i32
    %scan3A_3 = arith.constant 0 : i32
    %scan3A_4 = arith.constant 4 : i32
    %scan3A_5 = arith.addi %scan3A_3, %scan3A_4 : i32
    %scan3A_6 = arith.constant 1 : i32
    scf.for %scan3A_19 = %scan3A_3 to %scan3A_5 step %scan3A_6  : i32 {
      %mul3A_20 = arith.constant 8 : i32
      %mul3A_21 = arith.muli %scan3A_19, %mul3A_20 : i32
      %add3A_22 = arith.addi %mul3A_2, %mul3A_21 : i32
      %mul3A_23 = arith.constant 128 : i32
      %mul3A_24 = arith.muli %add3A_22, %mul3A_23 : i32
      "tpu.region"() ({
        %run_scoped3A = tpu.sem_alloc : memref<!tpu.dma_semaphore, #tpu.memory_space<semaphore_mem>>
        %dma_start3A_227 = arith.constant 0 : i32
        %dma_start3A_228 = tpu.memref_slice %arg2[%add3A_22, %dma_start3A_227] : memref<1024x128xi32, #tpu.memory_space<hbm>> -> memref<8x128xi32, #tpu.memory_space<hbm>>
        %dma_start3A_229 = arith.constant 0 : i32
        %dma_start3A_230 = tpu.memref_slice %arg2[%add3A_22, %dma_start3A_229] : memref<1024x128xi32, #tpu.memory_space<hbm>> -> memref<8x128xi32, #tpu.memory_space<hbm>>
        tpu.enqueue_dma source(%dma_start3A_230 : memref<8x128xi32, #tpu.memory_space<hbm>>) target(%arg5 : memref<8x128xi32, #tpu.memory_space<vmem>>) target_semaphore(%run_scoped3A : memref<!tpu.dma_semaphore, #tpu.memory_space<semaphore_mem>>)
        %dma_wait3A_231 = arith.constant 0 : i32
        %dma_wait3A_232 = tpu.memref_slice %arg2[%add3A_22, %dma_wait3A_231] : memref<1024x128xi32, #tpu.memory_space<hbm>> -> memref<8x128xi32, #tpu.memory_space<hbm>>
        %dma_wait3A_233 = arith.constant 0 : i32
        %dma_wait3A_234 = tpu.memref_slice %arg2[%add3A_22, %dma_wait3A_233] : memref<1024x128xi32, #tpu.memory_space<hbm>> -> memref<8x128xi32, #tpu.memory_space<hbm>>
        tpu.wait_dma2 semaphore(%run_scoped3A : memref<!tpu.dma_semaphore, #tpu.memory_space<semaphore_mem>>) src(%dma_wait3A_234 : memref<8x128xi32, #tpu.memory_space<hbm>>) dst(%arg5 : memref<8x128xi32, #tpu.memory_space<vmem>>)
        tpu.yield
      }) : () -> ()
      %gt3A = arith.constant 0 : i32
      %gt3A_25 = arith.cmpi sgt, %scan3A_19, %gt3A : i32
      %convert_element_type3A = arith.extui %gt3A_25 : i1 to i32
      %cond3A = arith.constant 0 : i32
      %cond3A_26 = arith.cmpi ne, %convert_element_type3A, %cond3A : i32
      scf.if %cond3A_26 {
        %dma_wait3A_227 = arith.constant 0 : i32
        %dma_wait3A_228 = arith.constant 0 : i32
        %dma_wait3A_229 = tpu.memref_slice %arg4[%dma_wait3A_227, %dma_wait3A_228] : memref<131072x128xf32, #tpu.memory_space<hbm>> -> memref<256x128xf32, #tpu.memory_space<hbm>>
        %dma_wait3A_230 = arith.constant 0 : i32
        %dma_wait3A_231 = arith.constant 0 : i32
        %dma_wait3A_232 = tpu.memref_slice %arg4[%dma_wait3A_230, %dma_wait3A_231] : memref<131072x128xf32, #tpu.memory_space<hbm>> -> memref<256x128xf32, #tpu.memory_space<hbm>>
        tpu.wait_dma2 semaphore(%arg10 : memref<!tpu.dma_semaphore, #tpu.memory_space<semaphore_mem>>) src(%dma_wait3A_232 : memref<256x128xf32, #tpu.memory_space<hbm>>) dst(%arg6 : memref<256x128xf32, #tpu.memory_space<vmem>>)
      } else {
      }
      %dma_start3A = arith.constant 0 : i32
      %dma_start3A_27 = arith.constant 0 : i32
      %dma_start3A_28 = arith.constant 0 : i32
      %dma_start3A_29 = tpu.memref_slice %arg6[%dma_start3A_27, %dma_start3A_28] : memref<256x128xf32, #tpu.memory_space<vmem>> -> memref<128x128xf32, #tpu.memory_space<vmem>>
      %dma_start3A_30 = arith.constant 0 : i32
      %dma_start3A_31 = tpu.memref_slice %arg5[%dma_start3A, %dma_start3A_30] : memref<8x128xi32, #tpu.memory_space<vmem>> -> memref<1x128xi32, #tpu.memory_space<vmem>>
      %dma_start3A_32 = tpu.memref_squeeze %dma_start3A_31 : memref<1x128xi32, #tpu.memory_space<vmem>> -> memref<128xi32, #tpu.memory_space<vmem>>
      %dma_start3A_33 = arith.constant 0 : i32
      %dma_start3A_34 = arith.constant 0 : i32
      %dma_start3A_35 = tpu.memref_slice %arg3[%dma_start3A_33, %dma_start3A_34] : memref<100000x128xf32, #tpu.memory_space<hbm>> -> memref<100000x128xf32, #tpu.memory_space<hbm>>
      tpu.enqueue_indirect_dma source(%dma_start3A_35 : memref<100000x128xf32, #tpu.memory_space<hbm>>) target(%dma_start3A_29 : memref<128x128xf32, #tpu.memory_space<vmem>>) offsets(%dma_start3A_32 : memref<128xi32, #tpu.memory_space<vmem>>) semaphore(%arg8 : memref<!tpu.dma_semaphore, #tpu.memory_space<semaphore_mem>>)
      %dma_start3A_36 = arith.constant 1 : i32
      %dma_start3A_37 = arith.constant 128 : i32
      %dma_start3A_38 = arith.constant 0 : i32
      %dma_start3A_39 = tpu.memref_slice %arg6[%dma_start3A_37, %dma_start3A_38] : memref<256x128xf32, #tpu.memory_space<vmem>> -> memref<128x128xf32, #tpu.memory_space<vmem>>
      %dma_start3A_40 = arith.constant 0 : i32
      %dma_start3A_41 = tpu.memref_slice %arg5[%dma_start3A_36, %dma_start3A_40] : memref<8x128xi32, #tpu.memory_space<vmem>> -> memref<1x128xi32, #tpu.memory_space<vmem>>
      %dma_start3A_42 = tpu.memref_squeeze %dma_start3A_41 : memref<1x128xi32, #tpu.memory_space<vmem>> -> memref<128xi32, #tpu.memory_space<vmem>>
      %dma_start3A_43 = arith.constant 0 : i32
      %dma_start3A_44 = arith.constant 0 : i32
      %dma_start3A_45 = tpu.memref_slice %arg3[%dma_start3A_43, %dma_start3A_44] : memref<100000x128xf32, #tpu.memory_space<hbm>> -> memref<100000x128xf32, #tpu.memory_space<hbm>>
      tpu.enqueue_indirect_dma source(%dma_start3A_45 : memref<100000x128xf32, #tpu.memory_space<hbm>>) target(%dma_start3A_39 : memref<128x128xf32, #tpu.memory_space<vmem>>) offsets(%dma_start3A_42 : memref<128xi32, #tpu.memory_space<vmem>>) semaphore(%arg8 : memref<!tpu.dma_semaphore, #tpu.memory_space<semaphore_mem>>)
      %gt3A_46 = arith.constant 0 : i32
      %gt3A_47 = arith.cmpi sgt, %scan3A_19, %gt3A_46 : i32
      %convert_element_type3A_48 = arith.extui %gt3A_47 : i1 to i32
      %cond3A_49 = arith.constant 0 : i32
      %cond3A_50 = arith.cmpi ne, %convert_element_type3A_48, %cond3A_49 : i32
      scf.if %cond3A_50 {
        %dma_wait3A_227 = arith.constant 0 : i32
        %dma_wait3A_228 = arith.constant 0 : i32
        %dma_wait3A_229 = tpu.memref_slice %arg4[%dma_wait3A_227, %dma_wait3A_228] : memref<131072x128xf32, #tpu.memory_space<hbm>> -> memref<256x128xf32, #tpu.memory_space<hbm>>
        %dma_wait3A_230 = arith.constant 0 : i32
        %dma_wait3A_231 = arith.constant 0 : i32
        %dma_wait3A_232 = tpu.memref_slice %arg4[%dma_wait3A_230, %dma_wait3A_231] : memref<131072x128xf32, #tpu.memory_space<hbm>> -> memref<256x128xf32, #tpu.memory_space<hbm>>
        tpu.wait_dma2 semaphore(%arg11 : memref<!tpu.dma_semaphore, #tpu.memory_space<semaphore_mem>>) src(%dma_wait3A_232 : memref<256x128xf32, #tpu.memory_space<hbm>>) dst(%arg7 : memref<256x128xf32, #tpu.memory_space<vmem>>)
      } else {
      }
      %dma_start3A_51 = arith.constant 2 : i32
      %dma_start3A_52 = arith.constant 0 : i32
      %dma_start3A_53 = arith.constant 0 : i32
      %dma_start3A_54 = tpu.memref_slice %arg7[%dma_start3A_52, %dma_start3A_53] : memref<256x128xf32, #tpu.memory_space<vmem>> -> memref<128x128xf32, #tpu.memory_space<vmem>>
      %dma_start3A_55 = arith.constant 0 : i32
      %dma_start3A_56 = tpu.memref_slice %arg5[%dma_start3A_51, %dma_start3A_55] : memref<8x128xi32, #tpu.memory_space<vmem>> -> memref<1x128xi32, #tpu.memory_space<vmem>>
      %dma_start3A_57 = tpu.memref_squeeze %dma_start3A_56 : memref<1x128xi32, #tpu.memory_space<vmem>> -> memref<128xi32, #tpu.memory_space<vmem>>
      %dma_start3A_58 = arith.constant 0 : i32
      %dma_start3A_59 = arith.constant 0 : i32
      %dma_start3A_60 = tpu.memref_slice %arg3[%dma_start3A_58, %dma_start3A_59] : memref<100000x128xf32, #tpu.memory_space<hbm>> -> memref<100000x128xf32, #tpu.memory_space<hbm>>
      tpu.enqueue_indirect_dma source(%dma_start3A_60 : memref<100000x128xf32, #tpu.memory_space<hbm>>) target(%dma_start3A_54 : memref<128x128xf32, #tpu.memory_space<vmem>>) offsets(%dma_start3A_57 : memref<128xi32, #tpu.memory_space<vmem>>) semaphore(%arg9 : memref<!tpu.dma_semaphore, #tpu.memory_space<semaphore_mem>>)
      %dma_start3A_61 = arith.constant 3 : i32
      %dma_start3A_62 = arith.constant 128 : i32
      %dma_start3A_63 = arith.constant 0 : i32
      %dma_start3A_64 = tpu.memref_slice %arg7[%dma_start3A_62, %dma_start3A_63] : memref<256x128xf32, #tpu.memory_space<vmem>> -> memref<128x128xf32, #tpu.memory_space<vmem>>
      %dma_start3A_65 = arith.constant 0 : i32
      %dma_start3A_66 = tpu.memref_slice %arg5[%dma_start3A_61, %dma_start3A_65] : memref<8x128xi32, #tpu.memory_space<vmem>> -> memref<1x128xi32, #tpu.memory_space<vmem>>
      %dma_start3A_67 = tpu.memref_squeeze %dma_start3A_66 : memref<1x128xi32, #tpu.memory_space<vmem>> -> memref<128xi32, #tpu.memory_space<vmem>>
      %dma_start3A_68 = arith.constant 0 : i32
      %dma_start3A_69 = arith.constant 0 : i32
      %dma_start3A_70 = tpu.memref_slice %arg3[%dma_start3A_68, %dma_start3A_69] : memref<100000x128xf32, #tpu.memory_space<hbm>> -> memref<100000x128xf32, #tpu.memory_space<hbm>>
      tpu.enqueue_indirect_dma source(%dma_start3A_70 : memref<100000x128xf32, #tpu.memory_space<hbm>>) target(%dma_start3A_64 : memref<128x128xf32, #tpu.memory_space<vmem>>) offsets(%dma_start3A_67 : memref<128xi32, #tpu.memory_space<vmem>>) semaphore(%arg9 : memref<!tpu.dma_semaphore, #tpu.memory_space<semaphore_mem>>)
      %dma_wait3A_71 = arith.constant 0 : i32
      %dma_wait3A_72 = arith.constant 0 : i32
      %dma_wait3A_73 = arith.constant 0 : i32
      %dma_wait3A_74 = tpu.memref_slice %arg6[%dma_wait3A_72, %dma_wait3A_73] : memref<256x128xf32, #tpu.memory_space<vmem>> -> memref<128x128xf32, #tpu.memory_space<vmem>>
      %dma_wait3A_75 = arith.constant 0 : i32
      %dma_wait3A_76 = tpu.memref_slice %arg5[%dma_wait3A_71, %dma_wait3A_75] : memref<8x128xi32, #tpu.memory_space<vmem>> -> memref<1x128xi32, #tpu.memory_space<vmem>>
      %dma_wait3A_77 = tpu.memref_squeeze %dma_wait3A_76 : memref<1x128xi32, #tpu.memory_space<vmem>> -> memref<128xi32, #tpu.memory_space<vmem>>
      %dma_wait3A_78 = arith.constant 0 : i32
      %dma_wait3A_79 = arith.constant 0 : i32
      %dma_wait3A_80 = tpu.memref_slice %arg3[%dma_wait3A_78, %dma_wait3A_79] : memref<100000x128xf32, #tpu.memory_space<hbm>> -> memref<100000x128xf32, #tpu.memory_space<hbm>>
      tpu.wait_indirect_dma semaphore(%arg8 : memref<!tpu.dma_semaphore, #tpu.memory_space<semaphore_mem>>) src(%dma_wait3A_80 : memref<100000x128xf32, #tpu.memory_space<hbm>>) dst(%dma_wait3A_74 : memref<128x128xf32, #tpu.memory_space<vmem>>)
      %dma_wait3A_81 = arith.constant 1 : i32
      %dma_wait3A_82 = arith.constant 128 : i32
      %dma_wait3A_83 = arith.constant 0 : i32
      %dma_wait3A_84 = tpu.memref_slice %arg6[%dma_wait3A_82, %dma_wait3A_83] : memref<256x128xf32, #tpu.memory_space<vmem>> -> memref<128x128xf32, #tpu.memory_space<vmem>>
      %dma_wait3A_85 = arith.constant 0 : i32
      %dma_wait3A_86 = tpu.memref_slice %arg5[%dma_wait3A_81, %dma_wait3A_85] : memref<8x128xi32, #tpu.memory_space<vmem>> -> memref<1x128xi32, #tpu.memory_space<vmem>>
      %dma_wait3A_87 = tpu.memref_squeeze %dma_wait3A_86 : memref<1x128xi32, #tpu.memory_space<vmem>> -> memref<128xi32, #tpu.memory_space<vmem>>
      %dma_wait3A_88 = arith.constant 0 : i32
      %dma_wait3A_89 = arith.constant 0 : i32
      %dma_wait3A_90 = tpu.memref_slice %arg3[%dma_wait3A_88, %dma_wait3A_89] : memref<100000x128xf32, #tpu.memory_space<hbm>> -> memref<100000x128xf32, #tpu.memory_space<hbm>>
      tpu.wait_indirect_dma semaphore(%arg8 : memref<!tpu.dma_semaphore, #tpu.memory_space<semaphore_mem>>) src(%dma_wait3A_90 : memref<100000x128xf32, #tpu.memory_space<hbm>>) dst(%dma_wait3A_84 : memref<128x128xf32, #tpu.memory_space<vmem>>)
      %add3A_91 = arith.constant 0 : i32
      %add3A_92 = arith.addi %mul3A_24, %add3A_91 : i32
      %dma_start3A_93 = arith.constant 0 : i32
      %dma_start3A_94 = tpu.memref_slice %arg4[%add3A_92, %dma_start3A_93] : memref<131072x128xf32, #tpu.memory_space<hbm>> -> memref<256x128xf32, #tpu.memory_space<hbm>>
      %dma_start3A_95 = arith.constant 0 : i32
      %dma_start3A_96 = tpu.memref_slice %arg4[%add3A_92, %dma_start3A_95] : memref<131072x128xf32, #tpu.memory_space<hbm>> -> memref<256x128xf32, #tpu.memory_space<hbm>>
      tpu.enqueue_dma source(%arg6 : memref<256x128xf32, #tpu.memory_space<vmem>>) target(%dma_start3A_96 : memref<256x128xf32, #tpu.memory_space<hbm>>) target_semaphore(%arg10 : memref<!tpu.dma_semaphore, #tpu.memory_space<semaphore_mem>>)
      %dma_wait3A_97 = arith.constant 0 : i32
      %dma_wait3A_98 = arith.constant 0 : i32
      %dma_wait3A_99 = tpu.memref_slice %arg4[%dma_wait3A_97, %dma_wait3A_98] : memref<131072x128xf32, #tpu.memory_space<hbm>> -> memref<256x128xf32, #tpu.memory_space<hbm>>
      %dma_wait3A_100 = arith.constant 0 : i32
      %dma_wait3A_101 = arith.constant 0 : i32
      %dma_wait3A_102 = tpu.memref_slice %arg4[%dma_wait3A_100, %dma_wait3A_101] : memref<131072x128xf32, #tpu.memory_space<hbm>> -> memref<256x128xf32, #tpu.memory_space<hbm>>
      tpu.wait_dma2 semaphore(%arg10 : memref<!tpu.dma_semaphore, #tpu.memory_space<semaphore_mem>>) src(%dma_wait3A_102 : memref<256x128xf32, #tpu.memory_space<hbm>>) dst(%arg6 : memref<256x128xf32, #tpu.memory_space<vmem>>)
      %dma_start3A_103 = arith.constant 4 : i32
      %dma_start3A_104 = arith.constant 0 : i32
      %dma_start3A_105 = arith.constant 0 : i32
      %dma_start3A_106 = tpu.memref_slice %arg6[%dma_start3A_104, %dma_start3A_105] : memref<256x128xf32, #tpu.memory_space<vmem>> -> memref<128x128xf32, #tpu.memory_space<vmem>>
      %dma_start3A_107 = arith.constant 0 : i32
      %dma_start3A_108 = tpu.memref_slice %arg5[%dma_start3A_103, %dma_start3A_107] : memref<8x128xi32, #tpu.memory_space<vmem>> -> memref<1x128xi32, #tpu.memory_space<vmem>>
      %dma_start3A_109 = tpu.memref_squeeze %dma_start3A_108 : memref<1x128xi32, #tpu.memory_space<vmem>> -> memref<128xi32, #tpu.memory_space<vmem>>
      %dma_start3A_110 = arith.constant 0 : i32
      %dma_start3A_111 = arith.constant 0 : i32
      %dma_start3A_112 = tpu.memref_slice %arg3[%dma_start3A_110, %dma_start3A_111] : memref<100000x128xf32, #tpu.memory_space<hbm>> -> memref<100000x128xf32, #tpu.memory_space<hbm>>
      tpu.enqueue_indirect_dma source(%dma_start3A_112 : memref<100000x128xf32, #tpu.memory_space<hbm>>) target(%dma_start3A_106 : memref<128x128xf32, #tpu.memory_space<vmem>>) offsets(%dma_start3A_109 : memref<128xi32, #tpu.memory_space<vmem>>) semaphore(%arg8 : memref<!tpu.dma_semaphore, #tpu.memory_space<semaphore_mem>>)
      %dma_start3A_113 = arith.constant 5 : i32
      %dma_start3A_114 = arith.constant 128 : i32
      %dma_start3A_115 = arith.constant 0 : i32
      %dma_start3A_116 = tpu.memref_slice %arg6[%dma_start3A_114, %dma_start3A_115] : memref<256x128xf32, #tpu.memory_space<vmem>> -> memref<128x128xf32, #tpu.memory_space<vmem>>
      %dma_start3A_117 = arith.constant 0 : i32
      %dma_start3A_118 = tpu.memref_slice %arg5[%dma_start3A_113, %dma_start3A_117] : memref<8x128xi32, #tpu.memory_space<vmem>> -> memref<1x128xi32, #tpu.memory_space<vmem>>
      %dma_start3A_119 = tpu.memref_squeeze %dma_start3A_118 : memref<1x128xi32, #tpu.memory_space<vmem>> -> memref<128xi32, #tpu.memory_space<vmem>>
      %dma_start3A_120 = arith.constant 0 : i32
      %dma_start3A_121 = arith.constant 0 : i32
      %dma_start3A_122 = tpu.memref_slice %arg3[%dma_start3A_120, %dma_start3A_121] : memref<100000x128xf32, #tpu.memory_space<hbm>> -> memref<100000x128xf32, #tpu.memory_space<hbm>>
      tpu.enqueue_indirect_dma source(%dma_start3A_122 : memref<100000x128xf32, #tpu.memory_space<hbm>>) target(%dma_start3A_116 : memref<128x128xf32, #tpu.memory_space<vmem>>) offsets(%dma_start3A_119 : memref<128xi32, #tpu.memory_space<vmem>>) semaphore(%arg8 : memref<!tpu.dma_semaphore, #tpu.memory_space<semaphore_mem>>)
      %dma_wait3A_123 = arith.constant 2 : i32
      %dma_wait3A_124 = arith.constant 0 : i32
      %dma_wait3A_125 = arith.constant 0 : i32
      %dma_wait3A_126 = tpu.memref_slice %arg7[%dma_wait3A_124, %dma_wait3A_125] : memref<256x128xf32, #tpu.memory_space<vmem>> -> memref<128x128xf32, #tpu.memory_space<vmem>>
      %dma_wait3A_127 = arith.constant 0 : i32
      %dma_wait3A_128 = tpu.memref_slice %arg5[%dma_wait3A_123, %dma_wait3A_127] : memref<8x128xi32, #tpu.memory_space<vmem>> -> memref<1x128xi32, #tpu.memory_space<vmem>>
      %dma_wait3A_129 = tpu.memref_squeeze %dma_wait3A_128 : memref<1x128xi32, #tpu.memory_space<vmem>> -> memref<128xi32, #tpu.memory_space<vmem>>
      %dma_wait3A_130 = arith.constant 0 : i32
      %dma_wait3A_131 = arith.constant 0 : i32
      %dma_wait3A_132 = tpu.memref_slice %arg3[%dma_wait3A_130, %dma_wait3A_131] : memref<100000x128xf32, #tpu.memory_space<hbm>> -> memref<100000x128xf32, #tpu.memory_space<hbm>>
      tpu.wait_indirect_dma semaphore(%arg9 : memref<!tpu.dma_semaphore, #tpu.memory_space<semaphore_mem>>) src(%dma_wait3A_132 : memref<100000x128xf32, #tpu.memory_space<hbm>>) dst(%dma_wait3A_126 : memref<128x128xf32, #tpu.memory_space<vmem>>)
      %dma_wait3A_133 = arith.constant 3 : i32
      %dma_wait3A_134 = arith.constant 128 : i32
      %dma_wait3A_135 = arith.constant 0 : i32
      %dma_wait3A_136 = tpu.memref_slice %arg7[%dma_wait3A_134, %dma_wait3A_135] : memref<256x128xf32, #tpu.memory_space<vmem>> -> memref<128x128xf32, #tpu.memory_space<vmem>>
      %dma_wait3A_137 = arith.constant 0 : i32
      %dma_wait3A_138 = tpu.memref_slice %arg5[%dma_wait3A_133, %dma_wait3A_137] : memref<8x128xi32, #tpu.memory_space<vmem>> -> memref<1x128xi32, #tpu.memory_space<vmem>>
      %dma_wait3A_139 = tpu.memref_squeeze %dma_wait3A_138 : memref<1x128xi32, #tpu.memory_space<vmem>> -> memref<128xi32, #tpu.memory_space<vmem>>
      %dma_wait3A_140 = arith.constant 0 : i32
      %dma_wait3A_141 = arith.constant 0 : i32
      %dma_wait3A_142 = tpu.memref_slice %arg3[%dma_wait3A_140, %dma_wait3A_141] : memref<100000x128xf32, #tpu.memory_space<hbm>> -> memref<100000x128xf32, #tpu.memory_space<hbm>>
      tpu.wait_indirect_dma semaphore(%arg9 : memref<!tpu.dma_semaphore, #tpu.memory_space<semaphore_mem>>) src(%dma_wait3A_142 : memref<100000x128xf32, #tpu.memory_space<hbm>>) dst(%dma_wait3A_136 : memref<128x128xf32, #tpu.memory_space<vmem>>)
      %add3A_143 = arith.constant 256 : i32
      %add3A_144 = arith.addi %mul3A_24, %add3A_143 : i32
      %dma_start3A_145 = arith.constant 0 : i32
      %dma_start3A_146 = tpu.memref_slice %arg4[%add3A_144, %dma_start3A_145] : memref<131072x128xf32, #tpu.memory_space<hbm>> -> memref<256x128xf32, #tpu.memory_space<hbm>>
      %dma_start3A_147 = arith.constant 0 : i32
      %dma_start3A_148 = tpu.memref_slice %arg4[%add3A_144, %dma_start3A_147] : memref<131072x128xf32, #tpu.memory_space<hbm>> -> memref<256x128xf32, #tpu.memory_space<hbm>>
      tpu.enqueue_dma source(%arg7 : memref<256x128xf32, #tpu.memory_space<vmem>>) target(%dma_start3A_148 : memref<256x128xf32, #tpu.memory_space<hbm>>) target_semaphore(%arg11 : memref<!tpu.dma_semaphore, #tpu.memory_space<semaphore_mem>>)
      %dma_wait3A_149 = arith.constant 0 : i32
      %dma_wait3A_150 = arith.constant 0 : i32
      %dma_wait3A_151 = tpu.memref_slice %arg4[%dma_wait3A_149, %dma_wait3A_150] : memref<131072x128xf32, #tpu.memory_space<hbm>> -> memref<256x128xf32, #tpu.memory_space<hbm>>
      %dma_wait3A_152 = arith.constant 0 : i32
      %dma_wait3A_153 = arith.constant 0 : i32
      %dma_wait3A_154 = tpu.memref_slice %arg4[%dma_wait3A_152, %dma_wait3A_153] : memref<131072x128xf32, #tpu.memory_space<hbm>> -> memref<256x128xf32, #tpu.memory_space<hbm>>
      tpu.wait_dma2 semaphore(%arg11 : memref<!tpu.dma_semaphore, #tpu.memory_space<semaphore_mem>>) src(%dma_wait3A_154 : memref<256x128xf32, #tpu.memory_space<hbm>>) dst(%arg7 : memref<256x128xf32, #tpu.memory_space<vmem>>)
      %dma_start3A_155 = arith.constant 6 : i32
      %dma_start3A_156 = arith.constant 0 : i32
      %dma_start3A_157 = arith.constant 0 : i32
      %dma_start3A_158 = tpu.memref_slice %arg7[%dma_start3A_156, %dma_start3A_157] : memref<256x128xf32, #tpu.memory_space<vmem>> -> memref<128x128xf32, #tpu.memory_space<vmem>>
      %dma_start3A_159 = arith.constant 0 : i32
      %dma_start3A_160 = tpu.memref_slice %arg5[%dma_start3A_155, %dma_start3A_159] : memref<8x128xi32, #tpu.memory_space<vmem>> -> memref<1x128xi32, #tpu.memory_space<vmem>>
      %dma_start3A_161 = tpu.memref_squeeze %dma_start3A_160 : memref<1x128xi32, #tpu.memory_space<vmem>> -> memref<128xi32, #tpu.memory_space<vmem>>
      %dma_start3A_162 = arith.constant 0 : i32
      %dma_start3A_163 = arith.constant 0 : i32
      %dma_start3A_164 = tpu.memref_slice %arg3[%dma_start3A_162, %dma_start3A_163] : memref<100000x128xf32, #tpu.memory_space<hbm>> -> memref<100000x128xf32, #tpu.memory_space<hbm>>
      tpu.enqueue_indirect_dma source(%dma_start3A_164 : memref<100000x128xf32, #tpu.memory_space<hbm>>) target(%dma_start3A_158 : memref<128x128xf32, #tpu.memory_space<vmem>>) offsets(%dma_start3A_161 : memref<128xi32, #tpu.memory_space<vmem>>) semaphore(%arg9 : memref<!tpu.dma_semaphore, #tpu.memory_space<semaphore_mem>>)
      %dma_start3A_165 = arith.constant 7 : i32
      %dma_start3A_166 = arith.constant 128 : i32
      %dma_start3A_167 = arith.constant 0 : i32
      %dma_start3A_168 = tpu.memref_slice %arg7[%dma_start3A_166, %dma_start3A_167] : memref<256x128xf32, #tpu.memory_space<vmem>> -> memref<128x128xf32, #tpu.memory_space<vmem>>
      %dma_start3A_169 = arith.constant 0 : i32
      %dma_start3A_170 = tpu.memref_slice %arg5[%dma_start3A_165, %dma_start3A_169] : memref<8x128xi32, #tpu.memory_space<vmem>> -> memref<1x128xi32, #tpu.memory_space<vmem>>
      %dma_start3A_171 = tpu.memref_squeeze %dma_start3A_170 : memref<1x128xi32, #tpu.memory_space<vmem>> -> memref<128xi32, #tpu.memory_space<vmem>>
      %dma_start3A_172 = arith.constant 0 : i32
      %dma_start3A_173 = arith.constant 0 : i32
      %dma_start3A_174 = tpu.memref_slice %arg3[%dma_start3A_172, %dma_start3A_173] : memref<100000x128xf32, #tpu.memory_space<hbm>> -> memref<100000x128xf32, #tpu.memory_space<hbm>>
      tpu.enqueue_indirect_dma source(%dma_start3A_174 : memref<100000x128xf32, #tpu.memory_space<hbm>>) target(%dma_start3A_168 : memref<128x128xf32, #tpu.memory_space<vmem>>) offsets(%dma_start3A_171 : memref<128xi32, #tpu.memory_space<vmem>>) semaphore(%arg9 : memref<!tpu.dma_semaphore, #tpu.memory_space<semaphore_mem>>)
      %dma_wait3A_175 = arith.constant 4 : i32
      %dma_wait3A_176 = arith.constant 0 : i32
      %dma_wait3A_177 = arith.constant 0 : i32
      %dma_wait3A_178 = tpu.memref_slice %arg6[%dma_wait3A_176, %dma_wait3A_177] : memref<256x128xf32, #tpu.memory_space<vmem>> -> memref<128x128xf32, #tpu.memory_space<vmem>>
      %dma_wait3A_179 = arith.constant 0 : i32
      %dma_wait3A_180 = tpu.memref_slice %arg5[%dma_wait3A_175, %dma_wait3A_179] : memref<8x128xi32, #tpu.memory_space<vmem>> -> memref<1x128xi32, #tpu.memory_space<vmem>>
      %dma_wait3A_181 = tpu.memref_squeeze %dma_wait3A_180 : memref<1x128xi32, #tpu.memory_space<vmem>> -> memref<128xi32, #tpu.memory_space<vmem>>
      %dma_wait3A_182 = arith.constant 0 : i32
      %dma_wait3A_183 = arith.constant 0 : i32
      %dma_wait3A_184 = tpu.memref_slice %arg3[%dma_wait3A_182, %dma_wait3A_183] : memref<100000x128xf32, #tpu.memory_space<hbm>> -> memref<100000x128xf32, #tpu.memory_space<hbm>>
      tpu.wait_indirect_dma semaphore(%arg8 : memref<!tpu.dma_semaphore, #tpu.memory_space<semaphore_mem>>) src(%dma_wait3A_184 : memref<100000x128xf32, #tpu.memory_space<hbm>>) dst(%dma_wait3A_178 : memref<128x128xf32, #tpu.memory_space<vmem>>)
      %dma_wait3A_185 = arith.constant 5 : i32
      %dma_wait3A_186 = arith.constant 128 : i32
      %dma_wait3A_187 = arith.constant 0 : i32
      %dma_wait3A_188 = tpu.memref_slice %arg6[%dma_wait3A_186, %dma_wait3A_187] : memref<256x128xf32, #tpu.memory_space<vmem>> -> memref<128x128xf32, #tpu.memory_space<vmem>>
      %dma_wait3A_189 = arith.constant 0 : i32
      %dma_wait3A_190 = tpu.memref_slice %arg5[%dma_wait3A_185, %dma_wait3A_189] : memref<8x128xi32, #tpu.memory_space<vmem>> -> memref<1x128xi32, #tpu.memory_space<vmem>>
      %dma_wait3A_191 = tpu.memref_squeeze %dma_wait3A_190 : memref<1x128xi32, #tpu.memory_space<vmem>> -> memref<128xi32, #tpu.memory_space<vmem>>
      %dma_wait3A_192 = arith.constant 0 : i32
      %dma_wait3A_193 = arith.constant 0 : i32
      %dma_wait3A_194 = tpu.memref_slice %arg3[%dma_wait3A_192, %dma_wait3A_193] : memref<100000x128xf32, #tpu.memory_space<hbm>> -> memref<100000x128xf32, #tpu.memory_space<hbm>>
      tpu.wait_indirect_dma semaphore(%arg8 : memref<!tpu.dma_semaphore, #tpu.memory_space<semaphore_mem>>) src(%dma_wait3A_194 : memref<100000x128xf32, #tpu.memory_space<hbm>>) dst(%dma_wait3A_188 : memref<128x128xf32, #tpu.memory_space<vmem>>)
      %add3A_195 = arith.constant 512 : i32
      %add3A_196 = arith.addi %mul3A_24, %add3A_195 : i32
      %dma_start3A_197 = arith.constant 0 : i32
      %dma_start3A_198 = tpu.memref_slice %arg4[%add3A_196, %dma_start3A_197] : memref<131072x128xf32, #tpu.memory_space<hbm>> -> memref<256x128xf32, #tpu.memory_space<hbm>>
      %dma_start3A_199 = arith.constant 0 : i32
      %dma_start3A_200 = tpu.memref_slice %arg4[%add3A_196, %dma_start3A_199] : memref<131072x128xf32, #tpu.memory_space<hbm>> -> memref<256x128xf32, #tpu.memory_space<hbm>>
      tpu.enqueue_dma source(%arg6 : memref<256x128xf32, #tpu.memory_space<vmem>>) target(%dma_start3A_200 : memref<256x128xf32, #tpu.memory_space<hbm>>) target_semaphore(%arg10 : memref<!tpu.dma_semaphore, #tpu.memory_space<semaphore_mem>>)
      %dma_wait3A_201 = arith.constant 6 : i32
      %dma_wait3A_202 = arith.constant 0 : i32
      %dma_wait3A_203 = arith.constant 0 : i32
      %dma_wait3A_204 = tpu.memref_slice %arg7[%dma_wait3A_202, %dma_wait3A_203] : memref<256x128xf32, #tpu.memory_space<vmem>> -> memref<128x128xf32, #tpu.memory_space<vmem>>
      %dma_wait3A_205 = arith.constant 0 : i32
      %dma_wait3A_206 = tpu.memref_slice %arg5[%dma_wait3A_201, %dma_wait3A_205] : memref<8x128xi32, #tpu.memory_space<vmem>> -> memref<1x128xi32, #tpu.memory_space<vmem>>
      %dma_wait3A_207 = tpu.memref_squeeze %dma_wait3A_206 : memref<1x128xi32, #tpu.memory_space<vmem>> -> memref<128xi32, #tpu.memory_space<vmem>>
      %dma_wait3A_208 = arith.constant 0 : i32
      %dma_wait3A_209 = arith.constant 0 : i32
      %dma_wait3A_210 = tpu.memref_slice %arg3[%dma_wait3A_208, %dma_wait3A_209] : memref<100000x128xf32, #tpu.memory_space<hbm>> -> memref<100000x128xf32, #tpu.memory_space<hbm>>
      tpu.wait_indirect_dma semaphore(%arg9 : memref<!tpu.dma_semaphore, #tpu.memory_space<semaphore_mem>>) src(%dma_wait3A_210 : memref<100000x128xf32, #tpu.memory_space<hbm>>) dst(%dma_wait3A_204 : memref<128x128xf32, #tpu.memory_space<vmem>>)
      %dma_wait3A_211 = arith.constant 7 : i32
      %dma_wait3A_212 = arith.constant 128 : i32
      %dma_wait3A_213 = arith.constant 0 : i32
      %dma_wait3A_214 = tpu.memref_slice %arg7[%dma_wait3A_212, %dma_wait3A_213] : memref<256x128xf32, #tpu.memory_space<vmem>> -> memref<128x128xf32, #tpu.memory_space<vmem>>
      %dma_wait3A_215 = arith.constant 0 : i32
      %dma_wait3A_216 = tpu.memref_slice %arg5[%dma_wait3A_211, %dma_wait3A_215] : memref<8x128xi32, #tpu.memory_space<vmem>> -> memref<1x128xi32, #tpu.memory_space<vmem>>
      %dma_wait3A_217 = tpu.memref_squeeze %dma_wait3A_216 : memref<1x128xi32, #tpu.memory_space<vmem>> -> memref<128xi32, #tpu.memory_space<vmem>>
      %dma_wait3A_218 = arith.constant 0 : i32
      %dma_wait3A_219 = arith.constant 0 : i32
      %dma_wait3A_220 = tpu.memref_slice %arg3[%dma_wait3A_218, %dma_wait3A_219] : memref<100000x128xf32, #tpu.memory_space<hbm>> -> memref<100000x128xf32, #tpu.memory_space<hbm>>
      tpu.wait_indirect_dma semaphore(%arg9 : memref<!tpu.dma_semaphore, #tpu.memory_space<semaphore_mem>>) src(%dma_wait3A_220 : memref<100000x128xf32, #tpu.memory_space<hbm>>) dst(%dma_wait3A_214 : memref<128x128xf32, #tpu.memory_space<vmem>>)
      %add3A_221 = arith.constant 768 : i32
      %add3A_222 = arith.addi %mul3A_24, %add3A_221 : i32
      %dma_start3A_223 = arith.constant 0 : i32
      %dma_start3A_224 = tpu.memref_slice %arg4[%add3A_222, %dma_start3A_223] : memref<131072x128xf32, #tpu.memory_space<hbm>> -> memref<256x128xf32, #tpu.memory_space<hbm>>
      %dma_start3A_225 = arith.constant 0 : i32
      %dma_start3A_226 = tpu.memref_slice %arg4[%add3A_222, %dma_start3A_225] : memref<131072x128xf32, #tpu.memory_space<hbm>> -> memref<256x128xf32, #tpu.memory_space<hbm>>
      tpu.enqueue_dma source(%arg7 : memref<256x128xf32, #tpu.memory_space<vmem>>) target(%dma_start3A_226 : memref<256x128xf32, #tpu.memory_space<hbm>>) target_semaphore(%arg11 : memref<!tpu.dma_semaphore, #tpu.memory_space<semaphore_mem>>)
    }
    %scan3A_7 = arith.constant 4 : i32
    %dma_wait3A = arith.constant 0 : i32
    %dma_wait3A_8 = arith.constant 0 : i32
    %dma_wait3A_9 = tpu.memref_slice %arg4[%dma_wait3A, %dma_wait3A_8] : memref<131072x128xf32, #tpu.memory_space<hbm>> -> memref<256x128xf32, #tpu.memory_space<hbm>>
    %dma_wait3A_10 = arith.constant 0 : i32
    %dma_wait3A_11 = arith.constant 0 : i32
    %dma_wait3A_12 = tpu.memref_slice %arg4[%dma_wait3A_10, %dma_wait3A_11] : memref<131072x128xf32, #tpu.memory_space<hbm>> -> memref<256x128xf32, #tpu.memory_space<hbm>>
    tpu.wait_dma2 semaphore(%arg10 : memref<!tpu.dma_semaphore, #tpu.memory_space<semaphore_mem>>) src(%dma_wait3A_12 : memref<256x128xf32, #tpu.memory_space<hbm>>) dst(%arg6 : memref<256x128xf32, #tpu.memory_space<vmem>>)
    %dma_wait3A_13 = arith.constant 0 : i32
    %dma_wait3A_14 = arith.constant 0 : i32
    %dma_wait3A_15 = tpu.memref_slice %arg4[%dma_wait3A_13, %dma_wait3A_14] : memref<131072x128xf32, #tpu.memory_space<hbm>> -> memref<256x128xf32, #tpu.memory_space<hbm>>
    %dma_wait3A_16 = arith.constant 0 : i32
    %dma_wait3A_17 = arith.constant 0 : i32
    %dma_wait3A_18 = tpu.memref_slice %arg4[%dma_wait3A_16, %dma_wait3A_17] : memref<131072x128xf32, #tpu.memory_space<hbm>> -> memref<256x128xf32, #tpu.memory_space<hbm>>
    tpu.wait_dma2 semaphore(%arg11 : memref<!tpu.dma_semaphore, #tpu.memory_space<semaphore_mem>>) src(%dma_wait3A_18 : memref<256x128xf32, #tpu.memory_space<hbm>>) dst(%arg7 : memref<256x128xf32, #tpu.memory_space<vmem>>)
    return
  }
}

#map = affine_map<(d0, d1) -> (0, 0)>
module attributes {stable_mosaic.version = 14 : i64} {
  func.func @sc_gather(%arg0: i32, %arg1: i32, %arg2: memref<1024x128xi32, #tpu.memory_space<hbm>>, %arg3: memref<100000x128xf32, #tpu.memory_space<hbm>>, %arg4: memref<131072x128xf32, #tpu.memory_space<hbm>>, %arg5: memref<8x128xi32, #tpu.memory_space<vmem>>, %arg6: memref<256x128xf32, #tpu.memory_space<vmem>>, %arg7: memref<256x128xf32, #tpu.memory_space<vmem>>, %arg8: memref<!tpu.dma_semaphore, #tpu.memory_space<semaphore_mem>>, %arg9: memref<!tpu.dma_semaphore, #tpu.memory_space<semaphore_mem>>, %arg10: memref<!tpu.dma_semaphore, #tpu.memory_space<semaphore_mem>>, %arg11: memref<!tpu.dma_semaphore, #tpu.memory_space<semaphore_mem>>) attributes {dimension_semantics = [#tpu.dimension_semantics<core_parallel>, #tpu.dimension_semantics<subcore_parallel>], iteration_bounds = array<i64: 2, 16>, scalar_prefetch = 0 : i64, scratch_operands = 7 : i64, tpu.core_type = #tpu.core_type<sc_vector_subcore>, window_params = [{transform_indices = #map}, {transform_indices = #map}, {transform_indices = #map}]} {
    %mul3A = arith.constant 2 : i32
    %mul3A_0 = arith.muli %arg1, %mul3A : i32
    %add3A = arith.addi %mul3A_0, %arg0 : i32
    %mul3A_1 = arith.constant 32 : i32
    %mul3A_2 = arith.muli %add3A, %mul3A_1 : i32
    %scan3A = arith.constant 0 : i32
    %scan3A_3 = arith.constant 0 : i32
    %scan3A_4 = arith.constant 4 : i32
    %scan3A_5 = arith.addi %scan3A_3, %scan3A_4 : i32
    %scan3A_6 = arith.constant 1 : i32
    scf.for %scan3A_19 = %scan3A_3 to %scan3A_5 step %scan3A_6  : i32 {
      %mul3A_20 = arith.constant 8 : i32
      %mul3A_21 = arith.muli %scan3A_19, %mul3A_20 : i32
      %add3A_22 = arith.addi %mul3A_2, %mul3A_21 : i32
      %mul3A_23 = arith.constant 128 : i32
      %mul3A_24 = arith.muli %add3A_22, %mul3A_23 : i32
      "tpu.region"() ({
        %run_scoped3A = tpu.sem_alloc : memref<!tpu.dma_semaphore, #tpu.memory_space<semaphore_mem>>
        %dma_start3A_227 = arith.constant 0 : i32
        %dma_start3A_228 = tpu.memref_slice %arg2[%add3A_22, %dma_start3A_227] : memref<1024x128xi32, #tpu.memory_space<hbm>> -> memref<8x128xi32, #tpu.memory_space<hbm>>
        %dma_start3A_229 = arith.constant 0 : i32
        %dma_start3A_230 = tpu.memref_slice %arg2[%add3A_22, %dma_start3A_229] : memref<1024x128xi32, #tpu.memory_space<hbm>> -> memref<8x128xi32, #tpu.memory_space<hbm>>
        tpu.enqueue_dma source(%dma_start3A_230 : memref<8x128xi32, #tpu.memory_space<hbm>>) target(%arg5 : memref<8x128xi32, #tpu.memory_space<vmem>>) target_semaphore(%run_scoped3A : memref<!tpu.dma_semaphore, #tpu.memory_space<semaphore_mem>>)
        %dma_wait3A_231 = arith.constant 0 : i32
        %dma_wait3A_232 = tpu.memref_slice %arg2[%add3A_22, %dma_wait3A_231] : memref<1024x128xi32, #tpu.memory_space<hbm>> -> memref<8x128xi32, #tpu.memory_space<hbm>>
        %dma_wait3A_233 = arith.constant 0 : i32
        %dma_wait3A_234 = tpu.memref_slice %arg2[%add3A_22, %dma_wait3A_233] : memref<1024x128xi32, #tpu.memory_space<hbm>> -> memref<8x128xi32, #tpu.memory_space<hbm>>
        tpu.wait_dma2 semaphore(%run_scoped3A : memref<!tpu.dma_semaphore, #tpu.memory_space<semaphore_mem>>) src(%dma_wait3A_234 : memref<8x128xi32, #tpu.memory_space<hbm>>) dst(%arg5 : memref<8x128xi32, #tpu.memory_space<vmem>>)
        tpu.yield
      }) : () -> ()
      %gt3A = arith.constant 0 : i32
      %gt3A_25 = arith.cmpi sgt, %scan3A_19, %gt3A : i32
      %convert_element_type3A = arith.extui %gt3A_25 : i1 to i32
      %cond3A = arith.constant 0 : i32
      %cond3A_26 = arith.cmpi ne, %convert_element_type3A, %cond3A : i32
      scf.if %cond3A_26 {
        %dma_wait3A_227 = arith.constant 0 : i32
        %dma_wait3A_228 = arith.constant 0 : i32
        %dma_wait3A_229 = tpu.memref_slice %arg4[%dma_wait3A_227, %dma_wait3A_228] : memref<131072x128xf32, #tpu.memory_space<hbm>> -> memref<256x128xf32, #tpu.memory_space<hbm>>
        %dma_wait3A_230 = arith.constant 0 : i32
        %dma_wait3A_231 = arith.constant 0 : i32
        %dma_wait3A_232 = tpu.memref_slice %arg4[%dma_wait3A_230, %dma_wait3A_231] : memref<131072x128xf32, #tpu.memory_space<hbm>> -> memref<256x128xf32, #tpu.memory_space<hbm>>
        tpu.wait_dma2 semaphore(%arg10 : memref<!tpu.dma_semaphore, #tpu.memory_space<semaphore_mem>>) src(%dma_wait3A_232 : memref<256x128xf32, #tpu.memory_space<hbm>>) dst(%arg6 : memref<256x128xf32, #tpu.memory_space<vmem>>)
      } else {
      }
      %dma_start3A = arith.constant 0 : i32
      %dma_start3A_27 = arith.constant 0 : i32
      %dma_start3A_28 = arith.constant 0 : i32
      %dma_start3A_29 = tpu.memref_slice %arg6[%dma_start3A_27, %dma_start3A_28] : memref<256x128xf32, #tpu.memory_space<vmem>> -> memref<128x128xf32, #tpu.memory_space<vmem>>
      %dma_start3A_30 = arith.constant 0 : i32
      %dma_start3A_31 = tpu.memref_slice %arg5[%dma_start3A, %dma_start3A_30] : memref<8x128xi32, #tpu.memory_space<vmem>> -> memref<1x128xi32, #tpu.memory_space<vmem>>
      %dma_start3A_32 = tpu.memref_squeeze %dma_start3A_31 : memref<1x128xi32, #tpu.memory_space<vmem>> -> memref<128xi32, #tpu.memory_space<vmem>>
      %dma_start3A_33 = arith.constant 0 : i32
      %dma_start3A_34 = arith.constant 0 : i32
      %dma_start3A_35 = tpu.memref_slice %arg3[%dma_start3A_33, %dma_start3A_34] : memref<100000x128xf32, #tpu.memory_space<hbm>> -> memref<100000x128xf32, #tpu.memory_space<hbm>>
      tpu.enqueue_indirect_dma source(%dma_start3A_35 : memref<100000x128xf32, #tpu.memory_space<hbm>>) target(%dma_start3A_29 : memref<128x128xf32, #tpu.memory_space<vmem>>) offsets(%dma_start3A_32 : memref<128xi32, #tpu.memory_space<vmem>>) semaphore(%arg8 : memref<!tpu.dma_semaphore, #tpu.memory_space<semaphore_mem>>)
      %dma_start3A_36 = arith.constant 1 : i32
      %dma_start3A_37 = arith.constant 128 : i32
      %dma_start3A_38 = arith.constant 0 : i32
      %dma_start3A_39 = tpu.memref_slice %arg6[%dma_start3A_37, %dma_start3A_38] : memref<256x128xf32, #tpu.memory_space<vmem>> -> memref<128x128xf32, #tpu.memory_space<vmem>>
      %dma_start3A_40 = arith.constant 0 : i32
      %dma_start3A_41 = tpu.memref_slice %arg5[%dma_start3A_36, %dma_start3A_40] : memref<8x128xi32, #tpu.memory_space<vmem>> -> memref<1x128xi32, #tpu.memory_space<vmem>>
      %dma_start3A_42 = tpu.memref_squeeze %dma_start3A_41 : memref<1x128xi32, #tpu.memory_space<vmem>> -> memref<128xi32, #tpu.memory_space<vmem>>
      %dma_start3A_43 = arith.constant 0 : i32
      %dma_start3A_44 = arith.constant 0 : i32
      %dma_start3A_45 = tpu.memref_slice %arg3[%dma_start3A_43, %dma_start3A_44] : memref<100000x128xf32, #tpu.memory_space<hbm>> -> memref<100000x128xf32, #tpu.memory_space<hbm>>
      tpu.enqueue_indirect_dma source(%dma_start3A_45 : memref<100000x128xf32, #tpu.memory_space<hbm>>) target(%dma_start3A_39 : memref<128x128xf32, #tpu.memory_space<vmem>>) offsets(%dma_start3A_42 : memref<128xi32, #tpu.memory_space<vmem>>) semaphore(%arg8 : memref<!tpu.dma_semaphore, #tpu.memory_space<semaphore_mem>>)
      %gt3A_46 = arith.constant 0 : i32
      %gt3A_47 = arith.cmpi sgt, %scan3A_19, %gt3A_46 : i32
      %convert_element_type3A_48 = arith.extui %gt3A_47 : i1 to i32
      %cond3A_49 = arith.constant 0 : i32
      %cond3A_50 = arith.cmpi ne, %convert_element_type3A_48, %cond3A_49 : i32
      scf.if %cond3A_50 {
        %dma_wait3A_227 = arith.constant 0 : i32
        %dma_wait3A_228 = arith.constant 0 : i32
        %dma_wait3A_229 = tpu.memref_slice %arg4[%dma_wait3A_227, %dma_wait3A_228] : memref<131072x128xf32, #tpu.memory_space<hbm>> -> memref<256x128xf32, #tpu.memory_space<hbm>>
        %dma_wait3A_230 = arith.constant 0 : i32
        %dma_wait3A_231 = arith.constant 0 : i32
        %dma_wait3A_232 = tpu.memref_slice %arg4[%dma_wait3A_230, %dma_wait3A_231] : memref<131072x128xf32, #tpu.memory_space<hbm>> -> memref<256x128xf32, #tpu.memory_space<hbm>>
        tpu.wait_dma2 semaphore(%arg11 : memref<!tpu.dma_semaphore, #tpu.memory_space<semaphore_mem>>) src(%dma_wait3A_232 : memref<256x128xf32, #tpu.memory_space<hbm>>) dst(%arg7 : memref<256x128xf32, #tpu.memory_space<vmem>>)
      } else {
      }
      %dma_start3A_51 = arith.constant 2 : i32
      %dma_start3A_52 = arith.constant 0 : i32
      %dma_start3A_53 = arith.constant 0 : i32
      %dma_start3A_54 = tpu.memref_slice %arg7[%dma_start3A_52, %dma_start3A_53] : memref<256x128xf32, #tpu.memory_space<vmem>> -> memref<128x128xf32, #tpu.memory_space<vmem>>
      %dma_start3A_55 = arith.constant 0 : i32
      %dma_start3A_56 = tpu.memref_slice %arg5[%dma_start3A_51, %dma_start3A_55] : memref<8x128xi32, #tpu.memory_space<vmem>> -> memref<1x128xi32, #tpu.memory_space<vmem>>
      %dma_start3A_57 = tpu.memref_squeeze %dma_start3A_56 : memref<1x128xi32, #tpu.memory_space<vmem>> -> memref<128xi32, #tpu.memory_space<vmem>>
      %dma_start3A_58 = arith.constant 0 : i32
      %dma_start3A_59 = arith.constant 0 : i32
      %dma_start3A_60 = tpu.memref_slice %arg3[%dma_start3A_58, %dma_start3A_59] : memref<100000x128xf32, #tpu.memory_space<hbm>> -> memref<100000x128xf32, #tpu.memory_space<hbm>>
      tpu.enqueue_indirect_dma source(%dma_start3A_60 : memref<100000x128xf32, #tpu.memory_space<hbm>>) target(%dma_start3A_54 : memref<128x128xf32, #tpu.memory_space<vmem>>) offsets(%dma_start3A_57 : memref<128xi32, #tpu.memory_space<vmem>>) semaphore(%arg9 : memref<!tpu.dma_semaphore, #tpu.memory_space<semaphore_mem>>)
      %dma_start3A_61 = arith.constant 3 : i32
      %dma_start3A_62 = arith.constant 128 : i32
      %dma_start3A_63 = arith.constant 0 : i32
      %dma_start3A_64 = tpu.memref_slice %arg7[%dma_start3A_62, %dma_start3A_63] : memref<256x128xf32, #tpu.memory_space<vmem>> -> memref<128x128xf32, #tpu.memory_space<vmem>>
      %dma_start3A_65 = arith.constant 0 : i32
      %dma_start3A_66 = tpu.memref_slice %arg5[%dma_start3A_61, %dma_start3A_65] : memref<8x128xi32, #tpu.memory_space<vmem>> -> memref<1x128xi32, #tpu.memory_space<vmem>>
      %dma_start3A_67 = tpu.memref_squeeze %dma_start3A_66 : memref<1x128xi32, #tpu.memory_space<vmem>> -> memref<128xi32, #tpu.memory_space<vmem>>
      %dma_start3A_68 = arith.constant 0 : i32
      %dma_start3A_69 = arith.constant 0 : i32
      %dma_start3A_70 = tpu.memref_slice %arg3[%dma_start3A_68, %dma_start3A_69] : memref<100000x128xf32, #tpu.memory_space<hbm>> -> memref<100000x128xf32, #tpu.memory_space<hbm>>
      tpu.enqueue_indirect_dma source(%dma_start3A_70 : memref<100000x128xf32, #tpu.memory_space<hbm>>) target(%dma_start3A_64 : memref<128x128xf32, #tpu.memory_space<vmem>>) offsets(%dma_start3A_67 : memref<128xi32, #tpu.memory_space<vmem>>) semaphore(%arg9 : memref<!tpu.dma_semaphore, #tpu.memory_space<semaphore_mem>>)
      %dma_wait3A_71 = arith.constant 0 : i32
      %dma_wait3A_72 = arith.constant 0 : i32
      %dma_wait3A_73 = arith.constant 0 : i32
      %dma_wait3A_74 = tpu.memref_slice %arg6[%dma_wait3A_72, %dma_wait3A_73] : memref<256x128xf32, #tpu.memory_space<vmem>> -> memref<128x128xf32, #tpu.memory_space<vmem>>
      %dma_wait3A_75 = arith.constant 0 : i32
      %dma_wait3A_76 = tpu.memref_slice %arg5[%dma_wait3A_71, %dma_wait3A_75] : memref<8x128xi32, #tpu.memory_space<vmem>> -> memref<1x128xi32, #tpu.memory_space<vmem>>
      %dma_wait3A_77 = tpu.memref_squeeze %dma_wait3A_76 : memref<1x128xi32, #tpu.memory_space<vmem>> -> memref<128xi32, #tpu.memory_space<vmem>>
      %dma_wait3A_78 = arith.constant 0 : i32
      %dma_wait3A_79 = arith.constant 0 : i32
      %dma_wait3A_80 = tpu.memref_slice %arg3[%dma_wait3A_78, %dma_wait3A_79] : memref<100000x128xf32, #tpu.memory_space<hbm>> -> memref<100000x128xf32, #tpu.memory_space<hbm>>
      tpu.wait_indirect_dma semaphore(%arg8 : memref<!tpu.dma_semaphore, #tpu.memory_space<semaphore_mem>>) src(%dma_wait3A_80 : memref<100000x128xf32, #tpu.memory_space<hbm>>) dst(%dma_wait3A_74 : memref<128x128xf32, #tpu.memory_space<vmem>>)
      %dma_wait3A_81 = arith.constant 1 : i32
      %dma_wait3A_82 = arith.constant 128 : i32
      %dma_wait3A_83 = arith.constant 0 : i32
      %dma_wait3A_84 = tpu.memref_slice %arg6[%dma_wait3A_82, %dma_wait3A_83] : memref<256x128xf32, #tpu.memory_space<vmem>> -> memref<128x128xf32, #tpu.memory_space<vmem>>
      %dma_wait3A_85 = arith.constant 0 : i32
      %dma_wait3A_86 = tpu.memref_slice %arg5[%dma_wait3A_81, %dma_wait3A_85] : memref<8x128xi32, #tpu.memory_space<vmem>> -> memref<1x128xi32, #tpu.memory_space<vmem>>
      %dma_wait3A_87 = tpu.memref_squeeze %dma_wait3A_86 : memref<1x128xi32, #tpu.memory_space<vmem>> -> memref<128xi32, #tpu.memory_space<vmem>>
      %dma_wait3A_88 = arith.constant 0 : i32
      %dma_wait3A_89 = arith.constant 0 : i32
      %dma_wait3A_90 = tpu.memref_slice %arg3[%dma_wait3A_88, %dma_wait3A_89] : memref<100000x128xf32, #tpu.memory_space<hbm>> -> memref<100000x128xf32, #tpu.memory_space<hbm>>
      tpu.wait_indirect_dma semaphore(%arg8 : memref<!tpu.dma_semaphore, #tpu.memory_space<semaphore_mem>>) src(%dma_wait3A_90 : memref<100000x128xf32, #tpu.memory_space<hbm>>) dst(%dma_wait3A_84 : memref<128x128xf32, #tpu.memory_space<vmem>>)
      %add3A_91 = arith.constant 0 : i32
      %add3A_92 = arith.addi %mul3A_24, %add3A_91 : i32
      %dma_start3A_93 = arith.constant 0 : i32
      %dma_start3A_94 = tpu.memref_slice %arg4[%add3A_92, %dma_start3A_93] : memref<131072x128xf32, #tpu.memory_space<hbm>> -> memref<256x128xf32, #tpu.memory_space<hbm>>
      %dma_start3A_95 = arith.constant 0 : i32
      %dma_start3A_96 = tpu.memref_slice %arg4[%add3A_92, %dma_start3A_95] : memref<131072x128xf32, #tpu.memory_space<hbm>> -> memref<256x128xf32, #tpu.memory_space<hbm>>
      tpu.enqueue_dma source(%arg6 : memref<256x128xf32, #tpu.memory_space<vmem>>) target(%dma_start3A_96 : memref<256x128xf32, #tpu.memory_space<hbm>>) target_semaphore(%arg10 : memref<!tpu.dma_semaphore, #tpu.memory_space<semaphore_mem>>)
      %dma_wait3A_97 = arith.constant 0 : i32
      %dma_wait3A_98 = arith.constant 0 : i32
      %dma_wait3A_99 = tpu.memref_slice %arg4[%dma_wait3A_97, %dma_wait3A_98] : memref<131072x128xf32, #tpu.memory_space<hbm>> -> memref<256x128xf32, #tpu.memory_space<hbm>>
      %dma_wait3A_100 = arith.constant 0 : i32
      %dma_wait3A_101 = arith.constant 0 : i32
      %dma_wait3A_102 = tpu.memref_slice %arg4[%dma_wait3A_100, %dma_wait3A_101] : memref<131072x128xf32, #tpu.memory_space<hbm>> -> memref<256x128xf32, #tpu.memory_space<hbm>>
      tpu.wait_dma2 semaphore(%arg10 : memref<!tpu.dma_semaphore, #tpu.memory_space<semaphore_mem>>) src(%dma_wait3A_102 : memref<256x128xf32, #tpu.memory_space<hbm>>) dst(%arg6 : memref<256x128xf32, #tpu.memory_space<vmem>>)
      %dma_start3A_103 = arith.constant 4 : i32
      %dma_start3A_104 = arith.constant 0 : i32
      %dma_start3A_105 = arith.constant 0 : i32
      %dma_start3A_106 = tpu.memref_slice %arg6[%dma_start3A_104, %dma_start3A_105] : memref<256x128xf32, #tpu.memory_space<vmem>> -> memref<128x128xf32, #tpu.memory_space<vmem>>
      %dma_start3A_107 = arith.constant 0 : i32
      %dma_start3A_108 = tpu.memref_slice %arg5[%dma_start3A_103, %dma_start3A_107] : memref<8x128xi32, #tpu.memory_space<vmem>> -> memref<1x128xi32, #tpu.memory_space<vmem>>
      %dma_start3A_109 = tpu.memref_squeeze %dma_start3A_108 : memref<1x128xi32, #tpu.memory_space<vmem>> -> memref<128xi32, #tpu.memory_space<vmem>>
      %dma_start3A_110 = arith.constant 0 : i32
      %dma_start3A_111 = arith.constant 0 : i32
      %dma_start3A_112 = tpu.memref_slice %arg3[%dma_start3A_110, %dma_start3A_111] : memref<100000x128xf32, #tpu.memory_space<hbm>> -> memref<100000x128xf32, #tpu.memory_space<hbm>>
      tpu.enqueue_indirect_dma source(%dma_start3A_112 : memref<100000x128xf32, #tpu.memory_space<hbm>>) target(%dma_start3A_106 : memref<128x128xf32, #tpu.memory_space<vmem>>) offsets(%dma_start3A_109 : memref<128xi32, #tpu.memory_space<vmem>>) semaphore(%arg8 : memref<!tpu.dma_semaphore, #tpu.memory_space<semaphore_mem>>)
      %dma_start3A_113 = arith.constant 5 : i32
      %dma_start3A_114 = arith.constant 128 : i32
      %dma_start3A_115 = arith.constant 0 : i32
      %dma_start3A_116 = tpu.memref_slice %arg6[%dma_start3A_114, %dma_start3A_115] : memref<256x128xf32, #tpu.memory_space<vmem>> -> memref<128x128xf32, #tpu.memory_space<vmem>>
      %dma_start3A_117 = arith.constant 0 : i32
      %dma_start3A_118 = tpu.memref_slice %arg5[%dma_start3A_113, %dma_start3A_117] : memref<8x128xi32, #tpu.memory_space<vmem>> -> memref<1x128xi32, #tpu.memory_space<vmem>>
      %dma_start3A_119 = tpu.memref_squeeze %dma_start3A_118 : memref<1x128xi32, #tpu.memory_space<vmem>> -> memref<128xi32, #tpu.memory_space<vmem>>
      %dma_start3A_120 = arith.constant 0 : i32
      %dma_start3A_121 = arith.constant 0 : i32
      %dma_start3A_122 = tpu.memref_slice %arg3[%dma_start3A_120, %dma_start3A_121] : memref<100000x128xf32, #tpu.memory_space<hbm>> -> memref<100000x128xf32, #tpu.memory_space<hbm>>
      tpu.enqueue_indirect_dma source(%dma_start3A_122 : memref<100000x128xf32, #tpu.memory_space<hbm>>) target(%dma_start3A_116 : memref<128x128xf32, #tpu.memory_space<vmem>>) offsets(%dma_start3A_119 : memref<128xi32, #tpu.memory_space<vmem>>) semaphore(%arg8 : memref<!tpu.dma_semaphore, #tpu.memory_space<semaphore_mem>>)
      %dma_wait3A_123 = arith.constant 2 : i32
      %dma_wait3A_124 = arith.constant 0 : i32
      %dma_wait3A_125 = arith.constant 0 : i32
      %dma_wait3A_126 = tpu.memref_slice %arg7[%dma_wait3A_124, %dma_wait3A_125] : memref<256x128xf32, #tpu.memory_space<vmem>> -> memref<128x128xf32, #tpu.memory_space<vmem>>
      %dma_wait3A_127 = arith.constant 0 : i32
      %dma_wait3A_128 = tpu.memref_slice %arg5[%dma_wait3A_123, %dma_wait3A_127] : memref<8x128xi32, #tpu.memory_space<vmem>> -> memref<1x128xi32, #tpu.memory_space<vmem>>
      %dma_wait3A_129 = tpu.memref_squeeze %dma_wait3A_128 : memref<1x128xi32, #tpu.memory_space<vmem>> -> memref<128xi32, #tpu.memory_space<vmem>>
      %dma_wait3A_130 = arith.constant 0 : i32
      %dma_wait3A_131 = arith.constant 0 : i32
      %dma_wait3A_132 = tpu.memref_slice %arg3[%dma_wait3A_130, %dma_wait3A_131] : memref<100000x128xf32, #tpu.memory_space<hbm>> -> memref<100000x128xf32, #tpu.memory_space<hbm>>
      tpu.wait_indirect_dma semaphore(%arg9 : memref<!tpu.dma_semaphore, #tpu.memory_space<semaphore_mem>>) src(%dma_wait3A_132 : memref<100000x128xf32, #tpu.memory_space<hbm>>) dst(%dma_wait3A_126 : memref<128x128xf32, #tpu.memory_space<vmem>>)
      %dma_wait3A_133 = arith.constant 3 : i32
      %dma_wait3A_134 = arith.constant 128 : i32
      %dma_wait3A_135 = arith.constant 0 : i32
      %dma_wait3A_136 = tpu.memref_slice %arg7[%dma_wait3A_134, %dma_wait3A_135] : memref<256x128xf32, #tpu.memory_space<vmem>> -> memref<128x128xf32, #tpu.memory_space<vmem>>
      %dma_wait3A_137 = arith.constant 0 : i32
      %dma_wait3A_138 = tpu.memref_slice %arg5[%dma_wait3A_133, %dma_wait3A_137] : memref<8x128xi32, #tpu.memory_space<vmem>> -> memref<1x128xi32, #tpu.memory_space<vmem>>
      %dma_wait3A_139 = tpu.memref_squeeze %dma_wait3A_138 : memref<1x128xi32, #tpu.memory_space<vmem>> -> memref<128xi32, #tpu.memory_space<vmem>>
      %dma_wait3A_140 = arith.constant 0 : i32
      %dma_wait3A_141 = arith.constant 0 : i32
      %dma_wait3A_142 = tpu.memref_slice %arg3[%dma_wait3A_140, %dma_wait3A_141] : memref<100000x128xf32, #tpu.memory_space<hbm>> -> memref<100000x128xf32, #tpu.memory_space<hbm>>
      tpu.wait_indirect_dma semaphore(%arg9 : memref<!tpu.dma_semaphore, #tpu.memory_space<semaphore_mem>>) src(%dma_wait3A_142 : memref<100000x128xf32, #tpu.memory_space<hbm>>) dst(%dma_wait3A_136 : memref<128x128xf32, #tpu.memory_space<vmem>>)
      %add3A_143 = arith.constant 256 : i32
      %add3A_144 = arith.addi %mul3A_24, %add3A_143 : i32
      %dma_start3A_145 = arith.constant 0 : i32
      %dma_start3A_146 = tpu.memref_slice %arg4[%add3A_144, %dma_start3A_145] : memref<131072x128xf32, #tpu.memory_space<hbm>> -> memref<256x128xf32, #tpu.memory_space<hbm>>
      %dma_start3A_147 = arith.constant 0 : i32
      %dma_start3A_148 = tpu.memref_slice %arg4[%add3A_144, %dma_start3A_147] : memref<131072x128xf32, #tpu.memory_space<hbm>> -> memref<256x128xf32, #tpu.memory_space<hbm>>
      tpu.enqueue_dma source(%arg7 : memref<256x128xf32, #tpu.memory_space<vmem>>) target(%dma_start3A_148 : memref<256x128xf32, #tpu.memory_space<hbm>>) target_semaphore(%arg11 : memref<!tpu.dma_semaphore, #tpu.memory_space<semaphore_mem>>)
      %dma_wait3A_149 = arith.constant 0 : i32
      %dma_wait3A_150 = arith.constant 0 : i32
      %dma_wait3A_151 = tpu.memref_slice %arg4[%dma_wait3A_149, %dma_wait3A_150] : memref<131072x128xf32, #tpu.memory_space<hbm>> -> memref<256x128xf32, #tpu.memory_space<hbm>>
      %dma_wait3A_152 = arith.constant 0 : i32
      %dma_wait3A_153 = arith.constant 0 : i32
      %dma_wait3A_154 = tpu.memref_slice %arg4[%dma_wait3A_152, %dma_wait3A_153] : memref<131072x128xf32, #tpu.memory_space<hbm>> -> memref<256x128xf32, #tpu.memory_space<hbm>>
      tpu.wait_dma2 semaphore(%arg11 : memref<!tpu.dma_semaphore, #tpu.memory_space<semaphore_mem>>) src(%dma_wait3A_154 : memref<256x128xf32, #tpu.memory_space<hbm>>) dst(%arg7 : memref<256x128xf32, #tpu.memory_space<vmem>>)
      %dma_start3A_155 = arith.constant 6 : i32
      %dma_start3A_156 = arith.constant 0 : i32
      %dma_start3A_157 = arith.constant 0 : i32
      %dma_start3A_158 = tpu.memref_slice %arg7[%dma_start3A_156, %dma_start3A_157] : memref<256x128xf32, #tpu.memory_space<vmem>> -> memref<128x128xf32, #tpu.memory_space<vmem>>
      %dma_start3A_159 = arith.constant 0 : i32
      %dma_start3A_160 = tpu.memref_slice %arg5[%dma_start3A_155, %dma_start3A_159] : memref<8x128xi32, #tpu.memory_space<vmem>> -> memref<1x128xi32, #tpu.memory_space<vmem>>
      %dma_start3A_161 = tpu.memref_squeeze %dma_start3A_160 : memref<1x128xi32, #tpu.memory_space<vmem>> -> memref<128xi32, #tpu.memory_space<vmem>>
      %dma_start3A_162 = arith.constant 0 : i32
      %dma_start3A_163 = arith.constant 0 : i32
      %dma_start3A_164 = tpu.memref_slice %arg3[%dma_start3A_162, %dma_start3A_163] : memref<100000x128xf32, #tpu.memory_space<hbm>> -> memref<100000x128xf32, #tpu.memory_space<hbm>>
      tpu.enqueue_indirect_dma source(%dma_start3A_164 : memref<100000x128xf32, #tpu.memory_space<hbm>>) target(%dma_start3A_158 : memref<128x128xf32, #tpu.memory_space<vmem>>) offsets(%dma_start3A_161 : memref<128xi32, #tpu.memory_space<vmem>>) semaphore(%arg9 : memref<!tpu.dma_semaphore, #tpu.memory_space<semaphore_mem>>)
      %dma_start3A_165 = arith.constant 7 : i32
      %dma_start3A_166 = arith.constant 128 : i32
      %dma_start3A_167 = arith.constant 0 : i32
      %dma_start3A_168 = tpu.memref_slice %arg7[%dma_start3A_166, %dma_start3A_167] : memref<256x128xf32, #tpu.memory_space<vmem>> -> memref<128x128xf32, #tpu.memory_space<vmem>>
      %dma_start3A_169 = arith.constant 0 : i32
      %dma_start3A_170 = tpu.memref_slice %arg5[%dma_start3A_165, %dma_start3A_169] : memref<8x128xi32, #tpu.memory_space<vmem>> -> memref<1x128xi32, #tpu.memory_space<vmem>>
      %dma_start3A_171 = tpu.memref_squeeze %dma_start3A_170 : memref<1x128xi32, #tpu.memory_space<vmem>> -> memref<128xi32, #tpu.memory_space<vmem>>
      %dma_start3A_172 = arith.constant 0 : i32
      %dma_start3A_173 = arith.constant 0 : i32
      %dma_start3A_174 = tpu.memref_slice %arg3[%dma_start3A_172, %dma_start3A_173] : memref<100000x128xf32, #tpu.memory_space<hbm>> -> memref<100000x128xf32, #tpu.memory_space<hbm>>
      tpu.enqueue_indirect_dma source(%dma_start3A_174 : memref<100000x128xf32, #tpu.memory_space<hbm>>) target(%dma_start3A_168 : memref<128x128xf32, #tpu.memory_space<vmem>>) offsets(%dma_start3A_171 : memref<128xi32, #tpu.memory_space<vmem>>) semaphore(%arg9 : memref<!tpu.dma_semaphore, #tpu.memory_space<semaphore_mem>>)
      %dma_wait3A_175 = arith.constant 4 : i32
      %dma_wait3A_176 = arith.constant 0 : i32
      %dma_wait3A_177 = arith.constant 0 : i32
      %dma_wait3A_178 = tpu.memref_slice %arg6[%dma_wait3A_176, %dma_wait3A_177] : memref<256x128xf32, #tpu.memory_space<vmem>> -> memref<128x128xf32, #tpu.memory_space<vmem>>
      %dma_wait3A_179 = arith.constant 0 : i32
      %dma_wait3A_180 = tpu.memref_slice %arg5[%dma_wait3A_175, %dma_wait3A_179] : memref<8x128xi32, #tpu.memory_space<vmem>> -> memref<1x128xi32, #tpu.memory_space<vmem>>
      %dma_wait3A_181 = tpu.memref_squeeze %dma_wait3A_180 : memref<1x128xi32, #tpu.memory_space<vmem>> -> memref<128xi32, #tpu.memory_space<vmem>>
      %dma_wait3A_182 = arith.constant 0 : i32
      %dma_wait3A_183 = arith.constant 0 : i32
      %dma_wait3A_184 = tpu.memref_slice %arg3[%dma_wait3A_182, %dma_wait3A_183] : memref<100000x128xf32, #tpu.memory_space<hbm>> -> memref<100000x128xf32, #tpu.memory_space<hbm>>
      tpu.wait_indirect_dma semaphore(%arg8 : memref<!tpu.dma_semaphore, #tpu.memory_space<semaphore_mem>>) src(%dma_wait3A_184 : memref<100000x128xf32, #tpu.memory_space<hbm>>) dst(%dma_wait3A_178 : memref<128x128xf32, #tpu.memory_space<vmem>>)
      %dma_wait3A_185 = arith.constant 5 : i32
      %dma_wait3A_186 = arith.constant 128 : i32
      %dma_wait3A_187 = arith.constant 0 : i32
      %dma_wait3A_188 = tpu.memref_slice %arg6[%dma_wait3A_186, %dma_wait3A_187] : memref<256x128xf32, #tpu.memory_space<vmem>> -> memref<128x128xf32, #tpu.memory_space<vmem>>
      %dma_wait3A_189 = arith.constant 0 : i32
      %dma_wait3A_190 = tpu.memref_slice %arg5[%dma_wait3A_185, %dma_wait3A_189] : memref<8x128xi32, #tpu.memory_space<vmem>> -> memref<1x128xi32, #tpu.memory_space<vmem>>
      %dma_wait3A_191 = tpu.memref_squeeze %dma_wait3A_190 : memref<1x128xi32, #tpu.memory_space<vmem>> -> memref<128xi32, #tpu.memory_space<vmem>>
      %dma_wait3A_192 = arith.constant 0 : i32
      %dma_wait3A_193 = arith.constant 0 : i32
      %dma_wait3A_194 = tpu.memref_slice %arg3[%dma_wait3A_192, %dma_wait3A_193] : memref<100000x128xf32, #tpu.memory_space<hbm>> -> memref<100000x128xf32, #tpu.memory_space<hbm>>
      tpu.wait_indirect_dma semaphore(%arg8 : memref<!tpu.dma_semaphore, #tpu.memory_space<semaphore_mem>>) src(%dma_wait3A_194 : memref<100000x128xf32, #tpu.memory_space<hbm>>) dst(%dma_wait3A_188 : memref<128x128xf32, #tpu.memory_space<vmem>>)
      %add3A_195 = arith.constant 512 : i32
      %add3A_196 = arith.addi %mul3A_24, %add3A_195 : i32
      %dma_start3A_197 = arith.constant 0 : i32
      %dma_start3A_198 = tpu.memref_slice %arg4[%add3A_196, %dma_start3A_197] : memref<131072x128xf32, #tpu.memory_space<hbm>> -> memref<256x128xf32, #tpu.memory_space<hbm>>
      %dma_start3A_199 = arith.constant 0 : i32
      %dma_start3A_200 = tpu.memref_slice %arg4[%add3A_196, %dma_start3A_199] : memref<131072x128xf32, #tpu.memory_space<hbm>> -> memref<256x128xf32, #tpu.memory_space<hbm>>
      tpu.enqueue_dma source(%arg6 : memref<256x128xf32, #tpu.memory_space<vmem>>) target(%dma_start3A_200 : memref<256x128xf32, #tpu.memory_space<hbm>>) target_semaphore(%arg10 : memref<!tpu.dma_semaphore, #tpu.memory_space<semaphore_mem>>)
      %dma_wait3A_201 = arith.constant 6 : i32
      %dma_wait3A_202 = arith.constant 0 : i32
      %dma_wait3A_203 = arith.constant 0 : i32
      %dma_wait3A_204 = tpu.memref_slice %arg7[%dma_wait3A_202, %dma_wait3A_203] : memref<256x128xf32, #tpu.memory_space<vmem>> -> memref<128x128xf32, #tpu.memory_space<vmem>>
      %dma_wait3A_205 = arith.constant 0 : i32
      %dma_wait3A_206 = tpu.memref_slice %arg5[%dma_wait3A_201, %dma_wait3A_205] : memref<8x128xi32, #tpu.memory_space<vmem>> -> memref<1x128xi32, #tpu.memory_space<vmem>>
      %dma_wait3A_207 = tpu.memref_squeeze %dma_wait3A_206 : memref<1x128xi32, #tpu.memory_space<vmem>> -> memref<128xi32, #tpu.memory_space<vmem>>
      %dma_wait3A_208 = arith.constant 0 : i32
      %dma_wait3A_209 = arith.constant 0 : i32
      %dma_wait3A_210 = tpu.memref_slice %arg3[%dma_wait3A_208, %dma_wait3A_209] : memref<100000x128xf32, #tpu.memory_space<hbm>> -> memref<100000x128xf32, #tpu.memory_space<hbm>>
      tpu.wait_indirect_dma semaphore(%arg9 : memref<!tpu.dma_semaphore, #tpu.memory_space<semaphore_mem>>) src(%dma_wait3A_210 : memref<100000x128xf32, #tpu.memory_space<hbm>>) dst(%dma_wait3A_204 : memref<128x128xf32, #tpu.memory_space<vmem>>)
      %dma_wait3A_211 = arith.constant 7 : i32
      %dma_wait3A_212 = arith.constant 128 : i32
      %dma_wait3A_213 = arith.constant 0 : i32
      %dma_wait3A_214 = tpu.memref_slice %arg7[%dma_wait3A_212, %dma_wait3A_213] : memref<256x128xf32, #tpu.memory_space<vmem>> -> memref<128x128xf32, #tpu.memory_space<vmem>>
      %dma_wait3A_215 = arith.constant 0 : i32
      %dma_wait3A_216 = tpu.memref_slice %arg5[%dma_wait3A_211, %dma_wait3A_215] : memref<8x128xi32, #tpu.memory_space<vmem>> -> memref<1x128xi32, #tpu.memory_space<vmem>>
      %dma_wait3A_217 = tpu.memref_squeeze %dma_wait3A_216 : memref<1x128xi32, #tpu.memory_space<vmem>> -> memref<128xi32, #tpu.memory_space<vmem>>
      %dma_wait3A_218 = arith.constant 0 : i32
      %dma_wait3A_219 = arith.constant 0 : i32
      %dma_wait3A_220 = tpu.memref_slice %arg3[%dma_wait3A_218, %dma_wait3A_219] : memref<100000x128xf32, #tpu.memory_space<hbm>> -> memref<100000x128xf32, #tpu.memory_space<hbm>>
      tpu.wait_indirect_dma semaphore(%arg9 : memref<!tpu.dma_semaphore, #tpu.memory_space<semaphore_mem>>) src(%dma_wait3A_220 : memref<100000x128xf32, #tpu.memory_space<hbm>>) dst(%dma_wait3A_214 : memref<128x128xf32, #tpu.memory_space<vmem>>)
      %add3A_221 = arith.constant 768 : i32
      %add3A_222 = arith.addi %mul3A_24, %add3A_221 : i32
      %dma_start3A_223 = arith.constant 0 : i32
      %dma_start3A_224 = tpu.memref_slice %arg4[%add3A_222, %dma_start3A_223] : memref<131072x128xf32, #tpu.memory_space<hbm>> -> memref<256x128xf32, #tpu.memory_space<hbm>>
      %dma_start3A_225 = arith.constant 0 : i32
      %dma_start3A_226 = tpu.memref_slice %arg4[%add3A_222, %dma_start3A_225] : memref<131072x128xf32, #tpu.memory_space<hbm>> -> memref<256x128xf32, #tpu.memory_space<hbm>>
      tpu.enqueue_dma source(%arg7 : memref<256x128xf32, #tpu.memory_space<vmem>>) target(%dma_start3A_226 : memref<256x128xf32, #tpu.memory_space<hbm>>) target_semaphore(%arg11 : memref<!tpu.dma_semaphore, #tpu.memory_space<semaphore_mem>>)
    }
    %scan3A_7 = arith.constant 4 : i32
    %dma_wait3A = arith.constant 0 : i32
    %dma_wait3A_8 = arith.constant 0 : i32
    %dma_wait3A_9 = tpu.memref_slice %arg4[%dma_wait3A, %dma_wait3A_8] : memref<131072x128xf32, #tpu.memory_space<hbm>> -> memref<256x128xf32, #tpu.memory_space<hbm>>
    %dma_wait3A_10 = arith.constant 0 : i32
    %dma_wait3A_11 = arith.constant 0 : i32
    %dma_wait3A_12 = tpu.memref_slice %arg4[%dma_wait3A_10, %dma_wait3A_11] : memref<131072x128xf32, #tpu.memory_space<hbm>> -> memref<256x128xf32, #tpu.memory_space<hbm>>
    tpu.wait_dma2 semaphore(%arg10 : memref<!tpu.dma_semaphore, #tpu.memory_space<semaphore_mem>>) src(%dma_wait3A_12 : memref<256x128xf32, #tpu.memory_space<hbm>>) dst(%arg6 : memref<256x128xf32, #tpu.memory_space<vmem>>)
    %dma_wait3A_13 = arith.constant 0 : i32
    %dma_wait3A_14 = arith.constant 0 : i32
    %dma_wait3A_15 = tpu.memref_slice %arg4[%dma_wait3A_13, %dma_wait3A_14] : memref<131072x128xf32, #tpu.memory_space<hbm>> -> memref<256x128xf32, #tpu.memory_space<hbm>>
    %dma_wait3A_16 = arith.constant 0 : i32
    %dma_wait3A_17 = arith.constant 0 : i32
    %dma_wait3A_18 = tpu.memref_slice %arg4[%dma_wait3A_16, %dma_wait3A_17] : memref<131072x128xf32, #tpu.memory_space<hbm>> -> memref<256x128xf32, #tpu.memory_space<hbm>>
    tpu.wait_dma2 semaphore(%arg11 : memref<!tpu.dma_semaphore, #tpu.memory_space<semaphore_mem>>) src(%dma_wait3A_18 : memref<256x128xf32, #tpu.memory_space<hbm>>) dst(%arg7 : memref<256x128xf32, #tpu.memory_space<vmem>>)
    return
  }
}

#map = affine_map<(d0, d1) -> (0, 0)>
module attributes {stable_mosaic.version = 14 : i64} {
  func.func @sc_gather(%arg0: i32, %arg1: i32, %arg2: memref<768x128xi32, #tpu.memory_space<hbm>>, %arg3: memref<100000x128xf32, #tpu.memory_space<hbm>>, %arg4: memref<98304x128xf32, #tpu.memory_space<hbm>>, %arg5: memref<8x128xi32, #tpu.memory_space<vmem>>, %arg6: memref<256x128xf32, #tpu.memory_space<vmem>>, %arg7: memref<256x128xf32, #tpu.memory_space<vmem>>, %arg8: memref<!tpu.dma_semaphore, #tpu.memory_space<semaphore_mem>>, %arg9: memref<!tpu.dma_semaphore, #tpu.memory_space<semaphore_mem>>, %arg10: memref<!tpu.dma_semaphore, #tpu.memory_space<semaphore_mem>>, %arg11: memref<!tpu.dma_semaphore, #tpu.memory_space<semaphore_mem>>) attributes {dimension_semantics = [#tpu.dimension_semantics<core_parallel>, #tpu.dimension_semantics<subcore_parallel>], iteration_bounds = array<i64: 2, 16>, scalar_prefetch = 0 : i64, scratch_operands = 7 : i64, tpu.core_type = #tpu.core_type<sc_vector_subcore>, window_params = [{transform_indices = #map}, {transform_indices = #map}, {transform_indices = #map}]} {
    %mul3A = arith.constant 2 : i32
    %mul3A_0 = arith.muli %arg1, %mul3A : i32
    %add3A = arith.addi %mul3A_0, %arg0 : i32
    %mul3A_1 = arith.constant 24 : i32
    %mul3A_2 = arith.muli %add3A, %mul3A_1 : i32
    %scan3A = arith.constant 0 : i32
    %scan3A_3 = arith.constant 0 : i32
    %scan3A_4 = arith.constant 3 : i32
    %scan3A_5 = arith.addi %scan3A_3, %scan3A_4 : i32
    %scan3A_6 = arith.constant 1 : i32
    scf.for %scan3A_19 = %scan3A_3 to %scan3A_5 step %scan3A_6  : i32 {
      %mul3A_20 = arith.constant 8 : i32
      %mul3A_21 = arith.muli %scan3A_19, %mul3A_20 : i32
      %add3A_22 = arith.addi %mul3A_2, %mul3A_21 : i32
      %mul3A_23 = arith.constant 128 : i32
      %mul3A_24 = arith.muli %add3A_22, %mul3A_23 : i32
      "tpu.region"() ({
        %run_scoped3A = tpu.sem_alloc : memref<!tpu.dma_semaphore, #tpu.memory_space<semaphore_mem>>
        %dma_start3A_227 = arith.constant 0 : i32
        %dma_start3A_228 = tpu.memref_slice %arg2[%add3A_22, %dma_start3A_227] : memref<768x128xi32, #tpu.memory_space<hbm>> -> memref<8x128xi32, #tpu.memory_space<hbm>>
        %dma_start3A_229 = arith.constant 0 : i32
        %dma_start3A_230 = tpu.memref_slice %arg2[%add3A_22, %dma_start3A_229] : memref<768x128xi32, #tpu.memory_space<hbm>> -> memref<8x128xi32, #tpu.memory_space<hbm>>
        tpu.enqueue_dma source(%dma_start3A_230 : memref<8x128xi32, #tpu.memory_space<hbm>>) target(%arg5 : memref<8x128xi32, #tpu.memory_space<vmem>>) target_semaphore(%run_scoped3A : memref<!tpu.dma_semaphore, #tpu.memory_space<semaphore_mem>>)
        %dma_wait3A_231 = arith.constant 0 : i32
        %dma_wait3A_232 = tpu.memref_slice %arg2[%add3A_22, %dma_wait3A_231] : memref<768x128xi32, #tpu.memory_space<hbm>> -> memref<8x128xi32, #tpu.memory_space<hbm>>
        %dma_wait3A_233 = arith.constant 0 : i32
        %dma_wait3A_234 = tpu.memref_slice %arg2[%add3A_22, %dma_wait3A_233] : memref<768x128xi32, #tpu.memory_space<hbm>> -> memref<8x128xi32, #tpu.memory_space<hbm>>
        tpu.wait_dma2 semaphore(%run_scoped3A : memref<!tpu.dma_semaphore, #tpu.memory_space<semaphore_mem>>) src(%dma_wait3A_234 : memref<8x128xi32, #tpu.memory_space<hbm>>) dst(%arg5 : memref<8x128xi32, #tpu.memory_space<vmem>>)
        tpu.yield
      }) : () -> ()
      %gt3A = arith.constant 0 : i32
      %gt3A_25 = arith.cmpi sgt, %scan3A_19, %gt3A : i32
      %convert_element_type3A = arith.extui %gt3A_25 : i1 to i32
      %cond3A = arith.constant 0 : i32
      %cond3A_26 = arith.cmpi ne, %convert_element_type3A, %cond3A : i32
      scf.if %cond3A_26 {
        %dma_wait3A_227 = arith.constant 0 : i32
        %dma_wait3A_228 = arith.constant 0 : i32
        %dma_wait3A_229 = tpu.memref_slice %arg4[%dma_wait3A_227, %dma_wait3A_228] : memref<98304x128xf32, #tpu.memory_space<hbm>> -> memref<256x128xf32, #tpu.memory_space<hbm>>
        %dma_wait3A_230 = arith.constant 0 : i32
        %dma_wait3A_231 = arith.constant 0 : i32
        %dma_wait3A_232 = tpu.memref_slice %arg4[%dma_wait3A_230, %dma_wait3A_231] : memref<98304x128xf32, #tpu.memory_space<hbm>> -> memref<256x128xf32, #tpu.memory_space<hbm>>
        tpu.wait_dma2 semaphore(%arg10 : memref<!tpu.dma_semaphore, #tpu.memory_space<semaphore_mem>>) src(%dma_wait3A_232 : memref<256x128xf32, #tpu.memory_space<hbm>>) dst(%arg6 : memref<256x128xf32, #tpu.memory_space<vmem>>)
      } else {
      }
      %dma_start3A = arith.constant 0 : i32
      %dma_start3A_27 = arith.constant 0 : i32
      %dma_start3A_28 = arith.constant 0 : i32
      %dma_start3A_29 = tpu.memref_slice %arg6[%dma_start3A_27, %dma_start3A_28] : memref<256x128xf32, #tpu.memory_space<vmem>> -> memref<128x128xf32, #tpu.memory_space<vmem>>
      %dma_start3A_30 = arith.constant 0 : i32
      %dma_start3A_31 = tpu.memref_slice %arg5[%dma_start3A, %dma_start3A_30] : memref<8x128xi32, #tpu.memory_space<vmem>> -> memref<1x128xi32, #tpu.memory_space<vmem>>
      %dma_start3A_32 = tpu.memref_squeeze %dma_start3A_31 : memref<1x128xi32, #tpu.memory_space<vmem>> -> memref<128xi32, #tpu.memory_space<vmem>>
      %dma_start3A_33 = arith.constant 0 : i32
      %dma_start3A_34 = arith.constant 0 : i32
      %dma_start3A_35 = tpu.memref_slice %arg3[%dma_start3A_33, %dma_start3A_34] : memref<100000x128xf32, #tpu.memory_space<hbm>> -> memref<100000x128xf32, #tpu.memory_space<hbm>>
      tpu.enqueue_indirect_dma source(%dma_start3A_35 : memref<100000x128xf32, #tpu.memory_space<hbm>>) target(%dma_start3A_29 : memref<128x128xf32, #tpu.memory_space<vmem>>) offsets(%dma_start3A_32 : memref<128xi32, #tpu.memory_space<vmem>>) semaphore(%arg8 : memref<!tpu.dma_semaphore, #tpu.memory_space<semaphore_mem>>)
      %dma_start3A_36 = arith.constant 1 : i32
      %dma_start3A_37 = arith.constant 128 : i32
      %dma_start3A_38 = arith.constant 0 : i32
      %dma_start3A_39 = tpu.memref_slice %arg6[%dma_start3A_37, %dma_start3A_38] : memref<256x128xf32, #tpu.memory_space<vmem>> -> memref<128x128xf32, #tpu.memory_space<vmem>>
      %dma_start3A_40 = arith.constant 0 : i32
      %dma_start3A_41 = tpu.memref_slice %arg5[%dma_start3A_36, %dma_start3A_40] : memref<8x128xi32, #tpu.memory_space<vmem>> -> memref<1x128xi32, #tpu.memory_space<vmem>>
      %dma_start3A_42 = tpu.memref_squeeze %dma_start3A_41 : memref<1x128xi32, #tpu.memory_space<vmem>> -> memref<128xi32, #tpu.memory_space<vmem>>
      %dma_start3A_43 = arith.constant 0 : i32
      %dma_start3A_44 = arith.constant 0 : i32
      %dma_start3A_45 = tpu.memref_slice %arg3[%dma_start3A_43, %dma_start3A_44] : memref<100000x128xf32, #tpu.memory_space<hbm>> -> memref<100000x128xf32, #tpu.memory_space<hbm>>
      tpu.enqueue_indirect_dma source(%dma_start3A_45 : memref<100000x128xf32, #tpu.memory_space<hbm>>) target(%dma_start3A_39 : memref<128x128xf32, #tpu.memory_space<vmem>>) offsets(%dma_start3A_42 : memref<128xi32, #tpu.memory_space<vmem>>) semaphore(%arg8 : memref<!tpu.dma_semaphore, #tpu.memory_space<semaphore_mem>>)
      %gt3A_46 = arith.constant 0 : i32
      %gt3A_47 = arith.cmpi sgt, %scan3A_19, %gt3A_46 : i32
      %convert_element_type3A_48 = arith.extui %gt3A_47 : i1 to i32
      %cond3A_49 = arith.constant 0 : i32
      %cond3A_50 = arith.cmpi ne, %convert_element_type3A_48, %cond3A_49 : i32
      scf.if %cond3A_50 {
        %dma_wait3A_227 = arith.constant 0 : i32
        %dma_wait3A_228 = arith.constant 0 : i32
        %dma_wait3A_229 = tpu.memref_slice %arg4[%dma_wait3A_227, %dma_wait3A_228] : memref<98304x128xf32, #tpu.memory_space<hbm>> -> memref<256x128xf32, #tpu.memory_space<hbm>>
        %dma_wait3A_230 = arith.constant 0 : i32
        %dma_wait3A_231 = arith.constant 0 : i32
        %dma_wait3A_232 = tpu.memref_slice %arg4[%dma_wait3A_230, %dma_wait3A_231] : memref<98304x128xf32, #tpu.memory_space<hbm>> -> memref<256x128xf32, #tpu.memory_space<hbm>>
        tpu.wait_dma2 semaphore(%arg11 : memref<!tpu.dma_semaphore, #tpu.memory_space<semaphore_mem>>) src(%dma_wait3A_232 : memref<256x128xf32, #tpu.memory_space<hbm>>) dst(%arg7 : memref<256x128xf32, #tpu.memory_space<vmem>>)
      } else {
      }
      %dma_start3A_51 = arith.constant 2 : i32
      %dma_start3A_52 = arith.constant 0 : i32
      %dma_start3A_53 = arith.constant 0 : i32
      %dma_start3A_54 = tpu.memref_slice %arg7[%dma_start3A_52, %dma_start3A_53] : memref<256x128xf32, #tpu.memory_space<vmem>> -> memref<128x128xf32, #tpu.memory_space<vmem>>
      %dma_start3A_55 = arith.constant 0 : i32
      %dma_start3A_56 = tpu.memref_slice %arg5[%dma_start3A_51, %dma_start3A_55] : memref<8x128xi32, #tpu.memory_space<vmem>> -> memref<1x128xi32, #tpu.memory_space<vmem>>
      %dma_start3A_57 = tpu.memref_squeeze %dma_start3A_56 : memref<1x128xi32, #tpu.memory_space<vmem>> -> memref<128xi32, #tpu.memory_space<vmem>>
      %dma_start3A_58 = arith.constant 0 : i32
      %dma_start3A_59 = arith.constant 0 : i32
      %dma_start3A_60 = tpu.memref_slice %arg3[%dma_start3A_58, %dma_start3A_59] : memref<100000x128xf32, #tpu.memory_space<hbm>> -> memref<100000x128xf32, #tpu.memory_space<hbm>>
      tpu.enqueue_indirect_dma source(%dma_start3A_60 : memref<100000x128xf32, #tpu.memory_space<hbm>>) target(%dma_start3A_54 : memref<128x128xf32, #tpu.memory_space<vmem>>) offsets(%dma_start3A_57 : memref<128xi32, #tpu.memory_space<vmem>>) semaphore(%arg9 : memref<!tpu.dma_semaphore, #tpu.memory_space<semaphore_mem>>)
      %dma_start3A_61 = arith.constant 3 : i32
      %dma_start3A_62 = arith.constant 128 : i32
      %dma_start3A_63 = arith.constant 0 : i32
      %dma_start3A_64 = tpu.memref_slice %arg7[%dma_start3A_62, %dma_start3A_63] : memref<256x128xf32, #tpu.memory_space<vmem>> -> memref<128x128xf32, #tpu.memory_space<vmem>>
      %dma_start3A_65 = arith.constant 0 : i32
      %dma_start3A_66 = tpu.memref_slice %arg5[%dma_start3A_61, %dma_start3A_65] : memref<8x128xi32, #tpu.memory_space<vmem>> -> memref<1x128xi32, #tpu.memory_space<vmem>>
      %dma_start3A_67 = tpu.memref_squeeze %dma_start3A_66 : memref<1x128xi32, #tpu.memory_space<vmem>> -> memref<128xi32, #tpu.memory_space<vmem>>
      %dma_start3A_68 = arith.constant 0 : i32
      %dma_start3A_69 = arith.constant 0 : i32
      %dma_start3A_70 = tpu.memref_slice %arg3[%dma_start3A_68, %dma_start3A_69] : memref<100000x128xf32, #tpu.memory_space<hbm>> -> memref<100000x128xf32, #tpu.memory_space<hbm>>
      tpu.enqueue_indirect_dma source(%dma_start3A_70 : memref<100000x128xf32, #tpu.memory_space<hbm>>) target(%dma_start3A_64 : memref<128x128xf32, #tpu.memory_space<vmem>>) offsets(%dma_start3A_67 : memref<128xi32, #tpu.memory_space<vmem>>) semaphore(%arg9 : memref<!tpu.dma_semaphore, #tpu.memory_space<semaphore_mem>>)
      %dma_wait3A_71 = arith.constant 0 : i32
      %dma_wait3A_72 = arith.constant 0 : i32
      %dma_wait3A_73 = arith.constant 0 : i32
      %dma_wait3A_74 = tpu.memref_slice %arg6[%dma_wait3A_72, %dma_wait3A_73] : memref<256x128xf32, #tpu.memory_space<vmem>> -> memref<128x128xf32, #tpu.memory_space<vmem>>
      %dma_wait3A_75 = arith.constant 0 : i32
      %dma_wait3A_76 = tpu.memref_slice %arg5[%dma_wait3A_71, %dma_wait3A_75] : memref<8x128xi32, #tpu.memory_space<vmem>> -> memref<1x128xi32, #tpu.memory_space<vmem>>
      %dma_wait3A_77 = tpu.memref_squeeze %dma_wait3A_76 : memref<1x128xi32, #tpu.memory_space<vmem>> -> memref<128xi32, #tpu.memory_space<vmem>>
      %dma_wait3A_78 = arith.constant 0 : i32
      %dma_wait3A_79 = arith.constant 0 : i32
      %dma_wait3A_80 = tpu.memref_slice %arg3[%dma_wait3A_78, %dma_wait3A_79] : memref<100000x128xf32, #tpu.memory_space<hbm>> -> memref<100000x128xf32, #tpu.memory_space<hbm>>
      tpu.wait_indirect_dma semaphore(%arg8 : memref<!tpu.dma_semaphore, #tpu.memory_space<semaphore_mem>>) src(%dma_wait3A_80 : memref<100000x128xf32, #tpu.memory_space<hbm>>) dst(%dma_wait3A_74 : memref<128x128xf32, #tpu.memory_space<vmem>>)
      %dma_wait3A_81 = arith.constant 1 : i32
      %dma_wait3A_82 = arith.constant 128 : i32
      %dma_wait3A_83 = arith.constant 0 : i32
      %dma_wait3A_84 = tpu.memref_slice %arg6[%dma_wait3A_82, %dma_wait3A_83] : memref<256x128xf32, #tpu.memory_space<vmem>> -> memref<128x128xf32, #tpu.memory_space<vmem>>
      %dma_wait3A_85 = arith.constant 0 : i32
      %dma_wait3A_86 = tpu.memref_slice %arg5[%dma_wait3A_81, %dma_wait3A_85] : memref<8x128xi32, #tpu.memory_space<vmem>> -> memref<1x128xi32, #tpu.memory_space<vmem>>
      %dma_wait3A_87 = tpu.memref_squeeze %dma_wait3A_86 : memref<1x128xi32, #tpu.memory_space<vmem>> -> memref<128xi32, #tpu.memory_space<vmem>>
      %dma_wait3A_88 = arith.constant 0 : i32
      %dma_wait3A_89 = arith.constant 0 : i32
      %dma_wait3A_90 = tpu.memref_slice %arg3[%dma_wait3A_88, %dma_wait3A_89] : memref<100000x128xf32, #tpu.memory_space<hbm>> -> memref<100000x128xf32, #tpu.memory_space<hbm>>
      tpu.wait_indirect_dma semaphore(%arg8 : memref<!tpu.dma_semaphore, #tpu.memory_space<semaphore_mem>>) src(%dma_wait3A_90 : memref<100000x128xf32, #tpu.memory_space<hbm>>) dst(%dma_wait3A_84 : memref<128x128xf32, #tpu.memory_space<vmem>>)
      %add3A_91 = arith.constant 0 : i32
      %add3A_92 = arith.addi %mul3A_24, %add3A_91 : i32
      %dma_start3A_93 = arith.constant 0 : i32
      %dma_start3A_94 = tpu.memref_slice %arg4[%add3A_92, %dma_start3A_93] : memref<98304x128xf32, #tpu.memory_space<hbm>> -> memref<256x128xf32, #tpu.memory_space<hbm>>
      %dma_start3A_95 = arith.constant 0 : i32
      %dma_start3A_96 = tpu.memref_slice %arg4[%add3A_92, %dma_start3A_95] : memref<98304x128xf32, #tpu.memory_space<hbm>> -> memref<256x128xf32, #tpu.memory_space<hbm>>
      tpu.enqueue_dma source(%arg6 : memref<256x128xf32, #tpu.memory_space<vmem>>) target(%dma_start3A_96 : memref<256x128xf32, #tpu.memory_space<hbm>>) target_semaphore(%arg10 : memref<!tpu.dma_semaphore, #tpu.memory_space<semaphore_mem>>)
      %dma_wait3A_97 = arith.constant 0 : i32
      %dma_wait3A_98 = arith.constant 0 : i32
      %dma_wait3A_99 = tpu.memref_slice %arg4[%dma_wait3A_97, %dma_wait3A_98] : memref<98304x128xf32, #tpu.memory_space<hbm>> -> memref<256x128xf32, #tpu.memory_space<hbm>>
      %dma_wait3A_100 = arith.constant 0 : i32
      %dma_wait3A_101 = arith.constant 0 : i32
      %dma_wait3A_102 = tpu.memref_slice %arg4[%dma_wait3A_100, %dma_wait3A_101] : memref<98304x128xf32, #tpu.memory_space<hbm>> -> memref<256x128xf32, #tpu.memory_space<hbm>>
      tpu.wait_dma2 semaphore(%arg10 : memref<!tpu.dma_semaphore, #tpu.memory_space<semaphore_mem>>) src(%dma_wait3A_102 : memref<256x128xf32, #tpu.memory_space<hbm>>) dst(%arg6 : memref<256x128xf32, #tpu.memory_space<vmem>>)
      %dma_start3A_103 = arith.constant 4 : i32
      %dma_start3A_104 = arith.constant 0 : i32
      %dma_start3A_105 = arith.constant 0 : i32
      %dma_start3A_106 = tpu.memref_slice %arg6[%dma_start3A_104, %dma_start3A_105] : memref<256x128xf32, #tpu.memory_space<vmem>> -> memref<128x128xf32, #tpu.memory_space<vmem>>
      %dma_start3A_107 = arith.constant 0 : i32
      %dma_start3A_108 = tpu.memref_slice %arg5[%dma_start3A_103, %dma_start3A_107] : memref<8x128xi32, #tpu.memory_space<vmem>> -> memref<1x128xi32, #tpu.memory_space<vmem>>
      %dma_start3A_109 = tpu.memref_squeeze %dma_start3A_108 : memref<1x128xi32, #tpu.memory_space<vmem>> -> memref<128xi32, #tpu.memory_space<vmem>>
      %dma_start3A_110 = arith.constant 0 : i32
      %dma_start3A_111 = arith.constant 0 : i32
      %dma_start3A_112 = tpu.memref_slice %arg3[%dma_start3A_110, %dma_start3A_111] : memref<100000x128xf32, #tpu.memory_space<hbm>> -> memref<100000x128xf32, #tpu.memory_space<hbm>>
      tpu.enqueue_indirect_dma source(%dma_start3A_112 : memref<100000x128xf32, #tpu.memory_space<hbm>>) target(%dma_start3A_106 : memref<128x128xf32, #tpu.memory_space<vmem>>) offsets(%dma_start3A_109 : memref<128xi32, #tpu.memory_space<vmem>>) semaphore(%arg8 : memref<!tpu.dma_semaphore, #tpu.memory_space<semaphore_mem>>)
      %dma_start3A_113 = arith.constant 5 : i32
      %dma_start3A_114 = arith.constant 128 : i32
      %dma_start3A_115 = arith.constant 0 : i32
      %dma_start3A_116 = tpu.memref_slice %arg6[%dma_start3A_114, %dma_start3A_115] : memref<256x128xf32, #tpu.memory_space<vmem>> -> memref<128x128xf32, #tpu.memory_space<vmem>>
      %dma_start3A_117 = arith.constant 0 : i32
      %dma_start3A_118 = tpu.memref_slice %arg5[%dma_start3A_113, %dma_start3A_117] : memref<8x128xi32, #tpu.memory_space<vmem>> -> memref<1x128xi32, #tpu.memory_space<vmem>>
      %dma_start3A_119 = tpu.memref_squeeze %dma_start3A_118 : memref<1x128xi32, #tpu.memory_space<vmem>> -> memref<128xi32, #tpu.memory_space<vmem>>
      %dma_start3A_120 = arith.constant 0 : i32
      %dma_start3A_121 = arith.constant 0 : i32
      %dma_start3A_122 = tpu.memref_slice %arg3[%dma_start3A_120, %dma_start3A_121] : memref<100000x128xf32, #tpu.memory_space<hbm>> -> memref<100000x128xf32, #tpu.memory_space<hbm>>
      tpu.enqueue_indirect_dma source(%dma_start3A_122 : memref<100000x128xf32, #tpu.memory_space<hbm>>) target(%dma_start3A_116 : memref<128x128xf32, #tpu.memory_space<vmem>>) offsets(%dma_start3A_119 : memref<128xi32, #tpu.memory_space<vmem>>) semaphore(%arg8 : memref<!tpu.dma_semaphore, #tpu.memory_space<semaphore_mem>>)
      %dma_wait3A_123 = arith.constant 2 : i32
      %dma_wait3A_124 = arith.constant 0 : i32
      %dma_wait3A_125 = arith.constant 0 : i32
      %dma_wait3A_126 = tpu.memref_slice %arg7[%dma_wait3A_124, %dma_wait3A_125] : memref<256x128xf32, #tpu.memory_space<vmem>> -> memref<128x128xf32, #tpu.memory_space<vmem>>
      %dma_wait3A_127 = arith.constant 0 : i32
      %dma_wait3A_128 = tpu.memref_slice %arg5[%dma_wait3A_123, %dma_wait3A_127] : memref<8x128xi32, #tpu.memory_space<vmem>> -> memref<1x128xi32, #tpu.memory_space<vmem>>
      %dma_wait3A_129 = tpu.memref_squeeze %dma_wait3A_128 : memref<1x128xi32, #tpu.memory_space<vmem>> -> memref<128xi32, #tpu.memory_space<vmem>>
      %dma_wait3A_130 = arith.constant 0 : i32
      %dma_wait3A_131 = arith.constant 0 : i32
      %dma_wait3A_132 = tpu.memref_slice %arg3[%dma_wait3A_130, %dma_wait3A_131] : memref<100000x128xf32, #tpu.memory_space<hbm>> -> memref<100000x128xf32, #tpu.memory_space<hbm>>
      tpu.wait_indirect_dma semaphore(%arg9 : memref<!tpu.dma_semaphore, #tpu.memory_space<semaphore_mem>>) src(%dma_wait3A_132 : memref<100000x128xf32, #tpu.memory_space<hbm>>) dst(%dma_wait3A_126 : memref<128x128xf32, #tpu.memory_space<vmem>>)
      %dma_wait3A_133 = arith.constant 3 : i32
      %dma_wait3A_134 = arith.constant 128 : i32
      %dma_wait3A_135 = arith.constant 0 : i32
      %dma_wait3A_136 = tpu.memref_slice %arg7[%dma_wait3A_134, %dma_wait3A_135] : memref<256x128xf32, #tpu.memory_space<vmem>> -> memref<128x128xf32, #tpu.memory_space<vmem>>
      %dma_wait3A_137 = arith.constant 0 : i32
      %dma_wait3A_138 = tpu.memref_slice %arg5[%dma_wait3A_133, %dma_wait3A_137] : memref<8x128xi32, #tpu.memory_space<vmem>> -> memref<1x128xi32, #tpu.memory_space<vmem>>
      %dma_wait3A_139 = tpu.memref_squeeze %dma_wait3A_138 : memref<1x128xi32, #tpu.memory_space<vmem>> -> memref<128xi32, #tpu.memory_space<vmem>>
      %dma_wait3A_140 = arith.constant 0 : i32
      %dma_wait3A_141 = arith.constant 0 : i32
      %dma_wait3A_142 = tpu.memref_slice %arg3[%dma_wait3A_140, %dma_wait3A_141] : memref<100000x128xf32, #tpu.memory_space<hbm>> -> memref<100000x128xf32, #tpu.memory_space<hbm>>
      tpu.wait_indirect_dma semaphore(%arg9 : memref<!tpu.dma_semaphore, #tpu.memory_space<semaphore_mem>>) src(%dma_wait3A_142 : memref<100000x128xf32, #tpu.memory_space<hbm>>) dst(%dma_wait3A_136 : memref<128x128xf32, #tpu.memory_space<vmem>>)
      %add3A_143 = arith.constant 256 : i32
      %add3A_144 = arith.addi %mul3A_24, %add3A_143 : i32
      %dma_start3A_145 = arith.constant 0 : i32
      %dma_start3A_146 = tpu.memref_slice %arg4[%add3A_144, %dma_start3A_145] : memref<98304x128xf32, #tpu.memory_space<hbm>> -> memref<256x128xf32, #tpu.memory_space<hbm>>
      %dma_start3A_147 = arith.constant 0 : i32
      %dma_start3A_148 = tpu.memref_slice %arg4[%add3A_144, %dma_start3A_147] : memref<98304x128xf32, #tpu.memory_space<hbm>> -> memref<256x128xf32, #tpu.memory_space<hbm>>
      tpu.enqueue_dma source(%arg7 : memref<256x128xf32, #tpu.memory_space<vmem>>) target(%dma_start3A_148 : memref<256x128xf32, #tpu.memory_space<hbm>>) target_semaphore(%arg11 : memref<!tpu.dma_semaphore, #tpu.memory_space<semaphore_mem>>)
      %dma_wait3A_149 = arith.constant 0 : i32
      %dma_wait3A_150 = arith.constant 0 : i32
      %dma_wait3A_151 = tpu.memref_slice %arg4[%dma_wait3A_149, %dma_wait3A_150] : memref<98304x128xf32, #tpu.memory_space<hbm>> -> memref<256x128xf32, #tpu.memory_space<hbm>>
      %dma_wait3A_152 = arith.constant 0 : i32
      %dma_wait3A_153 = arith.constant 0 : i32
      %dma_wait3A_154 = tpu.memref_slice %arg4[%dma_wait3A_152, %dma_wait3A_153] : memref<98304x128xf32, #tpu.memory_space<hbm>> -> memref<256x128xf32, #tpu.memory_space<hbm>>
      tpu.wait_dma2 semaphore(%arg11 : memref<!tpu.dma_semaphore, #tpu.memory_space<semaphore_mem>>) src(%dma_wait3A_154 : memref<256x128xf32, #tpu.memory_space<hbm>>) dst(%arg7 : memref<256x128xf32, #tpu.memory_space<vmem>>)
      %dma_start3A_155 = arith.constant 6 : i32
      %dma_start3A_156 = arith.constant 0 : i32
      %dma_start3A_157 = arith.constant 0 : i32
      %dma_start3A_158 = tpu.memref_slice %arg7[%dma_start3A_156, %dma_start3A_157] : memref<256x128xf32, #tpu.memory_space<vmem>> -> memref<128x128xf32, #tpu.memory_space<vmem>>
      %dma_start3A_159 = arith.constant 0 : i32
      %dma_start3A_160 = tpu.memref_slice %arg5[%dma_start3A_155, %dma_start3A_159] : memref<8x128xi32, #tpu.memory_space<vmem>> -> memref<1x128xi32, #tpu.memory_space<vmem>>
      %dma_start3A_161 = tpu.memref_squeeze %dma_start3A_160 : memref<1x128xi32, #tpu.memory_space<vmem>> -> memref<128xi32, #tpu.memory_space<vmem>>
      %dma_start3A_162 = arith.constant 0 : i32
      %dma_start3A_163 = arith.constant 0 : i32
      %dma_start3A_164 = tpu.memref_slice %arg3[%dma_start3A_162, %dma_start3A_163] : memref<100000x128xf32, #tpu.memory_space<hbm>> -> memref<100000x128xf32, #tpu.memory_space<hbm>>
      tpu.enqueue_indirect_dma source(%dma_start3A_164 : memref<100000x128xf32, #tpu.memory_space<hbm>>) target(%dma_start3A_158 : memref<128x128xf32, #tpu.memory_space<vmem>>) offsets(%dma_start3A_161 : memref<128xi32, #tpu.memory_space<vmem>>) semaphore(%arg9 : memref<!tpu.dma_semaphore, #tpu.memory_space<semaphore_mem>>)
      %dma_start3A_165 = arith.constant 7 : i32
      %dma_start3A_166 = arith.constant 128 : i32
      %dma_start3A_167 = arith.constant 0 : i32
      %dma_start3A_168 = tpu.memref_slice %arg7[%dma_start3A_166, %dma_start3A_167] : memref<256x128xf32, #tpu.memory_space<vmem>> -> memref<128x128xf32, #tpu.memory_space<vmem>>
      %dma_start3A_169 = arith.constant 0 : i32
      %dma_start3A_170 = tpu.memref_slice %arg5[%dma_start3A_165, %dma_start3A_169] : memref<8x128xi32, #tpu.memory_space<vmem>> -> memref<1x128xi32, #tpu.memory_space<vmem>>
      %dma_start3A_171 = tpu.memref_squeeze %dma_start3A_170 : memref<1x128xi32, #tpu.memory_space<vmem>> -> memref<128xi32, #tpu.memory_space<vmem>>
      %dma_start3A_172 = arith.constant 0 : i32
      %dma_start3A_173 = arith.constant 0 : i32
      %dma_start3A_174 = tpu.memref_slice %arg3[%dma_start3A_172, %dma_start3A_173] : memref<100000x128xf32, #tpu.memory_space<hbm>> -> memref<100000x128xf32, #tpu.memory_space<hbm>>
      tpu.enqueue_indirect_dma source(%dma_start3A_174 : memref<100000x128xf32, #tpu.memory_space<hbm>>) target(%dma_start3A_168 : memref<128x128xf32, #tpu.memory_space<vmem>>) offsets(%dma_start3A_171 : memref<128xi32, #tpu.memory_space<vmem>>) semaphore(%arg9 : memref<!tpu.dma_semaphore, #tpu.memory_space<semaphore_mem>>)
      %dma_wait3A_175 = arith.constant 4 : i32
      %dma_wait3A_176 = arith.constant 0 : i32
      %dma_wait3A_177 = arith.constant 0 : i32
      %dma_wait3A_178 = tpu.memref_slice %arg6[%dma_wait3A_176, %dma_wait3A_177] : memref<256x128xf32, #tpu.memory_space<vmem>> -> memref<128x128xf32, #tpu.memory_space<vmem>>
      %dma_wait3A_179 = arith.constant 0 : i32
      %dma_wait3A_180 = tpu.memref_slice %arg5[%dma_wait3A_175, %dma_wait3A_179] : memref<8x128xi32, #tpu.memory_space<vmem>> -> memref<1x128xi32, #tpu.memory_space<vmem>>
      %dma_wait3A_181 = tpu.memref_squeeze %dma_wait3A_180 : memref<1x128xi32, #tpu.memory_space<vmem>> -> memref<128xi32, #tpu.memory_space<vmem>>
      %dma_wait3A_182 = arith.constant 0 : i32
      %dma_wait3A_183 = arith.constant 0 : i32
      %dma_wait3A_184 = tpu.memref_slice %arg3[%dma_wait3A_182, %dma_wait3A_183] : memref<100000x128xf32, #tpu.memory_space<hbm>> -> memref<100000x128xf32, #tpu.memory_space<hbm>>
      tpu.wait_indirect_dma semaphore(%arg8 : memref<!tpu.dma_semaphore, #tpu.memory_space<semaphore_mem>>) src(%dma_wait3A_184 : memref<100000x128xf32, #tpu.memory_space<hbm>>) dst(%dma_wait3A_178 : memref<128x128xf32, #tpu.memory_space<vmem>>)
      %dma_wait3A_185 = arith.constant 5 : i32
      %dma_wait3A_186 = arith.constant 128 : i32
      %dma_wait3A_187 = arith.constant 0 : i32
      %dma_wait3A_188 = tpu.memref_slice %arg6[%dma_wait3A_186, %dma_wait3A_187] : memref<256x128xf32, #tpu.memory_space<vmem>> -> memref<128x128xf32, #tpu.memory_space<vmem>>
      %dma_wait3A_189 = arith.constant 0 : i32
      %dma_wait3A_190 = tpu.memref_slice %arg5[%dma_wait3A_185, %dma_wait3A_189] : memref<8x128xi32, #tpu.memory_space<vmem>> -> memref<1x128xi32, #tpu.memory_space<vmem>>
      %dma_wait3A_191 = tpu.memref_squeeze %dma_wait3A_190 : memref<1x128xi32, #tpu.memory_space<vmem>> -> memref<128xi32, #tpu.memory_space<vmem>>
      %dma_wait3A_192 = arith.constant 0 : i32
      %dma_wait3A_193 = arith.constant 0 : i32
      %dma_wait3A_194 = tpu.memref_slice %arg3[%dma_wait3A_192, %dma_wait3A_193] : memref<100000x128xf32, #tpu.memory_space<hbm>> -> memref<100000x128xf32, #tpu.memory_space<hbm>>
      tpu.wait_indirect_dma semaphore(%arg8 : memref<!tpu.dma_semaphore, #tpu.memory_space<semaphore_mem>>) src(%dma_wait3A_194 : memref<100000x128xf32, #tpu.memory_space<hbm>>) dst(%dma_wait3A_188 : memref<128x128xf32, #tpu.memory_space<vmem>>)
      %add3A_195 = arith.constant 512 : i32
      %add3A_196 = arith.addi %mul3A_24, %add3A_195 : i32
      %dma_start3A_197 = arith.constant 0 : i32
      %dma_start3A_198 = tpu.memref_slice %arg4[%add3A_196, %dma_start3A_197] : memref<98304x128xf32, #tpu.memory_space<hbm>> -> memref<256x128xf32, #tpu.memory_space<hbm>>
      %dma_start3A_199 = arith.constant 0 : i32
      %dma_start3A_200 = tpu.memref_slice %arg4[%add3A_196, %dma_start3A_199] : memref<98304x128xf32, #tpu.memory_space<hbm>> -> memref<256x128xf32, #tpu.memory_space<hbm>>
      tpu.enqueue_dma source(%arg6 : memref<256x128xf32, #tpu.memory_space<vmem>>) target(%dma_start3A_200 : memref<256x128xf32, #tpu.memory_space<hbm>>) target_semaphore(%arg10 : memref<!tpu.dma_semaphore, #tpu.memory_space<semaphore_mem>>)
      %dma_wait3A_201 = arith.constant 6 : i32
      %dma_wait3A_202 = arith.constant 0 : i32
      %dma_wait3A_203 = arith.constant 0 : i32
      %dma_wait3A_204 = tpu.memref_slice %arg7[%dma_wait3A_202, %dma_wait3A_203] : memref<256x128xf32, #tpu.memory_space<vmem>> -> memref<128x128xf32, #tpu.memory_space<vmem>>
      %dma_wait3A_205 = arith.constant 0 : i32
      %dma_wait3A_206 = tpu.memref_slice %arg5[%dma_wait3A_201, %dma_wait3A_205] : memref<8x128xi32, #tpu.memory_space<vmem>> -> memref<1x128xi32, #tpu.memory_space<vmem>>
      %dma_wait3A_207 = tpu.memref_squeeze %dma_wait3A_206 : memref<1x128xi32, #tpu.memory_space<vmem>> -> memref<128xi32, #tpu.memory_space<vmem>>
      %dma_wait3A_208 = arith.constant 0 : i32
      %dma_wait3A_209 = arith.constant 0 : i32
      %dma_wait3A_210 = tpu.memref_slice %arg3[%dma_wait3A_208, %dma_wait3A_209] : memref<100000x128xf32, #tpu.memory_space<hbm>> -> memref<100000x128xf32, #tpu.memory_space<hbm>>
      tpu.wait_indirect_dma semaphore(%arg9 : memref<!tpu.dma_semaphore, #tpu.memory_space<semaphore_mem>>) src(%dma_wait3A_210 : memref<100000x128xf32, #tpu.memory_space<hbm>>) dst(%dma_wait3A_204 : memref<128x128xf32, #tpu.memory_space<vmem>>)
      %dma_wait3A_211 = arith.constant 7 : i32
      %dma_wait3A_212 = arith.constant 128 : i32
      %dma_wait3A_213 = arith.constant 0 : i32
      %dma_wait3A_214 = tpu.memref_slice %arg7[%dma_wait3A_212, %dma_wait3A_213] : memref<256x128xf32, #tpu.memory_space<vmem>> -> memref<128x128xf32, #tpu.memory_space<vmem>>
      %dma_wait3A_215 = arith.constant 0 : i32
      %dma_wait3A_216 = tpu.memref_slice %arg5[%dma_wait3A_211, %dma_wait3A_215] : memref<8x128xi32, #tpu.memory_space<vmem>> -> memref<1x128xi32, #tpu.memory_space<vmem>>
      %dma_wait3A_217 = tpu.memref_squeeze %dma_wait3A_216 : memref<1x128xi32, #tpu.memory_space<vmem>> -> memref<128xi32, #tpu.memory_space<vmem>>
      %dma_wait3A_218 = arith.constant 0 : i32
      %dma_wait3A_219 = arith.constant 0 : i32
      %dma_wait3A_220 = tpu.memref_slice %arg3[%dma_wait3A_218, %dma_wait3A_219] : memref<100000x128xf32, #tpu.memory_space<hbm>> -> memref<100000x128xf32, #tpu.memory_space<hbm>>
      tpu.wait_indirect_dma semaphore(%arg9 : memref<!tpu.dma_semaphore, #tpu.memory_space<semaphore_mem>>) src(%dma_wait3A_220 : memref<100000x128xf32, #tpu.memory_space<hbm>>) dst(%dma_wait3A_214 : memref<128x128xf32, #tpu.memory_space<vmem>>)
      %add3A_221 = arith.constant 768 : i32
      %add3A_222 = arith.addi %mul3A_24, %add3A_221 : i32
      %dma_start3A_223 = arith.constant 0 : i32
      %dma_start3A_224 = tpu.memref_slice %arg4[%add3A_222, %dma_start3A_223] : memref<98304x128xf32, #tpu.memory_space<hbm>> -> memref<256x128xf32, #tpu.memory_space<hbm>>
      %dma_start3A_225 = arith.constant 0 : i32
      %dma_start3A_226 = tpu.memref_slice %arg4[%add3A_222, %dma_start3A_225] : memref<98304x128xf32, #tpu.memory_space<hbm>> -> memref<256x128xf32, #tpu.memory_space<hbm>>
      tpu.enqueue_dma source(%arg7 : memref<256x128xf32, #tpu.memory_space<vmem>>) target(%dma_start3A_226 : memref<256x128xf32, #tpu.memory_space<hbm>>) target_semaphore(%arg11 : memref<!tpu.dma_semaphore, #tpu.memory_space<semaphore_mem>>)
    }
    %scan3A_7 = arith.constant 3 : i32
    %dma_wait3A = arith.constant 0 : i32
    %dma_wait3A_8 = arith.constant 0 : i32
    %dma_wait3A_9 = tpu.memref_slice %arg4[%dma_wait3A, %dma_wait3A_8] : memref<98304x128xf32, #tpu.memory_space<hbm>> -> memref<256x128xf32, #tpu.memory_space<hbm>>
    %dma_wait3A_10 = arith.constant 0 : i32
    %dma_wait3A_11 = arith.constant 0 : i32
    %dma_wait3A_12 = tpu.memref_slice %arg4[%dma_wait3A_10, %dma_wait3A_11] : memref<98304x128xf32, #tpu.memory_space<hbm>> -> memref<256x128xf32, #tpu.memory_space<hbm>>
    tpu.wait_dma2 semaphore(%arg10 : memref<!tpu.dma_semaphore, #tpu.memory_space<semaphore_mem>>) src(%dma_wait3A_12 : memref<256x128xf32, #tpu.memory_space<hbm>>) dst(%arg6 : memref<256x128xf32, #tpu.memory_space<vmem>>)
    %dma_wait3A_13 = arith.constant 0 : i32
    %dma_wait3A_14 = arith.constant 0 : i32
    %dma_wait3A_15 = tpu.memref_slice %arg4[%dma_wait3A_13, %dma_wait3A_14] : memref<98304x128xf32, #tpu.memory_space<hbm>> -> memref<256x128xf32, #tpu.memory_space<hbm>>
    %dma_wait3A_16 = arith.constant 0 : i32
    %dma_wait3A_17 = arith.constant 0 : i32
    %dma_wait3A_18 = tpu.memref_slice %arg4[%dma_wait3A_16, %dma_wait3A_17] : memref<98304x128xf32, #tpu.memory_space<hbm>> -> memref<256x128xf32, #tpu.memory_space<hbm>>
    tpu.wait_dma2 semaphore(%arg11 : memref<!tpu.dma_semaphore, #tpu.memory_space<semaphore_mem>>) src(%dma_wait3A_18 : memref<256x128xf32, #tpu.memory_space<hbm>>) dst(%arg7 : memref<256x128xf32, #tpu.memory_space<vmem>>)
    return
  }
}

module attributes {stable_mosaic.version = 14 : i64} {
  func.func @_proj_body(%arg0: i32, %arg1: memref<4000x64xf32, #tpu.memory_space<vmem>>, %arg2: memref<80x128xf32, #tpu.memory_space<vmem>>, %arg3: memref<4000x128xf32, #tpu.memory_space<vmem>>) attributes {dimension_semantics = [#tpu.dimension_semantics<arbitrary>], iteration_bounds = array<i64: 25>, scalar_prefetch = 0 : i64, scratch_operands = 0 : i64, tpu.core_type = #tpu.core_type<tc>, window_params = [{transform_indices = @transform_0, window_bounds = array<i64: 4000, 64>}, {pipeline_mode = #tpu.pipeline_mode<synchronous>, transform_indices = @transform_1, window_bounds = array<i64: 80, 128>}, {transform_indices = @transform_2, window_bounds = array<i64: 4000, 128>}]} {
    %get3A = arith.constant 0 : index
    %get3A_0 = arith.constant 0 : index
    %get3A_1 = vector.load %arg1[%get3A, %get3A_0] : memref<4000x64xf32, #tpu.memory_space<vmem>>, vector<4000x64xf32>
    %get3A_2 = arith.constant 0 : index
    %get3A_3 = arith.constant 0 : index
    %get3A_4 = vector.load %arg2[%get3A_2, %get3A_3] : memref<80x128xf32, #tpu.memory_space<vmem>>, vector<80x128xf32>
    %slice3A = vector.extract_strided_slice %get3A_4 {offsets = [0, 0], sizes = [64, 128], strides = [1, 1]} : vector<80x128xf32> to vector<64x128xf32>
    %dot_general3A = arith.constant dense<0.000000e+00> : vector<4000x128xf32>
    %dot_general3A_5 = tpu.matmul %get3A_1, %slice3A, %dot_general3A {dimension_numbers = #tpu.dot_dimension_numbers<[1], [0], [0], [1], [0, 0, 1, 1], [], []>, transpose_lhs_hint = false} : vector<4000x64xf32>, vector<64x128xf32>, vector<4000x128xf32> -> vector<4000x128xf32>
    %swap3A = arith.constant 0 : index
    %swap3A_6 = arith.constant 0 : index
    %swap3A_7 = vector.load %arg3[%swap3A, %swap3A_6] : memref<4000x128xf32, #tpu.memory_space<vmem>>, vector<4000x128xf32>
    tpu.vector_store %arg3[%swap3A, %swap3A_6], %dot_general3A_5 {strides = array<i32>} : memref<4000x128xf32, #tpu.memory_space<vmem>>, vector<4000x128xf32>,
    return
  }
  func.func @transform_0(%arg0: i32) -> (i32, i32) {
    %c0_i32 = arith.constant 0 : i32
    %c0_i32_0 = arith.constant 0 : i32
    return %arg0, %c0_i32 : i32, i32
  }
  func.func @transform_1(%arg0: i32) -> (i32, i32) {
    %c0_i32 = arith.constant 0 : i32
    %c0_i32_0 = arith.constant 0 : i32
    %c0_i32_1 = arith.constant 0 : i32
    return %c0_i32, %c0_i32_0 : i32, i32
  }
  func.func @transform_2(%arg0: i32) -> (i32, i32) {
    %c0_i32 = arith.constant 0 : i32
    %c0_i32_0 = arith.constant 0 : i32
    return %arg0, %c0_i32 : i32, i32
  }
}

module attributes {stable_mosaic.version = 14 : i64} {
  func.func @_tc_body(%arg0: i32, %arg1: memref<4096x128xf32, #tpu.memory_space<vmem>>, %arg2: memref<1x1x4096xi32, #tpu.memory_space<vmem>>, %arg3: memref<80x128xf32, #tpu.memory_space<vmem>>, %arg4: memref<1x128xf32, #tpu.memory_space<vmem>>, %arg5: memref<128x16xf32, #tpu.memory_space<vmem>>, %arg6: memref<4096x128xf32, #tpu.memory_space<vmem>>) attributes {dimension_semantics = [#tpu.dimension_semantics<arbitrary>], iteration_bounds = array<i64: 8>, scalar_prefetch = 0 : i64, scratch_operands = 0 : i64, tpu.core_type = #tpu.core_type<tc>, window_params = [{transform_indices = @transform_0, window_bounds = array<i64: 4096, 128>}, {transform_indices = @transform_1, window_bounds = array<i64: 1, 1, 4096>}, {pipeline_mode = #tpu.pipeline_mode<synchronous>, transform_indices = @transform_2, window_bounds = array<i64: 80, 128>}, {pipeline_mode = #tpu.pipeline_mode<synchronous>, transform_indices = @transform_3, window_bounds = array<i64: 1, 128>}, {pipeline_mode = #tpu.pipeline_mode<synchronous>, transform_indices = @transform_4, window_bounds = array<i64: 128, 16>}, {transform_indices = @transform_5, window_bounds = array<i64: 4096, 128>}]} {
    %get3A = arith.constant 0 : index
    %get3A_0 = arith.constant 0 : index
    %get3A_1 = vector.load %arg3[%get3A, %get3A_0] : memref<80x128xf32, #tpu.memory_space<vmem>>, vector<80x128xf32>
    %slice3A = vector.extract_strided_slice %get3A_1 {offsets = [64, 0], sizes = [16, 128], strides = [1, 1]} : vector<80x128xf32> to vector<16x128xf32>
    %get3A_2 = arith.constant 0 : index
    %get3A_3 = arith.constant 0 : index
    %get3A_4 = vector.load %arg5[%get3A_2, %get3A_3] : memref<128x16xf32, #tpu.memory_space<vmem>>, vector<128x16xf32>
    %dot_general3A = arith.constant dense<0.000000e+00> : vector<128x128xf32>
    %dot_general3A_5 = tpu.matmul %get3A_4, %slice3A, %dot_general3A {dimension_numbers = #tpu.dot_dimension_numbers<[1], [0], [0], [1], [0, 0, 1, 1], [], []>, transpose_lhs_hint = false} : vector<128x16xf32>, vector<16x128xf32>, vector<128x128xf32> -> vector<128x128xf32>
    %get3A_6 = arith.constant 0 : index
    %get3A_7 = arith.constant 0 : index
    %get3A_8 = arith.constant 0 : index
    %get3A_9 = vector.load %arg2[%get3A_6, %get3A_7, %get3A_8] : memref<1x1x4096xi32, #tpu.memory_space<vmem>>, vector<1x1x4096xi32>
    %get3A_10 = vector.shape_cast %get3A_9 : vector<1x1x4096xi32> to vector<1x4096xi32>
    %and3A = arith.constant 15 : i32
    %and3A_11 = vector.broadcast %and3A : i32 to vector<1x4096xi32>
    %and3A_12 = arith.andi %get3A_10, %and3A_11 : vector<1x4096xi32>
    %shift_right_arithmetic3A = arith.constant 4 : i32
    %shift_right_arithmetic3A_13 = vector.broadcast %shift_right_arithmetic3A : i32 to vector<1x4096xi32>
    %shift_right_arithmetic3A_14 = arith.shrsi %get3A_10, %shift_right_arithmetic3A_13 : vector<1x4096xi32>
    %and3A_15 = arith.constant 127 : i32
    %and3A_16 = vector.broadcast %and3A_15 : i32 to vector<1x4096xi32>
    %and3A_17 = arith.andi %shift_right_arithmetic3A_14, %and3A_16 : vector<1x4096xi32>
    %shift_right_arithmetic3A_18 = arith.constant 11 : i32
    %shift_right_arithmetic3A_19 = vector.broadcast %shift_right_arithmetic3A_18 : i32 to vector<1x4096xi32>
    %shift_right_arithmetic3A_20 = arith.shrsi %get3A_10, %shift_right_arithmetic3A_19 : vector<1x4096xi32>
    %iota3A = tpu.iota {dimensions = array<i32: 0>} : vector<128x4096xi32>
    %eq3A = vector.broadcast %and3A_12 : vector<1x4096xi32> to vector<128x4096xi32>
    %eq3A_21 = arith.cmpi eq, %iota3A, %eq3A : vector<128x4096xi32>
    %add3A = arith.constant 11 : i32
    %add3A_22 = vector.broadcast %add3A : i32 to vector<1x4096xi32>
    %add3A_23 = arith.addi %and3A_17, %add3A_22 : vector<1x4096xi32>
    %eq3A_24 = vector.broadcast %add3A_23 : vector<1x4096xi32> to vector<128x4096xi32>
    %eq3A_25 = arith.cmpi eq, %iota3A, %eq3A_24 : vector<128x4096xi32>
    %or3A = arith.ori %eq3A_21, %eq3A_25 : vector<128x4096xi1>
    %add3A_26 = arith.constant 111 : i32
    %add3A_27 = vector.broadcast %add3A_26 : i32 to vector<1x4096xi32>
    %add3A_28 = arith.addi %shift_right_arithmetic3A_20, %add3A_27 : vector<1x4096xi32>
    %eq3A_29 = vector.broadcast %add3A_28 : vector<1x4096xi32> to vector<128x4096xi32>
    %eq3A_30 = arith.cmpi eq, %iota3A, %eq3A_29 : vector<128x4096xi32>
    %or3A_31 = arith.ori %or3A, %eq3A_30 : vector<128x4096xi1>
    %jit3A = arith.constant 1.000000e+00 : f32
    %jit3A_32 = arith.constant 0.000000e+00 : f32
    %broadcast_in_dim3A = vector.broadcast %jit3A : f32 to vector<128x4096xf32>
    %broadcast_in_dim3A_33 = vector.broadcast %jit3A_32 : f32 to vector<128x4096xf32>
    %select_n3A = arith.select %or3A_31, %broadcast_in_dim3A, %broadcast_in_dim3A_33 : vector<128x4096xi1>, vector<128x4096xf32>
    %dot_general3A_34 = arith.constant dense<0.000000e+00> : vector<4096x128xf32>
    %dot_general3A_35 = tpu.matmul %select_n3A, %dot_general3A_5, %dot_general3A_34 {dimension_numbers = #tpu.dot_dimension_numbers<[0], [0], [1], [1], [0, 1, 1, 1], [], []>, transpose_lhs_hint = false} : vector<128x4096xf32>, vector<128x128xf32>, vector<4096x128xf32> -> vector<4096x128xf32>
    %get3A_36 = arith.constant 0 : index
    %get3A_37 = arith.constant 0 : index
    %get3A_38 = vector.load %arg1[%get3A_36, %get3A_37] : memref<4096x128xf32, #tpu.memory_space<vmem>>, vector<4096x128xf32>
    %add3A_39 = arith.addf %get3A_38, %dot_general3A_35 : vector<4096x128xf32>
    %get3A_40 = arith.constant 0 : index
    %get3A_41 = arith.constant 0 : index
    %get3A_42 = vector.load %arg4[%get3A_40, %get3A_41] : memref<1x128xf32, #tpu.memory_space<vmem>>, vector<1x128xf32>
    %add3A_43 = vector.broadcast %get3A_42 : vector<1x128xf32> to vector<4096x128xf32>
    %add3A_44 = arith.addf %add3A_39, %add3A_43 : vector<4096x128xf32>
    %tanh3A = math.tanh %add3A_44 : vector<4096x128xf32>
    %swap3A = arith.constant 0 : index
    %swap3A_45 = arith.constant 0 : index
    %swap3A_46 = vector.load %arg6[%swap3A, %swap3A_45] : memref<4096x128xf32, #tpu.memory_space<vmem>>, vector<4096x128xf32>
    tpu.vector_store %arg6[%swap3A, %swap3A_45], %tanh3A {strides = array<i32>} : memref<4096x128xf32, #tpu.memory_space<vmem>>, vector<4096x128xf32>,
    return
  }
  func.func @transform_0(%arg0: i32) -> (i32, i32) {
    %c0_i32 = arith.constant 0 : i32
    %c0_i32_0 = arith.constant 0 : i32
    return %arg0, %c0_i32 : i32, i32
  }
  func.func @transform_1(%arg0: i32) -> (i32, i32, i32) {
    %c0_i32 = arith.constant 0 : i32
    %c0_i32_0 = arith.constant 0 : i32
    %c0_i32_1 = arith.constant 0 : i32
    return %arg0, %c0_i32, %c0_i32_0 : i32, i32, i32
  }
  func.func @transform_2(%arg0: i32) -> (i32, i32) {
    %c0_i32 = arith.constant 0 : i32
    %c0_i32_0 = arith.constant 0 : i32
    %c0_i32_1 = arith.constant 0 : i32
    return %c0_i32, %c0_i32_0 : i32, i32
  }
  func.func @transform_3(%arg0: i32) -> (i32, i32) {
    %c0_i32 = arith.constant 0 : i32
    %c0_i32_0 = arith.constant 0 : i32
    %c0_i32_1 = arith.constant 0 : i32
    return %c0_i32, %c0_i32_0 : i32, i32
  }
  func.func @transform_4(%arg0: i32) -> (i32, i32) {
    %c0_i32 = arith.constant 0 : i32
    %c0_i32_0 = arith.constant 0 : i32
    %c0_i32_1 = arith.constant 0 : i32
    return %c0_i32, %c0_i32_0 : i32, i32
  }
  func.func @transform_5(%arg0: i32) -> (i32, i32) {
    %add3A = arith.constant 0 : i32
    %add3A_0 = arith.addi %arg0, %add3A : i32
    %c0_i32 = arith.constant 0 : i32
    %c0_i32_1 = arith.constant 0 : i32
    return %add3A_0, %c0_i32 : i32, i32
  }
}

module attributes {stable_mosaic.version = 14 : i64} {
  func.func @_tc_body_prev(%arg0: i32, %arg1: memref<819200x128xf32, #tpu.memory_space<any>>, %arg2: memref<4096x128xf32, #tpu.memory_space<vmem>>, %arg3: memref<1x1x4096xi32, #tpu.memory_space<vmem>>, %arg4: memref<80x128xf32, #tpu.memory_space<vmem>>, %arg5: memref<1x128xf32, #tpu.memory_space<vmem>>, %arg6: memref<128x16xf32, #tpu.memory_space<vmem>>, %arg7: memref<4096x128xf32, #tpu.memory_space<vmem>>) attributes {dimension_semantics = [#tpu.dimension_semantics<arbitrary>], iteration_bounds = array<i64: 16>, scalar_prefetch = 0 : i64, scratch_operands = 0 : i64, tpu.core_type = #tpu.core_type<tc>, window_params = [{}, {transform_indices = @transform_1, window_bounds = array<i64: 4096, 128>}, {transform_indices = @transform_2, window_bounds = array<i64: 1, 1, 4096>}, {pipeline_mode = #tpu.pipeline_mode<synchronous>, transform_indices = @transform_3, window_bounds = array<i64: 80, 128>}, {pipeline_mode = #tpu.pipeline_mode<synchronous>, transform_indices = @transform_4, window_bounds = array<i64: 1, 128>}, {pipeline_mode = #tpu.pipeline_mode<synchronous>, transform_indices = @transform_5, window_bounds = array<i64: 128, 16>}, {transform_indices = @transform_6, window_bounds = array<i64: 4096, 128>}]} {
    %get3A = arith.constant 0 : index
    %get3A_0 = arith.constant 0 : index
    %get3A_1 = vector.load %arg4[%get3A, %get3A_0] : memref<80x128xf32, #tpu.memory_space<vmem>>, vector<80x128xf32>
    %slice3A = vector.extract_strided_slice %get3A_1 {offsets = [64, 0], sizes = [16, 128], strides = [1, 1]} : vector<80x128xf32> to vector<16x128xf32>
    %get3A_2 = arith.constant 0 : index
    %get3A_3 = arith.constant 0 : index
    %get3A_4 = vector.load %arg6[%get3A_2, %get3A_3] : memref<128x16xf32, #tpu.memory_space<vmem>>, vector<128x16xf32>
    %dot_general3A = arith.constant dense<0.000000e+00> : vector<128x128xf32>
    %dot_general3A_5 = tpu.matmul %get3A_4, %slice3A, %dot_general3A {dimension_numbers = #tpu.dot_dimension_numbers<[1], [0], [0], [1], [0, 0, 1, 1], [], []>, transpose_lhs_hint = false} : vector<128x16xf32>, vector<16x128xf32>, vector<128x128xf32> -> vector<128x128xf32>
    %get3A_6 = arith.constant 0 : index
    %get3A_7 = arith.constant 0 : index
    %get3A_8 = arith.constant 0 : index
    %get3A_9 = vector.load %arg3[%get3A_6, %get3A_7, %get3A_8] : memref<1x1x4096xi32, #tpu.memory_space<vmem>>, vector<1x1x4096xi32>
    %get3A_10 = vector.shape_cast %get3A_9 : vector<1x1x4096xi32> to vector<1x4096xi32>
    %and3A = arith.constant 15 : i32
    %and3A_11 = vector.broadcast %and3A : i32 to vector<1x4096xi32>
    %and3A_12 = arith.andi %get3A_10, %and3A_11 : vector<1x4096xi32>
    %shift_right_arithmetic3A = arith.constant 4 : i32
    %shift_right_arithmetic3A_13 = vector.broadcast %shift_right_arithmetic3A : i32 to vector<1x4096xi32>
    %shift_right_arithmetic3A_14 = arith.shrsi %get3A_10, %shift_right_arithmetic3A_13 : vector<1x4096xi32>
    %and3A_15 = arith.constant 127 : i32
    %and3A_16 = vector.broadcast %and3A_15 : i32 to vector<1x4096xi32>
    %and3A_17 = arith.andi %shift_right_arithmetic3A_14, %and3A_16 : vector<1x4096xi32>
    %shift_right_arithmetic3A_18 = arith.constant 11 : i32
    %shift_right_arithmetic3A_19 = vector.broadcast %shift_right_arithmetic3A_18 : i32 to vector<1x4096xi32>
    %shift_right_arithmetic3A_20 = arith.shrsi %get3A_10, %shift_right_arithmetic3A_19 : vector<1x4096xi32>
    %iota3A = tpu.iota {dimensions = array<i32: 0>} : vector<128x4096xi32>
    %eq3A = vector.broadcast %and3A_12 : vector<1x4096xi32> to vector<128x4096xi32>
    %eq3A_21 = arith.cmpi eq, %iota3A, %eq3A : vector<128x4096xi32>
    %add3A = arith.constant 11 : i32
    %add3A_22 = vector.broadcast %add3A : i32 to vector<1x4096xi32>
    %add3A_23 = arith.addi %and3A_17, %add3A_22 : vector<1x4096xi32>
    %eq3A_24 = vector.broadcast %add3A_23 : vector<1x4096xi32> to vector<128x4096xi32>
    %eq3A_25 = arith.cmpi eq, %iota3A, %eq3A_24 : vector<128x4096xi32>
    %or3A = arith.ori %eq3A_21, %eq3A_25 : vector<128x4096xi1>
    %add3A_26 = arith.constant 111 : i32
    %add3A_27 = vector.broadcast %add3A_26 : i32 to vector<1x4096xi32>
    %add3A_28 = arith.addi %shift_right_arithmetic3A_20, %add3A_27 : vector<1x4096xi32>
    %eq3A_29 = vector.broadcast %add3A_28 : vector<1x4096xi32> to vector<128x4096xi32>
    %eq3A_30 = arith.cmpi eq, %iota3A, %eq3A_29 : vector<128x4096xi32>
    %or3A_31 = arith.ori %or3A, %eq3A_30 : vector<128x4096xi1>
    %jit3A = arith.constant 1.000000e+00 : f32
    %jit3A_32 = arith.constant 0.000000e+00 : f32
    %broadcast_in_dim3A = vector.broadcast %jit3A : f32 to vector<128x4096xf32>
    %broadcast_in_dim3A_33 = vector.broadcast %jit3A_32 : f32 to vector<128x4096xf32>
    %select_n3A = arith.select %or3A_31, %broadcast_in_dim3A, %broadcast_in_dim3A_33 : vector<128x4096xi1>, vector<128x4096xf32>
    %dot_general3A_34 = arith.constant dense<0.000000e+00> : vector<4096x128xf32>
    %dot_general3A_35 = tpu.matmul %select_n3A, %dot_general3A_5, %dot_general3A_34 {dimension_numbers = #tpu.dot_dimension_numbers<[0], [0], [1], [1], [0, 1, 1, 1], [], []>, transpose_lhs_hint = false} : vector<128x4096xf32>, vector<128x128xf32>, vector<4096x128xf32> -> vector<4096x128xf32>
    %get3A_36 = arith.constant 0 : index
    %get3A_37 = arith.constant 0 : index
    %get3A_38 = vector.load %arg2[%get3A_36, %get3A_37] : memref<4096x128xf32, #tpu.memory_space<vmem>>, vector<4096x128xf32>
    %add3A_39 = arith.addf %get3A_38, %dot_general3A_35 : vector<4096x128xf32>
    %get3A_40 = arith.constant 0 : index
    %get3A_41 = arith.constant 0 : index
    %get3A_42 = vector.load %arg5[%get3A_40, %get3A_41] : memref<1x128xf32, #tpu.memory_space<vmem>>, vector<1x128xf32>
    %add3A_43 = vector.broadcast %get3A_42 : vector<1x128xf32> to vector<4096x128xf32>
    %add3A_44 = arith.addf %add3A_39, %add3A_43 : vector<4096x128xf32>
    %tanh3A = math.tanh %add3A_44 : vector<4096x128xf32>
    %swap3A = arith.constant 0 : index
    %swap3A_45 = arith.constant 0 : index
    %swap3A_46 = vector.load %arg7[%swap3A, %swap3A_45] : memref<4096x128xf32, #tpu.memory_space<vmem>>, vector<4096x128xf32>
    tpu.vector_store %arg7[%swap3A, %swap3A_45], %tanh3A {strides = array<i32>} : memref<4096x128xf32, #tpu.memory_space<vmem>>, vector<4096x128xf32>,
    return
  }
  func.func @transform_1(%arg0: i32) -> (i32, i32) {
    %c0_i32 = arith.constant 0 : i32
    %c0_i32_0 = arith.constant 0 : i32
    return %arg0, %c0_i32 : i32, i32
  }
  func.func @transform_2(%arg0: i32) -> (i32, i32, i32) {
    %c0_i32 = arith.constant 0 : i32
    %c0_i32_0 = arith.constant 0 : i32
    %c0_i32_1 = arith.constant 0 : i32
    return %arg0, %c0_i32, %c0_i32_0 : i32, i32, i32
  }
  func.func @transform_3(%arg0: i32) -> (i32, i32) {
    %c0_i32 = arith.constant 0 : i32
    %c0_i32_0 = arith.constant 0 : i32
    %c0_i32_1 = arith.constant 0 : i32
    return %c0_i32, %c0_i32_0 : i32, i32
  }
  func.func @transform_4(%arg0: i32) -> (i32, i32) {
    %c0_i32 = arith.constant 0 : i32
    %c0_i32_0 = arith.constant 0 : i32
    %c0_i32_1 = arith.constant 0 : i32
    return %c0_i32, %c0_i32_0 : i32, i32
  }
  func.func @transform_5(%arg0: i32) -> (i32, i32) {
    %c0_i32 = arith.constant 0 : i32
    %c0_i32_0 = arith.constant 0 : i32
    %c0_i32_1 = arith.constant 0 : i32
    return %c0_i32, %c0_i32_0 : i32, i32
  }
  func.func @transform_6(%arg0: i32) -> (i32, i32) {
    %add3A = arith.constant 8 : i32
    %add3A_0 = arith.addi %arg0, %add3A : i32
    %c0_i32 = arith.constant 0 : i32
    %c0_i32_1 = arith.constant 0 : i32
    return %add3A_0, %c0_i32 : i32, i32
  }
}

module attributes {stable_mosaic.version = 14 : i64} {
  func.func @_tc_body_prev(%arg0: i32, %arg1: memref<819200x128xf32, #tpu.memory_space<any>>, %arg2: memref<4096x128xf32, #tpu.memory_space<vmem>>, %arg3: memref<1x1x4096xi32, #tpu.memory_space<vmem>>, %arg4: memref<80x128xf32, #tpu.memory_space<vmem>>, %arg5: memref<1x128xf32, #tpu.memory_space<vmem>>, %arg6: memref<128x16xf32, #tpu.memory_space<vmem>>, %arg7: memref<4096x128xf32, #tpu.memory_space<vmem>>) attributes {dimension_semantics = [#tpu.dimension_semantics<arbitrary>], iteration_bounds = array<i64: 24>, scalar_prefetch = 0 : i64, scratch_operands = 0 : i64, tpu.core_type = #tpu.core_type<tc>, window_params = [{}, {transform_indices = @transform_1, window_bounds = array<i64: 4096, 128>}, {transform_indices = @transform_2, window_bounds = array<i64: 1, 1, 4096>}, {pipeline_mode = #tpu.pipeline_mode<synchronous>, transform_indices = @transform_3, window_bounds = array<i64: 80, 128>}, {pipeline_mode = #tpu.pipeline_mode<synchronous>, transform_indices = @transform_4, window_bounds = array<i64: 1, 128>}, {pipeline_mode = #tpu.pipeline_mode<synchronous>, transform_indices = @transform_5, window_bounds = array<i64: 128, 16>}, {transform_indices = @transform_6, window_bounds = array<i64: 4096, 128>}]} {
    %get3A = arith.constant 0 : index
    %get3A_0 = arith.constant 0 : index
    %get3A_1 = vector.load %arg4[%get3A, %get3A_0] : memref<80x128xf32, #tpu.memory_space<vmem>>, vector<80x128xf32>
    %slice3A = vector.extract_strided_slice %get3A_1 {offsets = [64, 0], sizes = [16, 128], strides = [1, 1]} : vector<80x128xf32> to vector<16x128xf32>
    %get3A_2 = arith.constant 0 : index
    %get3A_3 = arith.constant 0 : index
    %get3A_4 = vector.load %arg6[%get3A_2, %get3A_3] : memref<128x16xf32, #tpu.memory_space<vmem>>, vector<128x16xf32>
    %dot_general3A = arith.constant dense<0.000000e+00> : vector<128x128xf32>
    %dot_general3A_5 = tpu.matmul %get3A_4, %slice3A, %dot_general3A {dimension_numbers = #tpu.dot_dimension_numbers<[1], [0], [0], [1], [0, 0, 1, 1], [], []>, transpose_lhs_hint = false} : vector<128x16xf32>, vector<16x128xf32>, vector<128x128xf32> -> vector<128x128xf32>
    %get3A_6 = arith.constant 0 : index
    %get3A_7 = arith.constant 0 : index
    %get3A_8 = arith.constant 0 : index
    %get3A_9 = vector.load %arg3[%get3A_6, %get3A_7, %get3A_8] : memref<1x1x4096xi32, #tpu.memory_space<vmem>>, vector<1x1x4096xi32>
    %get3A_10 = vector.shape_cast %get3A_9 : vector<1x1x4096xi32> to vector<1x4096xi32>
    %and3A = arith.constant 15 : i32
    %and3A_11 = vector.broadcast %and3A : i32 to vector<1x4096xi32>
    %and3A_12 = arith.andi %get3A_10, %and3A_11 : vector<1x4096xi32>
    %shift_right_arithmetic3A = arith.constant 4 : i32
    %shift_right_arithmetic3A_13 = vector.broadcast %shift_right_arithmetic3A : i32 to vector<1x4096xi32>
    %shift_right_arithmetic3A_14 = arith.shrsi %get3A_10, %shift_right_arithmetic3A_13 : vector<1x4096xi32>
    %and3A_15 = arith.constant 127 : i32
    %and3A_16 = vector.broadcast %and3A_15 : i32 to vector<1x4096xi32>
    %and3A_17 = arith.andi %shift_right_arithmetic3A_14, %and3A_16 : vector<1x4096xi32>
    %shift_right_arithmetic3A_18 = arith.constant 11 : i32
    %shift_right_arithmetic3A_19 = vector.broadcast %shift_right_arithmetic3A_18 : i32 to vector<1x4096xi32>
    %shift_right_arithmetic3A_20 = arith.shrsi %get3A_10, %shift_right_arithmetic3A_19 : vector<1x4096xi32>
    %iota3A = tpu.iota {dimensions = array<i32: 0>} : vector<128x4096xi32>
    %eq3A = vector.broadcast %and3A_12 : vector<1x4096xi32> to vector<128x4096xi32>
    %eq3A_21 = arith.cmpi eq, %iota3A, %eq3A : vector<128x4096xi32>
    %add3A = arith.constant 11 : i32
    %add3A_22 = vector.broadcast %add3A : i32 to vector<1x4096xi32>
    %add3A_23 = arith.addi %and3A_17, %add3A_22 : vector<1x4096xi32>
    %eq3A_24 = vector.broadcast %add3A_23 : vector<1x4096xi32> to vector<128x4096xi32>
    %eq3A_25 = arith.cmpi eq, %iota3A, %eq3A_24 : vector<128x4096xi32>
    %or3A = arith.ori %eq3A_21, %eq3A_25 : vector<128x4096xi1>
    %add3A_26 = arith.constant 111 : i32
    %add3A_27 = vector.broadcast %add3A_26 : i32 to vector<1x4096xi32>
    %add3A_28 = arith.addi %shift_right_arithmetic3A_20, %add3A_27 : vector<1x4096xi32>
    %eq3A_29 = vector.broadcast %add3A_28 : vector<1x4096xi32> to vector<128x4096xi32>
    %eq3A_30 = arith.cmpi eq, %iota3A, %eq3A_29 : vector<128x4096xi32>
    %or3A_31 = arith.ori %or3A, %eq3A_30 : vector<128x4096xi1>
    %jit3A = arith.constant 1.000000e+00 : f32
    %jit3A_32 = arith.constant 0.000000e+00 : f32
    %broadcast_in_dim3A = vector.broadcast %jit3A : f32 to vector<128x4096xf32>
    %broadcast_in_dim3A_33 = vector.broadcast %jit3A_32 : f32 to vector<128x4096xf32>
    %select_n3A = arith.select %or3A_31, %broadcast_in_dim3A, %broadcast_in_dim3A_33 : vector<128x4096xi1>, vector<128x4096xf32>
    %dot_general3A_34 = arith.constant dense<0.000000e+00> : vector<4096x128xf32>
    %dot_general3A_35 = tpu.matmul %select_n3A, %dot_general3A_5, %dot_general3A_34 {dimension_numbers = #tpu.dot_dimension_numbers<[0], [0], [1], [1], [0, 1, 1, 1], [], []>, transpose_lhs_hint = false} : vector<128x4096xf32>, vector<128x128xf32>, vector<4096x128xf32> -> vector<4096x128xf32>
    %get3A_36 = arith.constant 0 : index
    %get3A_37 = arith.constant 0 : index
    %get3A_38 = vector.load %arg2[%get3A_36, %get3A_37] : memref<4096x128xf32, #tpu.memory_space<vmem>>, vector<4096x128xf32>
    %add3A_39 = arith.addf %get3A_38, %dot_general3A_35 : vector<4096x128xf32>
    %get3A_40 = arith.constant 0 : index
    %get3A_41 = arith.constant 0 : index
    %get3A_42 = vector.load %arg5[%get3A_40, %get3A_41] : memref<1x128xf32, #tpu.memory_space<vmem>>, vector<1x128xf32>
    %add3A_43 = vector.broadcast %get3A_42 : vector<1x128xf32> to vector<4096x128xf32>
    %add3A_44 = arith.addf %add3A_39, %add3A_43 : vector<4096x128xf32>
    %tanh3A = math.tanh %add3A_44 : vector<4096x128xf32>
    %swap3A = arith.constant 0 : index
    %swap3A_45 = arith.constant 0 : index
    %swap3A_46 = vector.load %arg7[%swap3A, %swap3A_45] : memref<4096x128xf32, #tpu.memory_space<vmem>>, vector<4096x128xf32>
    tpu.vector_store %arg7[%swap3A, %swap3A_45], %tanh3A {strides = array<i32>} : memref<4096x128xf32, #tpu.memory_space<vmem>>, vector<4096x128xf32>,
    return
  }
  func.func @transform_1(%arg0: i32) -> (i32, i32) {
    %c0_i32 = arith.constant 0 : i32
    %c0_i32_0 = arith.constant 0 : i32
    return %arg0, %c0_i32 : i32, i32
  }
  func.func @transform_2(%arg0: i32) -> (i32, i32, i32) {
    %c0_i32 = arith.constant 0 : i32
    %c0_i32_0 = arith.constant 0 : i32
    %c0_i32_1 = arith.constant 0 : i32
    return %arg0, %c0_i32, %c0_i32_0 : i32, i32, i32
  }
  func.func @transform_3(%arg0: i32) -> (i32, i32) {
    %c0_i32 = arith.constant 0 : i32
    %c0_i32_0 = arith.constant 0 : i32
    %c0_i32_1 = arith.constant 0 : i32
    return %c0_i32, %c0_i32_0 : i32, i32
  }
  func.func @transform_4(%arg0: i32) -> (i32, i32) {
    %c0_i32 = arith.constant 0 : i32
    %c0_i32_0 = arith.constant 0 : i32
    %c0_i32_1 = arith.constant 0 : i32
    return %c0_i32, %c0_i32_0 : i32, i32
  }
  func.func @transform_5(%arg0: i32) -> (i32, i32) {
    %c0_i32 = arith.constant 0 : i32
    %c0_i32_0 = arith.constant 0 : i32
    %c0_i32_1 = arith.constant 0 : i32
    return %c0_i32, %c0_i32_0 : i32, i32
  }
  func.func @transform_6(%arg0: i32) -> (i32, i32) {
    %add3A = arith.constant 24 : i32
    %add3A_0 = arith.addi %arg0, %add3A : i32
    %c0_i32 = arith.constant 0 : i32
    %c0_i32_1 = arith.constant 0 : i32
    return %add3A_0, %c0_i32 : i32, i32
  }
}

module attributes {stable_mosaic.version = 14 : i64} {
  func.func @_tc_body_prev(%arg0: i32, %arg1: memref<819200x128xf32, #tpu.memory_space<any>>, %arg2: memref<4096x128xf32, #tpu.memory_space<vmem>>, %arg3: memref<1x1x4096xi32, #tpu.memory_space<vmem>>, %arg4: memref<80x128xf32, #tpu.memory_space<vmem>>, %arg5: memref<1x128xf32, #tpu.memory_space<vmem>>, %arg6: memref<128x16xf32, #tpu.memory_space<vmem>>, %arg7: memref<4096x128xf32, #tpu.memory_space<vmem>>) attributes {dimension_semantics = [#tpu.dimension_semantics<arbitrary>], iteration_bounds = array<i64: 32>, scalar_prefetch = 0 : i64, scratch_operands = 0 : i64, tpu.core_type = #tpu.core_type<tc>, window_params = [{}, {transform_indices = @transform_1, window_bounds = array<i64: 4096, 128>}, {transform_indices = @transform_2, window_bounds = array<i64: 1, 1, 4096>}, {pipeline_mode = #tpu.pipeline_mode<synchronous>, transform_indices = @transform_3, window_bounds = array<i64: 80, 128>}, {pipeline_mode = #tpu.pipeline_mode<synchronous>, transform_indices = @transform_4, window_bounds = array<i64: 1, 128>}, {pipeline_mode = #tpu.pipeline_mode<synchronous>, transform_indices = @transform_5, window_bounds = array<i64: 128, 16>}, {transform_indices = @transform_6, window_bounds = array<i64: 4096, 128>}]} {
    %get3A = arith.constant 0 : index
    %get3A_0 = arith.constant 0 : index
    %get3A_1 = vector.load %arg4[%get3A, %get3A_0] : memref<80x128xf32, #tpu.memory_space<vmem>>, vector<80x128xf32>
    %slice3A = vector.extract_strided_slice %get3A_1 {offsets = [64, 0], sizes = [16, 128], strides = [1, 1]} : vector<80x128xf32> to vector<16x128xf32>
    %get3A_2 = arith.constant 0 : index
    %get3A_3 = arith.constant 0 : index
    %get3A_4 = vector.load %arg6[%get3A_2, %get3A_3] : memref<128x16xf32, #tpu.memory_space<vmem>>, vector<128x16xf32>
    %dot_general3A = arith.constant dense<0.000000e+00> : vector<128x128xf32>
    %dot_general3A_5 = tpu.matmul %get3A_4, %slice3A, %dot_general3A {dimension_numbers = #tpu.dot_dimension_numbers<[1], [0], [0], [1], [0, 0, 1, 1], [], []>, transpose_lhs_hint = false} : vector<128x16xf32>, vector<16x128xf32>, vector<128x128xf32> -> vector<128x128xf32>
    %get3A_6 = arith.constant 0 : index
    %get3A_7 = arith.constant 0 : index
    %get3A_8 = arith.constant 0 : index
    %get3A_9 = vector.load %arg3[%get3A_6, %get3A_7, %get3A_8] : memref<1x1x4096xi32, #tpu.memory_space<vmem>>, vector<1x1x4096xi32>
    %get3A_10 = vector.shape_cast %get3A_9 : vector<1x1x4096xi32> to vector<1x4096xi32>
    %and3A = arith.constant 15 : i32
    %and3A_11 = vector.broadcast %and3A : i32 to vector<1x4096xi32>
    %and3A_12 = arith.andi %get3A_10, %and3A_11 : vector<1x4096xi32>
    %shift_right_arithmetic3A = arith.constant 4 : i32
    %shift_right_arithmetic3A_13 = vector.broadcast %shift_right_arithmetic3A : i32 to vector<1x4096xi32>
    %shift_right_arithmetic3A_14 = arith.shrsi %get3A_10, %shift_right_arithmetic3A_13 : vector<1x4096xi32>
    %and3A_15 = arith.constant 127 : i32
    %and3A_16 = vector.broadcast %and3A_15 : i32 to vector<1x4096xi32>
    %and3A_17 = arith.andi %shift_right_arithmetic3A_14, %and3A_16 : vector<1x4096xi32>
    %shift_right_arithmetic3A_18 = arith.constant 11 : i32
    %shift_right_arithmetic3A_19 = vector.broadcast %shift_right_arithmetic3A_18 : i32 to vector<1x4096xi32>
    %shift_right_arithmetic3A_20 = arith.shrsi %get3A_10, %shift_right_arithmetic3A_19 : vector<1x4096xi32>
    %iota3A = tpu.iota {dimensions = array<i32: 0>} : vector<128x4096xi32>
    %eq3A = vector.broadcast %and3A_12 : vector<1x4096xi32> to vector<128x4096xi32>
    %eq3A_21 = arith.cmpi eq, %iota3A, %eq3A : vector<128x4096xi32>
    %add3A = arith.constant 11 : i32
    %add3A_22 = vector.broadcast %add3A : i32 to vector<1x4096xi32>
    %add3A_23 = arith.addi %and3A_17, %add3A_22 : vector<1x4096xi32>
    %eq3A_24 = vector.broadcast %add3A_23 : vector<1x4096xi32> to vector<128x4096xi32>
    %eq3A_25 = arith.cmpi eq, %iota3A, %eq3A_24 : vector<128x4096xi32>
    %or3A = arith.ori %eq3A_21, %eq3A_25 : vector<128x4096xi1>
    %add3A_26 = arith.constant 111 : i32
    %add3A_27 = vector.broadcast %add3A_26 : i32 to vector<1x4096xi32>
    %add3A_28 = arith.addi %shift_right_arithmetic3A_20, %add3A_27 : vector<1x4096xi32>
    %eq3A_29 = vector.broadcast %add3A_28 : vector<1x4096xi32> to vector<128x4096xi32>
    %eq3A_30 = arith.cmpi eq, %iota3A, %eq3A_29 : vector<128x4096xi32>
    %or3A_31 = arith.ori %or3A, %eq3A_30 : vector<128x4096xi1>
    %jit3A = arith.constant 1.000000e+00 : f32
    %jit3A_32 = arith.constant 0.000000e+00 : f32
    %broadcast_in_dim3A = vector.broadcast %jit3A : f32 to vector<128x4096xf32>
    %broadcast_in_dim3A_33 = vector.broadcast %jit3A_32 : f32 to vector<128x4096xf32>
    %select_n3A = arith.select %or3A_31, %broadcast_in_dim3A, %broadcast_in_dim3A_33 : vector<128x4096xi1>, vector<128x4096xf32>
    %dot_general3A_34 = arith.constant dense<0.000000e+00> : vector<4096x128xf32>
    %dot_general3A_35 = tpu.matmul %select_n3A, %dot_general3A_5, %dot_general3A_34 {dimension_numbers = #tpu.dot_dimension_numbers<[0], [0], [1], [1], [0, 1, 1, 1], [], []>, transpose_lhs_hint = false} : vector<128x4096xf32>, vector<128x128xf32>, vector<4096x128xf32> -> vector<4096x128xf32>
    %get3A_36 = arith.constant 0 : index
    %get3A_37 = arith.constant 0 : index
    %get3A_38 = vector.load %arg2[%get3A_36, %get3A_37] : memref<4096x128xf32, #tpu.memory_space<vmem>>, vector<4096x128xf32>
    %add3A_39 = arith.addf %get3A_38, %dot_general3A_35 : vector<4096x128xf32>
    %get3A_40 = arith.constant 0 : index
    %get3A_41 = arith.constant 0 : index
    %get3A_42 = vector.load %arg5[%get3A_40, %get3A_41] : memref<1x128xf32, #tpu.memory_space<vmem>>, vector<1x128xf32>
    %add3A_43 = vector.broadcast %get3A_42 : vector<1x128xf32> to vector<4096x128xf32>
    %add3A_44 = arith.addf %add3A_39, %add3A_43 : vector<4096x128xf32>
    %tanh3A = math.tanh %add3A_44 : vector<4096x128xf32>
    %swap3A = arith.constant 0 : index
    %swap3A_45 = arith.constant 0 : index
    %swap3A_46 = vector.load %arg7[%swap3A, %swap3A_45] : memref<4096x128xf32, #tpu.memory_space<vmem>>, vector<4096x128xf32>
    tpu.vector_store %arg7[%swap3A, %swap3A_45], %tanh3A {strides = array<i32>} : memref<4096x128xf32, #tpu.memory_space<vmem>>, vector<4096x128xf32>,
    return
  }
  func.func @transform_1(%arg0: i32) -> (i32, i32) {
    %c0_i32 = arith.constant 0 : i32
    %c0_i32_0 = arith.constant 0 : i32
    return %arg0, %c0_i32 : i32, i32
  }
  func.func @transform_2(%arg0: i32) -> (i32, i32, i32) {
    %c0_i32 = arith.constant 0 : i32
    %c0_i32_0 = arith.constant 0 : i32
    %c0_i32_1 = arith.constant 0 : i32
    return %arg0, %c0_i32, %c0_i32_0 : i32, i32, i32
  }
  func.func @transform_3(%arg0: i32) -> (i32, i32) {
    %c0_i32 = arith.constant 0 : i32
    %c0_i32_0 = arith.constant 0 : i32
    %c0_i32_1 = arith.constant 0 : i32
    return %c0_i32, %c0_i32_0 : i32, i32
  }
  func.func @transform_4(%arg0: i32) -> (i32, i32) {
    %c0_i32 = arith.constant 0 : i32
    %c0_i32_0 = arith.constant 0 : i32
    %c0_i32_1 = arith.constant 0 : i32
    return %c0_i32, %c0_i32_0 : i32, i32
  }
  func.func @transform_5(%arg0: i32) -> (i32, i32) {
    %c0_i32 = arith.constant 0 : i32
    %c0_i32_0 = arith.constant 0 : i32
    %c0_i32_1 = arith.constant 0 : i32
    return %c0_i32, %c0_i32_0 : i32, i32
  }
  func.func @transform_6(%arg0: i32) -> (i32, i32) {
    %add3A = arith.constant 48 : i32
    %add3A_0 = arith.addi %arg0, %add3A : i32
    %c0_i32 = arith.constant 0 : i32
    %c0_i32_1 = arith.constant 0 : i32
    return %add3A_0, %c0_i32 : i32, i32
  }
}

module attributes {stable_mosaic.version = 14 : i64} {
  func.func @_tc_body_prev(%arg0: i32, %arg1: memref<819200x128xf32, #tpu.memory_space<any>>, %arg2: memref<4096x128xf32, #tpu.memory_space<vmem>>, %arg3: memref<1x1x4096xi32, #tpu.memory_space<vmem>>, %arg4: memref<80x128xf32, #tpu.memory_space<vmem>>, %arg5: memref<1x128xf32, #tpu.memory_space<vmem>>, %arg6: memref<128x16xf32, #tpu.memory_space<vmem>>, %arg7: memref<4096x128xf32, #tpu.memory_space<vmem>>) attributes {dimension_semantics = [#tpu.dimension_semantics<arbitrary>], iteration_bounds = array<i64: 32>, scalar_prefetch = 0 : i64, scratch_operands = 0 : i64, tpu.core_type = #tpu.core_type<tc>, window_params = [{}, {transform_indices = @transform_1, window_bounds = array<i64: 4096, 128>}, {transform_indices = @transform_2, window_bounds = array<i64: 1, 1, 4096>}, {pipeline_mode = #tpu.pipeline_mode<synchronous>, transform_indices = @transform_3, window_bounds = array<i64: 80, 128>}, {pipeline_mode = #tpu.pipeline_mode<synchronous>, transform_indices = @transform_4, window_bounds = array<i64: 1, 128>}, {pipeline_mode = #tpu.pipeline_mode<synchronous>, transform_indices = @transform_5, window_bounds = array<i64: 128, 16>}, {transform_indices = @transform_6, window_bounds = array<i64: 4096, 128>}]} {
    %get3A = arith.constant 0 : index
    %get3A_0 = arith.constant 0 : index
    %get3A_1 = vector.load %arg4[%get3A, %get3A_0] : memref<80x128xf32, #tpu.memory_space<vmem>>, vector<80x128xf32>
    %slice3A = vector.extract_strided_slice %get3A_1 {offsets = [64, 0], sizes = [16, 128], strides = [1, 1]} : vector<80x128xf32> to vector<16x128xf32>
    %get3A_2 = arith.constant 0 : index
    %get3A_3 = arith.constant 0 : index
    %get3A_4 = vector.load %arg6[%get3A_2, %get3A_3] : memref<128x16xf32, #tpu.memory_space<vmem>>, vector<128x16xf32>
    %dot_general3A = arith.constant dense<0.000000e+00> : vector<128x128xf32>
    %dot_general3A_5 = tpu.matmul %get3A_4, %slice3A, %dot_general3A {dimension_numbers = #tpu.dot_dimension_numbers<[1], [0], [0], [1], [0, 0, 1, 1], [], []>, transpose_lhs_hint = false} : vector<128x16xf32>, vector<16x128xf32>, vector<128x128xf32> -> vector<128x128xf32>
    %get3A_6 = arith.constant 0 : index
    %get3A_7 = arith.constant 0 : index
    %get3A_8 = arith.constant 0 : index
    %get3A_9 = vector.load %arg3[%get3A_6, %get3A_7, %get3A_8] : memref<1x1x4096xi32, #tpu.memory_space<vmem>>, vector<1x1x4096xi32>
    %get3A_10 = vector.shape_cast %get3A_9 : vector<1x1x4096xi32> to vector<1x4096xi32>
    %and3A = arith.constant 15 : i32
    %and3A_11 = vector.broadcast %and3A : i32 to vector<1x4096xi32>
    %and3A_12 = arith.andi %get3A_10, %and3A_11 : vector<1x4096xi32>
    %shift_right_arithmetic3A = arith.constant 4 : i32
    %shift_right_arithmetic3A_13 = vector.broadcast %shift_right_arithmetic3A : i32 to vector<1x4096xi32>
    %shift_right_arithmetic3A_14 = arith.shrsi %get3A_10, %shift_right_arithmetic3A_13 : vector<1x4096xi32>
    %and3A_15 = arith.constant 127 : i32
    %and3A_16 = vector.broadcast %and3A_15 : i32 to vector<1x4096xi32>
    %and3A_17 = arith.andi %shift_right_arithmetic3A_14, %and3A_16 : vector<1x4096xi32>
    %shift_right_arithmetic3A_18 = arith.constant 11 : i32
    %shift_right_arithmetic3A_19 = vector.broadcast %shift_right_arithmetic3A_18 : i32 to vector<1x4096xi32>
    %shift_right_arithmetic3A_20 = arith.shrsi %get3A_10, %shift_right_arithmetic3A_19 : vector<1x4096xi32>
    %iota3A = tpu.iota {dimensions = array<i32: 0>} : vector<128x4096xi32>
    %eq3A = vector.broadcast %and3A_12 : vector<1x4096xi32> to vector<128x4096xi32>
    %eq3A_21 = arith.cmpi eq, %iota3A, %eq3A : vector<128x4096xi32>
    %add3A = arith.constant 11 : i32
    %add3A_22 = vector.broadcast %add3A : i32 to vector<1x4096xi32>
    %add3A_23 = arith.addi %and3A_17, %add3A_22 : vector<1x4096xi32>
    %eq3A_24 = vector.broadcast %add3A_23 : vector<1x4096xi32> to vector<128x4096xi32>
    %eq3A_25 = arith.cmpi eq, %iota3A, %eq3A_24 : vector<128x4096xi32>
    %or3A = arith.ori %eq3A_21, %eq3A_25 : vector<128x4096xi1>
    %add3A_26 = arith.constant 111 : i32
    %add3A_27 = vector.broadcast %add3A_26 : i32 to vector<1x4096xi32>
    %add3A_28 = arith.addi %shift_right_arithmetic3A_20, %add3A_27 : vector<1x4096xi32>
    %eq3A_29 = vector.broadcast %add3A_28 : vector<1x4096xi32> to vector<128x4096xi32>
    %eq3A_30 = arith.cmpi eq, %iota3A, %eq3A_29 : vector<128x4096xi32>
    %or3A_31 = arith.ori %or3A, %eq3A_30 : vector<128x4096xi1>
    %jit3A = arith.constant 1.000000e+00 : f32
    %jit3A_32 = arith.constant 0.000000e+00 : f32
    %broadcast_in_dim3A = vector.broadcast %jit3A : f32 to vector<128x4096xf32>
    %broadcast_in_dim3A_33 = vector.broadcast %jit3A_32 : f32 to vector<128x4096xf32>
    %select_n3A = arith.select %or3A_31, %broadcast_in_dim3A, %broadcast_in_dim3A_33 : vector<128x4096xi1>, vector<128x4096xf32>
    %dot_general3A_34 = arith.constant dense<0.000000e+00> : vector<4096x128xf32>
    %dot_general3A_35 = tpu.matmul %select_n3A, %dot_general3A_5, %dot_general3A_34 {dimension_numbers = #tpu.dot_dimension_numbers<[0], [0], [1], [1], [0, 1, 1, 1], [], []>, transpose_lhs_hint = false} : vector<128x4096xf32>, vector<128x128xf32>, vector<4096x128xf32> -> vector<4096x128xf32>
    %get3A_36 = arith.constant 0 : index
    %get3A_37 = arith.constant 0 : index
    %get3A_38 = vector.load %arg2[%get3A_36, %get3A_37] : memref<4096x128xf32, #tpu.memory_space<vmem>>, vector<4096x128xf32>
    %add3A_39 = arith.addf %get3A_38, %dot_general3A_35 : vector<4096x128xf32>
    %get3A_40 = arith.constant 0 : index
    %get3A_41 = arith.constant 0 : index
    %get3A_42 = vector.load %arg5[%get3A_40, %get3A_41] : memref<1x128xf32, #tpu.memory_space<vmem>>, vector<1x128xf32>
    %add3A_43 = vector.broadcast %get3A_42 : vector<1x128xf32> to vector<4096x128xf32>
    %add3A_44 = arith.addf %add3A_39, %add3A_43 : vector<4096x128xf32>
    %tanh3A = math.tanh %add3A_44 : vector<4096x128xf32>
    %swap3A = arith.constant 0 : index
    %swap3A_45 = arith.constant 0 : index
    %swap3A_46 = vector.load %arg7[%swap3A, %swap3A_45] : memref<4096x128xf32, #tpu.memory_space<vmem>>, vector<4096x128xf32>
    tpu.vector_store %arg7[%swap3A, %swap3A_45], %tanh3A {strides = array<i32>} : memref<4096x128xf32, #tpu.memory_space<vmem>>, vector<4096x128xf32>,
    return
  }
  func.func @transform_1(%arg0: i32) -> (i32, i32) {
    %c0_i32 = arith.constant 0 : i32
    %c0_i32_0 = arith.constant 0 : i32
    return %arg0, %c0_i32 : i32, i32
  }
  func.func @transform_2(%arg0: i32) -> (i32, i32, i32) {
    %c0_i32 = arith.constant 0 : i32
    %c0_i32_0 = arith.constant 0 : i32
    %c0_i32_1 = arith.constant 0 : i32
    return %arg0, %c0_i32, %c0_i32_0 : i32, i32, i32
  }
  func.func @transform_3(%arg0: i32) -> (i32, i32) {
    %c0_i32 = arith.constant 0 : i32
    %c0_i32_0 = arith.constant 0 : i32
    %c0_i32_1 = arith.constant 0 : i32
    return %c0_i32, %c0_i32_0 : i32, i32
  }
  func.func @transform_4(%arg0: i32) -> (i32, i32) {
    %c0_i32 = arith.constant 0 : i32
    %c0_i32_0 = arith.constant 0 : i32
    %c0_i32_1 = arith.constant 0 : i32
    return %c0_i32, %c0_i32_0 : i32, i32
  }
  func.func @transform_5(%arg0: i32) -> (i32, i32) {
    %c0_i32 = arith.constant 0 : i32
    %c0_i32_0 = arith.constant 0 : i32
    %c0_i32_1 = arith.constant 0 : i32
    return %c0_i32, %c0_i32_0 : i32, i32
  }
  func.func @transform_6(%arg0: i32) -> (i32, i32) {
    %add3A = arith.constant 80 : i32
    %add3A_0 = arith.addi %arg0, %add3A : i32
    %c0_i32 = arith.constant 0 : i32
    %c0_i32_1 = arith.constant 0 : i32
    return %add3A_0, %c0_i32 : i32, i32
  }
}

module attributes {stable_mosaic.version = 14 : i64} {
  func.func @_tc_body_prev(%arg0: i32, %arg1: memref<819200x128xf32, #tpu.memory_space<any>>, %arg2: memref<4096x128xf32, #tpu.memory_space<vmem>>, %arg3: memref<1x1x4096xi32, #tpu.memory_space<vmem>>, %arg4: memref<80x128xf32, #tpu.memory_space<vmem>>, %arg5: memref<1x128xf32, #tpu.memory_space<vmem>>, %arg6: memref<128x16xf32, #tpu.memory_space<vmem>>, %arg7: memref<4096x128xf32, #tpu.memory_space<vmem>>) attributes {dimension_semantics = [#tpu.dimension_semantics<arbitrary>], iteration_bounds = array<i64: 32>, scalar_prefetch = 0 : i64, scratch_operands = 0 : i64, tpu.core_type = #tpu.core_type<tc>, window_params = [{}, {transform_indices = @transform_1, window_bounds = array<i64: 4096, 128>}, {transform_indices = @transform_2, window_bounds = array<i64: 1, 1, 4096>}, {pipeline_mode = #tpu.pipeline_mode<synchronous>, transform_indices = @transform_3, window_bounds = array<i64: 80, 128>}, {pipeline_mode = #tpu.pipeline_mode<synchronous>, transform_indices = @transform_4, window_bounds = array<i64: 1, 128>}, {pipeline_mode = #tpu.pipeline_mode<synchronous>, transform_indices = @transform_5, window_bounds = array<i64: 128, 16>}, {transform_indices = @transform_6, window_bounds = array<i64: 4096, 128>}]} {
    %get3A = arith.constant 0 : index
    %get3A_0 = arith.constant 0 : index
    %get3A_1 = vector.load %arg4[%get3A, %get3A_0] : memref<80x128xf32, #tpu.memory_space<vmem>>, vector<80x128xf32>
    %slice3A = vector.extract_strided_slice %get3A_1 {offsets = [64, 0], sizes = [16, 128], strides = [1, 1]} : vector<80x128xf32> to vector<16x128xf32>
    %get3A_2 = arith.constant 0 : index
    %get3A_3 = arith.constant 0 : index
    %get3A_4 = vector.load %arg6[%get3A_2, %get3A_3] : memref<128x16xf32, #tpu.memory_space<vmem>>, vector<128x16xf32>
    %dot_general3A = arith.constant dense<0.000000e+00> : vector<128x128xf32>
    %dot_general3A_5 = tpu.matmul %get3A_4, %slice3A, %dot_general3A {dimension_numbers = #tpu.dot_dimension_numbers<[1], [0], [0], [1], [0, 0, 1, 1], [], []>, transpose_lhs_hint = false} : vector<128x16xf32>, vector<16x128xf32>, vector<128x128xf32> -> vector<128x128xf32>
    %get3A_6 = arith.constant 0 : index
    %get3A_7 = arith.constant 0 : index
    %get3A_8 = arith.constant 0 : index
    %get3A_9 = vector.load %arg3[%get3A_6, %get3A_7, %get3A_8] : memref<1x1x4096xi32, #tpu.memory_space<vmem>>, vector<1x1x4096xi32>
    %get3A_10 = vector.shape_cast %get3A_9 : vector<1x1x4096xi32> to vector<1x4096xi32>
    %and3A = arith.constant 15 : i32
    %and3A_11 = vector.broadcast %and3A : i32 to vector<1x4096xi32>
    %and3A_12 = arith.andi %get3A_10, %and3A_11 : vector<1x4096xi32>
    %shift_right_arithmetic3A = arith.constant 4 : i32
    %shift_right_arithmetic3A_13 = vector.broadcast %shift_right_arithmetic3A : i32 to vector<1x4096xi32>
    %shift_right_arithmetic3A_14 = arith.shrsi %get3A_10, %shift_right_arithmetic3A_13 : vector<1x4096xi32>
    %and3A_15 = arith.constant 127 : i32
    %and3A_16 = vector.broadcast %and3A_15 : i32 to vector<1x4096xi32>
    %and3A_17 = arith.andi %shift_right_arithmetic3A_14, %and3A_16 : vector<1x4096xi32>
    %shift_right_arithmetic3A_18 = arith.constant 11 : i32
    %shift_right_arithmetic3A_19 = vector.broadcast %shift_right_arithmetic3A_18 : i32 to vector<1x4096xi32>
    %shift_right_arithmetic3A_20 = arith.shrsi %get3A_10, %shift_right_arithmetic3A_19 : vector<1x4096xi32>
    %iota3A = tpu.iota {dimensions = array<i32: 0>} : vector<128x4096xi32>
    %eq3A = vector.broadcast %and3A_12 : vector<1x4096xi32> to vector<128x4096xi32>
    %eq3A_21 = arith.cmpi eq, %iota3A, %eq3A : vector<128x4096xi32>
    %add3A = arith.constant 11 : i32
    %add3A_22 = vector.broadcast %add3A : i32 to vector<1x4096xi32>
    %add3A_23 = arith.addi %and3A_17, %add3A_22 : vector<1x4096xi32>
    %eq3A_24 = vector.broadcast %add3A_23 : vector<1x4096xi32> to vector<128x4096xi32>
    %eq3A_25 = arith.cmpi eq, %iota3A, %eq3A_24 : vector<128x4096xi32>
    %or3A = arith.ori %eq3A_21, %eq3A_25 : vector<128x4096xi1>
    %add3A_26 = arith.constant 111 : i32
    %add3A_27 = vector.broadcast %add3A_26 : i32 to vector<1x4096xi32>
    %add3A_28 = arith.addi %shift_right_arithmetic3A_20, %add3A_27 : vector<1x4096xi32>
    %eq3A_29 = vector.broadcast %add3A_28 : vector<1x4096xi32> to vector<128x4096xi32>
    %eq3A_30 = arith.cmpi eq, %iota3A, %eq3A_29 : vector<128x4096xi32>
    %or3A_31 = arith.ori %or3A, %eq3A_30 : vector<128x4096xi1>
    %jit3A = arith.constant 1.000000e+00 : f32
    %jit3A_32 = arith.constant 0.000000e+00 : f32
    %broadcast_in_dim3A = vector.broadcast %jit3A : f32 to vector<128x4096xf32>
    %broadcast_in_dim3A_33 = vector.broadcast %jit3A_32 : f32 to vector<128x4096xf32>
    %select_n3A = arith.select %or3A_31, %broadcast_in_dim3A, %broadcast_in_dim3A_33 : vector<128x4096xi1>, vector<128x4096xf32>
    %dot_general3A_34 = arith.constant dense<0.000000e+00> : vector<4096x128xf32>
    %dot_general3A_35 = tpu.matmul %select_n3A, %dot_general3A_5, %dot_general3A_34 {dimension_numbers = #tpu.dot_dimension_numbers<[0], [0], [1], [1], [0, 1, 1, 1], [], []>, transpose_lhs_hint = false} : vector<128x4096xf32>, vector<128x128xf32>, vector<4096x128xf32> -> vector<4096x128xf32>
    %get3A_36 = arith.constant 0 : index
    %get3A_37 = arith.constant 0 : index
    %get3A_38 = vector.load %arg2[%get3A_36, %get3A_37] : memref<4096x128xf32, #tpu.memory_space<vmem>>, vector<4096x128xf32>
    %add3A_39 = arith.addf %get3A_38, %dot_general3A_35 : vector<4096x128xf32>
    %get3A_40 = arith.constant 0 : index
    %get3A_41 = arith.constant 0 : index
    %get3A_42 = vector.load %arg5[%get3A_40, %get3A_41] : memref<1x128xf32, #tpu.memory_space<vmem>>, vector<1x128xf32>
    %add3A_43 = vector.broadcast %get3A_42 : vector<1x128xf32> to vector<4096x128xf32>
    %add3A_44 = arith.addf %add3A_39, %add3A_43 : vector<4096x128xf32>
    %tanh3A = math.tanh %add3A_44 : vector<4096x128xf32>
    %swap3A = arith.constant 0 : index
    %swap3A_45 = arith.constant 0 : index
    %swap3A_46 = vector.load %arg7[%swap3A, %swap3A_45] : memref<4096x128xf32, #tpu.memory_space<vmem>>, vector<4096x128xf32>
    tpu.vector_store %arg7[%swap3A, %swap3A_45], %tanh3A {strides = array<i32>} : memref<4096x128xf32, #tpu.memory_space<vmem>>, vector<4096x128xf32>,
    return
  }
  func.func @transform_1(%arg0: i32) -> (i32, i32) {
    %c0_i32 = arith.constant 0 : i32
    %c0_i32_0 = arith.constant 0 : i32
    return %arg0, %c0_i32 : i32, i32
  }
  func.func @transform_2(%arg0: i32) -> (i32, i32, i32) {
    %c0_i32 = arith.constant 0 : i32
    %c0_i32_0 = arith.constant 0 : i32
    %c0_i32_1 = arith.constant 0 : i32
    return %arg0, %c0_i32, %c0_i32_0 : i32, i32, i32
  }
  func.func @transform_3(%arg0: i32) -> (i32, i32) {
    %c0_i32 = arith.constant 0 : i32
    %c0_i32_0 = arith.constant 0 : i32
    %c0_i32_1 = arith.constant 0 : i32
    return %c0_i32, %c0_i32_0 : i32, i32
  }
  func.func @transform_4(%arg0: i32) -> (i32, i32) {
    %c0_i32 = arith.constant 0 : i32
    %c0_i32_0 = arith.constant 0 : i32
    %c0_i32_1 = arith.constant 0 : i32
    return %c0_i32, %c0_i32_0 : i32, i32
  }
  func.func @transform_5(%arg0: i32) -> (i32, i32) {
    %c0_i32 = arith.constant 0 : i32
    %c0_i32_0 = arith.constant 0 : i32
    %c0_i32_1 = arith.constant 0 : i32
    return %c0_i32, %c0_i32_0 : i32, i32
  }
  func.func @transform_6(%arg0: i32) -> (i32, i32) {
    %add3A = arith.constant 112 : i32
    %add3A_0 = arith.addi %arg0, %add3A : i32
    %c0_i32 = arith.constant 0 : i32
    %c0_i32_1 = arith.constant 0 : i32
    return %add3A_0, %c0_i32 : i32, i32
  }
}

module attributes {stable_mosaic.version = 14 : i64} {
  func.func @_tc_body_prev(%arg0: i32, %arg1: memref<819200x128xf32, #tpu.memory_space<any>>, %arg2: memref<4096x128xf32, #tpu.memory_space<vmem>>, %arg3: memref<1x1x4096xi32, #tpu.memory_space<vmem>>, %arg4: memref<80x128xf32, #tpu.memory_space<vmem>>, %arg5: memref<1x128xf32, #tpu.memory_space<vmem>>, %arg6: memref<128x16xf32, #tpu.memory_space<vmem>>, %arg7: memref<4096x128xf32, #tpu.memory_space<vmem>>) attributes {dimension_semantics = [#tpu.dimension_semantics<arbitrary>], iteration_bounds = array<i64: 32>, scalar_prefetch = 0 : i64, scratch_operands = 0 : i64, tpu.core_type = #tpu.core_type<tc>, window_params = [{}, {transform_indices = @transform_1, window_bounds = array<i64: 4096, 128>}, {transform_indices = @transform_2, window_bounds = array<i64: 1, 1, 4096>}, {pipeline_mode = #tpu.pipeline_mode<synchronous>, transform_indices = @transform_3, window_bounds = array<i64: 80, 128>}, {pipeline_mode = #tpu.pipeline_mode<synchronous>, transform_indices = @transform_4, window_bounds = array<i64: 1, 128>}, {pipeline_mode = #tpu.pipeline_mode<synchronous>, transform_indices = @transform_5, window_bounds = array<i64: 128, 16>}, {transform_indices = @transform_6, window_bounds = array<i64: 4096, 128>}]} {
    %get3A = arith.constant 0 : index
    %get3A_0 = arith.constant 0 : index
    %get3A_1 = vector.load %arg4[%get3A, %get3A_0] : memref<80x128xf32, #tpu.memory_space<vmem>>, vector<80x128xf32>
    %slice3A = vector.extract_strided_slice %get3A_1 {offsets = [64, 0], sizes = [16, 128], strides = [1, 1]} : vector<80x128xf32> to vector<16x128xf32>
    %get3A_2 = arith.constant 0 : index
    %get3A_3 = arith.constant 0 : index
    %get3A_4 = vector.load %arg6[%get3A_2, %get3A_3] : memref<128x16xf32, #tpu.memory_space<vmem>>, vector<128x16xf32>
    %dot_general3A = arith.constant dense<0.000000e+00> : vector<128x128xf32>
    %dot_general3A_5 = tpu.matmul %get3A_4, %slice3A, %dot_general3A {dimension_numbers = #tpu.dot_dimension_numbers<[1], [0], [0], [1], [0, 0, 1, 1], [], []>, transpose_lhs_hint = false} : vector<128x16xf32>, vector<16x128xf32>, vector<128x128xf32> -> vector<128x128xf32>
    %get3A_6 = arith.constant 0 : index
    %get3A_7 = arith.constant 0 : index
    %get3A_8 = arith.constant 0 : index
    %get3A_9 = vector.load %arg3[%get3A_6, %get3A_7, %get3A_8] : memref<1x1x4096xi32, #tpu.memory_space<vmem>>, vector<1x1x4096xi32>
    %get3A_10 = vector.shape_cast %get3A_9 : vector<1x1x4096xi32> to vector<1x4096xi32>
    %and3A = arith.constant 15 : i32
    %and3A_11 = vector.broadcast %and3A : i32 to vector<1x4096xi32>
    %and3A_12 = arith.andi %get3A_10, %and3A_11 : vector<1x4096xi32>
    %shift_right_arithmetic3A = arith.constant 4 : i32
    %shift_right_arithmetic3A_13 = vector.broadcast %shift_right_arithmetic3A : i32 to vector<1x4096xi32>
    %shift_right_arithmetic3A_14 = arith.shrsi %get3A_10, %shift_right_arithmetic3A_13 : vector<1x4096xi32>
    %and3A_15 = arith.constant 127 : i32
    %and3A_16 = vector.broadcast %and3A_15 : i32 to vector<1x4096xi32>
    %and3A_17 = arith.andi %shift_right_arithmetic3A_14, %and3A_16 : vector<1x4096xi32>
    %shift_right_arithmetic3A_18 = arith.constant 11 : i32
    %shift_right_arithmetic3A_19 = vector.broadcast %shift_right_arithmetic3A_18 : i32 to vector<1x4096xi32>
    %shift_right_arithmetic3A_20 = arith.shrsi %get3A_10, %shift_right_arithmetic3A_19 : vector<1x4096xi32>
    %iota3A = tpu.iota {dimensions = array<i32: 0>} : vector<128x4096xi32>
    %eq3A = vector.broadcast %and3A_12 : vector<1x4096xi32> to vector<128x4096xi32>
    %eq3A_21 = arith.cmpi eq, %iota3A, %eq3A : vector<128x4096xi32>
    %add3A = arith.constant 11 : i32
    %add3A_22 = vector.broadcast %add3A : i32 to vector<1x4096xi32>
    %add3A_23 = arith.addi %and3A_17, %add3A_22 : vector<1x4096xi32>
    %eq3A_24 = vector.broadcast %add3A_23 : vector<1x4096xi32> to vector<128x4096xi32>
    %eq3A_25 = arith.cmpi eq, %iota3A, %eq3A_24 : vector<128x4096xi32>
    %or3A = arith.ori %eq3A_21, %eq3A_25 : vector<128x4096xi1>
    %add3A_26 = arith.constant 111 : i32
    %add3A_27 = vector.broadcast %add3A_26 : i32 to vector<1x4096xi32>
    %add3A_28 = arith.addi %shift_right_arithmetic3A_20, %add3A_27 : vector<1x4096xi32>
    %eq3A_29 = vector.broadcast %add3A_28 : vector<1x4096xi32> to vector<128x4096xi32>
    %eq3A_30 = arith.cmpi eq, %iota3A, %eq3A_29 : vector<128x4096xi32>
    %or3A_31 = arith.ori %or3A, %eq3A_30 : vector<128x4096xi1>
    %jit3A = arith.constant 1.000000e+00 : f32
    %jit3A_32 = arith.constant 0.000000e+00 : f32
    %broadcast_in_dim3A = vector.broadcast %jit3A : f32 to vector<128x4096xf32>
    %broadcast_in_dim3A_33 = vector.broadcast %jit3A_32 : f32 to vector<128x4096xf32>
    %select_n3A = arith.select %or3A_31, %broadcast_in_dim3A, %broadcast_in_dim3A_33 : vector<128x4096xi1>, vector<128x4096xf32>
    %dot_general3A_34 = arith.constant dense<0.000000e+00> : vector<4096x128xf32>
    %dot_general3A_35 = tpu.matmul %select_n3A, %dot_general3A_5, %dot_general3A_34 {dimension_numbers = #tpu.dot_dimension_numbers<[0], [0], [1], [1], [0, 1, 1, 1], [], []>, transpose_lhs_hint = false} : vector<128x4096xf32>, vector<128x128xf32>, vector<4096x128xf32> -> vector<4096x128xf32>
    %get3A_36 = arith.constant 0 : index
    %get3A_37 = arith.constant 0 : index
    %get3A_38 = vector.load %arg2[%get3A_36, %get3A_37] : memref<4096x128xf32, #tpu.memory_space<vmem>>, vector<4096x128xf32>
    %add3A_39 = arith.addf %get3A_38, %dot_general3A_35 : vector<4096x128xf32>
    %get3A_40 = arith.constant 0 : index
    %get3A_41 = arith.constant 0 : index
    %get3A_42 = vector.load %arg5[%get3A_40, %get3A_41] : memref<1x128xf32, #tpu.memory_space<vmem>>, vector<1x128xf32>
    %add3A_43 = vector.broadcast %get3A_42 : vector<1x128xf32> to vector<4096x128xf32>
    %add3A_44 = arith.addf %add3A_39, %add3A_43 : vector<4096x128xf32>
    %tanh3A = math.tanh %add3A_44 : vector<4096x128xf32>
    %swap3A = arith.constant 0 : index
    %swap3A_45 = arith.constant 0 : index
    %swap3A_46 = vector.load %arg7[%swap3A, %swap3A_45] : memref<4096x128xf32, #tpu.memory_space<vmem>>, vector<4096x128xf32>
    tpu.vector_store %arg7[%swap3A, %swap3A_45], %tanh3A {strides = array<i32>} : memref<4096x128xf32, #tpu.memory_space<vmem>>, vector<4096x128xf32>,
    return
  }
  func.func @transform_1(%arg0: i32) -> (i32, i32) {
    %c0_i32 = arith.constant 0 : i32
    %c0_i32_0 = arith.constant 0 : i32
    return %arg0, %c0_i32 : i32, i32
  }
  func.func @transform_2(%arg0: i32) -> (i32, i32, i32) {
    %c0_i32 = arith.constant 0 : i32
    %c0_i32_0 = arith.constant 0 : i32
    %c0_i32_1 = arith.constant 0 : i32
    return %arg0, %c0_i32, %c0_i32_0 : i32, i32, i32
  }
  func.func @transform_3(%arg0: i32) -> (i32, i32) {
    %c0_i32 = arith.constant 0 : i32
    %c0_i32_0 = arith.constant 0 : i32
    %c0_i32_1 = arith.constant 0 : i32
    return %c0_i32, %c0_i32_0 : i32, i32
  }
  func.func @transform_4(%arg0: i32) -> (i32, i32) {
    %c0_i32 = arith.constant 0 : i32
    %c0_i32_0 = arith.constant 0 : i32
    %c0_i32_1 = arith.constant 0 : i32
    return %c0_i32, %c0_i32_0 : i32, i32
  }
  func.func @transform_5(%arg0: i32) -> (i32, i32) {
    %c0_i32 = arith.constant 0 : i32
    %c0_i32_0 = arith.constant 0 : i32
    %c0_i32_1 = arith.constant 0 : i32
    return %c0_i32, %c0_i32_0 : i32, i32
  }
  func.func @transform_6(%arg0: i32) -> (i32, i32) {
    %add3A = arith.constant 144 : i32
    %add3A_0 = arith.addi %arg0, %add3A : i32
    %c0_i32 = arith.constant 0 : i32
    %c0_i32_1 = arith.constant 0 : i32
    return %add3A_0, %c0_i32 : i32, i32
  }
}

module attributes {stable_mosaic.version = 14 : i64} {
  func.func @_tc_body_prev(%arg0: i32, %arg1: memref<819200x128xf32, #tpu.memory_space<any>>, %arg2: memref<4096x128xf32, #tpu.memory_space<vmem>>, %arg3: memref<1x1x4096xi32, #tpu.memory_space<vmem>>, %arg4: memref<80x128xf32, #tpu.memory_space<vmem>>, %arg5: memref<1x128xf32, #tpu.memory_space<vmem>>, %arg6: memref<128x16xf32, #tpu.memory_space<vmem>>, %arg7: memref<4096x128xf32, #tpu.memory_space<vmem>>) attributes {dimension_semantics = [#tpu.dimension_semantics<arbitrary>], iteration_bounds = array<i64: 24>, scalar_prefetch = 0 : i64, scratch_operands = 0 : i64, tpu.core_type = #tpu.core_type<tc>, window_params = [{}, {transform_indices = @transform_1, window_bounds = array<i64: 4096, 128>}, {transform_indices = @transform_2, window_bounds = array<i64: 1, 1, 4096>}, {pipeline_mode = #tpu.pipeline_mode<synchronous>, transform_indices = @transform_3, window_bounds = array<i64: 80, 128>}, {pipeline_mode = #tpu.pipeline_mode<synchronous>, transform_indices = @transform_4, window_bounds = array<i64: 1, 128>}, {pipeline_mode = #tpu.pipeline_mode<synchronous>, transform_indices = @transform_5, window_bounds = array<i64: 128, 16>}, {transform_indices = @transform_6, window_bounds = array<i64: 4096, 128>}]} {
    %get3A = arith.constant 0 : index
    %get3A_0 = arith.constant 0 : index
    %get3A_1 = vector.load %arg4[%get3A, %get3A_0] : memref<80x128xf32, #tpu.memory_space<vmem>>, vector<80x128xf32>
    %slice3A = vector.extract_strided_slice %get3A_1 {offsets = [64, 0], sizes = [16, 128], strides = [1, 1]} : vector<80x128xf32> to vector<16x128xf32>
    %get3A_2 = arith.constant 0 : index
    %get3A_3 = arith.constant 0 : index
    %get3A_4 = vector.load %arg6[%get3A_2, %get3A_3] : memref<128x16xf32, #tpu.memory_space<vmem>>, vector<128x16xf32>
    %dot_general3A = arith.constant dense<0.000000e+00> : vector<128x128xf32>
    %dot_general3A_5 = tpu.matmul %get3A_4, %slice3A, %dot_general3A {dimension_numbers = #tpu.dot_dimension_numbers<[1], [0], [0], [1], [0, 0, 1, 1], [], []>, transpose_lhs_hint = false} : vector<128x16xf32>, vector<16x128xf32>, vector<128x128xf32> -> vector<128x128xf32>
    %get3A_6 = arith.constant 0 : index
    %get3A_7 = arith.constant 0 : index
    %get3A_8 = arith.constant 0 : index
    %get3A_9 = vector.load %arg3[%get3A_6, %get3A_7, %get3A_8] : memref<1x1x4096xi32, #tpu.memory_space<vmem>>, vector<1x1x4096xi32>
    %get3A_10 = vector.shape_cast %get3A_9 : vector<1x1x4096xi32> to vector<1x4096xi32>
    %and3A = arith.constant 15 : i32
    %and3A_11 = vector.broadcast %and3A : i32 to vector<1x4096xi32>
    %and3A_12 = arith.andi %get3A_10, %and3A_11 : vector<1x4096xi32>
    %shift_right_arithmetic3A = arith.constant 4 : i32
    %shift_right_arithmetic3A_13 = vector.broadcast %shift_right_arithmetic3A : i32 to vector<1x4096xi32>
    %shift_right_arithmetic3A_14 = arith.shrsi %get3A_10, %shift_right_arithmetic3A_13 : vector<1x4096xi32>
    %and3A_15 = arith.constant 127 : i32
    %and3A_16 = vector.broadcast %and3A_15 : i32 to vector<1x4096xi32>
    %and3A_17 = arith.andi %shift_right_arithmetic3A_14, %and3A_16 : vector<1x4096xi32>
    %shift_right_arithmetic3A_18 = arith.constant 11 : i32
    %shift_right_arithmetic3A_19 = vector.broadcast %shift_right_arithmetic3A_18 : i32 to vector<1x4096xi32>
    %shift_right_arithmetic3A_20 = arith.shrsi %get3A_10, %shift_right_arithmetic3A_19 : vector<1x4096xi32>
    %iota3A = tpu.iota {dimensions = array<i32: 0>} : vector<128x4096xi32>
    %eq3A = vector.broadcast %and3A_12 : vector<1x4096xi32> to vector<128x4096xi32>
    %eq3A_21 = arith.cmpi eq, %iota3A, %eq3A : vector<128x4096xi32>
    %add3A = arith.constant 11 : i32
    %add3A_22 = vector.broadcast %add3A : i32 to vector<1x4096xi32>
    %add3A_23 = arith.addi %and3A_17, %add3A_22 : vector<1x4096xi32>
    %eq3A_24 = vector.broadcast %add3A_23 : vector<1x4096xi32> to vector<128x4096xi32>
    %eq3A_25 = arith.cmpi eq, %iota3A, %eq3A_24 : vector<128x4096xi32>
    %or3A = arith.ori %eq3A_21, %eq3A_25 : vector<128x4096xi1>
    %add3A_26 = arith.constant 111 : i32
    %add3A_27 = vector.broadcast %add3A_26 : i32 to vector<1x4096xi32>
    %add3A_28 = arith.addi %shift_right_arithmetic3A_20, %add3A_27 : vector<1x4096xi32>
    %eq3A_29 = vector.broadcast %add3A_28 : vector<1x4096xi32> to vector<128x4096xi32>
    %eq3A_30 = arith.cmpi eq, %iota3A, %eq3A_29 : vector<128x4096xi32>
    %or3A_31 = arith.ori %or3A, %eq3A_30 : vector<128x4096xi1>
    %jit3A = arith.constant 1.000000e+00 : f32
    %jit3A_32 = arith.constant 0.000000e+00 : f32
    %broadcast_in_dim3A = vector.broadcast %jit3A : f32 to vector<128x4096xf32>
    %broadcast_in_dim3A_33 = vector.broadcast %jit3A_32 : f32 to vector<128x4096xf32>
    %select_n3A = arith.select %or3A_31, %broadcast_in_dim3A, %broadcast_in_dim3A_33 : vector<128x4096xi1>, vector<128x4096xf32>
    %dot_general3A_34 = arith.constant dense<0.000000e+00> : vector<4096x128xf32>
    %dot_general3A_35 = tpu.matmul %select_n3A, %dot_general3A_5, %dot_general3A_34 {dimension_numbers = #tpu.dot_dimension_numbers<[0], [0], [1], [1], [0, 1, 1, 1], [], []>, transpose_lhs_hint = false} : vector<128x4096xf32>, vector<128x128xf32>, vector<4096x128xf32> -> vector<4096x128xf32>
    %get3A_36 = arith.constant 0 : index
    %get3A_37 = arith.constant 0 : index
    %get3A_38 = vector.load %arg2[%get3A_36, %get3A_37] : memref<4096x128xf32, #tpu.memory_space<vmem>>, vector<4096x128xf32>
    %add3A_39 = arith.addf %get3A_38, %dot_general3A_35 : vector<4096x128xf32>
    %get3A_40 = arith.constant 0 : index
    %get3A_41 = arith.constant 0 : index
    %get3A_42 = vector.load %arg5[%get3A_40, %get3A_41] : memref<1x128xf32, #tpu.memory_space<vmem>>, vector<1x128xf32>
    %add3A_43 = vector.broadcast %get3A_42 : vector<1x128xf32> to vector<4096x128xf32>
    %add3A_44 = arith.addf %add3A_39, %add3A_43 : vector<4096x128xf32>
    %tanh3A = math.tanh %add3A_44 : vector<4096x128xf32>
    %swap3A = arith.constant 0 : index
    %swap3A_45 = arith.constant 0 : index
    %swap3A_46 = vector.load %arg7[%swap3A, %swap3A_45] : memref<4096x128xf32, #tpu.memory_space<vmem>>, vector<4096x128xf32>
    tpu.vector_store %arg7[%swap3A, %swap3A_45], %tanh3A {strides = array<i32>} : memref<4096x128xf32, #tpu.memory_space<vmem>>, vector<4096x128xf32>,
    return
  }
  func.func @transform_1(%arg0: i32) -> (i32, i32) {
    %c0_i32 = arith.constant 0 : i32
    %c0_i32_0 = arith.constant 0 : i32
    return %arg0, %c0_i32 : i32, i32
  }
  func.func @transform_2(%arg0: i32) -> (i32, i32, i32) {
    %c0_i32 = arith.constant 0 : i32
    %c0_i32_0 = arith.constant 0 : i32
    %c0_i32_1 = arith.constant 0 : i32
    return %arg0, %c0_i32, %c0_i32_0 : i32, i32, i32
  }
  func.func @transform_3(%arg0: i32) -> (i32, i32) {
    %c0_i32 = arith.constant 0 : i32
    %c0_i32_0 = arith.constant 0 : i32
    %c0_i32_1 = arith.constant 0 : i32
    return %c0_i32, %c0_i32_0 : i32, i32
  }
  func.func @transform_4(%arg0: i32) -> (i32, i32) {
    %c0_i32 = arith.constant 0 : i32
    %c0_i32_0 = arith.constant 0 : i32
    %c0_i32_1 = arith.constant 0 : i32
    return %c0_i32, %c0_i32_0 : i32, i32
  }
  func.func @transform_5(%arg0: i32) -> (i32, i32) {
    %c0_i32 = arith.constant 0 : i32
    %c0_i32_0 = arith.constant 0 : i32
    %c0_i32_1 = arith.constant 0 : i32
    return %c0_i32, %c0_i32_0 : i32, i32
  }
  func.func @transform_6(%arg0: i32) -> (i32, i32) {
    %add3A = arith.constant 176 : i32
    %add3A_0 = arith.addi %arg0, %add3A : i32
    %c0_i32 = arith.constant 0 : i32
    %c0_i32_1 = arith.constant 0 : i32
    return %add3A_0, %c0_i32 : i32, i32
  }
}

</mosaic_0001>

<sc_bundles>
// kernel: kernel.19.cloned.1.call-start
scs
__scs_entry_jumppad:
0x0: {  	(pc) =	sbr.rel $0x88, $3  }
0x1: {  	(tag) =	ssettag $0x0;
	lr =	simm.s32 $0x1  }
0x2: {  	[smem:$0x3F97] =	sst lr;
	_ =	strace $0xD0000000  }
0x3: {  	_ = 	snop  }
0x4: {  	_ = 	snop  }
0x5: {  	_ = 	snop  }
0x6: {  	_ = 	snop  }
0x7: {  	_ = 	snop  }
__scs_overlays_trampoline_lowered:
0x8: {  	[smem:$0x3FA6] =	sst s0  }
0x9: {  	[smem:$0x3FA7] =	sst s1  }
0xa: {  	[smem:$0x3FA8] =	sst s2  }
0xb: {  	[smem:$0x3FA9] =	sst s3  }
0xc: {  	[smem:$0x3FAA] =	sst s4  }
0xd: {  	[smem:$0x3FAB] =	sst s5  }
0xe: {  	[smem:$0x3FAC] =	sst s6  }
0xf: {  	[smem:$0x3FAD] =	sst s7  }
0x10: {  	[smem:$0x3FAE] =	sst s8  }
0x11: {  	[smem:$0x3FAF] =	sst s9;
	s0 =	simm.s32 @!p0 $0x0  }
0x12: {  	s1 =	sld [smem:$0x3F95];
	s0 =	simm.s32 @p0 $0x1  }
0x13: {  	[smem:$0x3FB0] =	sst s0;
	s0 =	simm.s32 @!p1 $0x0  }
0x14: {  	s2 =	sld [smem:$0x3F94];
	s0 =	simm.s32 @p1 $0x1  }
0x15: {  	[smem:$0x3FB1] =	sst s0;
	s0 =	simm.s32 @!p2 $0x0  }
0x16: {  	s3 =	sld [smem:$0x3FDB];
	s0 =	simm.s32 @p2 $0x1  }
0x17: {  	s4 =	simm.s32 $0x1BF5;
	[smem:$0x3FB3] =	sst s0  }
0x18: {  	s0 =	sld [smem:$0x3F96];
	_ =	swait.ge [sflag:s4], $0x0  }
0x19: {  	s7 =	sld [smem:$0x3F97]  }
0x1a: {  	s8 =	sadd.s32 $0xFFFFE003, lr  }
0x1b: {  	s9 =	sadd.s32 $0xFFFFFEF7, lr;
	s5 =	simm.s32 $0xFFFFFFFF;
	p2 =	slt.u32 s8, $0xFFFFF086  }
0x1c: {  	p1 =	slt.u32 s9, $0xF7A;
	s5 =	simm.s32 @!p2 $0x0  }
0x1d: {  	s5 =	simm.s32 @p1 $0x1;
	p0 =	seq.s32 s7, s2  }
0x1e: {  	s7 =	smul.u32 @!p0 $0xF7A, s2;
	p2 =	seq.s32 @!p0 s5, $0x0  }
0x1f: {  	s9 =	smul.u32 $0xF7A, s1;
	s8 =	simm.s32 @!p0 $0x1BF5;
	p2 =	por !p2, p0  }
0x20: {  	[sflag:s8] =	ssyncset.s32 @!p0 $0xFFFFF086;
	s6 =	sadd.s32 @!p0 s3, s7;
	s7 =	simm.s32 @!p0 $0x108  }
0x21: {  	s3 =	sadd.s32 s3, s9;
	s6 =	sadd.s32 @!p0 $0x88, s6;
	s7 =	simm.s32 @p2 $0x1082  }
0x22: {  	[simem:s7], [sflag:s8] =	dma.local @!p0 [hbm:s6], $0xF7A  }
0x23: {  	s9 =	sor.u32 $0xD0000000, s2;
	s6 =	simm.s32 $0x108;
	_ =	swait.ge @!p0 [sflag:s8], $0x0  }
0x24: {  	s3 =	sadd.s32 $0x88, s3;
	s6 =	simm.s32 @!p1 $0x1082;
	[sflag:s4] =	ssyncset.s32 $0xFFFFF086  }
0x25: {  	[simem:s6], [sflag:s4] =	dma.local [hbm:s3], $0xF7A  }
0x26: {  	[smem:$0x3F97] =	sst s1;
	(tag) =	ssettag s2;
	_ =	strace s9  }
0x27: {  	s1 =	sld [smem:$0x3FA7]  }
0x28: {  	s2 =	sld [smem:$0x3FA8]  }
0x29: {  	s4 =	sld [smem:$0x3FAA]  }
0x2a: {  	p0 =	seq.s32 s5, $0x0;
	s5 =	sld [smem:$0x3FAB]  }
0x2b: {  	s6 =	sld [smem:$0x3FAC]  }
0x2c: {  	s7 =	sld [smem:$0x3FAD]  }
0x2d: {  	s3 =	simm.s32 $0x108;
	s8 =	sld [smem:$0x3FAE]  }
0x2e: {  	s3 =	simm.s32 @!p0 $0x1082;
	s9 =	sld [smem:$0x3FAF]  }
0x2f: {  	lr =	sadd.s32 s0, s3;
	s0 =	sld [smem:$0x3FA6]  }
0x30: {  	s3 =	sld [smem:$0x3FA9]  }
0x31: {  	[smem:$0x3FB2] =	sst s10  }
0x32: {  	s10 =	sld [smem:$0x3FB0];
	_ =	sdelay $0x3  }
0x33: {  	p0 =	seq.s32 s10, $0x1;
	s10 =	sld [smem:$0x3FB2];
	_ =	sdelay $0x3  }
0x34: {  	[smem:$0x3FB2] =	sst s10  }
0x35: {  	s10 =	sld [smem:$0x3FB1];
	_ =	sdelay $0x3  }
0x36: {  	p1 =	seq.s32 s10, $0x1;
	s10 =	sld [smem:$0x3FB2];
	_ =	sdelay $0x3  }
0x37: {  	[smem:$0x3FB2] =	sst s10  }
0x38: {  	s10 =	sld [smem:$0x3FB3]  }
0x39: {  	_ = 	snop;
	(pc) =	sbr.ind lr, $3  }
0x3a: {  	_ = 	snop  }
0x3b: {  	_ = 	snop  }
0x3c: {  	p2 =	seq.s32 s10, $0x1;
	s10 =	sld [smem:$0x3FB2]  }
0x3d: {  	_ =	shalt  }
0x3e: {  	_ =	shalt  }
0x3f: {  	_ =	shalt  }
0x40: {  	_ =	shalt  }
0x41: {  	_ =	shalt  }
0x42: {  	_ =	shalt  }
0x43: {  	_ =	shalt  }
0x44: {  	_ =	shalt  }
0x45: {  	_ =	shalt  }
0x46: {  	_ =	shalt  }
0x47: {  	_ =	shalt  }
0x48: {  	_ =	shalt  }
0x49: {  	_ =	shalt  }
0x4a: {  	_ =	shalt  }
0x4b: {  	_ =	shalt  }
0x4c: {  	_ =	shalt  }
0x4d: {  	_ =	shalt  }
0x4e: {  	_ =	shalt  }
0x4f: {  	_ =	shalt  }
0x50: {  	_ =	shalt  }
0x51: {  	_ =	shalt  }
0x52: {  	_ =	shalt  }
0x53: {  	_ =	shalt  }
0x54: {  	_ =	shalt  }
0x55: {  	_ =	shalt  }
0x56: {  	_ =	shalt  }
0x57: {  	_ =	shalt  }
0x58: {  	_ =	shalt  }
0x59: {  	_ =	shalt  }
0x5a: {  	_ =	shalt  }
0x5b: {  	_ =	shalt  }
0x5c: {  	_ =	shalt  }
0x5d: {  	_ =	shalt  }
0x5e: {  	_ =	shalt  }
0x5f: {  	_ =	shalt  }
0x60: {  	_ =	shalt  }
0x61: {  	_ =	shalt  }
0x62: {  	_ =	shalt  }
0x63: {  	_ =	shalt  }
0x64: {  	_ =	shalt  }
0x65: {  	_ =	shalt  }
0x66: {  	_ =	shalt  }
0x67: {  	_ =	shalt  }
0x68: {  	_ =	shalt  }
0x69: {  	_ =	shalt  }
0x6a: {  	_ =	shalt  }
0x6b: {  	_ =	shalt  }
0x6c: {  	_ =	shalt  }
0x6d: {  	_ =	shalt  }
0x6e: {  	_ =	shalt  }
0x6f: {  	_ =	shalt  }
0x70: {  	_ =	shalt  }
0x71: {  	_ =	shalt  }
0x72: {  	_ =	shalt  }
0x73: {  	_ =	shalt  }
0x74: {  	_ =	shalt  }
0x75: {  	_ =	shalt  }
0x76: {  	_ =	shalt  }
0x77: {  	_ =	shalt  }
0x78: {  	_ =	shalt  }
0x79: {  	_ =	shalt  }
0x7a: {  	_ =	shalt  }
0x7b: {  	_ =	shalt  }
0x7c: {  	_ =	shalt  }
0x7d: {  	_ =	shalt  }
0x7e: {  	_ =	shalt  }
0x7f: {  	_ =	shalt  }
0x80: {  	_ =	shalt  }
0x81: {  	_ =	shalt  }
0x82: {  	_ =	shalt  }
0x83: {  	_ =	shalt  }
0x84: {  	_ =	shalt  }
0x85: {  	_ =	shalt  }
0x86: {  	_ =	shalt  }
0x87: {  	_ =	shalt  }
.Lfunc_end0:
.L_simem_size_0:
called_computation_lowered:
.L_overlay_start_0:
0x88: {  	s2 =	sld [smem:$0x3FD9]  }
0x89: {  	s3 =	sld [smem:$0x3FFE];
	_ =	sdelay $0x1  }
0x8a: {  	s1 =	srdreg.scid  }
0x8b: {  	s0 =	sand.u32 $0x1, s1  }
0x8c: {  	s17 =	sshll.u32 s0, $0xA;
	s2 =	sadd.s32 s3, s2  }
0x8d: {  	s2 =	sadd.s32 s2, s17  }
0x8e: {  	[smem:$0x3FBE] =	sst s2  }
0x8f: {  	_ = 	snop  }
0x90: {  	s2 =	sld [smem:$0x3FD0];
	(tm) =	ssettm $0x1  }
0x91: {  	s18 =	sld [smem:$0x3FFB];
	_ =	sdelay $0x3  }
0x92: {  	_ =	strace s18  }
0x93: {  	s3 =	sld [smem:$0x3FFC];
	_ =	sdelay $0x3  }
0x94: {  	_ =	strace s3  }
0x95: {  	s3 =	sld [smem:$0x3FFD];
	_ =	sdelay $0x3  }
0x96: {  	_ =	strace s3  }
0x97: {  	_ =	strace $0x8FFFFFFF  }
0x98: {  	s19 =	sld [smem:$0x3FDB];
	_ =	sdelay $0x1  }
0x99: {  	s4 =	simm.s32 $_scs_section_size  }
0x9a: {  	s5 =	simm.s32 $_size__tile_overlayer_lowered;
	s6 =	simm.s32 $_tile_overlayer_lowered  }
0x9b: {  	s22 =	simm.s32 $0x1BFF;
	s21 =	sshll.u32 s6, $0x1;
	s3 =	sadd.s32 s4, s19  }
0x9c: {  	s7 =	simm.s32 $0x0;
	s20 =	sshll.u32 s5, $0x1;
	s5 =	sadd.s32 s21, s3  }
0x9d: {  	[timem:s7], [sflag:s22] =	dma.local [hbm:s5], s20  }
0x9e: {  	_ =	swait.ge [sflag:s22], s20  }
0x9f: {  	s4 =	ssub.s32 $0x0, s20;
	[sflag:s22] =	ssyncset.done $0x0  }
0xa0: {  	[sflag:s22] =	ssyncadd.s32 s4;
	_ =	sdelay $0x1  }
0xa1: {  	s23 =	simm.s32 $0x1B8B  }
0xa2: {  	_ =	swait.ge [sflag:s23], $0x1  }
0xa3: {  	[sflag:s23] =	ssyncset.done $0x0  }
0xa4: {  	s25 =	simm.s32 $0x1B8E;
	s24 =	sld [smem:$0x3FFE];
	[sflag:s23] =	ssyncadd.s32 $0xFFFFFFFF  }
0xa5: {  	s26 =	simm.s32 $execute0_lowered;
	[smem:$0x3FD2] =	sst s25  }
0xa6: {  	s5 =	sshll.u32 s26, $0x1;
	_ =	strace $0x80000046;
	[dreg:$0x1] =	wrdreg $0xFFFFFFFF  }
0xa7: {  	s28 =	simm.s32 $_size_execute0_lowered;
	s3 =	sadd.s32 s3, s5;
	[dreg:$0x0] =	wrdreg $0x0  }
0xa8: {  	s5 =	sshll.u32 s28, $0x1;
	[dreg:$0x2] =	wrdreg s3  }
0xa9: {  	[dreg:$0x3] =	wrdreg s5  }
0xaa: {  	[dreg:$0x4] =	wrdreg $0xC0  }
0xab: {  	_ =	task [dreg:s7], $0x5FFFF  }
0xac: {  	[dreg:$0x1] =	wrdreg $0xFFFFFFFF  }
0xad: {  	[dreg:$0x0] =	wrdreg $0x60  }
0xae: {  	[dreg:$0x2] =	wrdreg s24  }
0xaf: {  	[dreg:$0x3] =	wrdreg s2  }
0xb0: {  	[dreg:$0x4] =	wrdreg $0x9  }
0xb1: {  	_ =	task.clear_ibuf [dreg:s7], $0x5FFFF;
	_ =	strace $0x90000046  }
0xb2: {  	s29 =	simm.s32 $0x9;
	_ =	strace $0x80000048  }
0xb3: {  	_ =	swait.ge [sflag:s29], $0x1  }
0xb4: {  	[sflag:s29] =	ssyncadd.s32 $0xFFFFFFFF  }
0xb5: {  	_ =	strace $0x90000048  }
0xb6: {  	_ =	sfence  }
0xb7: {  	s30 =	sld [smem:$0x0];
	_ =	sdelay $0x2  }
0xb8: {  	s31 =	sshll.u32 s1, $0xD;
	s1 =	sshrl.u32 s1, $0x2  }
0xb9: {  	s3 =	sand.u32 $0x4000, s31;
	s1 =	sadd.s32 s1, s30  }
0xba: {  	s0 =	sor.u32 s3, s0;
	s1 =	sshll.u32 s1, $0x11  }
0xbb: {  	s0 =	sor.u32 s1, s0  }
0xbc: {  	s0 =	sadd.s32 $0x8F2B, s0  }
0xbd: {  	[sflag:s0] =	ssyncadd.remote.s32 $0x1  }
0xbe: {  	_ =	sfence.sel $0xFFFF  }
0xbf: {  	[dreg:$0x0] =	wrdreg $0xFFFFFFFF;
	(pc) =	sbr.abs _section_cstart, $3  }
0xc0: {  	[dreg:$0x1] =	wrdreg $0xFFFFFFFF  }
0xc1: {  	_ =	task.clear_ibuf [dreg:s7], $0x2FFFF;
	_ =	strace $0x9FFFFFFF  }
0xc2: {  	(tm) =	ssettm $0x7FFFFFFF  }
0xc3: {  	_ =	shalt  }
tec
execute0_lowered:
.L_overlay_start_1:
0x0: {  	(tag) =	ssettag $0x1  }
0x1: {  	s1 =	srdreg.scid;
	s0 =	stileid.u32  }
0x2: {  	s24 =	sand.u32 $0x1, s1;
	s31 =	sshll.u32 s0, $0x1  }
0x3: {  	s5 =	rddreg [dreg:$0x0];
	s15 =	sor.u32 s24, s31  }
0x4: {  	s14 =	rddreg [dreg:$0x1];
	s2 =	simm.s32 $0x0;
	s3 =	sshll.u32 s15, $0x7  }
0x5: {  	s4 =	simm.s32 $0x5;
	[smem:$0x7FF] =	sst s2;
	s3 =	sadd.s32 s3, s5  }
0x6: {  	s1 =	rddreg [dreg:$0x2];
	_ =	strace $0x80000047;
	s3 =	sadd.s32 $0x4A00, s3  }
0x7: {  	[tilespmem:s2], [sflag:$0x5] =	stream.linear.gather [hbm4b:s3+s2], $0x400, $0x38;
	[tilespmem:$0x10400] =	vst v63  }
0x8: {  	_ =	swait.ge [sflag:s4], $0x400  }
0x9: {  	s6 =	simm.s32 $0x80;
	[sflag:s4] =	ssyncset.done $0x0  }
0xa: {  	s7 =	simm.s32 $0x400;
	s5 =	sadd.s32 $0x5A00, s5;
	[sflag:s4] =	ssyncadd.s32 $0xFFFFFC00  }
0xb: {  	[tilespmem:s7], [sflag:$0x1] =	stream.indirect.gather [hbm4b:s5+s6], $0x80, s2, s6, $0xb8;
	[tilespmem:$0x10400] =	vst v63  }
0xc: {  	s8 =	simm.s32 $0x4400  }
0xd: {  	[tilespmem:s8], [sflag:$0x1] =	stream.indirect.gather [hbm4b:s5+s6], $0x80, s6, s6, $0xb8;
	[tilespmem:$0x10400] =	vst v63  }
0xe: {  	s9 =	simm.s32 $0x100;
	s10 =	simm.s32 $0x8400  }
0xf: {  	[tilespmem:s10], [sflag:$0x2] =	stream.indirect.gather [hbm4b:s5+s6], $0x80, s9, s6, $0xb8;
	[tilespmem:$0x10400] =	vst v63  }
0x10: {  	s11 =	simm.s32 $0x180;
	s12 =	simm.s32 $0xC400;
	s13 =	simm.s32 $0x1  }
0x11: {  	[tilespmem:s12], [sflag:$0x2] =	stream.indirect.gather [hbm4b:s5+s6], $0x80, s11, s6, $0xb8;
	[tilespmem:$0x10400] =	vst v63  }
0x12: {  	_ =	swait.ge [sflag:s13], $0x4000  }
0x13: {  	[sflag:s13] =	ssyncset.done $0x0  }
0x14: {  	[sflag:s13] =	ssyncadd.s32 $0xFFFFC000  }
0x15: {  	_ =	swait.ge [sflag:s13], $0x4000  }
0x16: {  	s15 =	sshll.u32 s15, $0xE;
	[sflag:s13] =	ssyncset.done $0x0  }
0x17: {  	s14 =	sadd.s32 s14, s15;
	s15 =	simm.s32 $0x3;
	[sflag:s13] =	ssyncadd.s32 $0xFFFFC000  }
0x18: {  	[hbm4b:s14+s2] =	stream.linear.scatter [tilespmem:s7], [sflag:$0x3], $0x8000, $0x38;
	[tilespmem:$0x10400] =	vst v63  }
0x19: {  	_ =	swait.ge [sflag:s15], $0x8000  }
0x1a: {  	[sflag:s15] =	ssyncset.done $0x0  }
0x1b: {  	s16 =	simm.s32 $0x200;
	[sflag:s15] =	ssyncadd.s32 $0xFFFF8000  }
0x1c: {  	[tilespmem:s7], [sflag:$0x1] =	stream.indirect.gather [hbm4b:s5+s6], $0x80, s16, s6, $0xb8;
	[tilespmem:$0x10400] =	vst v63  }
0x1d: {  	s17 =	simm.s32 $0x280;
	s18 =	simm.s32 $0x2  }
0x1e: {  	[tilespmem:s8], [sflag:$0x1] =	stream.indirect.gather [hbm4b:s5+s6], $0x80, s17, s6, $0xb8;
	[tilespmem:$0x10400] =	vst v63  }
0x1f: {  	_ =	swait.ge [sflag:s18], $0x4000  }
0x20: {  	[sflag:s18] =	ssyncset.done $0x0  }
0x21: {  	[sflag:s18] =	ssyncadd.s32 $0xFFFFC000  }
0x22: {  	_ =	swait.ge [sflag:s18], $0x4000  }
0x23: {  	[sflag:s18] =	ssyncset.done $0x0  }
0x24: {  	s19 =	simm.s32 $0x4;
	s20 =	sadd.s32 $0x1000, s14;
	[sflag:s18] =	ssyncadd.s32 $0xFFFFC000  }
0x25: {  	[hbm4b:s20+s2] =	stream.linear.scatter [tilespmem:s10], [sflag:$0x4], $0x8000, $0x38;
	[tilespmem:$0x10400] =	vst v63  }
0x26: {  	_ =	swait.ge [sflag:s19], $0x8000  }
0x27: {  	[sflag:s19] =	ssyncset.done $0x0  }
0x28: {  	s21 =	simm.s32 $0x300;
	[sflag:s19] =	ssyncadd.s32 $0xFFFF8000  }
0x29: {  	[tilespmem:s10], [sflag:$0x2] =	stream.indirect.gather [hbm4b:s5+s6], $0x80, s21, s6, $0xb8;
	[tilespmem:$0x10400] =	vst v63  }
0x2a: {  	s22 =	simm.s32 $0x380  }
0x2b: {  	[tilespmem:s12], [sflag:$0x2] =	stream.indirect.gather [hbm4b:s5+s6], $0x80, s22, s6, $0xb8;
	[tilespmem:$0x10400] =	vst v63  }
0x2c: {  	_ =	swait.ge [sflag:s13], $0x4000  }
0x2d: {  	[sflag:s13] =	ssyncset.done $0x0  }
0x2e: {  	[sflag:s13] =	ssyncadd.s32 $0xFFFFC000  }
0x2f: {  	_ =	swait.ge [sflag:s13], $0x4000  }
0x30: {  	[sflag:s13] =	ssyncset.done $0x0  }
0x31: {  	s23 =	sadd.s32 $0x2000, s14;
	[sflag:s13] =	ssyncadd.s32 $0xFFFFC000  }
0x32: {  	[hbm4b:s23+s2] =	stream.linear.scatter [tilespmem:s7], [sflag:$0x3], $0x8000, $0x38;
	[tilespmem:$0x10400] =	vst v63  }
0x33: {  	_ =	swait.ge [sflag:s18], $0x4000  }
0x34: {  	s25 =	ssub.s32 $0x2, s24;
	[sflag:s18] =	ssyncset.done $0x0  }
0x35: {  	s26 =	sshrl.u32 s25, $0x1;
	[sflag:s18] =	ssyncadd.s32 $0xFFFFC000  }
0x36: {  	s25 =	ssub.s32 s25, s26;
	_ =	swait.ge [sflag:s18], $0x4000  }
0x37: {  	s25 =	smax.u32 s25, $0x1;
	[sflag:s18] =	ssyncset.done $0x0  }
0x38: {  	s24 =	sadd.s32 $0x3000, s14;
	p0 =	sne.s32 s25, $0x1;
	[sflag:s18] =	ssyncadd.s32 $0xFFFFC000  }
0x39: {  	[hbm4b:s24+s2] =	stream.linear.scatter [tilespmem:s10], [sflag:$0x4], $0x8000, $0x38;
	[tilespmem:$0x10400] =	vst v63  }
.Ltmp0:
0x3a: {  	_ =	swait.ge [sflag:s15], $0x8000;
	(pc) =	sbr.rel @!p0 .LBB2_2-.Ltmp0, $4  }
0x3b: {  	[sflag:s15] =	ssyncset.done $0x0  }
0x3c: {  	[sflag:s15] =	ssyncadd.s32 $0xFFFF8000  }
0x3d: {  	_ =	swait.ge [sflag:s19], $0x8000  }
0x3e: {  	s25 =	sadd.s32 $0xFFFFFFFF, s25;
	[sflag:s19] =	ssyncset.done $0x0  }
.LBB2_1:
0x3f: {  	p0 =	sne.s32 s25, $0x1;
	s25 =	sadd.s32 $0xFFFFFFFF, s25;
	[sflag:s19] =	ssyncadd.s32 $0xFFFF8000  }
0x40: {  	[tilespmem:s2], [sflag:$0x5] =	stream.linear.gather [hbm4b:s3+s2], $0x400, $0x38;
	[tilespmem:$0x10400] =	vst v63  }
0x41: {  	_ =	swait.ge [sflag:s4], $0x400  }
0x42: {  	[sflag:s4] =	ssyncset.done $0x0  }
0x43: {  	[sflag:s4] =	ssyncadd.s32 $0xFFFFFC00  }
0x44: {  	[tilespmem:s7], [sflag:$0x1] =	stream.indirect.gather [hbm4b:s5+s6], $0x80, s2, s6, $0xb8;
	[tilespmem:$0x10400] =	vst v63  }
0x45: {  	_ = 	snop  }
0x46: {  	[tilespmem:s8], [sflag:$0x1] =	stream.indirect.gather [hbm4b:s5+s6], $0x80, s6, s6, $0xb8;
	[tilespmem:$0x10400] =	vst v63  }
0x47: {  	_ = 	snop  }
0x48: {  	[tilespmem:s10], [sflag:$0x2] =	stream.indirect.gather [hbm4b:s5+s6], $0x80, s9, s6, $0xb8;
	[tilespmem:$0x10400] =	vst v63  }
0x49: {  	_ = 	snop  }
0x4a: {  	[tilespmem:s12], [sflag:$0x2] =	stream.indirect.gather [hbm4b:s5+s6], $0x80, s11, s6, $0xb8;
	[tilespmem:$0x10400] =	vst v63  }
0x4b: {  	_ =	swait.ge [sflag:s13], $0x4000  }
0x4c: {  	[sflag:s13] =	ssyncset.done $0x0  }
0x4d: {  	[sflag:s13] =	ssyncadd.s32 $0xFFFFC000  }
0x4e: {  	_ =	swait.ge [sflag:s13], $0x4000  }
0x4f: {  	[sflag:s13] =	ssyncset.done $0x0  }
0x50: {  	[sflag:s13] =	ssyncadd.s32 $0xFFFFC000  }
0x51: {  	[hbm4b:s14+s2] =	stream.linear.scatter [tilespmem:s7], [sflag:$0x3], $0x8000, $0x38;
	[tilespmem:$0x10400] =	vst v63  }
0x52: {  	_ =	swait.ge [sflag:s15], $0x8000  }
0x53: {  	[sflag:s15] =	ssyncset.done $0x0  }
0x54: {  	[sflag:s15] =	ssyncadd.s32 $0xFFFF8000  }
0x55: {  	[tilespmem:s7], [sflag:$0x1] =	stream.indirect.gather [hbm4b:s5+s6], $0x80, s16, s6, $0xb8;
	[tilespmem:$0x10400] =	vst v63  }
0x56: {  	_ = 	snop  }
0x57: {  	[tilespmem:s8], [sflag:$0x1] =	stream.indirect.gather [hbm4b:s5+s6], $0x80, s17, s6, $0xb8;
	[tilespmem:$0x10400] =	vst v63  }
0x58: {  	_ =	swait.ge [sflag:s18], $0x4000  }
0x59: {  	[sflag:s18] =	ssyncset.done $0x0  }
0x5a: {  	[sflag:s18] =	ssyncadd.s32 $0xFFFFC000  }
0x5b: {  	_ =	swait.ge [sflag:s18], $0x4000  }
0x5c: {  	[sflag:s18] =	ssyncset.done $0x0  }
0x5d: {  	[sflag:s18] =	ssyncadd.s32 $0xFFFFC000  }
0x5e: {  	[hbm4b:s20+s2] =	stream.linear.scatter [tilespmem:s10], [sflag:$0x4], $0x8000, $0x38;
	[tilespmem:$0x10400] =	vst v63  }
0x5f: {  	_ =	swait.ge [sflag:s19], $0x8000  }
0x60: {  	[sflag:s19] =	ssyncset.done $0x0  }
0x61: {  	[sflag:s19] =	ssyncadd.s32 $0xFFFF8000  }
0x62: {  	[tilespmem:s10], [sflag:$0x2] =	stream.indirect.gather [hbm4b:s5+s6], $0x80, s21, s6, $0xb8;
	[tilespmem:$0x10400] =	vst v63  }
0x63: {  	_ = 	snop  }
0x64: {  	[tilespmem:s12], [sflag:$0x2] =	stream.indirect.gather [hbm4b:s5+s6], $0x80, s22, s6, $0xb8;
	[tilespmem:$0x10400] =	vst v63  }
0x65: {  	_ =	swait.ge [sflag:s13], $0x4000  }
0x66: {  	[sflag:s13] =	ssyncset.done $0x0  }
0x67: {  	[sflag:s13] =	ssyncadd.s32 $0xFFFFC000  }
0x68: {  	_ =	swait.ge [sflag:s13], $0x4000  }
0x69: {  	[sflag:s13] =	ssyncset.done $0x0  }
0x6a: {  	[sflag:s13] =	ssyncadd.s32 $0xFFFFC000  }
0x6b: {  	[hbm4b:s23+s2] =	stream.linear.scatter [tilespmem:s7], [sflag:$0x3], $0x8000, $0x38;
	[tilespmem:$0x10400] =	vst v63  }
0x6c: {  	_ =	swait.ge [sflag:s18], $0x4000  }
0x6d: {  	[sflag:s18] =	ssyncset.done $0x0  }
0x6e: {  	[sflag:s18] =	ssyncadd.s32 $0xFFFFC000  }
0x6f: {  	_ =	swait.ge [sflag:s18], $0x4000  }
0x70: {  	[sflag:s18] =	ssyncset.done $0x0  }
0x71: {  	[sflag:s18] =	ssyncadd.s32 $0xFFFFC000  }
0x72: {  	[hbm4b:s24+s2] =	stream.linear.scatter [tilespmem:s10], [sflag:$0x4], $0x8000, $0x38;
	[tilespmem:$0x10400] =	vst v63  }
.Ltmp1:
0x73: {  	_ =	swait.ge [sflag:s15], $0x8000;
	(pc) =	sbr.rel @p0 .LBB2_1-.Ltmp1, $4  }
0x74: {  	[sflag:s15] =	ssyncset.done $0x0  }
0x75: {  	[sflag:s15] =	ssyncadd.s32 $0xFFFF8000  }
0x76: {  	_ =	swait.ge [sflag:s19], $0x8000  }
0x77: {  	[sflag:s19] =	ssyncset.done $0x0  }
.LBB2_2:
0x78: {  	[sflag:s19] =	ssyncadd.s32 $0xFFFF8000  }
0x79: {  	_ =	sfence.sel $0x180000  }
0x7a: {  	[bflag:$0x0] =	sbarrier.arrive $0xFFFF  }
0x7b: {  	p0 =	sne.s32 s0, $0x0;
	_ =	strace $0x90000047  }
0x7c: {  	s0 =	sadd.s32 @!p0 $0x100000, s1;
	[bflag:$0x2] =	sbarrier.arrive $0xFFFF  }
0x7d: {  	[sflag:s0] =	ssyncadd.tile.s32 @!p0 $0x1;
	_ =	shalt  }
.Lfunc_end2:
_tile_overlayer_lowered:
.L_overlay_start_2:
0x7e: {  	(tag) =	ssettag $0x2  }
0x7f: {  	s0 =	rddreg [dreg:$0x0];
	s2 =	stileid.u32  }
0x80: {  	s1 =	rddreg [dreg:$0x1];
	p0 =	sne.s32 s2, $0x0  }
0x81: {  	s3 =	rddreg [dreg:$0x2];
	[bflag:$0x3] =	sbarrier.arrive $0xFFFF;
	s2 =	simm.s32 @!p0 $0x1C05  }
0x82: {  	[timem:s3], [sflag:s2] =	dma.local @!p0 [hbm:s0], s1  }
0x83: {  	s0 =	simm.s32 @!p0 $0x5  }
0x84: {  	_ =	swait.ge @!p0 [sflag:s0], s1  }
0x85: {  	s1 =	ssub.s32 @!p0 $0x0, s1;
	[sflag:s0] =	ssyncset.done @!p0 $0x0  }
0x86: {  	[sflag:s0] =	ssyncadd.s32 @!p0 s1  }
0x87: {  	[bflag:$0x3] =	sbarrier.arrive $0xFFFF  }
0x88: {  	_ =	shalt  }

// kernel: kernel.22.cloned.1.call-start
scs
__scs_entry_jumppad:
0x0: {  	(pc) =	sbr.rel $0x88, $3  }
0x1: {  	(tag) =	ssettag $0x0;
	lr =	simm.s32 $0x1  }
0x2: {  	[smem:$0x3F97] =	sst lr;
	_ =	strace $0xD0000000  }
0x3: {  	_ = 	snop  }
0x4: {  	_ = 	snop  }
0x5: {  	_ = 	snop  }
0x6: {  	_ = 	snop  }
0x7: {  	_ = 	snop  }
__scs_overlays_trampoline_lowered:
0x8: {  	[smem:$0x3FA6] =	sst s0  }
0x9: {  	[smem:$0x3FA7] =	sst s1  }
0xa: {  	[smem:$0x3FA8] =	sst s2  }
0xb: {  	[smem:$0x3FA9] =	sst s3  }
0xc: {  	[smem:$0x3FAA] =	sst s4  }
0xd: {  	[smem:$0x3FAB] =	sst s5  }
0xe: {  	[smem:$0x3FAC] =	sst s6  }
0xf: {  	[smem:$0x3FAD] =	sst s7  }
0x10: {  	[smem:$0x3FAE] =	sst s8  }
0x11: {  	[smem:$0x3FAF] =	sst s9;
	s0 =	simm.s32 @!p0 $0x0  }
0x12: {  	s1 =	sld [smem:$0x3F95];
	s0 =	simm.s32 @p0 $0x1  }
0x13: {  	[smem:$0x3FB0] =	sst s0;
	s0 =	simm.s32 @!p1 $0x0  }
0x14: {  	s2 =	sld [smem:$0x3F94];
	s0 =	simm.s32 @p1 $0x1  }
0x15: {  	[smem:$0x3FB1] =	sst s0;
	s0 =	simm.s32 @!p2 $0x0  }
0x16: {  	s3 =	sld [smem:$0x3FDB];
	s0 =	simm.s32 @p2 $0x1  }
0x17: {  	s4 =	simm.s32 $0x1BF5;
	[smem:$0x3FB3] =	sst s0  }
0x18: {  	s0 =	sld [smem:$0x3F96];
	_ =	swait.ge [sflag:s4], $0x0  }
0x19: {  	s7 =	sld [smem:$0x3F97]  }
0x1a: {  	s8 =	sadd.s32 $0xFFFFE003, lr  }
0x1b: {  	s9 =	sadd.s32 $0xFFFFFEF7, lr;
	s5 =	simm.s32 $0xFFFFFFFF;
	p2 =	slt.u32 s8, $0xFFFFF086  }
0x1c: {  	p1 =	slt.u32 s9, $0xF7A;
	s5 =	simm.s32 @!p2 $0x0  }
0x1d: {  	s5 =	simm.s32 @p1 $0x1;
	p0 =	seq.s32 s7, s2  }
0x1e: {  	s7 =	smul.u32 @!p0 $0xF7A, s2;
	p2 =	seq.s32 @!p0 s5, $0x0  }
0x1f: {  	s9 =	smul.u32 $0xF7A, s1;
	s8 =	simm.s32 @!p0 $0x1BF5;
	p2 =	por !p2, p0  }
0x20: {  	[sflag:s8] =	ssyncset.s32 @!p0 $0xFFFFF086;
	s6 =	sadd.s32 @!p0 s3, s7;
	s7 =	simm.s32 @!p0 $0x108  }
0x21: {  	s3 =	sadd.s32 s3, s9;
	s6 =	sadd.s32 @!p0 $0x88, s6;
	s7 =	simm.s32 @p2 $0x1082  }
0x22: {  	[simem:s7], [sflag:s8] =	dma.local @!p0 [hbm:s6], $0xF7A  }
0x23: {  	s9 =	sor.u32 $0xD0000000, s2;
	s6 =	simm.s32 $0x108;
	_ =	swait.ge @!p0 [sflag:s8], $0x0  }
0x24: {  	s3 =	sadd.s32 $0x88, s3;
	s6 =	simm.s32 @!p1 $0x1082;
	[sflag:s4] =	ssyncset.s32 $0xFFFFF086  }
0x25: {  	[simem:s6], [sflag:s4] =	dma.local [hbm:s3], $0xF7A  }
0x26: {  	[smem:$0x3F97] =	sst s1;
	(tag) =	ssettag s2;
	_ =	strace s9  }
0x27: {  	s1 =	sld [smem:$0x3FA7]  }
0x28: {  	s2 =	sld [smem:$0x3FA8]  }
0x29: {  	s4 =	sld [smem:$0x3FAA]  }
0x2a: {  	p0 =	seq.s32 s5, $0x0;
	s5 =	sld [smem:$0x3FAB]  }
0x2b: {  	s6 =	sld [smem:$0x3FAC]  }
0x2c: {  	s7 =	sld [smem:$0x3FAD]  }
0x2d: {  	s3 =	simm.s32 $0x108;
	s8 =	sld [smem:$0x3FAE]  }
0x2e: {  	s3 =	simm.s32 @!p0 $0x1082;
	s9 =	sld [smem:$0x3FAF]  }
0x2f: {  	lr =	sadd.s32 s0, s3;
	s0 =	sld [smem:$0x3FA6]  }
0x30: {  	s3 =	sld [smem:$0x3FA9]  }
0x31: {  	[smem:$0x3FB2] =	sst s10  }
0x32: {  	s10 =	sld [smem:$0x3FB0];
	_ =	sdelay $0x3  }
0x33: {  	p0 =	seq.s32 s10, $0x1;
	s10 =	sld [smem:$0x3FB2];
	_ =	sdelay $0x3  }
0x34: {  	[smem:$0x3FB2] =	sst s10  }
0x35: {  	s10 =	sld [smem:$0x3FB1];
	_ =	sdelay $0x3  }
0x36: {  	p1 =	seq.s32 s10, $0x1;
	s10 =	sld [smem:$0x3FB2];
	_ =	sdelay $0x3  }
0x37: {  	[smem:$0x3FB2] =	sst s10  }
0x38: {  	s10 =	sld [smem:$0x3FB3]  }
0x39: {  	_ = 	snop;
	(pc) =	sbr.ind lr, $3  }
0x3a: {  	_ = 	snop  }
0x3b: {  	_ = 	snop  }
0x3c: {  	p2 =	seq.s32 s10, $0x1;
	s10 =	sld [smem:$0x3FB2]  }
0x3d: {  	_ =	shalt  }
0x3e: {  	_ =	shalt  }
0x3f: {  	_ =	shalt  }
0x40: {  	_ =	shalt  }
0x41: {  	_ =	shalt  }
0x42: {  	_ =	shalt  }
0x43: {  	_ =	shalt  }
0x44: {  	_ =	shalt  }
0x45: {  	_ =	shalt  }
0x46: {  	_ =	shalt  }
0x47: {  	_ =	shalt  }
0x48: {  	_ =	shalt  }
0x49: {  	_ =	shalt  }
0x4a: {  	_ =	shalt  }
0x4b: {  	_ =	shalt  }
0x4c: {  	_ =	shalt  }
0x4d: {  	_ =	shalt  }
0x4e: {  	_ =	shalt  }
0x4f: {  	_ =	shalt  }
0x50: {  	_ =	shalt  }
0x51: {  	_ =	shalt  }
0x52: {  	_ =	shalt  }
0x53: {  	_ =	shalt  }
0x54: {  	_ =	shalt  }
0x55: {  	_ =	shalt  }
0x56: {  	_ =	shalt  }
0x57: {  	_ =	shalt  }
0x58: {  	_ =	shalt  }
0x59: {  	_ =	shalt  }
0x5a: {  	_ =	shalt  }
0x5b: {  	_ =	shalt  }
0x5c: {  	_ =	shalt  }
0x5d: {  	_ =	shalt  }
0x5e: {  	_ =	shalt  }
0x5f: {  	_ =	shalt  }
0x60: {  	_ =	shalt  }
0x61: {  	_ =	shalt  }
0x62: {  	_ =	shalt  }
0x63: {  	_ =	shalt  }
0x64: {  	_ =	shalt  }
0x65: {  	_ =	shalt  }
0x66: {  	_ =	shalt  }
0x67: {  	_ =	shalt  }
0x68: {  	_ =	shalt  }
0x69: {  	_ =	shalt  }
0x6a: {  	_ =	shalt  }
0x6b: {  	_ =	shalt  }
0x6c: {  	_ =	shalt  }
0x6d: {  	_ =	shalt  }
0x6e: {  	_ =	shalt  }
0x6f: {  	_ =	shalt  }
0x70: {  	_ =	shalt  }
0x71: {  	_ =	shalt  }
0x72: {  	_ =	shalt  }
0x73: {  	_ =	shalt  }
0x74: {  	_ =	shalt  }
0x75: {  	_ =	shalt  }
0x76: {  	_ =	shalt  }
0x77: {  	_ =	shalt  }
0x78: {  	_ =	shalt  }
0x79: {  	_ =	shalt  }
0x7a: {  	_ =	shalt  }
0x7b: {  	_ =	shalt  }
0x7c: {  	_ =	shalt  }
0x7d: {  	_ =	shalt  }
0x7e: {  	_ =	shalt  }
0x7f: {  	_ =	shalt  }
0x80: {  	_ =	shalt  }
0x81: {  	_ =	shalt  }
0x82: {  	_ =	shalt  }
0x83: {  	_ =	shalt  }
0x84: {  	_ =	shalt  }
0x85: {  	_ =	shalt  }
0x86: {  	_ =	shalt  }
0x87: {  	_ =	shalt  }
.Lfunc_end0:
.L_simem_size_0:
called_computation.1_lowered:
.L_overlay_start_0:
0x88: {  	s2 =	sld [smem:$0x3FD9]  }
0x89: {  	s3 =	sld [smem:$0x3FFE];
	_ =	sdelay $0x1  }
0x8a: {  	s1 =	srdreg.scid  }
0x8b: {  	s0 =	sand.u32 $0x1, s1  }
0x8c: {  	s17 =	sshll.u32 s0, $0xA;
	s2 =	sadd.s32 s3, s2  }
0x8d: {  	s2 =	sadd.s32 s2, s17  }
0x8e: {  	[smem:$0x3FBE] =	sst s2  }
0x8f: {  	_ = 	snop  }
0x90: {  	(tm) =	ssettm $0x1  }
0x91: {  	s18 =	sld [smem:$0x3FFB];
	_ =	sdelay $0x3  }
0x92: {  	_ =	strace s18  }
0x93: {  	s2 =	sld [smem:$0x3FFC];
	_ =	sdelay $0x3  }
0x94: {  	_ =	strace s2  }
0x95: {  	s2 =	sld [smem:$0x3FFD];
	_ =	sdelay $0x3  }
0x96: {  	_ =	strace s2  }
0x97: {  	_ =	strace $0x8FFFFFFF  }
0x98: {  	s19 =	sld [smem:$0x3FDB];
	_ =	sdelay $0x1  }
0x99: {  	s20 =	simm.s32 $_scs_section_size  }
0x9a: {  	s4 =	simm.s32 $_size__tile_overlayer_lowered;
	s5 =	simm.s32 $_tile_overlayer_lowered  }
0x9b: {  	s6 =	simm.s32 $0x1BFF;
	s21 =	sshll.u32 s5, $0x1;
	s3 =	sadd.s32 s20, s19  }
0x9c: {  	s22 =	simm.s32 $0x0;
	s4 =	sshll.u32 s4, $0x1;
	s5 =	sadd.s32 s21, s3  }
0x9d: {  	[timem:s22], [sflag:s6] =	dma.local [hbm:s5], s4  }
0x9e: {  	_ =	swait.ge [sflag:s6], s4  }
0x9f: {  	s4 =	ssub.s32 $0x0, s4;
	[sflag:s6] =	ssyncset.done $0x0  }
0xa0: {  	[sflag:s6] =	ssyncadd.s32 s4;
	_ =	sdelay $0x1  }
0xa1: {  	s23 =	simm.s32 $0x1B8B  }
0xa2: {  	_ =	swait.ge [sflag:s23], $0x1  }
0xa3: {  	[sflag:s23] =	ssyncset.done $0x0  }
0xa4: {  	[sflag:s23] =	ssyncadd.s32 $0xFFFFFFFF  }
0xa5: {  	s4 =	sld [smem:$0x0]  }
0xa6: {  	s5 =	sand.u32 $0xFFFFFFFE, s1  }
0xa7: {  	p0 =	sne.s32 s1, s5  }
0xa8: {  	s5 =	sshll.u32 @p0 s5, $0xE  }
0xa9: {  	s5 =	sadd.s32 @p0 $0x11B8D, s5;
	s6 =	sshll.u32 @p0 s4, $0x11  }
0xaa: {  	s5 =	sor.u32 @p0 s6, s5  }
0xab: {  	[sflag:s5] =	ssyncadd.remote.s32 @p0 $0x1;
	_ =	sdelay $0x1  }
0xac: {  	s5 =	simm.s32 @p0 $0x1B8D  }
0xad: {  	_ =	swait.eq @p0 [sflag:s5], $0x1  }
0xae: {  	[sflag:s5] =	ssyncadd.s32 @p0 $0xFFFFFFFF  }
0xaf: {  	s6 =	sshll.u32 @!p0 s1, $0xE  }
0xb0: {  	s6 =	sor.u32 @!p0 $0x4000, s6;
	s5 =	simm.s32 @!p0 $0x1B8D  }
0xb1: {  	s4 =	sshll.u32 @!p0 s4, $0x11;
	s6 =	sadd.s32 @!p0 $0x11B8D, s6;
	_ =	swait.eq @!p0 [sflag:s5], $0x1  }
0xb2: {  	s4 =	sor.u32 @!p0 s4, s6;
	[sflag:s5] =	ssyncadd.s32 @!p0 $0xFFFFFFFF  }
0xb3: {  	s25 =	simm.s32 $0x1B8E;
	s24 =	sld [smem:$0x3FFE];
	[sflag:s4] =	ssyncadd.remote.s32 @!p0 $0x1  }
0xb4: {  	s26 =	simm.s32 $execute0_lowered;
	[smem:$0x3FD2] =	sst s25  }
0xb5: {  	s5 =	sshll.u32 s26, $0x1;
	_ =	strace $0x80000049;
	[dreg:$0x1] =	wrdreg $0xFFFFFFFF  }
0xb6: {  	s28 =	simm.s32 $_size_execute0_lowered;
	s3 =	sadd.s32 s3, s5;
	[dreg:$0x0] =	wrdreg $0x0  }
0xb7: {  	s5 =	sshll.u32 s28, $0x1;
	[dreg:$0x2] =	wrdreg s3  }
0xb8: {  	[dreg:$0x3] =	wrdreg s5  }
0xb9: {  	[dreg:$0x4] =	wrdreg $0xC0  }
0xba: {  	_ =	task [dreg:s22], $0x5FFFF  }
0xbb: {  	[dreg:$0x1] =	wrdreg $0xFFFFFFFF  }
0xbc: {  	[dreg:$0x0] =	wrdreg $0x60  }
0xbd: {  	[dreg:$0x2] =	wrdreg s24  }
0xbe: {  	[dreg:$0x3] =	wrdreg $0xA  }
0xbf: {  	_ =	task.clear_ibuf [dreg:s22], $0x4FFFF;
	_ =	strace $0x90000049  }
0xc0: {  	s29 =	simm.s32 $0xA;
	_ =	strace $0x8000004B  }
0xc1: {  	_ =	swait.ge [sflag:s29], $0x1  }
0xc2: {  	[sflag:s29] =	ssyncadd.s32 $0xFFFFFFFF  }
0xc3: {  	_ =	strace $0x9000004B  }
0xc4: {  	_ =	sfence  }
0xc5: {  	s30 =	sld [smem:$0x0];
	_ =	sdelay $0x2  }
0xc6: {  	s31 =	sshll.u32 s1, $0xD;
	s1 =	sshrl.u32 s1, $0x2  }
0xc7: {  	s4 =	sand.u32 $0x4000, s31;
	s1 =	sadd.s32 s1, s30  }
0xc8: {  	s0 =	sor.u32 s4, s0;
	s1 =	sshll.u32 s1, $0x11  }
0xc9: {  	s0 =	sor.u32 s1, s0  }
0xca: {  	s0 =	sadd.s32 $0x8F2B, s0  }
0xcb: {  	[sflag:s0] =	ssyncadd.remote.s32 $0x1  }
0xcc: {  	_ =	sfence.sel $0xFFFF  }
0xcd: {  	[dreg:$0x0] =	wrdreg $0xFFFFFFFF;
	(pc) =	sbr.abs _section_cstart, $3  }
0xce: {  	[dreg:$0x1] =	wrdreg $0xFFFFFFFF  }
0xcf: {  	_ =	task.clear_ibuf [dreg:s22], $0x2FFFF;
	_ =	strace $0x9FFFFFFF  }
0xd0: {  	(tm) =	ssettm $0x7FFFFFFF  }
0xd1: {  	_ =	shalt  }
tec
execute0_lowered:
.L_overlay_start_1:
0x0: {  	(tag) =	ssettag $0x1  }
0x1: {  	s1 =	srdreg.scid  }
0x2: {  	s0 =	stileid.u32;
	s31 =	sand.u32 $0x1, s1  }
0x3: {  	s3 =	sshll.u32 s0, $0x5;
	s4 =	sshll.u32 s31, $0x4  }
0x4: {  	s24 =	rddreg [dreg:$0x0];
	s2 =	simm.s32 $0x0;
	s26 =	sor.u32 s4, s3  }
0x5: {  	[smem:$0x7FF] =	sst s2;
	s25 =	sadd.s32 $0x18C400, s24;
	s3 =	sshll.u32 s26, $0x4  }
0x6: {  	_ =	strace $0x8000004A;
	s4 =	simm.s32 $0x5;
	s3 =	sadd.s32 s25, s3  }
0x7: {  	[tilespmem:s2], [sflag:$0x5] =	stream.linear.gather [hbm4b:s3+s2], $0x400, $0x38;
	[tilespmem:$0x10400] =	vst v63  }
0x8: {  	_ =	swait.ge [sflag:s4], $0x400  }
0x9: {  	s6 =	simm.s32 $0x80;
	[sflag:s4] =	ssyncset.done $0x0  }
0xa: {  	s7 =	simm.s32 $0x400;
	s5 =	sadd.s32 $0x5A00, s24;
	[sflag:s4] =	ssyncadd.s32 $0xFFFFFC00  }
0xb: {  	[tilespmem:s7], [sflag:$0x1] =	stream.indirect.gather [hbm4b:s5+s6], $0x80, s2, s6, $0xb8;
	[tilespmem:$0x10400] =	vst v63  }
0xc: {  	s8 =	simm.s32 $0x4400  }
0xd: {  	[tilespmem:s8], [sflag:$0x1] =	stream.indirect.gather [hbm4b:s5+s6], $0x80, s6, s6, $0xb8;
	[tilespmem:$0x10400] =	vst v63  }
0xe: {  	s9 =	simm.s32 $0x100;
	s10 =	simm.s32 $0x8400  }
0xf: {  	[tilespmem:s10], [sflag:$0x2] =	stream.indirect.gather [hbm4b:s5+s6], $0x80, s9, s6, $0xb8;
	[tilespmem:$0x10400] =	vst v63  }
0x10: {  	s11 =	simm.s32 $0x180;
	s12 =	simm.s32 $0xC400;
	s13 =	simm.s32 $0x1  }
0x11: {  	[tilespmem:s12], [sflag:$0x2] =	stream.indirect.gather [hbm4b:s5+s6], $0x80, s11, s6, $0xb8;
	[tilespmem:$0x10400] =	vst v63  }
0x12: {  	_ =	swait.ge [sflag:s13], $0x4000  }
0x13: {  	[sflag:s13] =	ssyncset.done $0x0  }
0x14: {  	[sflag:s13] =	ssyncadd.s32 $0xFFFFC000  }
0x15: {  	_ =	swait.ge [sflag:s13], $0x4000  }
0x16: {  	s28 =	sadd.s32 $0x18E400, s24;
	s30 =	sshll.u32 s26, $0xB;
	[sflag:s13] =	ssyncset.done $0x0  }
0x17: {  	s15 =	simm.s32 $0x3;
	s14 =	sadd.s32 s28, s30;
	[sflag:s13] =	ssyncadd.s32 $0xFFFFC000  }
0x18: {  	[hbm4b:s14+s2] =	stream.linear.scatter [tilespmem:s7], [sflag:$0x3], $0x8000, $0x38;
	[tilespmem:$0x10400] =	vst v63  }
0x19: {  	_ =	swait.ge [sflag:s15], $0x8000  }
0x1a: {  	[sflag:s15] =	ssyncset.done $0x0  }
0x1b: {  	s16 =	simm.s32 $0x200;
	[sflag:s15] =	ssyncadd.s32 $0xFFFF8000  }
0x1c: {  	[tilespmem:s7], [sflag:$0x1] =	stream.indirect.gather [hbm4b:s5+s6], $0x80, s16, s6, $0xb8;
	[tilespmem:$0x10400] =	vst v63  }
0x1d: {  	s17 =	simm.s32 $0x280;
	s18 =	simm.s32 $0x2  }
0x1e: {  	[tilespmem:s8], [sflag:$0x1] =	stream.indirect.gather [hbm4b:s5+s6], $0x80, s17, s6, $0xb8;
	[tilespmem:$0x10400] =	vst v63  }
0x1f: {  	_ =	swait.ge [sflag:s18], $0x4000  }
0x20: {  	[sflag:s18] =	ssyncset.done $0x0  }
0x21: {  	[sflag:s18] =	ssyncadd.s32 $0xFFFFC000  }
0x22: {  	_ =	swait.ge [sflag:s18], $0x4000  }
0x23: {  	s29 =	sadd.s32 $0x18F400, s24;
	[sflag:s18] =	ssyncset.done $0x0  }
0x24: {  	s20 =	simm.s32 $0x4;
	s19 =	sadd.s32 s30, s29;
	[sflag:s18] =	ssyncadd.s32 $0xFFFFC000  }
0x25: {  	[hbm4b:s19+s2] =	stream.linear.scatter [tilespmem:s10], [sflag:$0x4], $0x8000, $0x38;
	[tilespmem:$0x10400] =	vst v63  }
0x26: {  	_ =	swait.ge [sflag:s20], $0x8000  }
0x27: {  	[sflag:s20] =	ssyncset.done $0x0  }
0x28: {  	s21 =	simm.s32 $0x300;
	[sflag:s20] =	ssyncadd.s32 $0xFFFF8000  }
0x29: {  	[tilespmem:s10], [sflag:$0x2] =	stream.indirect.gather [hbm4b:s5+s6], $0x80, s21, s6, $0xb8;
	[tilespmem:$0x10400] =	vst v63  }
0x2a: {  	s22 =	simm.s32 $0x380  }
0x2b: {  	[tilespmem:s12], [sflag:$0x2] =	stream.indirect.gather [hbm4b:s5+s6], $0x80, s22, s6, $0xb8;
	[tilespmem:$0x10400] =	vst v63  }
0x2c: {  	_ =	swait.ge [sflag:s13], $0x4000  }
0x2d: {  	[sflag:s13] =	ssyncset.done $0x0  }
0x2e: {  	[sflag:s13] =	ssyncadd.s32 $0xFFFFC000  }
0x2f: {  	_ =	swait.ge [sflag:s13], $0x4000  }
0x30: {  	s1 =	sadd.s32 $0x190400, s24;
	[sflag:s13] =	ssyncset.done $0x0  }
0x31: {  	s23 =	sadd.s32 s30, s1;
	[sflag:s13] =	ssyncadd.s32 $0xFFFFC000  }
0x32: {  	[hbm4b:s23+s2] =	stream.linear.scatter [tilespmem:s7], [sflag:$0x3], $0x8000, $0x38;
	[tilespmem:$0x10400] =	vst v63  }
0x33: {  	_ =	swait.ge [sflag:s18], $0x4000  }
0x34: {  	[sflag:s18] =	ssyncset.done $0x0  }
0x35: {  	[sflag:s18] =	ssyncadd.s32 $0xFFFFC000  }
0x36: {  	_ =	swait.ge [sflag:s18], $0x4000  }
0x37: {  	s0 =	sadd.s32 $0x191400, s24;
	s26 =	sor.u32 $0x8, s26;
	[sflag:s18] =	ssyncset.done $0x0  }
0x38: {  	s24 =	sadd.s32 s30, s0;
	s30 =	sshll.u32 s26, $0x4;
	[sflag:s18] =	ssyncadd.s32 $0xFFFFC000  }
0x39: {  	[hbm4b:s24+s2] =	stream.linear.scatter [tilespmem:s10], [sflag:$0x4], $0x8000, $0x38;
	[tilespmem:$0x10400] =	vst v63  }
0x3a: {  	s25 =	sadd.s32 s25, s30  }
0x3b: {  	[tilespmem:s2], [sflag:$0x5] =	stream.linear.gather [hbm4b:s25+s2], $0x400, $0x38;
	[tilespmem:$0x10400] =	vst v63  }
0x3c: {  	_ =	swait.ge [sflag:s4], $0x400  }
0x3d: {  	[sflag:s4] =	ssyncset.done $0x0  }
0x3e: {  	[sflag:s4] =	ssyncadd.s32 $0xFFFFFC00  }
0x3f: {  	_ =	swait.ge [sflag:s15], $0x8000  }
0x40: {  	[sflag:s15] =	ssyncset.done $0x0  }
0x41: {  	[sflag:s15] =	ssyncadd.s32 $0xFFFF8000  }
0x42: {  	[tilespmem:s7], [sflag:$0x1] =	stream.indirect.gather [hbm4b:s5+s6], $0x80, s2, s6, $0xb8;
	[tilespmem:$0x10400] =	vst v63  }
0x43: {  	_ = 	snop  }
0x44: {  	[tilespmem:s8], [sflag:$0x1] =	stream.indirect.gather [hbm4b:s5+s6], $0x80, s6, s6, $0xb8;
	[tilespmem:$0x10400] =	vst v63  }
0x45: {  	_ =	swait.ge [sflag:s20], $0x8000  }
0x46: {  	[sflag:s20] =	ssyncset.done $0x0  }
0x47: {  	[sflag:s20] =	ssyncadd.s32 $0xFFFF8000  }
0x48: {  	[tilespmem:s10], [sflag:$0x2] =	stream.indirect.gather [hbm4b:s5+s6], $0x80, s9, s6, $0xb8;
	[tilespmem:$0x10400] =	vst v63  }
0x49: {  	_ = 	snop  }
0x4a: {  	[tilespmem:s12], [sflag:$0x2] =	stream.indirect.gather [hbm4b:s5+s6], $0x80, s11, s6, $0xb8;
	[tilespmem:$0x10400] =	vst v63  }
0x4b: {  	_ =	swait.ge [sflag:s13], $0x4000  }
0x4c: {  	[sflag:s13] =	ssyncset.done $0x0  }
0x4d: {  	[sflag:s13] =	ssyncadd.s32 $0xFFFFC000  }
0x4e: {  	_ =	swait.ge [sflag:s13], $0x4000  }
0x4f: {  	s30 =	sshll.u32 s26, $0xB;
	[sflag:s13] =	ssyncset.done $0x0  }
0x50: {  	s26 =	sadd.s32 s28, s30;
	[sflag:s13] =	ssyncadd.s32 $0xFFFFC000  }
0x51: {  	[hbm4b:s26+s2] =	stream.linear.scatter [tilespmem:s7], [sflag:$0x3], $0x8000, $0x38;
	[tilespmem:$0x10400] =	vst v63  }
0x52: {  	_ =	swait.ge [sflag:s15], $0x8000  }
0x53: {  	[sflag:s15] =	ssyncset.done $0x0  }
0x54: {  	[sflag:s15] =	ssyncadd.s32 $0xFFFF8000  }
0x55: {  	[tilespmem:s7], [sflag:$0x1] =	stream.indirect.gather [hbm4b:s5+s6], $0x80, s16, s6, $0xb8;
	[tilespmem:$0x10400] =	vst v63  }
0x56: {  	_ = 	snop  }
0x57: {  	[tilespmem:s8], [sflag:$0x1] =	stream.indirect.gather [hbm4b:s5+s6], $0x80, s17, s6, $0xb8;
	[tilespmem:$0x10400] =	vst v63  }
0x58: {  	_ =	swait.ge [sflag:s18], $0x4000  }
0x59: {  	[sflag:s18] =	ssyncset.done $0x0  }
0x5a: {  	[sflag:s18] =	ssyncadd.s32 $0xFFFFC000  }
0x5b: {  	_ =	swait.ge [sflag:s18], $0x4000  }
0x5c: {  	[sflag:s18] =	ssyncset.done $0x0  }
0x5d: {  	s28 =	sadd.s32 s30, s29;
	[sflag:s18] =	ssyncadd.s32 $0xFFFFC000  }
0x5e: {  	[hbm4b:s28+s2] =	stream.linear.scatter [tilespmem:s10], [sflag:$0x4], $0x8000, $0x38;
	[tilespmem:$0x10400] =	vst v63  }
0x5f: {  	_ =	swait.ge [sflag:s20], $0x8000  }
0x60: {  	[sflag:s20] =	ssyncset.done $0x0  }
0x61: {  	[sflag:s20] =	ssyncadd.s32 $0xFFFF8000  }
0x62: {  	[tilespmem:s10], [sflag:$0x2] =	stream.indirect.gather [hbm4b:s5+s6], $0x80, s21, s6, $0xb8;
	[tilespmem:$0x10400] =	vst v63  }
0x63: {  	_ = 	snop  }
0x64: {  	[tilespmem:s12], [sflag:$0x2] =	stream.indirect.gather [hbm4b:s5+s6], $0x80, s22, s6, $0xb8;
	[tilespmem:$0x10400] =	vst v63  }
0x65: {  	_ =	swait.ge [sflag:s13], $0x4000  }
0x66: {  	[sflag:s13] =	ssyncset.done $0x0  }
0x67: {  	[sflag:s13] =	ssyncadd.s32 $0xFFFFC000  }
0x68: {  	_ =	swait.ge [sflag:s13], $0x4000  }
0x69: {  	[sflag:s13] =	ssyncset.done $0x0  }
0x6a: {  	s29 =	sadd.s32 s30, s1;
	[sflag:s13] =	ssyncadd.s32 $0xFFFFC000  }
0x6b: {  	[hbm4b:s29+s2] =	stream.linear.scatter [tilespmem:s7], [sflag:$0x3], $0x8000, $0x38;
	[tilespmem:$0x10400] =	vst v63  }
0x6c: {  	_ =	swait.ge [sflag:s18], $0x4000  }
0x6d: {  	s30 =	sadd.s32 s30, s0;
	s0 =	ssub.s32 $0x2, s31;
	[sflag:s18] =	ssyncset.done $0x0  }
0x6e: {  	s1 =	sshrl.u32 s0, $0x1;
	[sflag:s18] =	ssyncadd.s32 $0xFFFFC000  }
0x6f: {  	s0 =	ssub.s32 s0, s1;
	_ =	swait.ge [sflag:s18], $0x4000  }
0x70: {  	s0 =	smax.u32 s0, $0x1;
	[sflag:s18] =	ssyncset.done $0x0  }
0x71: {  	p0 =	sne.s32 s0, $0x1;
	[sflag:s18] =	ssyncadd.s32 $0xFFFFC000  }
0x72: {  	[hbm4b:s30+s2] =	stream.linear.scatter [tilespmem:s10], [sflag:$0x4], $0x8000, $0x38;
	[tilespmem:$0x10400] =	vst v63  }
.Ltmp0:
0x73: {  	_ =	swait.ge [sflag:s15], $0x8000;
	(pc) =	sbr.rel @!p0 .LBB2_2-.Ltmp0, $4  }
0x74: {  	[sflag:s15] =	ssyncset.done $0x0  }
0x75: {  	[sflag:s15] =	ssyncadd.s32 $0xFFFF8000  }
0x76: {  	_ =	swait.ge [sflag:s20], $0x8000  }
0x77: {  	s31 =	sadd.s32 $0xFFFFFFFF, s0;
	[sflag:s20] =	ssyncset.done $0x0  }
.LBB2_1:
0x78: {  	p0 =	sne.s32 s31, $0x1;
	s31 =	sadd.s32 $0xFFFFFFFF, s31;
	[sflag:s20] =	ssyncadd.s32 $0xFFFF8000  }
0x79: {  	[tilespmem:s2], [sflag:$0x5] =	stream.linear.gather [hbm4b:s3+s2], $0x400, $0x38;
	[tilespmem:$0x10400] =	vst v63  }
0x7a: {  	_ =	swait.ge [sflag:s4], $0x400  }
0x7b: {  	[sflag:s4] =	ssyncset.done $0x0  }
0x7c: {  	[sflag:s4] =	ssyncadd.s32 $0xFFFFFC00  }
0x7d: {  	[tilespmem:s7], [sflag:$0x1] =	stream.indirect.gather [hbm4b:s5+s6], $0x80, s2, s6, $0xb8;
	[tilespmem:$0x10400] =	vst v63  }
0x7e: {  	_ = 	snop  }
0x7f: {  	[tilespmem:s8], [sflag:$0x1] =	stream.indirect.gather [hbm4b:s5+s6], $0x80, s6, s6, $0xb8;
	[tilespmem:$0x10400] =	vst v63  }
0x80: {  	_ = 	snop  }
0x81: {  	[tilespmem:s10], [sflag:$0x2] =	stream.indirect.gather [hbm4b:s5+s6], $0x80, s9, s6, $0xb8;
	[tilespmem:$0x10400] =	vst v63  }
0x82: {  	_ = 	snop  }
0x83: {  	[tilespmem:s12], [sflag:$0x2] =	stream.indirect.gather [hbm4b:s5+s6], $0x80, s11, s6, $0xb8;
	[tilespmem:$0x10400] =	vst v63  }
0x84: {  	_ =	swait.ge [sflag:s13], $0x4000  }
0x85: {  	[sflag:s13] =	ssyncset.done $0x0  }
0x86: {  	[sflag:s13] =	ssyncadd.s32 $0xFFFFC000  }
0x87: {  	_ =	swait.ge [sflag:s13], $0x4000  }
0x88: {  	[sflag:s13] =	ssyncset.done $0x0  }
0x89: {  	[sflag:s13] =	ssyncadd.s32 $0xFFFFC000  }
0x8a: {  	[hbm4b:s14+s2] =	stream.linear.scatter [tilespmem:s7], [sflag:$0x3], $0x8000, $0x38;
	[tilespmem:$0x10400] =	vst v63  }
0x8b: {  	_ =	swait.ge [sflag:s15], $0x8000  }
0x8c: {  	[sflag:s15] =	ssyncset.done $0x0  }
0x8d: {  	[sflag:s15] =	ssyncadd.s32 $0xFFFF8000  }
0x8e: {  	[tilespmem:s7], [sflag:$0x1] =	stream.indirect.gather [hbm4b:s5+s6], $0x80, s16, s6, $0xb8;
	[tilespmem:$0x10400] =	vst v63  }
0x8f: {  	_ = 	snop  }
0x90: {  	[tilespmem:s8], [sflag:$0x1] =	stream.indirect.gather [hbm4b:s5+s6], $0x80, s17, s6, $0xb8;
	[tilespmem:$0x10400] =	vst v63  }
0x91: {  	_ =	swait.ge [sflag:s18], $0x4000  }
0x92: {  	[sflag:s18] =	ssyncset.done $0x0  }
0x93: {  	[sflag:s18] =	ssyncadd.s32 $0xFFFFC000  }
0x94: {  	_ =	swait.ge [sflag:s18], $0x4000  }
0x95: {  	[sflag:s18] =	ssyncset.done $0x0  }
0x96: {  	[sflag:s18] =	ssyncadd.s32 $0xFFFFC000  }
0x97: {  	[hbm4b:s19+s2] =	stream.linear.scatter [tilespmem:s10], [sflag:$0x4], $0x8000, $0x38;
	[tilespmem:$0x10400] =	vst v63  }
0x98: {  	_ =	swait.ge [sflag:s20], $0x8000  }
0x99: {  	[sflag:s20] =	ssyncset.done $0x0  }
0x9a: {  	[sflag:s20] =	ssyncadd.s32 $0xFFFF8000  }
0x9b: {  	[tilespmem:s10], [sflag:$0x2] =	stream.indirect.gather [hbm4b:s5+s6], $0x80, s21, s6, $0xb8;
	[tilespmem:$0x10400] =	vst v63  }
0x9c: {  	_ = 	snop  }
0x9d: {  	[tilespmem:s12], [sflag:$0x2] =	stream.indirect.gather [hbm4b:s5+s6], $0x80, s22, s6, $0xb8;
	[tilespmem:$0x10400] =	vst v63  }
0x9e: {  	_ =	swait.ge [sflag:s13], $0x4000  }
0x9f: {  	[sflag:s13] =	ssyncset.done $0x0  }
0xa0: {  	[sflag:s13] =	ssyncadd.s32 $0xFFFFC000  }
0xa1: {  	_ =	swait.ge [sflag:s13], $0x4000  }
0xa2: {  	[sflag:s13] =	ssyncset.done $0x0  }
0xa3: {  	[sflag:s13] =	ssyncadd.s32 $0xFFFFC000  }
0xa4: {  	[hbm4b:s23+s2] =	stream.linear.scatter [tilespmem:s7], [sflag:$0x3], $0x8000, $0x38;
	[tilespmem:$0x10400] =	vst v63  }
0xa5: {  	_ =	swait.ge [sflag:s18], $0x4000  }
0xa6: {  	[sflag:s18] =	ssyncset.done $0x0  }
0xa7: {  	[sflag:s18] =	ssyncadd.s32 $0xFFFFC000  }
0xa8: {  	_ =	swait.ge [sflag:s18], $0x4000  }
0xa9: {  	[sflag:s18] =	ssyncset.done $0x0  }
0xaa: {  	[sflag:s18] =	ssyncadd.s32 $0xFFFFC000  }
0xab: {  	[hbm4b:s24+s2] =	stream.linear.scatter [tilespmem:s10], [sflag:$0x4], $0x8000, $0x38;
	[tilespmem:$0x10400] =	vst v63  }
0xac: {  	_ = 	snop  }
0xad: {  	[tilespmem:s2], [sflag:$0x5] =	stream.linear.gather [hbm4b:s25+s2], $0x400, $0x38;
	[tilespmem:$0x10400] =	vst v63  }
0xae: {  	_ =	swait.ge [sflag:s4], $0x400  }
0xaf: {  	[sflag:s4] =	ssyncset.done $0x0  }
0xb0: {  	[sflag:s4] =	ssyncadd.s32 $0xFFFFFC00  }
0xb1: {  	_ =	swait.ge [sflag:s15], $0x8000  }
0xb2: {  	[sflag:s15] =	ssyncset.done $0x0  }
0xb3: {  	[sflag:s15] =	ssyncadd.s32 $0xFFFF8000  }
0xb4: {  	[tilespmem:s7], [sflag:$0x1] =	stream.indirect.gather [hbm4b:s5+s6], $0x80, s2, s6, $0xb8;
	[tilespmem:$0x10400] =	vst v63  }
0xb5: {  	_ = 	snop  }
0xb6: {  	[tilespmem:s8], [sflag:$0x1] =	stream.indirect.gather [hbm4b:s5+s6], $0x80, s6, s6, $0xb8;
	[tilespmem:$0x10400] =	vst v63  }
0xb7: {  	_ =	swait.ge [sflag:s20], $0x8000  }
0xb8: {  	[sflag:s20] =	ssyncset.done $0x0  }
0xb9: {  	[sflag:s20] =	ssyncadd.s32 $0xFFFF8000  }
0xba: {  	[tilespmem:s10], [sflag:$0x2] =	stream.indirect.gather [hbm4b:s5+s6], $0x80, s9, s6, $0xb8;
	[tilespmem:$0x10400] =	vst v63  }
0xbb: {  	_ = 	snop  }
0xbc: {  	[tilespmem:s12], [sflag:$0x2] =	stream.indirect.gather [hbm4b:s5+s6], $0x80, s11, s6, $0xb8;
	[tilespmem:$0x10400] =	vst v63  }
0xbd: {  	_ =	swait.ge [sflag:s13], $0x4000  }
0xbe: {  	[sflag:s13] =	ssyncset.done $0x0  }
0xbf: {  	[sflag:s13] =	ssyncadd.s32 $0xFFFFC000  }
0xc0: {  	_ =	swait.ge [sflag:s13], $0x4000  }
0xc1: {  	[sflag:s13] =	ssyncset.done $0x0  }
0xc2: {  	[sflag:s13] =	ssyncadd.s32 $0xFFFFC000  }
0xc3: {  	[hbm4b:s26+s2] =	stream.linear.scatter [tilespmem:s7], [sflag:$0x3], $0x8000, $0x38;
	[tilespmem:$0x10400] =	vst v63  }
0xc4: {  	_ =	swait.ge [sflag:s15], $0x8000  }
0xc5: {  	[sflag:s15] =	ssyncset.done $0x0  }
0xc6: {  	[sflag:s15] =	ssyncadd.s32 $0xFFFF8000  }
0xc7: {  	[tilespmem:s7], [sflag:$0x1] =	stream.indirect.gather [hbm4b:s5+s6], $0x80, s16, s6, $0xb8;
	[tilespmem:$0x10400] =	vst v63  }
0xc8: {  	_ = 	snop  }
0xc9: {  	[tilespmem:s8], [sflag:$0x1] =	stream.indirect.gather [hbm4b:s5+s6], $0x80, s17, s6, $0xb8;
	[tilespmem:$0x10400] =	vst v63  }
0xca: {  	_ =	swait.ge [sflag:s18], $0x4000  }
0xcb: {  	[sflag:s18] =	ssyncset.done $0x0  }
0xcc: {  	[sflag:s18] =	ssyncadd.s32 $0xFFFFC000  }
0xcd: {  	_ =	swait.ge [sflag:s18], $0x4000  }
0xce: {  	[sflag:s18] =	ssyncset.done $0x0  }
0xcf: {  	[sflag:s18] =	ssyncadd.s32 $0xFFFFC000  }
0xd0: {  	[hbm4b:s28+s2] =	stream.linear.scatter [tilespmem:s10], [sflag:$0x4], $0x8000, $0x38;
	[tilespmem:$0x10400] =	vst v63  }
0xd1: {  	_ =	swait.ge [sflag:s20], $0x8000  }
0xd2: {  	[sflag:s20] =	ssyncset.done $0x0  }
0xd3: {  	[sflag:s20] =	ssyncadd.s32 $0xFFFF8000  }
0xd4: {  	[tilespmem:s10], [sflag:$0x2] =	stream.indirect.gather [hbm4b:s5+s6], $0x80, s21, s6, $0xb8;
	[tilespmem:$0x10400] =	vst v63  }
0xd5: {  	_ = 	snop  }
0xd6: {  	[tilespmem:s12], [sflag:$0x2] =	stream.indirect.gather [hbm4b:s5+s6], $0x80, s22, s6, $0xb8;
	[tilespmem:$0x10400] =	vst v63  }
0xd7: {  	_ =	swait.ge [sflag:s13], $0x4000  }
0xd8: {  	[sflag:s13] =	ssyncset.done $0x0  }
0xd9: {  	[sflag:s13] =	ssyncadd.s32 $0xFFFFC000  }
0xda: {  	_ =	swait.ge [sflag:s13], $0x4000  }
0xdb: {  	[sflag:s13] =	ssyncset.done $0x0  }
0xdc: {  	[sflag:s13] =	ssyncadd.s32 $0xFFFFC000  }
0xdd: {  	[hbm4b:s29+s2] =	stream.linear.scatter [tilespmem:s7], [sflag:$0x3], $0x8000, $0x38;
	[tilespmem:$0x10400] =	vst v63  }
0xde: {  	_ =	swait.ge [sflag:s18], $0x4000  }
0xdf: {  	[sflag:s18] =	ssyncset.done $0x0  }
0xe0: {  	[sflag:s18] =	ssyncadd.s32 $0xFFFFC000  }
0xe1: {  	_ =	swait.ge [sflag:s18], $0x4000  }
0xe2: {  	[sflag:s18] =	ssyncset.done $0x0  }
0xe3: {  	[sflag:s18] =	ssyncadd.s32 $0xFFFFC000  }
0xe4: {  	[hbm4b:s30+s2] =	stream.linear.scatter [tilespmem:s10], [sflag:$0x4], $0x8000, $0x38;
	[tilespmem:$0x10400] =	vst v63  }
.Ltmp1:
0xe5: {  	_ =	swait.ge [sflag:s15], $0x8000;
	(pc) =	sbr.rel @p0 .LBB2_1-.Ltmp1, $4  }
0xe6: {  	[sflag:s15] =	ssyncset.done $0x0  }
0xe7: {  	[sflag:s15] =	ssyncadd.s32 $0xFFFF8000  }
0xe8: {  	_ =	swait.ge [sflag:s20], $0x8000  }
0xe9: {  	[sflag:s20] =	ssyncset.done $0x0  }
.LBB2_2:
0xea: {  	[sflag:s20] =	ssyncadd.s32 $0xFFFF8000  }
0xeb: {  	_ =	sfence.sel $0x180000  }
0xec: {  	[bflag:$0x0] =	sbarrier.arrive $0xFFFF  }
0xed: {  	_ =	strace $0x9000004A  }
0xee: {  	s0 =	stileid.u32;
	[bflag:$0x2] =	sbarrier.arrive $0xFFFF  }
0xef: {  	p0 =	sne.s32 s0, $0x0;
	s0 =	rddreg [dreg:$0x1]  }
0xf0: {  	s0 =	sadd.s32 @!p0 $0x100000, s0  }
0xf1: {  	[sflag:s0] =	ssyncadd.tile.s32 @!p0 $0x1;
	_ =	shalt  }
.Lfunc_end2:
_tile_overlayer_lowered:
.L_overlay_start_2:
0xf2: {  	(tag) =	ssettag $0x2  }
0xf3: {  	s0 =	rddreg [dreg:$0x0];
	s2 =	stileid.u32  }
0xf4: {  	s1 =	rddreg [dreg:$0x1];
	p0 =	sne.s32 s2, $0x0  }
0xf5: {  	s3 =	rddreg [dreg:$0x2];
	[bflag:$0x3] =	sbarrier.arrive $0xFFFF;
	s2 =	simm.s32 @!p0 $0x1C05  }
0xf6: {  	[timem:s3], [sflag:s2] =	dma.local @!p0 [hbm:s0], s1  }
0xf7: {  	s0 =	simm.s32 @!p0 $0x5  }
0xf8: {  	_ =	swait.ge @!p0 [sflag:s0], s1  }
0xf9: {  	s1 =	ssub.s32 @!p0 $0x0, s1;
	[sflag:s0] =	ssyncset.done @!p0 $0x0  }
0xfa: {  	[sflag:s0] =	ssyncadd.s32 @!p0 s1  }
0xfb: {  	[bflag:$0x3] =	sbarrier.arrive $0xFFFF  }
0xfc: {  	_ =	shalt  }

// kernel: kernel.25.cloned.1.call-start
scs
__scs_entry_jumppad:
0x0: {  	(pc) =	sbr.rel $0x88, $3  }
0x1: {  	(tag) =	ssettag $0x0;
	lr =	simm.s32 $0x1  }
0x2: {  	[smem:$0x3F97] =	sst lr;
	_ =	strace $0xD0000000  }
0x3: {  	_ = 	snop  }
0x4: {  	_ = 	snop  }
0x5: {  	_ = 	snop  }
0x6: {  	_ = 	snop  }
0x7: {  	_ = 	snop  }
__scs_overlays_trampoline_lowered:
0x8: {  	[smem:$0x3FA6] =	sst s0  }
0x9: {  	[smem:$0x3FA7] =	sst s1  }
0xa: {  	[smem:$0x3FA8] =	sst s2  }
0xb: {  	[smem:$0x3FA9] =	sst s3  }
0xc: {  	[smem:$0x3FAA] =	sst s4  }
0xd: {  	[smem:$0x3FAB] =	sst s5  }
0xe: {  	[smem:$0x3FAC] =	sst s6  }
0xf: {  	[smem:$0x3FAD] =	sst s7  }
0x10: {  	[smem:$0x3FAE] =	sst s8  }
0x11: {  	[smem:$0x3FAF] =	sst s9;
	s0 =	simm.s32 @!p0 $0x0  }
0x12: {  	s1 =	sld [smem:$0x3F95];
	s0 =	simm.s32 @p0 $0x1  }
0x13: {  	[smem:$0x3FB0] =	sst s0;
	s0 =	simm.s32 @!p1 $0x0  }
0x14: {  	s2 =	sld [smem:$0x3F94];
	s0 =	simm.s32 @p1 $0x1  }
0x15: {  	[smem:$0x3FB1] =	sst s0;
	s0 =	simm.s32 @!p2 $0x0  }
0x16: {  	s3 =	sld [smem:$0x3FDB];
	s0 =	simm.s32 @p2 $0x1  }
0x17: {  	s4 =	simm.s32 $0x1BF5;
	[smem:$0x3FB3] =	sst s0  }
0x18: {  	s0 =	sld [smem:$0x3F96];
	_ =	swait.ge [sflag:s4], $0x0  }
0x19: {  	s7 =	sld [smem:$0x3F97]  }
0x1a: {  	s8 =	sadd.s32 $0xFFFFE003, lr  }
0x1b: {  	s9 =	sadd.s32 $0xFFFFFEF7, lr;
	s5 =	simm.s32 $0xFFFFFFFF;
	p2 =	slt.u32 s8, $0xFFFFF086  }
0x1c: {  	p1 =	slt.u32 s9, $0xF7A;
	s5 =	simm.s32 @!p2 $0x0  }
0x1d: {  	s5 =	simm.s32 @p1 $0x1;
	p0 =	seq.s32 s7, s2  }
0x1e: {  	s7 =	smul.u32 @!p0 $0xF7A, s2;
	p2 =	seq.s32 @!p0 s5, $0x0  }
0x1f: {  	s9 =	smul.u32 $0xF7A, s1;
	s8 =	simm.s32 @!p0 $0x1BF5;
	p2 =	por !p2, p0  }
0x20: {  	[sflag:s8] =	ssyncset.s32 @!p0 $0xFFFFF086;
	s6 =	sadd.s32 @!p0 s3, s7;
	s7 =	simm.s32 @!p0 $0x108  }
0x21: {  	s3 =	sadd.s32 s3, s9;
	s6 =	sadd.s32 @!p0 $0x88, s6;
	s7 =	simm.s32 @p2 $0x1082  }
0x22: {  	[simem:s7], [sflag:s8] =	dma.local @!p0 [hbm:s6], $0xF7A  }
0x23: {  	s9 =	sor.u32 $0xD0000000, s2;
	s6 =	simm.s32 $0x108;
	_ =	swait.ge @!p0 [sflag:s8], $0x0  }
0x24: {  	s3 =	sadd.s32 $0x88, s3;
	s6 =	simm.s32 @!p1 $0x1082;
	[sflag:s4] =	ssyncset.s32 $0xFFFFF086  }
0x25: {  	[simem:s6], [sflag:s4] =	dma.local [hbm:s3], $0xF7A  }
0x26: {  	[smem:$0x3F97] =	sst s1;
	(tag) =	ssettag s2;
	_ =	strace s9  }
0x27: {  	s1 =	sld [smem:$0x3FA7]  }
0x28: {  	s2 =	sld [smem:$0x3FA8]  }
0x29: {  	s4 =	sld [smem:$0x3FAA]  }
0x2a: {  	p0 =	seq.s32 s5, $0x0;
	s5 =	sld [smem:$0x3FAB]  }
0x2b: {  	s6 =	sld [smem:$0x3FAC]  }
0x2c: {  	s7 =	sld [smem:$0x3FAD]  }
0x2d: {  	s3 =	simm.s32 $0x108;
	s8 =	sld [smem:$0x3FAE]  }
0x2e: {  	s3 =	simm.s32 @!p0 $0x1082;
	s9 =	sld [smem:$0x3FAF]  }
0x2f: {  	lr =	sadd.s32 s0, s3;
	s0 =	sld [smem:$0x3FA6]  }
0x30: {  	s3 =	sld [smem:$0x3FA9]  }
0x31: {  	[smem:$0x3FB2] =	sst s10  }
0x32: {  	s10 =	sld [smem:$0x3FB0];
	_ =	sdelay $0x3  }
0x33: {  	p0 =	seq.s32 s10, $0x1;
	s10 =	sld [smem:$0x3FB2];
	_ =	sdelay $0x3  }
0x34: {  	[smem:$0x3FB2] =	sst s10  }
0x35: {  	s10 =	sld [smem:$0x3FB1];
	_ =	sdelay $0x3  }
0x36: {  	p1 =	seq.s32 s10, $0x1;
	s10 =	sld [smem:$0x3FB2];
	_ =	sdelay $0x3  }
0x37: {  	[smem:$0x3FB2] =	sst s10  }
0x38: {  	s10 =	sld [smem:$0x3FB3]  }
0x39: {  	_ = 	snop;
	(pc) =	sbr.ind lr, $3  }
0x3a: {  	_ = 	snop  }
0x3b: {  	_ = 	snop  }
0x3c: {  	p2 =	seq.s32 s10, $0x1;
	s10 =	sld [smem:$0x3FB2]  }
0x3d: {  	_ =	shalt  }
0x3e: {  	_ =	shalt  }
0x3f: {  	_ =	shalt  }
0x40: {  	_ =	shalt  }
0x41: {  	_ =	shalt  }
0x42: {  	_ =	shalt  }
0x43: {  	_ =	shalt  }
0x44: {  	_ =	shalt  }
0x45: {  	_ =	shalt  }
0x46: {  	_ =	shalt  }
0x47: {  	_ =	shalt  }
0x48: {  	_ =	shalt  }
0x49: {  	_ =	shalt  }
0x4a: {  	_ =	shalt  }
0x4b: {  	_ =	shalt  }
0x4c: {  	_ =	shalt  }
0x4d: {  	_ =	shalt  }
0x4e: {  	_ =	shalt  }
0x4f: {  	_ =	shalt  }
0x50: {  	_ =	shalt  }
0x51: {  	_ =	shalt  }
0x52: {  	_ =	shalt  }
0x53: {  	_ =	shalt  }
0x54: {  	_ =	shalt  }
0x55: {  	_ =	shalt  }
0x56: {  	_ =	shalt  }
0x57: {  	_ =	shalt  }
0x58: {  	_ =	shalt  }
0x59: {  	_ =	shalt  }
0x5a: {  	_ =	shalt  }
0x5b: {  	_ =	shalt  }
0x5c: {  	_ =	shalt  }
0x5d: {  	_ =	shalt  }
0x5e: {  	_ =	shalt  }
0x5f: {  	_ =	shalt  }
0x60: {  	_ =	shalt  }
0x61: {  	_ =	shalt  }
0x62: {  	_ =	shalt  }
0x63: {  	_ =	shalt  }
0x64: {  	_ =	shalt  }
0x65: {  	_ =	shalt  }
0x66: {  	_ =	shalt  }
0x67: {  	_ =	shalt  }
0x68: {  	_ =	shalt  }
0x69: {  	_ =	shalt  }
0x6a: {  	_ =	shalt  }
0x6b: {  	_ =	shalt  }
0x6c: {  	_ =	shalt  }
0x6d: {  	_ =	shalt  }
0x6e: {  	_ =	shalt  }
0x6f: {  	_ =	shalt  }
0x70: {  	_ =	shalt  }
0x71: {  	_ =	shalt  }
0x72: {  	_ =	shalt  }
0x73: {  	_ =	shalt  }
0x74: {  	_ =	shalt  }
0x75: {  	_ =	shalt  }
0x76: {  	_ =	shalt  }
0x77: {  	_ =	shalt  }
0x78: {  	_ =	shalt  }
0x79: {  	_ =	shalt  }
0x7a: {  	_ =	shalt  }
0x7b: {  	_ =	shalt  }
0x7c: {  	_ =	shalt  }
0x7d: {  	_ =	shalt  }
0x7e: {  	_ =	shalt  }
0x7f: {  	_ =	shalt  }
0x80: {  	_ =	shalt  }
0x81: {  	_ =	shalt  }
0x82: {  	_ =	shalt  }
0x83: {  	_ =	shalt  }
0x84: {  	_ =	shalt  }
0x85: {  	_ =	shalt  }
0x86: {  	_ =	shalt  }
0x87: {  	_ =	shalt  }
.Lfunc_end0:
.L_simem_size_0:
called_computation.2_lowered:
.L_overlay_start_0:
0x88: {  	s2 =	sld [smem:$0x3FD9]  }
0x89: {  	s3 =	sld [smem:$0x3FFE];
	_ =	sdelay $0x1  }
0x8a: {  	s1 =	srdreg.scid  }
0x8b: {  	s0 =	sand.u32 $0x1, s1  }
0x8c: {  	s17 =	sshll.u32 s0, $0xA;
	s2 =	sadd.s32 s3, s2  }
0x8d: {  	s2 =	sadd.s32 s2, s17  }
0x8e: {  	[smem:$0x3FBE] =	sst s2  }
0x8f: {  	_ = 	snop  }
0x90: {  	(tm) =	ssettm $0x1  }
0x91: {  	s18 =	sld [smem:$0x3FFB];
	_ =	sdelay $0x3  }
0x92: {  	_ =	strace s18  }
0x93: {  	s2 =	sld [smem:$0x3FFC];
	_ =	sdelay $0x3  }
0x94: {  	_ =	strace s2  }
0x95: {  	s2 =	sld [smem:$0x3FFD];
	_ =	sdelay $0x3  }
0x96: {  	_ =	strace s2  }
0x97: {  	_ =	strace $0x8FFFFFFF  }
0x98: {  	s19 =	sld [smem:$0x3FDB];
	_ =	sdelay $0x1  }
0x99: {  	s20 =	simm.s32 $_scs_section_size  }
0x9a: {  	s4 =	simm.s32 $_size__tile_overlayer_lowered;
	s5 =	simm.s32 $_tile_overlayer_lowered  }
0x9b: {  	s6 =	simm.s32 $0x1BFF;
	s21 =	sshll.u32 s5, $0x1;
	s3 =	sadd.s32 s20, s19  }
0x9c: {  	s22 =	simm.s32 $0x0;
	s4 =	sshll.u32 s4, $0x1;
	s5 =	sadd.s32 s21, s3  }
0x9d: {  	[timem:s22], [sflag:s6] =	dma.local [hbm:s5], s4  }
0x9e: {  	_ =	swait.ge [sflag:s6], s4  }
0x9f: {  	s4 =	ssub.s32 $0x0, s4;
	[sflag:s6] =	ssyncset.done $0x0  }
0xa0: {  	[sflag:s6] =	ssyncadd.s32 s4;
	_ =	sdelay $0x1  }
0xa1: {  	s23 =	simm.s32 $0x1B8B  }
0xa2: {  	_ =	swait.ge [sflag:s23], $0x1  }
0xa3: {  	[sflag:s23] =	ssyncset.done $0x0  }
0xa4: {  	[sflag:s23] =	ssyncadd.s32 $0xFFFFFFFF  }
0xa5: {  	s4 =	sld [smem:$0x0]  }
0xa6: {  	s5 =	sand.u32 $0xFFFFFFFE, s1  }
0xa7: {  	p0 =	sne.s32 s1, s5  }
0xa8: {  	s5 =	sshll.u32 @p0 s5, $0xE  }
0xa9: {  	s5 =	sadd.s32 @p0 $0x11B8D, s5;
	s6 =	sshll.u32 @p0 s4, $0x11  }
0xaa: {  	s5 =	sor.u32 @p0 s6, s5  }
0xab: {  	[sflag:s5] =	ssyncadd.remote.s32 @p0 $0x1;
	_ =	sdelay $0x1  }
0xac: {  	s5 =	simm.s32 @p0 $0x1B8D  }
0xad: {  	_ =	swait.eq @p0 [sflag:s5], $0x1  }
0xae: {  	[sflag:s5] =	ssyncadd.s32 @p0 $0xFFFFFFFF  }
0xaf: {  	s6 =	sshll.u32 @!p0 s1, $0xE  }
0xb0: {  	s6 =	sor.u32 @!p0 $0x4000, s6;
	s5 =	simm.s32 @!p0 $0x1B8D  }
0xb1: {  	s4 =	sshll.u32 @!p0 s4, $0x11;
	s6 =	sadd.s32 @!p0 $0x11B8D, s6;
	_ =	swait.eq @!p0 [sflag:s5], $0x1  }
0xb2: {  	s4 =	sor.u32 @!p0 s4, s6;
	[sflag:s5] =	ssyncadd.s32 @!p0 $0xFFFFFFFF  }
0xb3: {  	s25 =	simm.s32 $0x1B8E;
	s24 =	sld [smem:$0x3FFE];
	[sflag:s4] =	ssyncadd.remote.s32 @!p0 $0x1  }
0xb4: {  	s26 =	simm.s32 $execute0_lowered;
	[smem:$0x3FD2] =	sst s25  }
0xb5: {  	s5 =	sshll.u32 s26, $0x1;
	_ =	strace $0x8000004C;
	[dreg:$0x1] =	wrdreg $0xFFFFFFFF  }
0xb6: {  	s28 =	simm.s32 $_size_execute0_lowered;
	s3 =	sadd.s32 s3, s5;
	[dreg:$0x0] =	wrdreg $0x0  }
0xb7: {  	s5 =	sshll.u32 s28, $0x1;
	[dreg:$0x2] =	wrdreg s3  }
0xb8: {  	[dreg:$0x3] =	wrdreg s5  }
0xb9: {  	[dreg:$0x4] =	wrdreg $0xC0  }
0xba: {  	_ =	task [dreg:s22], $0x5FFFF  }
0xbb: {  	[dreg:$0x1] =	wrdreg $0xFFFFFFFF  }
0xbc: {  	[dreg:$0x0] =	wrdreg $0x60  }
0xbd: {  	[dreg:$0x2] =	wrdreg s24  }
0xbe: {  	[dreg:$0x3] =	wrdreg $0xB  }
0xbf: {  	_ =	task.clear_ibuf [dreg:s22], $0x4FFFF;
	_ =	strace $0x9000004C  }
0xc0: {  	s29 =	simm.s32 $0xB;
	_ =	strace $0x8000004E  }
0xc1: {  	_ =	swait.ge [sflag:s29], $0x1  }
0xc2: {  	[sflag:s29] =	ssyncadd.s32 $0xFFFFFFFF  }
0xc3: {  	_ =	strace $0x9000004E  }
0xc4: {  	_ =	sfence  }
0xc5: {  	s30 =	sld [smem:$0x0];
	_ =	sdelay $0x2  }
0xc6: {  	s31 =	sshll.u32 s1, $0xD;
	s1 =	sshrl.u32 s1, $0x2  }
0xc7: {  	s4 =	sand.u32 $0x4000, s31;
	s1 =	sadd.s32 s1, s30  }
0xc8: {  	s0 =	sor.u32 s4, s0;
	s1 =	sshll.u32 s1, $0x11  }
0xc9: {  	s0 =	sor.u32 s1, s0  }
0xca: {  	s0 =	sadd.s32 $0x8F2B, s0  }
0xcb: {  	[sflag:s0] =	ssyncadd.remote.s32 $0x1  }
0xcc: {  	_ =	sfence.sel $0xFFFF  }
0xcd: {  	[dreg:$0x0] =	wrdreg $0xFFFFFFFF;
	(pc) =	sbr.abs _section_cstart, $3  }
0xce: {  	[dreg:$0x1] =	wrdreg $0xFFFFFFFF  }
0xcf: {  	_ =	task.clear_ibuf [dreg:s22], $0x2FFFF;
	_ =	strace $0x9FFFFFFF  }
0xd0: {  	(tm) =	ssettm $0x7FFFFFFF  }
0xd1: {  	_ =	shalt  }
tec
execute0_lowered:
.L_overlay_start_1:
0x0: {  	(tag) =	ssettag $0x1  }
0x1: {  	s3 =	rddreg [dreg:$0x0]  }
0x2: {  	s0 =	rddreg [dreg:$0x1];
	s2 =	simm.s32 $0x0;
	s1 =	stileid.u32  }
0x3: {  	s5 =	srdreg.scid;
	s30 =	simm.s32 $0x100;
	s31 =	simm.s32 $0x180  }
0x4: {  	s10 =	simm.s32 $0x1;
	s11 =	simm.s32 $0x400;
	s12 =	simm.s32 $0x3  }
0x5: {  	s13 =	simm.s32 $0x200;
	s14 =	simm.s32 $0x280;
	s15 =	simm.s32 $0x4400  }
0x6: {  	s16 =	simm.s32 $0x2;
	s17 =	simm.s32 $0x4;
	s18 =	simm.s32 $0x300  }
0x7: {  	s19 =	simm.s32 $0x380;
	s20 =	simm.s32 $0x0;
	s4 =	smul.u32 $0x300, s1  }
0x8: {  	[smem:$0x7FF] =	sst s2;
	s6 =	smul.u32 $0x18000, s1;
	s5 =	sand.u32 $0x1, s5  }
0x9: {  	_ =	strace $0x8000004D;
	s8 =	smul.u32 $0xC000, s5;
	[dreg:$0x3] =	wrdreg s30  }
0xa: {  	s29 =	ssub.s32 $0x2, s5;
	s5 =	smul.u32 $0x180, s5;
	[dreg:$0x4] =	wrdreg s31  }
0xb: {  	s7 =	sadd.s32 s4, s3;
	s6 =	sadd.s32 s6, s3;
	s9 =	sshrl.u32 s29, $0x1  }
0xc: {  	s3 =	sadd.s32 $0x5A00, s3;
	s4 =	ssub.s32 s29, s9;
	s6 =	sadd.s32 s8, s6  }
0xd: {  	s5 =	sadd.s32 s5, s7;
	s7 =	simm.s32 $0x80;
	s8 =	simm.s32 $0x8400  }
0xe: {  	s9 =	simm.s32 $0xC400;
	s4 =	smax.u32 s4, $0x1;
	s6 =	sadd.s32 $0x294400, s6  }
0xf: {  	s5 =	sadd.s32 $0x28E400, s5;
	[dreg:$0x2] =	wrdreg s6;
	s6 =	simm.s32 $0x5  }
.LBB2_1:
0x10: {  	[tilespmem:s2], [sflag:$0x5] =	stream.linear.gather [hbm4b:s5+s2], $0x400, $0x38;
	[tilespmem:$0x10400] =	vst v63  }
0x11: {  	_ =	swait.ge [sflag:s6], $0x400  }
0x12: {  	p0 =	por $0x0, $0x0;
	[sflag:s6] =	ssyncset.done $0x0  }
0x13: {  	s21 =	simm.s32 @p0 $0x3;
	[sflag:s6] =	ssyncadd.s32 $0xFFFFFC00  }
0x14: {  	_ =	swait.ge @p0 [sflag:s21], $0x8000  }
0x15: {  	s22 =	simm.s32 @p0 $0x400;
	[sflag:s21] =	ssyncset.done @p0 $0x0  }
0x16: {  	s23 =	simm.s32 @p0 $0x0;
	[sflag:s21] =	ssyncadd.s32 @p0 $0xFFFF8000;
	s21 =	simm.s32 @p0 $0x80  }
0x17: {  	[tilespmem:s22], [sflag:$0x1] =	stream.indirect.gather @p0 [hbm4b:s3+s21], $0x80, s23, s21, $0xb8;
	[tilespmem:$0x10400] =	vst v63  }
0x18: {  	s22 =	simm.s32 @p0 $0x4400;
	s23 =	simm.s32 @p0 $0x4  }
0x19: {  	[tilespmem:s22], [sflag:$0x1] =	stream.indirect.gather @p0 [hbm4b:s3+s21], $0x80, s21, s21, $0xb8;
	[tilespmem:$0x10400] =	vst v63  }
0x1a: {  	_ =	swait.ge @p0 [sflag:s23], $0x8000  }
0x1b: {  	s21 =	simm.s32 @!p0 $0x400;
	[sflag:s23] =	ssyncset.done @p0 $0x0  }
0x1c: {  	s22 =	simm.s32 @!p0 $0x80;
	[sflag:s23] =	ssyncadd.s32 @p0 $0xFFFF8000;
	s23 =	simm.s32 @!p0 $0x0  }
0x1d: {  	[tilespmem:s21], [sflag:$0x1] =	stream.indirect.gather @!p0 [hbm4b:s3+s22], $0x80, s23, s22, $0xb8;
	[tilespmem:$0x10400] =	vst v63  }
0x1e: {  	s21 =	simm.s32 @!p0 $0x4400  }
0x1f: {  	[tilespmem:s21], [sflag:$0x1] =	stream.indirect.gather @!p0 [hbm4b:s3+s22], $0x80, s22, s22, $0xb8;
	[tilespmem:$0x10400] =	vst v63  }
0x20: {  	s26 =	rddreg [dreg:$0x3]  }
0x21: {  	[tilespmem:s8], [sflag:$0x2] =	stream.indirect.gather [hbm4b:s3+s7], $0x80, s26, s7, $0xb8;
	[tilespmem:$0x10400] =	vst v63  }
0x22: {  	s28 =	rddreg [dreg:$0x4]  }
0x23: {  	[tilespmem:s9], [sflag:$0x2] =	stream.indirect.gather [hbm4b:s3+s7], $0x80, s28, s7, $0xb8;
	[tilespmem:$0x10400] =	vst v63  }
0x24: {  	_ =	swait.ge [sflag:s10], $0x4000  }
0x25: {  	[sflag:s10] =	ssyncset.done $0x0  }
0x26: {  	[sflag:s10] =	ssyncadd.s32 $0xFFFFC000  }
0x27: {  	_ =	swait.ge [sflag:s10], $0x4000  }
0x28: {  	s29 =	rddreg [dreg:$0x2];
	[sflag:s10] =	ssyncset.done $0x0  }
0x29: {  	[sflag:s10] =	ssyncadd.s32 $0xFFFFC000;
	s30 =	sadd.s32 $0x0, s29  }
0x2a: {  	[hbm4b:s30+s2] =	stream.linear.scatter [tilespmem:s11], [sflag:$0x3], $0x8000, $0x38;
	[tilespmem:$0x10400] =	vst v63  }
0x2b: {  	_ =	swait.ge [sflag:s12], $0x8000  }
0x2c: {  	[sflag:s12] =	ssyncset.done $0x0  }
0x2d: {  	[sflag:s12] =	ssyncadd.s32 $0xFFFF8000  }
0x2e: {  	[tilespmem:s11], [sflag:$0x1] =	stream.indirect.gather [hbm4b:s3+s7], $0x80, s13, s7, $0xb8;
	[tilespmem:$0x10400] =	vst v63  }
0x2f: {  	_ = 	snop  }
0x30: {  	[tilespmem:s15], [sflag:$0x1] =	stream.indirect.gather [hbm4b:s3+s7], $0x80, s14, s7, $0xb8;
	[tilespmem:$0x10400] =	vst v63  }
0x31: {  	_ =	swait.ge [sflag:s16], $0x4000  }
0x32: {  	[sflag:s16] =	ssyncset.done $0x0  }
0x33: {  	[sflag:s16] =	ssyncadd.s32 $0xFFFFC000  }
0x34: {  	_ =	swait.ge [sflag:s16], $0x4000  }
0x35: {  	[sflag:s16] =	ssyncset.done $0x0  }
0x36: {  	s21 =	sadd.s32 $0x1000, s30;
	[sflag:s16] =	ssyncadd.s32 $0xFFFFC000  }
0x37: {  	[hbm4b:s21+s2] =	stream.linear.scatter [tilespmem:s8], [sflag:$0x4], $0x8000, $0x38;
	[tilespmem:$0x10400] =	vst v63  }
0x38: {  	_ =	swait.ge [sflag:s17], $0x8000  }
0x39: {  	[sflag:s17] =	ssyncset.done $0x0  }
0x3a: {  	[sflag:s17] =	ssyncadd.s32 $0xFFFF8000  }
0x3b: {  	[tilespmem:s8], [sflag:$0x2] =	stream.indirect.gather [hbm4b:s3+s7], $0x80, s18, s7, $0xb8;
	[tilespmem:$0x10400] =	vst v63  }
0x3c: {  	_ = 	snop  }
0x3d: {  	[tilespmem:s9], [sflag:$0x2] =	stream.indirect.gather [hbm4b:s3+s7], $0x80, s19, s7, $0xb8;
	[tilespmem:$0x10400] =	vst v63  }
0x3e: {  	_ =	swait.ge [sflag:s10], $0x4000  }
0x3f: {  	[sflag:s10] =	ssyncset.done $0x0  }
0x40: {  	[sflag:s10] =	ssyncadd.s32 $0xFFFFC000  }
0x41: {  	_ =	swait.ge [sflag:s10], $0x4000  }
0x42: {  	[sflag:s10] =	ssyncset.done $0x0  }
0x43: {  	s31 =	sadd.s32 $0x2000, s30;
	[sflag:s10] =	ssyncadd.s32 $0xFFFFC000  }
0x44: {  	[hbm4b:s31+s2] =	stream.linear.scatter [tilespmem:s11], [sflag:$0x3], $0x8000, $0x38;
	[tilespmem:$0x10400] =	vst v63  }
0x45: {  	_ =	swait.ge [sflag:s16], $0x4000  }
0x46: {  	[sflag:s16] =	ssyncset.done $0x0  }
0x47: {  	[sflag:s16] =	ssyncadd.s32 $0xFFFFC000  }
0x48: {  	_ =	swait.ge [sflag:s16], $0x4000  }
0x49: {  	s22 =	sadd.s32 $0x80, s5;
	[sflag:s16] =	ssyncset.done $0x0  }
0x4a: {  	s23 =	sadd.s32 $0x3000, s30;
	s21 =	simm.s32 $0x4000;
	[sflag:s16] =	ssyncadd.s32 $0xFFFFC000  }
.LBB2_2:
0x4b: {  	[hbm4b:s23+s2] =	stream.linear.scatter [tilespmem:s8], [sflag:$0x4], $0x8000, $0x38;
	[tilespmem:$0x10400] =	vst v63  }
0x4c: {  	_ = 	snop  }
0x4d: {  	[tilespmem:s2], [sflag:$0x5] =	stream.linear.gather [hbm4b:s22+s2], $0x400, $0x38;
	[tilespmem:$0x10400] =	vst v63  }
0x4e: {  	s31 =	smov.u32 s21;
	_ =	swait.ge [sflag:s6], $0x400  }
0x4f: {  	p1 =	sne.s32 s31, $0x0;
	[sflag:s6] =	ssyncset.done $0x0  }
0x50: {  	s24 =	simm.s32 @p1 $0x3;
	[sflag:s6] =	ssyncadd.s32 $0xFFFFFC00  }
0x51: {  	_ =	swait.ge @p1 [sflag:s24], $0x8000  }
0x52: {  	s25 =	simm.s32 @p1 $0x400;
	[sflag:s24] =	ssyncset.done @p1 $0x0  }
0x53: {  	s26 =	simm.s32 @p1 $0x0;
	[sflag:s24] =	ssyncadd.s32 @p1 $0xFFFF8000;
	s24 =	simm.s32 @p1 $0x80  }
0x54: {  	[tilespmem:s25], [sflag:$0x1] =	stream.indirect.gather @p1 [hbm4b:s3+s24], $0x80, s26, s24, $0xb8;
	[tilespmem:$0x10400] =	vst v63  }
0x55: {  	s25 =	simm.s32 @p1 $0x4400;
	s26 =	simm.s32 @p1 $0x4  }
0x56: {  	[tilespmem:s25], [sflag:$0x1] =	stream.indirect.gather @p1 [hbm4b:s3+s24], $0x80, s24, s24, $0xb8;
	[tilespmem:$0x10400] =	vst v63  }
0x57: {  	_ =	swait.ge @p1 [sflag:s26], $0x8000  }
0x58: {  	s24 =	simm.s32 @!p1 $0x400;
	[sflag:s26] =	ssyncset.done @p1 $0x0  }
0x59: {  	s25 =	simm.s32 @!p1 $0x80;
	[sflag:s26] =	ssyncadd.s32 @p1 $0xFFFF8000;
	s26 =	simm.s32 @!p1 $0x0  }
0x5a: {  	[tilespmem:s24], [sflag:$0x1] =	stream.indirect.gather @!p1 [hbm4b:s3+s25], $0x80, s26, s25, $0xb8;
	[tilespmem:$0x10400] =	vst v63  }
0x5b: {  	s24 =	simm.s32 @!p1 $0x4400  }
0x5c: {  	[tilespmem:s24], [sflag:$0x1] =	stream.indirect.gather @!p1 [hbm4b:s3+s25], $0x80, s25, s25, $0xb8;
	[tilespmem:$0x10400] =	vst v63  }
0x5d: {  	s28 =	rddreg [dreg:$0x3]  }
0x5e: {  	[tilespmem:s8], [sflag:$0x2] =	stream.indirect.gather [hbm4b:s3+s7], $0x80, s28, s7, $0xb8;
	[tilespmem:$0x10400] =	vst v63  }
0x5f: {  	s29 =	rddreg [dreg:$0x4]  }
0x60: {  	[tilespmem:s9], [sflag:$0x2] =	stream.indirect.gather [hbm4b:s3+s7], $0x80, s29, s7, $0xb8;
	[tilespmem:$0x10400] =	vst v63  }
0x61: {  	_ =	swait.ge [sflag:s10], $0x4000  }
0x62: {  	[sflag:s10] =	ssyncset.done $0x0  }
0x63: {  	[sflag:s10] =	ssyncadd.s32 $0xFFFFC000  }
0x64: {  	_ =	swait.ge [sflag:s10], $0x4000  }
0x65: {  	s30 =	rddreg [dreg:$0x2];
	[sflag:s10] =	ssyncset.done $0x0  }
0x66: {  	[sflag:s10] =	ssyncadd.s32 $0xFFFFC000;
	s23 =	sadd.s32 s31, s30  }
0x67: {  	[hbm4b:s23+s2] =	stream.linear.scatter [tilespmem:s11], [sflag:$0x3], $0x8000, $0x38;
	[tilespmem:$0x10400] =	vst v63  }
0x68: {  	_ =	swait.ge [sflag:s12], $0x8000  }
0x69: {  	[sflag:s12] =	ssyncset.done $0x0  }
0x6a: {  	[sflag:s12] =	ssyncadd.s32 $0xFFFF8000  }
0x6b: {  	[tilespmem:s11], [sflag:$0x1] =	stream.indirect.gather [hbm4b:s3+s7], $0x80, s13, s7, $0xb8;
	[tilespmem:$0x10400] =	vst v63  }
0x6c: {  	_ = 	snop  }
0x6d: {  	[tilespmem:s15], [sflag:$0x1] =	stream.indirect.gather [hbm4b:s3+s7], $0x80, s14, s7, $0xb8;
	[tilespmem:$0x10400] =	vst v63  }
0x6e: {  	_ =	swait.ge [sflag:s16], $0x4000  }
0x6f: {  	[sflag:s16] =	ssyncset.done $0x0  }
0x70: {  	[sflag:s16] =	ssyncadd.s32 $0xFFFFC000  }
0x71: {  	_ =	swait.ge [sflag:s16], $0x4000  }
0x72: {  	[sflag:s16] =	ssyncset.done $0x0  }
0x73: {  	s24 =	sadd.s32 $0x1000, s23;
	[sflag:s16] =	ssyncadd.s32 $0xFFFFC000  }
0x74: {  	[hbm4b:s24+s2] =	stream.linear.scatter [tilespmem:s8], [sflag:$0x4], $0x8000, $0x38;
	[tilespmem:$0x10400] =	vst v63  }
0x75: {  	_ =	swait.ge [sflag:s17], $0x8000  }
0x76: {  	[sflag:s17] =	ssyncset.done $0x0  }
0x77: {  	[sflag:s17] =	ssyncadd.s32 $0xFFFF8000  }
0x78: {  	[tilespmem:s8], [sflag:$0x2] =	stream.indirect.gather [hbm4b:s3+s7], $0x80, s18, s7, $0xb8;
	[tilespmem:$0x10400] =	vst v63  }
0x79: {  	_ = 	snop  }
0x7a: {  	[tilespmem:s9], [sflag:$0x2] =	stream.indirect.gather [hbm4b:s3+s7], $0x80, s19, s7, $0xb8;
	[tilespmem:$0x10400] =	vst v63  }
0x7b: {  	_ =	swait.ge [sflag:s10], $0x4000  }
0x7c: {  	[sflag:s10] =	ssyncset.done $0x0  }
0x7d: {  	[sflag:s10] =	ssyncadd.s32 $0xFFFFC000  }
0x7e: {  	_ =	swait.ge [sflag:s10], $0x4000  }
0x7f: {  	[sflag:s10] =	ssyncset.done $0x0  }
0x80: {  	s21 =	sadd.s32 $0x4000, s21;
	s31 =	sadd.s32 $0x2000, s23;
	[sflag:s10] =	ssyncadd.s32 $0xFFFFC000  }
0x81: {  	[hbm4b:s31+s2] =	stream.linear.scatter [tilespmem:s11], [sflag:$0x3], $0x8000, $0x38;
	[tilespmem:$0x10400] =	vst v63  }
0x82: {  	p0 =	sne.s32 s21, $0xC000;
	_ =	swait.ge [sflag:s16], $0x4000  }
.Ltmp0:
0x83: {  	[sflag:s16] =	ssyncset.done $0x0;
	(pc) =	sbr.rel @p0 .LBB2_2-.Ltmp0, $4  }
0x84: {  	[sflag:s16] =	ssyncadd.s32 $0xFFFFC000  }
0x85: {  	_ =	swait.ge [sflag:s16], $0x4000  }
0x86: {  	[sflag:s16] =	ssyncset.done $0x0  }
0x87: {  	s22 =	sadd.s32 $0x80, s22;
	s23 =	sadd.s32 $0x3000, s23;
	[sflag:s16] =	ssyncadd.s32 $0xFFFFC000  }
0x88: {  	[hbm4b:s23+s2] =	stream.linear.scatter [tilespmem:s8], [sflag:$0x4], $0x8000, $0x38;
	[tilespmem:$0x10400] =	vst v63  }
0x89: {  	s20 =	sadd.s32 $0x1, s20  }
0x8a: {  	_ =	swait.ge [sflag:s12], $0x8000;
	p0 =	sne.s32 s20, s4  }
.Ltmp1:
0x8b: {  	[sflag:s12] =	ssyncset.done $0x0;
	(pc) =	sbr.rel @p0 .LBB2_1-.Ltmp1, $4  }
0x8c: {  	[sflag:s12] =	ssyncadd.s32 $0xFFFF8000  }
0x8d: {  	_ =	swait.ge [sflag:s17], $0x8000  }
0x8e: {  	[sflag:s17] =	ssyncset.done $0x0  }
0x8f: {  	[sflag:s17] =	ssyncadd.s32 $0xFFFF8000  }
0x90: {  	_ =	sfence.sel $0x180000  }
0x91: {  	[bflag:$0x0] =	sbarrier.arrive $0xFFFF  }
0x92: {  	p0 =	sne.s32 s1, $0x0;
	_ =	strace $0x9000004D  }
0x93: {  	s0 =	sadd.s32 @!p0 $0x100000, s0;
	[bflag:$0x2] =	sbarrier.arrive $0xFFFF  }
0x94: {  	[sflag:s0] =	ssyncadd.tile.s32 @!p0 $0x1;
	_ =	shalt  }
.Lfunc_end2:
_tile_overlayer_lowered:
.L_overlay_start_2:
0x95: {  	(tag) =	ssettag $0x2  }
0x96: {  	s0 =	rddreg [dreg:$0x0];
	s2 =	stileid.u32  }
0x97: {  	s1 =	rddreg [dreg:$0x1];
	p0 =	sne.s32 s2, $0x0  }
0x98: {  	s3 =	rddreg [dreg:$0x2];
	[bflag:$0x3] =	sbarrier.arrive $0xFFFF;
	s2 =	simm.s32 @!p0 $0x1C05  }
0x99: {  	[timem:s3], [sflag:s2] =	dma.local @!p0 [hbm:s0], s1  }
0x9a: {  	s0 =	simm.s32 @!p0 $0x5  }
0x9b: {  	_ =	swait.ge @!p0 [sflag:s0], s1  }
0x9c: {  	s1 =	ssub.s32 @!p0 $0x0, s1;
	[sflag:s0] =	ssyncset.done @!p0 $0x0  }
0x9d: {  	[sflag:s0] =	ssyncadd.s32 @!p0 s1  }
0x9e: {  	[bflag:$0x3] =	sbarrier.arrive $0xFFFF  }
0x9f: {  	_ =	shalt  }

// kernel: kernel.28.cloned.1.call-start
scs
__scs_entry_jumppad:
0x0: {  	(pc) =	sbr.rel $0x88, $3  }
0x1: {  	(tag) =	ssettag $0x0;
	lr =	simm.s32 $0x1  }
0x2: {  	[smem:$0x3F97] =	sst lr;
	_ =	strace $0xD0000000  }
0x3: {  	_ = 	snop  }
0x4: {  	_ = 	snop  }
0x5: {  	_ = 	snop  }
0x6: {  	_ = 	snop  }
0x7: {  	_ = 	snop  }
__scs_overlays_trampoline_lowered:
0x8: {  	[smem:$0x3FA6] =	sst s0  }
0x9: {  	[smem:$0x3FA7] =	sst s1  }
0xa: {  	[smem:$0x3FA8] =	sst s2  }
0xb: {  	[smem:$0x3FA9] =	sst s3  }
0xc: {  	[smem:$0x3FAA] =	sst s4  }
0xd: {  	[smem:$0x3FAB] =	sst s5  }
0xe: {  	[smem:$0x3FAC] =	sst s6  }
0xf: {  	[smem:$0x3FAD] =	sst s7  }
0x10: {  	[smem:$0x3FAE] =	sst s8  }
0x11: {  	[smem:$0x3FAF] =	sst s9;
	s0 =	simm.s32 @!p0 $0x0  }
0x12: {  	s1 =	sld [smem:$0x3F95];
	s0 =	simm.s32 @p0 $0x1  }
0x13: {  	[smem:$0x3FB0] =	sst s0;
	s0 =	simm.s32 @!p1 $0x0  }
0x14: {  	s2 =	sld [smem:$0x3F94];
	s0 =	simm.s32 @p1 $0x1  }
0x15: {  	[smem:$0x3FB1] =	sst s0;
	s0 =	simm.s32 @!p2 $0x0  }
0x16: {  	s3 =	sld [smem:$0x3FDB];
	s0 =	simm.s32 @p2 $0x1  }
0x17: {  	s4 =	simm.s32 $0x1BF5;
	[smem:$0x3FB3] =	sst s0  }
0x18: {  	s0 =	sld [smem:$0x3F96];
	_ =	swait.ge [sflag:s4], $0x0  }
0x19: {  	s7 =	sld [smem:$0x3F97]  }
0x1a: {  	s8 =	sadd.s32 $0xFFFFE003, lr  }
0x1b: {  	s9 =	sadd.s32 $0xFFFFFEF7, lr;
	s5 =	simm.s32 $0xFFFFFFFF;
	p2 =	slt.u32 s8, $0xFFFFF086  }
0x1c: {  	p1 =	slt.u32 s9, $0xF7A;
	s5 =	simm.s32 @!p2 $0x0  }
0x1d: {  	s5 =	simm.s32 @p1 $0x1;
	p0 =	seq.s32 s7, s2  }
0x1e: {  	s7 =	smul.u32 @!p0 $0xF7A, s2;
	p2 =	seq.s32 @!p0 s5, $0x0  }
0x1f: {  	s9 =	smul.u32 $0xF7A, s1;
	s8 =	simm.s32 @!p0 $0x1BF5;
	p2 =	por !p2, p0  }
0x20: {  	[sflag:s8] =	ssyncset.s32 @!p0 $0xFFFFF086;
	s6 =	sadd.s32 @!p0 s3, s7;
	s7 =	simm.s32 @!p0 $0x108  }
0x21: {  	s3 =	sadd.s32 s3, s9;
	s6 =	sadd.s32 @!p0 $0x88, s6;
	s7 =	simm.s32 @p2 $0x1082  }
0x22: {  	[simem:s7], [sflag:s8] =	dma.local @!p0 [hbm:s6], $0xF7A  }
0x23: {  	s9 =	sor.u32 $0xD0000000, s2;
	s6 =	simm.s32 $0x108;
	_ =	swait.ge @!p0 [sflag:s8], $0x0  }
0x24: {  	s3 =	sadd.s32 $0x88, s3;
	s6 =	simm.s32 @!p1 $0x1082;
	[sflag:s4] =	ssyncset.s32 $0xFFFFF086  }
0x25: {  	[simem:s6], [sflag:s4] =	dma.local [hbm:s3], $0xF7A  }
0x26: {  	[smem:$0x3F97] =	sst s1;
	(tag) =	ssettag s2;
	_ =	strace s9  }
0x27: {  	s1 =	sld [smem:$0x3FA7]  }
0x28: {  	s2 =	sld [smem:$0x3FA8]  }
0x29: {  	s4 =	sld [smem:$0x3FAA]  }
0x2a: {  	p0 =	seq.s32 s5, $0x0;
	s5 =	sld [smem:$0x3FAB]  }
0x2b: {  	s6 =	sld [smem:$0x3FAC]  }
0x2c: {  	s7 =	sld [smem:$0x3FAD]  }
0x2d: {  	s3 =	simm.s32 $0x108;
	s8 =	sld [smem:$0x3FAE]  }
0x2e: {  	s3 =	simm.s32 @!p0 $0x1082;
	s9 =	sld [smem:$0x3FAF]  }
0x2f: {  	lr =	sadd.s32 s0, s3;
	s0 =	sld [smem:$0x3FA6]  }
0x30: {  	s3 =	sld [smem:$0x3FA9]  }
0x31: {  	[smem:$0x3FB2] =	sst s10  }
0x32: {  	s10 =	sld [smem:$0x3FB0];
	_ =	sdelay $0x3  }
0x33: {  	p0 =	seq.s32 s10, $0x1;
	s10 =	sld [smem:$0x3FB2];
	_ =	sdelay $0x3  }
0x34: {  	[smem:$0x3FB2] =	sst s10  }
0x35: {  	s10 =	sld [smem:$0x3FB1];
	_ =	sdelay $0x3  }
0x36: {  	p1 =	seq.s32 s10, $0x1;
	s10 =	sld [smem:$0x3FB2];
	_ =	sdelay $0x3  }
0x37: {  	[smem:$0x3FB2] =	sst s10  }
0x38: {  	s10 =	sld [smem:$0x3FB3]  }
0x39: {  	_ = 	snop;
	(pc) =	sbr.ind lr, $3  }
0x3a: {  	_ = 	snop  }
0x3b: {  	_ = 	snop  }
0x3c: {  	p2 =	seq.s32 s10, $0x1;
	s10 =	sld [smem:$0x3FB2]  }
0x3d: {  	_ =	shalt  }
0x3e: {  	_ =	shalt  }
0x3f: {  	_ =	shalt  }
0x40: {  	_ =	shalt  }
0x41: {  	_ =	shalt  }
0x42: {  	_ =	shalt  }
0x43: {  	_ =	shalt  }
0x44: {  	_ =	shalt  }
0x45: {  	_ =	shalt  }
0x46: {  	_ =	shalt  }
0x47: {  	_ =	shalt  }
0x48: {  	_ =	shalt  }
0x49: {  	_ =	shalt  }
0x4a: {  	_ =	shalt  }
0x4b: {  	_ =	shalt  }
0x4c: {  	_ =	shalt  }
0x4d: {  	_ =	shalt  }
0x4e: {  	_ =	shalt  }
0x4f: {  	_ =	shalt  }
0x50: {  	_ =	shalt  }
0x51: {  	_ =	shalt  }
0x52: {  	_ =	shalt  }
0x53: {  	_ =	shalt  }
0x54: {  	_ =	shalt  }
0x55: {  	_ =	shalt  }
0x56: {  	_ =	shalt  }
0x57: {  	_ =	shalt  }
0x58: {  	_ =	shalt  }
0x59: {  	_ =	shalt  }
0x5a: {  	_ =	shalt  }
0x5b: {  	_ =	shalt  }
0x5c: {  	_ =	shalt  }
0x5d: {  	_ =	shalt  }
0x5e: {  	_ =	shalt  }
0x5f: {  	_ =	shalt  }
0x60: {  	_ =	shalt  }
0x61: {  	_ =	shalt  }
0x62: {  	_ =	shalt  }
0x63: {  	_ =	shalt  }
0x64: {  	_ =	shalt  }
0x65: {  	_ =	shalt  }
0x66: {  	_ =	shalt  }
0x67: {  	_ =	shalt  }
0x68: {  	_ =	shalt  }
0x69: {  	_ =	shalt  }
0x6a: {  	_ =	shalt  }
0x6b: {  	_ =	shalt  }
0x6c: {  	_ =	shalt  }
0x6d: {  	_ =	shalt  }
0x6e: {  	_ =	shalt  }
0x6f: {  	_ =	shalt  }
0x70: {  	_ =	shalt  }
0x71: {  	_ =	shalt  }
0x72: {  	_ =	shalt  }
0x73: {  	_ =	shalt  }
0x74: {  	_ =	shalt  }
0x75: {  	_ =	shalt  }
0x76: {  	_ =	shalt  }
0x77: {  	_ =	shalt  }
0x78: {  	_ =	shalt  }
0x79: {  	_ =	shalt  }
0x7a: {  	_ =	shalt  }
0x7b: {  	_ =	shalt  }
0x7c: {  	_ =	shalt  }
0x7d: {  	_ =	shalt  }
0x7e: {  	_ =	shalt  }
0x7f: {  	_ =	shalt  }
0x80: {  	_ =	shalt  }
0x81: {  	_ =	shalt  }
0x82: {  	_ =	shalt  }
0x83: {  	_ =	shalt  }
0x84: {  	_ =	shalt  }
0x85: {  	_ =	shalt  }
0x86: {  	_ =	shalt  }
0x87: {  	_ =	shalt  }
.Lfunc_end0:
.L_simem_size_0:
called_computation.3_lowered:
.L_overlay_start_0:
0x88: {  	s2 =	sld [smem:$0x3FD9]  }
0x89: {  	s3 =	sld [smem:$0x3FFE];
	_ =	sdelay $0x1  }
0x8a: {  	s1 =	srdreg.scid  }
0x8b: {  	s0 =	sand.u32 $0x1, s1  }
0x8c: {  	s17 =	sshll.u32 s0, $0xA;
	s2 =	sadd.s32 s3, s2  }
0x8d: {  	s2 =	sadd.s32 s2, s17  }
0x8e: {  	[smem:$0x3FBE] =	sst s2  }
0x8f: {  	_ = 	snop  }
0x90: {  	(tm) =	ssettm $0x1  }
0x91: {  	s18 =	sld [smem:$0x3FFB];
	_ =	sdelay $0x3  }
0x92: {  	_ =	strace s18  }
0x93: {  	s2 =	sld [smem:$0x3FFC];
	_ =	sdelay $0x3  }
0x94: {  	_ =	strace s2  }
0x95: {  	s2 =	sld [smem:$0x3FFD];
	_ =	sdelay $0x3  }
0x96: {  	_ =	strace s2  }
0x97: {  	_ =	strace $0x8FFFFFFF  }
0x98: {  	s19 =	sld [smem:$0x3FDB];
	_ =	sdelay $0x1  }
0x99: {  	s20 =	simm.s32 $_scs_section_size  }
0x9a: {  	s4 =	simm.s32 $_size__tile_overlayer_lowered;
	s5 =	simm.s32 $_tile_overlayer_lowered  }
0x9b: {  	s6 =	simm.s32 $0x1BFF;
	s21 =	sshll.u32 s5, $0x1;
	s3 =	sadd.s32 s20, s19  }
0x9c: {  	s22 =	simm.s32 $0x0;
	s4 =	sshll.u32 s4, $0x1;
	s5 =	sadd.s32 s21, s3  }
0x9d: {  	[timem:s22], [sflag:s6] =	dma.local [hbm:s5], s4  }
0x9e: {  	_ =	swait.ge [sflag:s6], s4  }
0x9f: {  	s4 =	ssub.s32 $0x0, s4;
	[sflag:s6] =	ssyncset.done $0x0  }
0xa0: {  	[sflag:s6] =	ssyncadd.s32 s4;
	_ =	sdelay $0x1  }
0xa1: {  	s23 =	simm.s32 $0x1B8B  }
0xa2: {  	_ =	swait.ge [sflag:s23], $0x1  }
0xa3: {  	[sflag:s23] =	ssyncset.done $0x0  }
0xa4: {  	[sflag:s23] =	ssyncadd.s32 $0xFFFFFFFF  }
0xa5: {  	s4 =	sld [smem:$0x0]  }
0xa6: {  	s5 =	sand.u32 $0xFFFFFFFE, s1  }
0xa7: {  	p0 =	sne.s32 s1, s5  }
0xa8: {  	s5 =	sshll.u32 @p0 s5, $0xE  }
0xa9: {  	s5 =	sadd.s32 @p0 $0x11B8D, s5;
	s6 =	sshll.u32 @p0 s4, $0x11  }
0xaa: {  	s5 =	sor.u32 @p0 s6, s5  }
0xab: {  	[sflag:s5] =	ssyncadd.remote.s32 @p0 $0x1;
	_ =	sdelay $0x1  }
0xac: {  	s5 =	simm.s32 @p0 $0x1B8D  }
0xad: {  	_ =	swait.eq @p0 [sflag:s5], $0x1  }
0xae: {  	[sflag:s5] =	ssyncadd.s32 @p0 $0xFFFFFFFF  }
0xaf: {  	s6 =	sshll.u32 @!p0 s1, $0xE  }
0xb0: {  	s6 =	sor.u32 @!p0 $0x4000, s6;
	s5 =	simm.s32 @!p0 $0x1B8D  }
0xb1: {  	s4 =	sshll.u32 @!p0 s4, $0x11;
	s6 =	sadd.s32 @!p0 $0x11B8D, s6;
	_ =	swait.eq @!p0 [sflag:s5], $0x1  }
0xb2: {  	s4 =	sor.u32 @!p0 s4, s6;
	[sflag:s5] =	ssyncadd.s32 @!p0 $0xFFFFFFFF  }
0xb3: {  	s25 =	simm.s32 $0x1B8E;
	s24 =	sld [smem:$0x3FFE];
	[sflag:s4] =	ssyncadd.remote.s32 @!p0 $0x1  }
0xb4: {  	s26 =	simm.s32 $execute0_lowered;
	[smem:$0x3FD2] =	sst s25  }
0xb5: {  	s5 =	sshll.u32 s26, $0x1;
	_ =	strace $0x8000004F;
	[dreg:$0x1] =	wrdreg $0xFFFFFFFF  }
0xb6: {  	s28 =	simm.s32 $_size_execute0_lowered;
	s3 =	sadd.s32 s3, s5;
	[dreg:$0x0] =	wrdreg $0x0  }
0xb7: {  	s5 =	sshll.u32 s28, $0x1;
	[dreg:$0x2] =	wrdreg s3  }
0xb8: {  	[dreg:$0x3] =	wrdreg s5  }
0xb9: {  	[dreg:$0x4] =	wrdreg $0xC0  }
0xba: {  	_ =	task [dreg:s22], $0x5FFFF  }
0xbb: {  	[dreg:$0x1] =	wrdreg $0xFFFFFFFF  }
0xbc: {  	[dreg:$0x0] =	wrdreg $0x60  }
0xbd: {  	[dreg:$0x2] =	wrdreg s24  }
0xbe: {  	[dreg:$0x3] =	wrdreg $0xC  }
0xbf: {  	_ =	task.clear_ibuf [dreg:s22], $0x4FFFF;
	_ =	strace $0x9000004F  }
0xc0: {  	s29 =	simm.s32 $0xC;
	_ =	strace $0x80000051  }
0xc1: {  	_ =	swait.ge [sflag:s29], $0x1  }
0xc2: {  	[sflag:s29] =	ssyncadd.s32 $0xFFFFFFFF  }
0xc3: {  	_ =	strace $0x90000051  }
0xc4: {  	_ =	sfence  }
0xc5: {  	s30 =	sld [smem:$0x0];
	_ =	sdelay $0x2  }
0xc6: {  	s31 =	sshll.u32 s1, $0xD;
	s1 =	sshrl.u32 s1, $0x2  }
0xc7: {  	s4 =	sand.u32 $0x4000, s31;
	s1 =	sadd.s32 s1, s30  }
0xc8: {  	s0 =	sor.u32 s4, s0;
	s1 =	sshll.u32 s1, $0x11  }
0xc9: {  	s0 =	sor.u32 s1, s0  }
0xca: {  	s0 =	sadd.s32 $0x8F2B, s0  }
0xcb: {  	[sflag:s0] =	ssyncadd.remote.s32 $0x1  }
0xcc: {  	_ =	sfence.sel $0xFFFF  }
0xcd: {  	[dreg:$0x0] =	wrdreg $0xFFFFFFFF;
	(pc) =	sbr.abs _section_cstart, $3  }
0xce: {  	[dreg:$0x1] =	wrdreg $0xFFFFFFFF  }
0xcf: {  	_ =	task.clear_ibuf [dreg:s22], $0x2FFFF;
	_ =	strace $0x9FFFFFFF  }
0xd0: {  	(tm) =	ssettm $0x7FFFFFFF  }
0xd1: {  	_ =	shalt  }
tec
execute0_lowered:
.L_overlay_start_1:
0x0: {  	(tag) =	ssettag $0x1  }
0x1: {  	s4 =	rddreg [dreg:$0x0]  }
0x2: {  	s0 =	rddreg [dreg:$0x1];
	s2 =	simm.s32 $0x0;
	s1 =	stileid.u32  }
0x3: {  	s5 =	srdreg.scid;
	s30 =	simm.s32 $0x100;
	s31 =	simm.s32 $0x180  }
0x4: {  	s10 =	simm.s32 $0x1;
	s11 =	simm.s32 $0x400;
	s12 =	simm.s32 $0x3  }
0x5: {  	s13 =	simm.s32 $0x200;
	s14 =	simm.s32 $0x280;
	s15 =	simm.s32 $0x4400  }
0x6: {  	s16 =	simm.s32 $0x2;
	s17 =	simm.s32 $0x4;
	s18 =	simm.s32 $0x300  }
0x7: {  	s19 =	simm.s32 $0x380;
	s20 =	simm.s32 $0x0;
	[smem:$0x7FF] =	sst s2  }
0x8: {  	s3 =	sshll.u32 s1, $0xA;
	s5 =	sand.u32 $0x1, s5;
	s7 =	sshll.u32 s1, $0x11  }
0x9: {  	_ =	strace $0x80000050;
	s6 =	sadd.s32 s3, s4;
	s3 =	sadd.s32 $0x5A00, s4  }
0xa: {  	s8 =	ssub.s32 $0x2, s5;
	s4 =	sadd.s32 s7, s4;
	[dreg:$0x3] =	wrdreg s30  }
0xb: {  	s9 =	sshll.u32 s5, $0x10;
	s5 =	sshll.u32 s5, $0x9;
	[dreg:$0x4] =	wrdreg s31  }
0xc: {  	s26 =	sshrl.u32 s8, $0x1;
	s28 =	sadd.s32 s9, s4;
	s5 =	sadd.s32 s5, s6  }
0xd: {  	s6 =	simm.s32 $0x5;
	s9 =	simm.s32 $0xC400;
	s29 =	sadd.s32 $0x424400, s28  }
0xe: {  	s7 =	ssub.s32 s8, s26;
	s5 =	sadd.s32 $0x414400, s5;
	s8 =	simm.s32 $0x8400  }
0xf: {  	s4 =	smax.u32 s7, $0x1;
	[dreg:$0x2] =	wrdreg s29;
	s7 =	simm.s32 $0x80  }
.LBB2_1:
0x10: {  	[tilespmem:s2], [sflag:$0x5] =	stream.linear.gather [hbm4b:s5+s2], $0x400, $0x38;
	[tilespmem:$0x10400] =	vst v63  }
0x11: {  	_ =	swait.ge [sflag:s6], $0x400  }
0x12: {  	p0 =	por $0x0, $0x0;
	[sflag:s6] =	ssyncset.done $0x0  }
0x13: {  	s21 =	simm.s32 @p0 $0x3;
	[sflag:s6] =	ssyncadd.s32 $0xFFFFFC00  }
0x14: {  	_ =	swait.ge @p0 [sflag:s21], $0x8000  }
0x15: {  	s22 =	simm.s32 @p0 $0x400;
	[sflag:s21] =	ssyncset.done @p0 $0x0  }
0x16: {  	s23 =	simm.s32 @p0 $0x0;
	[sflag:s21] =	ssyncadd.s32 @p0 $0xFFFF8000;
	s21 =	simm.s32 @p0 $0x80  }
0x17: {  	[tilespmem:s22], [sflag:$0x1] =	stream.indirect.gather @p0 [hbm4b:s3+s21], $0x80, s23, s21, $0xb8;
	[tilespmem:$0x10400] =	vst v63  }
0x18: {  	s22 =	simm.s32 @p0 $0x4400;
	s23 =	simm.s32 @p0 $0x4  }
0x19: {  	[tilespmem:s22], [sflag:$0x1] =	stream.indirect.gather @p0 [hbm4b:s3+s21], $0x80, s21, s21, $0xb8;
	[tilespmem:$0x10400] =	vst v63  }
0x1a: {  	_ =	swait.ge @p0 [sflag:s23], $0x8000  }
0x1b: {  	s21 =	simm.s32 @!p0 $0x400;
	[sflag:s23] =	ssyncset.done @p0 $0x0  }
0x1c: {  	s22 =	simm.s32 @!p0 $0x80;
	[sflag:s23] =	ssyncadd.s32 @p0 $0xFFFF8000;
	s23 =	simm.s32 @!p0 $0x0  }
0x1d: {  	[tilespmem:s21], [sflag:$0x1] =	stream.indirect.gather @!p0 [hbm4b:s3+s22], $0x80, s23, s22, $0xb8;
	[tilespmem:$0x10400] =	vst v63  }
0x1e: {  	s21 =	simm.s32 @!p0 $0x4400  }
0x1f: {  	[tilespmem:s21], [sflag:$0x1] =	stream.indirect.gather @!p0 [hbm4b:s3+s22], $0x80, s22, s22, $0xb8;
	[tilespmem:$0x10400] =	vst v63  }
0x20: {  	s26 =	rddreg [dreg:$0x3]  }
0x21: {  	[tilespmem:s8], [sflag:$0x2] =	stream.indirect.gather [hbm4b:s3+s7], $0x80, s26, s7, $0xb8;
	[tilespmem:$0x10400] =	vst v63  }
0x22: {  	s28 =	rddreg [dreg:$0x4]  }
0x23: {  	[tilespmem:s9], [sflag:$0x2] =	stream.indirect.gather [hbm4b:s3+s7], $0x80, s28, s7, $0xb8;
	[tilespmem:$0x10400] =	vst v63  }
0x24: {  	_ =	swait.ge [sflag:s10], $0x4000  }
0x25: {  	[sflag:s10] =	ssyncset.done $0x0  }
0x26: {  	[sflag:s10] =	ssyncadd.s32 $0xFFFFC000  }
0x27: {  	_ =	swait.ge [sflag:s10], $0x4000  }
0x28: {  	s29 =	rddreg [dreg:$0x2];
	[sflag:s10] =	ssyncset.done $0x0  }
0x29: {  	[sflag:s10] =	ssyncadd.s32 $0xFFFFC000;
	s30 =	sadd.s32 $0x0, s29  }
0x2a: {  	[hbm4b:s30+s2] =	stream.linear.scatter [tilespmem:s11], [sflag:$0x3], $0x8000, $0x38;
	[tilespmem:$0x10400] =	vst v63  }
0x2b: {  	_ =	swait.ge [sflag:s12], $0x8000  }
0x2c: {  	[sflag:s12] =	ssyncset.done $0x0  }
0x2d: {  	[sflag:s12] =	ssyncadd.s32 $0xFFFF8000  }
0x2e: {  	[tilespmem:s11], [sflag:$0x1] =	stream.indirect.gather [hbm4b:s3+s7], $0x80, s13, s7, $0xb8;
	[tilespmem:$0x10400] =	vst v63  }
0x2f: {  	_ = 	snop  }
0x30: {  	[tilespmem:s15], [sflag:$0x1] =	stream.indirect.gather [hbm4b:s3+s7], $0x80, s14, s7, $0xb8;
	[tilespmem:$0x10400] =	vst v63  }
0x31: {  	_ =	swait.ge [sflag:s16], $0x4000  }
0x32: {  	[sflag:s16] =	ssyncset.done $0x0  }
0x33: {  	[sflag:s16] =	ssyncadd.s32 $0xFFFFC000  }
0x34: {  	_ =	swait.ge [sflag:s16], $0x4000  }
0x35: {  	[sflag:s16] =	ssyncset.done $0x0  }
0x36: {  	s21 =	sadd.s32 $0x1000, s30;
	[sflag:s16] =	ssyncadd.s32 $0xFFFFC000  }
0x37: {  	[hbm4b:s21+s2] =	stream.linear.scatter [tilespmem:s8], [sflag:$0x4], $0x8000, $0x38;
	[tilespmem:$0x10400] =	vst v63  }
0x38: {  	_ =	swait.ge [sflag:s17], $0x8000  }
0x39: {  	[sflag:s17] =	ssyncset.done $0x0  }
0x3a: {  	[sflag:s17] =	ssyncadd.s32 $0xFFFF8000  }
0x3b: {  	[tilespmem:s8], [sflag:$0x2] =	stream.indirect.gather [hbm4b:s3+s7], $0x80, s18, s7, $0xb8;
	[tilespmem:$0x10400] =	vst v63  }
0x3c: {  	_ = 	snop  }
0x3d: {  	[tilespmem:s9], [sflag:$0x2] =	stream.indirect.gather [hbm4b:s3+s7], $0x80, s19, s7, $0xb8;
	[tilespmem:$0x10400] =	vst v63  }
0x3e: {  	_ =	swait.ge [sflag:s10], $0x4000  }
0x3f: {  	[sflag:s10] =	ssyncset.done $0x0  }
0x40: {  	[sflag:s10] =	ssyncadd.s32 $0xFFFFC000  }
0x41: {  	_ =	swait.ge [sflag:s10], $0x4000  }
0x42: {  	[sflag:s10] =	ssyncset.done $0x0  }
0x43: {  	s31 =	sadd.s32 $0x2000, s30;
	[sflag:s10] =	ssyncadd.s32 $0xFFFFC000  }
0x44: {  	[hbm4b:s31+s2] =	stream.linear.scatter [tilespmem:s11], [sflag:$0x3], $0x8000, $0x38;
	[tilespmem:$0x10400] =	vst v63  }
0x45: {  	_ =	swait.ge [sflag:s16], $0x4000  }
0x46: {  	[sflag:s16] =	ssyncset.done $0x0  }
0x47: {  	[sflag:s16] =	ssyncadd.s32 $0xFFFFC000  }
0x48: {  	_ =	swait.ge [sflag:s16], $0x4000  }
0x49: {  	s22 =	sadd.s32 $0x80, s5;
	[sflag:s16] =	ssyncset.done $0x0  }
0x4a: {  	s23 =	sadd.s32 $0x3000, s30;
	s21 =	simm.s32 $0x4000;
	[sflag:s16] =	ssyncadd.s32 $0xFFFFC000  }
.LBB2_2:
0x4b: {  	[hbm4b:s23+s2] =	stream.linear.scatter [tilespmem:s8], [sflag:$0x4], $0x8000, $0x38;
	[tilespmem:$0x10400] =	vst v63  }
0x4c: {  	_ = 	snop  }
0x4d: {  	[tilespmem:s2], [sflag:$0x5] =	stream.linear.gather [hbm4b:s22+s2], $0x400, $0x38;
	[tilespmem:$0x10400] =	vst v63  }
0x4e: {  	s31 =	smov.u32 s21;
	_ =	swait.ge [sflag:s6], $0x400  }
0x4f: {  	p1 =	sne.s32 s31, $0x0;
	[sflag:s6] =	ssyncset.done $0x0  }
0x50: {  	s24 =	simm.s32 @p1 $0x3;
	[sflag:s6] =	ssyncadd.s32 $0xFFFFFC00  }
0x51: {  	_ =	swait.ge @p1 [sflag:s24], $0x8000  }
0x52: {  	s25 =	simm.s32 @p1 $0x400;
	[sflag:s24] =	ssyncset.done @p1 $0x0  }
0x53: {  	s26 =	simm.s32 @p1 $0x0;
	[sflag:s24] =	ssyncadd.s32 @p1 $0xFFFF8000;
	s24 =	simm.s32 @p1 $0x80  }
0x54: {  	[tilespmem:s25], [sflag:$0x1] =	stream.indirect.gather @p1 [hbm4b:s3+s24], $0x80, s26, s24, $0xb8;
	[tilespmem:$0x10400] =	vst v63  }
0x55: {  	s25 =	simm.s32 @p1 $0x4400;
	s26 =	simm.s32 @p1 $0x4  }
0x56: {  	[tilespmem:s25], [sflag:$0x1] =	stream.indirect.gather @p1 [hbm4b:s3+s24], $0x80, s24, s24, $0xb8;
	[tilespmem:$0x10400] =	vst v63  }
0x57: {  	_ =	swait.ge @p1 [sflag:s26], $0x8000  }
0x58: {  	s24 =	simm.s32 @!p1 $0x400;
	[sflag:s26] =	ssyncset.done @p1 $0x0  }
0x59: {  	s25 =	simm.s32 @!p1 $0x80;
	[sflag:s26] =	ssyncadd.s32 @p1 $0xFFFF8000;
	s26 =	simm.s32 @!p1 $0x0  }
0x5a: {  	[tilespmem:s24], [sflag:$0x1] =	stream.indirect.gather @!p1 [hbm4b:s3+s25], $0x80, s26, s25, $0xb8;
	[tilespmem:$0x10400] =	vst v63  }
0x5b: {  	s24 =	simm.s32 @!p1 $0x4400  }
0x5c: {  	[tilespmem:s24], [sflag:$0x1] =	stream.indirect.gather @!p1 [hbm4b:s3+s25], $0x80, s25, s25, $0xb8;
	[tilespmem:$0x10400] =	vst v63  }
0x5d: {  	s28 =	rddreg [dreg:$0x3]  }
0x5e: {  	[tilespmem:s8], [sflag:$0x2] =	stream.indirect.gather [hbm4b:s3+s7], $0x80, s28, s7, $0xb8;
	[tilespmem:$0x10400] =	vst v63  }
0x5f: {  	s29 =	rddreg [dreg:$0x4]  }
0x60: {  	[tilespmem:s9], [sflag:$0x2] =	stream.indirect.gather [hbm4b:s3+s7], $0x80, s29, s7, $0xb8;
	[tilespmem:$0x10400] =	vst v63  }
0x61: {  	_ =	swait.ge [sflag:s10], $0x4000  }
0x62: {  	[sflag:s10] =	ssyncset.done $0x0  }
0x63: {  	[sflag:s10] =	ssyncadd.s32 $0xFFFFC000  }
0x64: {  	_ =	swait.ge [sflag:s10], $0x4000  }
0x65: {  	s30 =	rddreg [dreg:$0x2];
	[sflag:s10] =	ssyncset.done $0x0  }
0x66: {  	[sflag:s10] =	ssyncadd.s32 $0xFFFFC000;
	s23 =	sadd.s32 s31, s30  }
0x67: {  	[hbm4b:s23+s2] =	stream.linear.scatter [tilespmem:s11], [sflag:$0x3], $0x8000, $0x38;
	[tilespmem:$0x10400] =	vst v63  }
0x68: {  	_ =	swait.ge [sflag:s12], $0x8000  }
0x69: {  	[sflag:s12] =	ssyncset.done $0x0  }
0x6a: {  	[sflag:s12] =	ssyncadd.s32 $0xFFFF8000  }
0x6b: {  	[tilespmem:s11], [sflag:$0x1] =	stream.indirect.gather [hbm4b:s3+s7], $0x80, s13, s7, $0xb8;
	[tilespmem:$0x10400] =	vst v63  }
0x6c: {  	_ = 	snop  }
0x6d: {  	[tilespmem:s15], [sflag:$0x1] =	stream.indirect.gather [hbm4b:s3+s7], $0x80, s14, s7, $0xb8;
	[tilespmem:$0x10400] =	vst v63  }
0x6e: {  	_ =	swait.ge [sflag:s16], $0x4000  }
0x6f: {  	[sflag:s16] =	ssyncset.done $0x0  }
0x70: {  	[sflag:s16] =	ssyncadd.s32 $0xFFFFC000  }
0x71: {  	_ =	swait.ge [sflag:s16], $0x4000  }
0x72: {  	[sflag:s16] =	ssyncset.done $0x0  }
0x73: {  	s24 =	sadd.s32 $0x1000, s23;
	[sflag:s16] =	ssyncadd.s32 $0xFFFFC000  }
0x74: {  	[hbm4b:s24+s2] =	stream.linear.scatter [tilespmem:s8], [sflag:$0x4], $0x8000, $0x38;
	[tilespmem:$0x10400] =	vst v63  }
0x75: {  	_ =	swait.ge [sflag:s17], $0x8000  }
0x76: {  	[sflag:s17] =	ssyncset.done $0x0  }
0x77: {  	[sflag:s17] =	ssyncadd.s32 $0xFFFF8000  }
0x78: {  	[tilespmem:s8], [sflag:$0x2] =	stream.indirect.gather [hbm4b:s3+s7], $0x80, s18, s7, $0xb8;
	[tilespmem:$0x10400] =	vst v63  }
0x79: {  	_ = 	snop  }
0x7a: {  	[tilespmem:s9], [sflag:$0x2] =	stream.indirect.gather [hbm4b:s3+s7], $0x80, s19, s7, $0xb8;
	[tilespmem:$0x10400] =	vst v63  }
0x7b: {  	_ =	swait.ge [sflag:s10], $0x4000  }
0x7c: {  	[sflag:s10] =	ssyncset.done $0x0  }
0x7d: {  	[sflag:s10] =	ssyncadd.s32 $0xFFFFC000  }
0x7e: {  	_ =	swait.ge [sflag:s10], $0x4000  }
0x7f: {  	[sflag:s10] =	ssyncset.done $0x0  }
0x80: {  	s21 =	sadd.s32 $0x4000, s21;
	s31 =	sadd.s32 $0x2000, s23;
	[sflag:s10] =	ssyncadd.s32 $0xFFFFC000  }
0x81: {  	[hbm4b:s31+s2] =	stream.linear.scatter [tilespmem:s11], [sflag:$0x3], $0x8000, $0x38;
	[tilespmem:$0x10400] =	vst v63  }
0x82: {  	p0 =	sne.s32 s21, $0x10000;
	_ =	swait.ge [sflag:s16], $0x4000  }
.Ltmp0:
0x83: {  	[sflag:s16] =	ssyncset.done $0x0;
	(pc) =	sbr.rel @p0 .LBB2_2-.Ltmp0, $4  }
0x84: {  	[sflag:s16] =	ssyncadd.s32 $0xFFFFC000  }
0x85: {  	_ =	swait.ge [sflag:s16], $0x4000  }
0x86: {  	[sflag:s16] =	ssyncset.done $0x0  }
0x87: {  	s22 =	sadd.s32 $0x80, s22;
	s23 =	sadd.s32 $0x3000, s23;
	[sflag:s16] =	ssyncadd.s32 $0xFFFFC000  }
0x88: {  	[hbm4b:s23+s2] =	stream.linear.scatter [tilespmem:s8], [sflag:$0x4], $0x8000, $0x38;
	[tilespmem:$0x10400] =	vst v63  }
0x89: {  	s20 =	sadd.s32 $0x1, s20  }
0x8a: {  	_ =	swait.ge [sflag:s12], $0x8000;
	p0 =	sne.s32 s20, s4  }
.Ltmp1:
0x8b: {  	[sflag:s12] =	ssyncset.done $0x0;
	(pc) =	sbr.rel @p0 .LBB2_1-.Ltmp1, $4  }
0x8c: {  	[sflag:s12] =	ssyncadd.s32 $0xFFFF8000  }
0x8d: {  	_ =	swait.ge [sflag:s17], $0x8000  }
0x8e: {  	[sflag:s17] =	ssyncset.done $0x0  }
0x8f: {  	[sflag:s17] =	ssyncadd.s32 $0xFFFF8000  }
0x90: {  	_ =	sfence.sel $0x180000  }
0x91: {  	[bflag:$0x0] =	sbarrier.arrive $0xFFFF  }
0x92: {  	p0 =	sne.s32 s1, $0x0;
	_ =	strace $0x90000050  }
0x93: {  	s0 =	sadd.s32 @!p0 $0x100000, s0;
	[bflag:$0x2] =	sbarrier.arrive $0xFFFF  }
0x94: {  	[sflag:s0] =	ssyncadd.tile.s32 @!p0 $0x1;
	_ =	shalt  }
.Lfunc_end2:
_tile_overlayer_lowered:
.L_overlay_start_2:
0x95: {  	(tag) =	ssettag $0x2  }
0x96: {  	s0 =	rddreg [dreg:$0x0];
	s2 =	stileid.u32  }
0x97: {  	s1 =	rddreg [dreg:$0x1];
	p0 =	sne.s32 s2, $0x0  }
0x98: {  	s3 =	rddreg [dreg:$0x2];
	[bflag:$0x3] =	sbarrier.arrive $0xFFFF;
	s2 =	simm.s32 @!p0 $0x1C05  }
0x99: {  	[timem:s3], [sflag:s2] =	dma.local @!p0 [hbm:s0], s1  }
0x9a: {  	s0 =	simm.s32 @!p0 $0x5  }
0x9b: {  	_ =	swait.ge @!p0 [sflag:s0], s1  }
0x9c: {  	s1 =	ssub.s32 @!p0 $0x0, s1;
	[sflag:s0] =	ssyncset.done @!p0 $0x0  }
0x9d: {  	[sflag:s0] =	ssyncadd.s32 @!p0 s1  }
0x9e: {  	[bflag:$0x3] =	sbarrier.arrive $0xFFFF  }
0x9f: {  	_ =	shalt  }

// kernel: kernel.31.cloned.1.call-start
scs
__scs_entry_jumppad:
0x0: {  	(pc) =	sbr.rel $0x88, $3  }
0x1: {  	(tag) =	ssettag $0x0;
	lr =	simm.s32 $0x1  }
0x2: {  	[smem:$0x3F97] =	sst lr;
	_ =	strace $0xD0000000  }
0x3: {  	_ = 	snop  }
0x4: {  	_ = 	snop  }
0x5: {  	_ = 	snop  }
0x6: {  	_ = 	snop  }
0x7: {  	_ = 	snop  }
__scs_overlays_trampoline_lowered:
0x8: {  	[smem:$0x3FA6] =	sst s0  }
0x9: {  	[smem:$0x3FA7] =	sst s1  }
0xa: {  	[smem:$0x3FA8] =	sst s2  }
0xb: {  	[smem:$0x3FA9] =	sst s3  }
0xc: {  	[smem:$0x3FAA] =	sst s4  }
0xd: {  	[smem:$0x3FAB] =	sst s5  }
0xe: {  	[smem:$0x3FAC] =	sst s6  }
0xf: {  	[smem:$0x3FAD] =	sst s7  }
0x10: {  	[smem:$0x3FAE] =	sst s8  }
0x11: {  	[smem:$0x3FAF] =	sst s9;
	s0 =	simm.s32 @!p0 $0x0  }
0x12: {  	s1 =	sld [smem:$0x3F95];
	s0 =	simm.s32 @p0 $0x1  }
0x13: {  	[smem:$0x3FB0] =	sst s0;
	s0 =	simm.s32 @!p1 $0x0  }
0x14: {  	s2 =	sld [smem:$0x3F94];
	s0 =	simm.s32 @p1 $0x1  }
0x15: {  	[smem:$0x3FB1] =	sst s0;
	s0 =	simm.s32 @!p2 $0x0  }
0x16: {  	s3 =	sld [smem:$0x3FDB];
	s0 =	simm.s32 @p2 $0x1  }
0x17: {  	s4 =	simm.s32 $0x1BF5;
	[smem:$0x3FB3] =	sst s0  }
0x18: {  	s0 =	sld [smem:$0x3F96];
	_ =	swait.ge [sflag:s4], $0x0  }
0x19: {  	s7 =	sld [smem:$0x3F97]  }
0x1a: {  	s8 =	sadd.s32 $0xFFFFE003, lr  }
0x1b: {  	s9 =	sadd.s32 $0xFFFFFEF7, lr;
	s5 =	simm.s32 $0xFFFFFFFF;
	p2 =	slt.u32 s8, $0xFFFFF086  }
0x1c: {  	p1 =	slt.u32 s9, $0xF7A;
	s5 =	simm.s32 @!p2 $0x0  }
0x1d: {  	s5 =	simm.s32 @p1 $0x1;
	p0 =	seq.s32 s7, s2  }
0x1e: {  	s7 =	smul.u32 @!p0 $0xF7A, s2;
	p2 =	seq.s32 @!p0 s5, $0x0  }
0x1f: {  	s9 =	smul.u32 $0xF7A, s1;
	s8 =	simm.s32 @!p0 $0x1BF5;
	p2 =	por !p2, p0  }
0x20: {  	[sflag:s8] =	ssyncset.s32 @!p0 $0xFFFFF086;
	s6 =	sadd.s32 @!p0 s3, s7;
	s7 =	simm.s32 @!p0 $0x108  }
0x21: {  	s3 =	sadd.s32 s3, s9;
	s6 =	sadd.s32 @!p0 $0x88, s6;
	s7 =	simm.s32 @p2 $0x1082  }
0x22: {  	[simem:s7], [sflag:s8] =	dma.local @!p0 [hbm:s6], $0xF7A  }
0x23: {  	s9 =	sor.u32 $0xD0000000, s2;
	s6 =	simm.s32 $0x108;
	_ =	swait.ge @!p0 [sflag:s8], $0x0  }
0x24: {  	s3 =	sadd.s32 $0x88, s3;
	s6 =	simm.s32 @!p1 $0x1082;
	[sflag:s4] =	ssyncset.s32 $0xFFFFF086  }
0x25: {  	[simem:s6], [sflag:s4] =	dma.local [hbm:s3], $0xF7A  }
0x26: {  	[smem:$0x3F97] =	sst s1;
	(tag) =	ssettag s2;
	_ =	strace s9  }
0x27: {  	s1 =	sld [smem:$0x3FA7]  }
0x28: {  	s2 =	sld [smem:$0x3FA8]  }
0x29: {  	s4 =	sld [smem:$0x3FAA]  }
0x2a: {  	p0 =	seq.s32 s5, $0x0;
	s5 =	sld [smem:$0x3FAB]  }
0x2b: {  	s6 =	sld [smem:$0x3FAC]  }
0x2c: {  	s7 =	sld [smem:$0x3FAD]  }
0x2d: {  	s3 =	simm.s32 $0x108;
	s8 =	sld [smem:$0x3FAE]  }
0x2e: {  	s3 =	simm.s32 @!p0 $0x1082;
	s9 =	sld [smem:$0x3FAF]  }
0x2f: {  	lr =	sadd.s32 s0, s3;
	s0 =	sld [smem:$0x3FA6]  }
0x30: {  	s3 =	sld [smem:$0x3FA9]  }
0x31: {  	[smem:$0x3FB2] =	sst s10  }
0x32: {  	s10 =	sld [smem:$0x3FB0];
	_ =	sdelay $0x3  }
0x33: {  	p0 =	seq.s32 s10, $0x1;
	s10 =	sld [smem:$0x3FB2];
	_ =	sdelay $0x3  }
0x34: {  	[smem:$0x3FB2] =	sst s10  }
0x35: {  	s10 =	sld [smem:$0x3FB1];
	_ =	sdelay $0x3  }
0x36: {  	p1 =	seq.s32 s10, $0x1;
	s10 =	sld [smem:$0x3FB2];
	_ =	sdelay $0x3  }
0x37: {  	[smem:$0x3FB2] =	sst s10  }
0x38: {  	s10 =	sld [smem:$0x3FB3]  }
0x39: {  	_ = 	snop;
	(pc) =	sbr.ind lr, $3  }
0x3a: {  	_ = 	snop  }
0x3b: {  	_ = 	snop  }
0x3c: {  	p2 =	seq.s32 s10, $0x1;
	s10 =	sld [smem:$0x3FB2]  }
0x3d: {  	_ =	shalt  }
0x3e: {  	_ =	shalt  }
0x3f: {  	_ =	shalt  }
0x40: {  	_ =	shalt  }
0x41: {  	_ =	shalt  }
0x42: {  	_ =	shalt  }
0x43: {  	_ =	shalt  }
0x44: {  	_ =	shalt  }
0x45: {  	_ =	shalt  }
0x46: {  	_ =	shalt  }
0x47: {  	_ =	shalt  }
0x48: {  	_ =	shalt  }
0x49: {  	_ =	shalt  }
0x4a: {  	_ =	shalt  }
0x4b: {  	_ =	shalt  }
0x4c: {  	_ =	shalt  }
0x4d: {  	_ =	shalt  }
0x4e: {  	_ =	shalt  }
0x4f: {  	_ =	shalt  }
0x50: {  	_ =	shalt  }
0x51: {  	_ =	shalt  }
0x52: {  	_ =	shalt  }
0x53: {  	_ =	shalt  }
0x54: {  	_ =	shalt  }
0x55: {  	_ =	shalt  }
0x56: {  	_ =	shalt  }
0x57: {  	_ =	shalt  }
0x58: {  	_ =	shalt  }
0x59: {  	_ =	shalt  }
0x5a: {  	_ =	shalt  }
0x5b: {  	_ =	shalt  }
0x5c: {  	_ =	shalt  }
0x5d: {  	_ =	shalt  }
0x5e: {  	_ =	shalt  }
0x5f: {  	_ =	shalt  }
0x60: {  	_ =	shalt  }
0x61: {  	_ =	shalt  }
0x62: {  	_ =	shalt  }
0x63: {  	_ =	shalt  }
0x64: {  	_ =	shalt  }
0x65: {  	_ =	shalt  }
0x66: {  	_ =	shalt  }
0x67: {  	_ =	shalt  }
0x68: {  	_ =	shalt  }
0x69: {  	_ =	shalt  }
0x6a: {  	_ =	shalt  }
0x6b: {  	_ =	shalt  }
0x6c: {  	_ =	shalt  }
0x6d: {  	_ =	shalt  }
0x6e: {  	_ =	shalt  }
0x6f: {  	_ =	shalt  }
0x70: {  	_ =	shalt  }
0x71: {  	_ =	shalt  }
0x72: {  	_ =	shalt  }
0x73: {  	_ =	shalt  }
0x74: {  	_ =	shalt  }
0x75: {  	_ =	shalt  }
0x76: {  	_ =	shalt  }
0x77: {  	_ =	shalt  }
0x78: {  	_ =	shalt  }
0x79: {  	_ =	shalt  }
0x7a: {  	_ =	shalt  }
0x7b: {  	_ =	shalt  }
0x7c: {  	_ =	shalt  }
0x7d: {  	_ =	shalt  }
0x7e: {  	_ =	shalt  }
0x7f: {  	_ =	shalt  }
0x80: {  	_ =	shalt  }
0x81: {  	_ =	shalt  }
0x82: {  	_ =	shalt  }
0x83: {  	_ =	shalt  }
0x84: {  	_ =	shalt  }
0x85: {  	_ =	shalt  }
0x86: {  	_ =	shalt  }
0x87: {  	_ =	shalt  }
.Lfunc_end0:
.L_simem_size_0:
called_computation.4_lowered:
.L_overlay_start_0:
0x88: {  	s2 =	sld [smem:$0x3FD9]  }
0x89: {  	s3 =	sld [smem:$0x3FFE];
	_ =	sdelay $0x1  }
0x8a: {  	s1 =	srdreg.scid  }
0x8b: {  	s0 =	sand.u32 $0x1, s1  }
0x8c: {  	s17 =	sshll.u32 s0, $0xA;
	s2 =	sadd.s32 s3, s2  }
0x8d: {  	s2 =	sadd.s32 s2, s17  }
0x8e: {  	[smem:$0x3FBE] =	sst s2  }
0x8f: {  	_ = 	snop  }
0x90: {  	(tm) =	ssettm $0x1  }
0x91: {  	s18 =	sld [smem:$0x3FFB];
	_ =	sdelay $0x3  }
0x92: {  	_ =	strace s18  }
0x93: {  	s2 =	sld [smem:$0x3FFC];
	_ =	sdelay $0x3  }
0x94: {  	_ =	strace s2  }
0x95: {  	s2 =	sld [smem:$0x3FFD];
	_ =	sdelay $0x3  }
0x96: {  	_ =	strace s2  }
0x97: {  	_ =	strace $0x8FFFFFFF  }
0x98: {  	s19 =	sld [smem:$0x3FDB];
	_ =	sdelay $0x1  }
0x99: {  	s20 =	simm.s32 $_scs_section_size  }
0x9a: {  	s4 =	simm.s32 $_size__tile_overlayer_lowered;
	s5 =	simm.s32 $_tile_overlayer_lowered  }
0x9b: {  	s6 =	simm.s32 $0x1BFF;
	s21 =	sshll.u32 s5, $0x1;
	s3 =	sadd.s32 s20, s19  }
0x9c: {  	s22 =	simm.s32 $0x0;
	s4 =	sshll.u32 s4, $0x1;
	s5 =	sadd.s32 s21, s3  }
0x9d: {  	[timem:s22], [sflag:s6] =	dma.local [hbm:s5], s4  }
0x9e: {  	_ =	swait.ge [sflag:s6], s4  }
0x9f: {  	s4 =	ssub.s32 $0x0, s4;
	[sflag:s6] =	ssyncset.done $0x0  }
0xa0: {  	[sflag:s6] =	ssyncadd.s32 s4;
	_ =	sdelay $0x1  }
0xa1: {  	s23 =	simm.s32 $0x1B8B  }
0xa2: {  	_ =	swait.ge [sflag:s23], $0x1  }
0xa3: {  	[sflag:s23] =	ssyncset.done $0x0  }
0xa4: {  	[sflag:s23] =	ssyncadd.s32 $0xFFFFFFFF  }
0xa5: {  	s4 =	sld [smem:$0x0]  }
0xa6: {  	s5 =	sand.u32 $0xFFFFFFFE, s1  }
0xa7: {  	p0 =	sne.s32 s1, s5  }
0xa8: {  	s5 =	sshll.u32 @p0 s5, $0xE  }
0xa9: {  	s5 =	sadd.s32 @p0 $0x11B8D, s5;
	s6 =	sshll.u32 @p0 s4, $0x11  }
0xaa: {  	s5 =	sor.u32 @p0 s6, s5  }
0xab: {  	[sflag:s5] =	ssyncadd.remote.s32 @p0 $0x1;
	_ =	sdelay $0x1  }
0xac: {  	s5 =	simm.s32 @p0 $0x1B8D  }
0xad: {  	_ =	swait.eq @p0 [sflag:s5], $0x1  }
0xae: {  	[sflag:s5] =	ssyncadd.s32 @p0 $0xFFFFFFFF  }
0xaf: {  	s6 =	sshll.u32 @!p0 s1, $0xE  }
0xb0: {  	s6 =	sor.u32 @!p0 $0x4000, s6;
	s5 =	simm.s32 @!p0 $0x1B8D  }
0xb1: {  	s4 =	sshll.u32 @!p0 s4, $0x11;
	s6 =	sadd.s32 @!p0 $0x11B8D, s6;
	_ =	swait.eq @!p0 [sflag:s5], $0x1  }
0xb2: {  	s4 =	sor.u32 @!p0 s4, s6;
	[sflag:s5] =	ssyncadd.s32 @!p0 $0xFFFFFFFF  }
0xb3: {  	s25 =	simm.s32 $0x1B8E;
	s24 =	sld [smem:$0x3FFE];
	[sflag:s4] =	ssyncadd.remote.s32 @!p0 $0x1  }
0xb4: {  	s26 =	simm.s32 $execute0_lowered;
	[smem:$0x3FD2] =	sst s25  }
0xb5: {  	s5 =	sshll.u32 s26, $0x1;
	_ =	strace $0x80000052;
	[dreg:$0x1] =	wrdreg $0xFFFFFFFF  }
0xb6: {  	s28 =	simm.s32 $_size_execute0_lowered;
	s3 =	sadd.s32 s3, s5;
	[dreg:$0x0] =	wrdreg $0x0  }
0xb7: {  	s5 =	sshll.u32 s28, $0x1;
	[dreg:$0x2] =	wrdreg s3  }
0xb8: {  	[dreg:$0x3] =	wrdreg s5  }
0xb9: {  	[dreg:$0x4] =	wrdreg $0xC0  }
0xba: {  	_ =	task [dreg:s22], $0x5FFFF  }
0xbb: {  	[dreg:$0x1] =	wrdreg $0xFFFFFFFF  }
0xbc: {  	[dreg:$0x0] =	wrdreg $0x60  }
0xbd: {  	[dreg:$0x2] =	wrdreg s24  }
0xbe: {  	[dreg:$0x3] =	wrdreg $0xD  }
0xbf: {  	_ =	task.clear_ibuf [dreg:s22], $0x4FFFF;
	_ =	strace $0x90000052  }
0xc0: {  	s29 =	simm.s32 $0xD;
	_ =	strace $0x80000054  }
0xc1: {  	_ =	swait.ge [sflag:s29], $0x1  }
0xc2: {  	[sflag:s29] =	ssyncadd.s32 $0xFFFFFFFF  }
0xc3: {  	_ =	strace $0x90000054  }
0xc4: {  	_ =	sfence  }
0xc5: {  	s30 =	sld [smem:$0x0];
	_ =	sdelay $0x2  }
0xc6: {  	s31 =	sshll.u32 s1, $0xD;
	s1 =	sshrl.u32 s1, $0x2  }
0xc7: {  	s4 =	sand.u32 $0x4000, s31;
	s1 =	sadd.s32 s1, s30  }
0xc8: {  	s0 =	sor.u32 s4, s0;
	s1 =	sshll.u32 s1, $0x11  }
0xc9: {  	s0 =	sor.u32 s1, s0  }
0xca: {  	s0 =	sadd.s32 $0x8F2B, s0  }
0xcb: {  	[sflag:s0] =	ssyncadd.remote.s32 $0x1  }
0xcc: {  	_ =	sfence.sel $0xFFFF  }
0xcd: {  	[dreg:$0x0] =	wrdreg $0xFFFFFFFF;
	(pc) =	sbr.abs _section_cstart, $3  }
0xce: {  	[dreg:$0x1] =	wrdreg $0xFFFFFFFF  }
0xcf: {  	_ =	task.clear_ibuf [dreg:s22], $0x2FFFF;
	_ =	strace $0x9FFFFFFF  }
0xd0: {  	(tm) =	ssettm $0x7FFFFFFF  }
0xd1: {  	_ =	shalt  }
tec
execute0_lowered:
.L_overlay_start_1:
0x0: {  	(tag) =	ssettag $0x1  }
0x1: {  	s4 =	rddreg [dreg:$0x0]  }
0x2: {  	s0 =	rddreg [dreg:$0x1];
	s2 =	simm.s32 $0x0;
	s1 =	stileid.u32  }
0x3: {  	s5 =	srdreg.scid;
	s30 =	simm.s32 $0x100;
	s31 =	simm.s32 $0x180  }
0x4: {  	s10 =	simm.s32 $0x1;
	s11 =	simm.s32 $0x400;
	s12 =	simm.s32 $0x3  }
0x5: {  	s13 =	simm.s32 $0x200;
	s14 =	simm.s32 $0x280;
	s15 =	simm.s32 $0x4400  }
0x6: {  	s16 =	simm.s32 $0x2;
	s17 =	simm.s32 $0x4;
	s18 =	simm.s32 $0x300  }
0x7: {  	s19 =	simm.s32 $0x380;
	s20 =	simm.s32 $0x0;
	[smem:$0x7FF] =	sst s2  }
0x8: {  	s3 =	sshll.u32 s1, $0xA;
	s5 =	sand.u32 $0x1, s5;
	s7 =	sshll.u32 s1, $0x11  }
0x9: {  	_ =	strace $0x80000053;
	s6 =	sadd.s32 s3, s4;
	s3 =	sadd.s32 $0x5A00, s4  }
0xa: {  	s8 =	ssub.s32 $0x2, s5;
	s4 =	sadd.s32 s7, s4;
	[dreg:$0x3] =	wrdreg s30  }
0xb: {  	s9 =	sshll.u32 s5, $0x10;
	s5 =	sshll.u32 s5, $0x9;
	[dreg:$0x4] =	wrdreg s31  }
0xc: {  	s26 =	sshrl.u32 s8, $0x1;
	s28 =	sadd.s32 s9, s4;
	s5 =	sadd.s32 s5, s6  }
0xd: {  	s6 =	simm.s32 $0x5;
	s9 =	simm.s32 $0xC400;
	s7 =	ssub.s32 s8, s26  }
0xe: {  	s29 =	sadd.s32 $0x624400, s28;
	s5 =	sadd.s32 $0x418400, s5;
	s8 =	simm.s32 $0x8400  }
0xf: {  	s4 =	smax.u32 s7, $0x1;
	[dreg:$0x2] =	wrdreg s29;
	s7 =	simm.s32 $0x80  }
.LBB2_1:
0x10: {  	[tilespmem:s2], [sflag:$0x5] =	stream.linear.gather [hbm4b:s5+s2], $0x400, $0x38;
	[tilespmem:$0x10400] =	vst v63  }
0x11: {  	_ =	swait.ge [sflag:s6], $0x400  }
0x12: {  	p0 =	por $0x0, $0x0;
	[sflag:s6] =	ssyncset.done $0x0  }
0x13: {  	s21 =	simm.s32 @p0 $0x3;
	[sflag:s6] =	ssyncadd.s32 $0xFFFFFC00  }
0x14: {  	_ =	swait.ge @p0 [sflag:s21], $0x8000  }
0x15: {  	s22 =	simm.s32 @p0 $0x400;
	[sflag:s21] =	ssyncset.done @p0 $0x0  }
0x16: {  	s23 =	simm.s32 @p0 $0x0;
	[sflag:s21] =	ssyncadd.s32 @p0 $0xFFFF8000;
	s21 =	simm.s32 @p0 $0x80  }
0x17: {  	[tilespmem:s22], [sflag:$0x1] =	stream.indirect.gather @p0 [hbm4b:s3+s21], $0x80, s23, s21, $0xb8;
	[tilespmem:$0x10400] =	vst v63  }
0x18: {  	s22 =	simm.s32 @p0 $0x4400;
	s23 =	simm.s32 @p0 $0x4  }
0x19: {  	[tilespmem:s22], [sflag:$0x1] =	stream.indirect.gather @p0 [hbm4b:s3+s21], $0x80, s21, s21, $0xb8;
	[tilespmem:$0x10400] =	vst v63  }
0x1a: {  	_ =	swait.ge @p0 [sflag:s23], $0x8000  }
0x1b: {  	s21 =	simm.s32 @!p0 $0x400;
	[sflag:s23] =	ssyncset.done @p0 $0x0  }
0x1c: {  	s22 =	simm.s32 @!p0 $0x80;
	[sflag:s23] =	ssyncadd.s32 @p0 $0xFFFF8000;
	s23 =	simm.s32 @!p0 $0x0  }
0x1d: {  	[tilespmem:s21], [sflag:$0x1] =	stream.indirect.gather @!p0 [hbm4b:s3+s22], $0x80, s23, s22, $0xb8;
	[tilespmem:$0x10400] =	vst v63  }
0x1e: {  	s21 =	simm.s32 @!p0 $0x4400  }
0x1f: {  	[tilespmem:s21], [sflag:$0x1] =	stream.indirect.gather @!p0 [hbm4b:s3+s22], $0x80, s22, s22, $0xb8;
	[tilespmem:$0x10400] =	vst v63  }
0x20: {  	s26 =	rddreg [dreg:$0x3]  }
0x21: {  	[tilespmem:s8], [sflag:$0x2] =	stream.indirect.gather [hbm4b:s3+s7], $0x80, s26, s7, $0xb8;
	[tilespmem:$0x10400] =	vst v63  }
0x22: {  	s28 =	rddreg [dreg:$0x4]  }
0x23: {  	[tilespmem:s9], [sflag:$0x2] =	stream.indirect.gather [hbm4b:s3+s7], $0x80, s28, s7, $0xb8;
	[tilespmem:$0x10400] =	vst v63  }
0x24: {  	_ =	swait.ge [sflag:s10], $0x4000  }
0x25: {  	[sflag:s10] =	ssyncset.done $0x0  }
0x26: {  	[sflag:s10] =	ssyncadd.s32 $0xFFFFC000  }
0x27: {  	_ =	swait.ge [sflag:s10], $0x4000  }
0x28: {  	s29 =	rddreg [dreg:$0x2];
	[sflag:s10] =	ssyncset.done $0x0  }
0x29: {  	[sflag:s10] =	ssyncadd.s32 $0xFFFFC000;
	s30 =	sadd.s32 $0x0, s29  }
0x2a: {  	[hbm4b:s30+s2] =	stream.linear.scatter [tilespmem:s11], [sflag:$0x3], $0x8000, $0x38;
	[tilespmem:$0x10400] =	vst v63  }
0x2b: {  	_ =	swait.ge [sflag:s12], $0x8000  }
0x2c: {  	[sflag:s12] =	ssyncset.done $0x0  }
0x2d: {  	[sflag:s12] =	ssyncadd.s32 $0xFFFF8000  }
0x2e: {  	[tilespmem:s11], [sflag:$0x1] =	stream.indirect.gather [hbm4b:s3+s7], $0x80, s13, s7, $0xb8;
	[tilespmem:$0x10400] =	vst v63  }
0x2f: {  	_ = 	snop  }
0x30: {  	[tilespmem:s15], [sflag:$0x1] =	stream.indirect.gather [hbm4b:s3+s7], $0x80, s14, s7, $0xb8;
	[tilespmem:$0x10400] =	vst v63  }
0x31: {  	_ =	swait.ge [sflag:s16], $0x4000  }
0x32: {  	[sflag:s16] =	ssyncset.done $0x0  }
0x33: {  	[sflag:s16] =	ssyncadd.s32 $0xFFFFC000  }
0x34: {  	_ =	swait.ge [sflag:s16], $0x4000  }
0x35: {  	[sflag:s16] =	ssyncset.done $0x0  }
0x36: {  	s21 =	sadd.s32 $0x1000, s30;
	[sflag:s16] =	ssyncadd.s32 $0xFFFFC000  }
0x37: {  	[hbm4b:s21+s2] =	stream.linear.scatter [tilespmem:s8], [sflag:$0x4], $0x8000, $0x38;
	[tilespmem:$0x10400] =	vst v63  }
0x38: {  	_ =	swait.ge [sflag:s17], $0x8000  }
0x39: {  	[sflag:s17] =	ssyncset.done $0x0  }
0x3a: {  	[sflag:s17] =	ssyncadd.s32 $0xFFFF8000  }
0x3b: {  	[tilespmem:s8], [sflag:$0x2] =	stream.indirect.gather [hbm4b:s3+s7], $0x80, s18, s7, $0xb8;
	[tilespmem:$0x10400] =	vst v63  }
0x3c: {  	_ = 	snop  }
0x3d: {  	[tilespmem:s9], [sflag:$0x2] =	stream.indirect.gather [hbm4b:s3+s7], $0x80, s19, s7, $0xb8;
	[tilespmem:$0x10400] =	vst v63  }
0x3e: {  	_ =	swait.ge [sflag:s10], $0x4000  }
0x3f: {  	[sflag:s10] =	ssyncset.done $0x0  }
0x40: {  	[sflag:s10] =	ssyncadd.s32 $0xFFFFC000  }
0x41: {  	_ =	swait.ge [sflag:s10], $0x4000  }
0x42: {  	[sflag:s10] =	ssyncset.done $0x0  }
0x43: {  	s31 =	sadd.s32 $0x2000, s30;
	[sflag:s10] =	ssyncadd.s32 $0xFFFFC000  }
0x44: {  	[hbm4b:s31+s2] =	stream.linear.scatter [tilespmem:s11], [sflag:$0x3], $0x8000, $0x38;
	[tilespmem:$0x10400] =	vst v63  }
0x45: {  	_ =	swait.ge [sflag:s16], $0x4000  }
0x46: {  	[sflag:s16] =	ssyncset.done $0x0  }
0x47: {  	[sflag:s16] =	ssyncadd.s32 $0xFFFFC000  }
0x48: {  	_ =	swait.ge [sflag:s16], $0x4000  }
0x49: {  	s22 =	sadd.s32 $0x80, s5;
	[sflag:s16] =	ssyncset.done $0x0  }
0x4a: {  	s23 =	sadd.s32 $0x3000, s30;
	s21 =	simm.s32 $0x4000;
	[sflag:s16] =	ssyncadd.s32 $0xFFFFC000  }
.LBB2_2:
0x4b: {  	[hbm4b:s23+s2] =	stream.linear.scatter [tilespmem:s8], [sflag:$0x4], $0x8000, $0x38;
	[tilespmem:$0x10400] =	vst v63  }
0x4c: {  	_ = 	snop  }
0x4d: {  	[tilespmem:s2], [sflag:$0x5] =	stream.linear.gather [hbm4b:s22+s2], $0x400, $0x38;
	[tilespmem:$0x10400] =	vst v63  }
0x4e: {  	s31 =	smov.u32 s21;
	_ =	swait.ge [sflag:s6], $0x400  }
0x4f: {  	p1 =	sne.s32 s31, $0x0;
	[sflag:s6] =	ssyncset.done $0x0  }
0x50: {  	s24 =	simm.s32 @p1 $0x3;
	[sflag:s6] =	ssyncadd.s32 $0xFFFFFC00  }
0x51: {  	_ =	swait.ge @p1 [sflag:s24], $0x8000  }
0x52: {  	s25 =	simm.s32 @p1 $0x400;
	[sflag:s24] =	ssyncset.done @p1 $0x0  }
0x53: {  	s26 =	simm.s32 @p1 $0x0;
	[sflag:s24] =	ssyncadd.s32 @p1 $0xFFFF8000;
	s24 =	simm.s32 @p1 $0x80  }
0x54: {  	[tilespmem:s25], [sflag:$0x1] =	stream.indirect.gather @p1 [hbm4b:s3+s24], $0x80, s26, s24, $0xb8;
	[tilespmem:$0x10400] =	vst v63  }
0x55: {  	s25 =	simm.s32 @p1 $0x4400;
	s26 =	simm.s32 @p1 $0x4  }
0x56: {  	[tilespmem:s25], [sflag:$0x1] =	stream.indirect.gather @p1 [hbm4b:s3+s24], $0x80, s24, s24, $0xb8;
	[tilespmem:$0x10400] =	vst v63  }
0x57: {  	_ =	swait.ge @p1 [sflag:s26], $0x8000  }
0x58: {  	s24 =	simm.s32 @!p1 $0x400;
	[sflag:s26] =	ssyncset.done @p1 $0x0  }
0x59: {  	s25 =	simm.s32 @!p1 $0x80;
	[sflag:s26] =	ssyncadd.s32 @p1 $0xFFFF8000;
	s26 =	simm.s32 @!p1 $0x0  }
0x5a: {  	[tilespmem:s24], [sflag:$0x1] =	stream.indirect.gather @!p1 [hbm4b:s3+s25], $0x80, s26, s25, $0xb8;
	[tilespmem:$0x10400] =	vst v63  }
0x5b: {  	s24 =	simm.s32 @!p1 $0x4400  }
0x5c: {  	[tilespmem:s24], [sflag:$0x1] =	stream.indirect.gather @!p1 [hbm4b:s3+s25], $0x80, s25, s25, $0xb8;
	[tilespmem:$0x10400] =	vst v63  }
0x5d: {  	s28 =	rddreg [dreg:$0x3]  }
0x5e: {  	[tilespmem:s8], [sflag:$0x2] =	stream.indirect.gather [hbm4b:s3+s7], $0x80, s28, s7, $0xb8;
	[tilespmem:$0x10400] =	vst v63  }
0x5f: {  	s29 =	rddreg [dreg:$0x4]  }
0x60: {  	[tilespmem:s9], [sflag:$0x2] =	stream.indirect.gather [hbm4b:s3+s7], $0x80, s29, s7, $0xb8;
	[tilespmem:$0x10400] =	vst v63  }
0x61: {  	_ =	swait.ge [sflag:s10], $0x4000  }
0x62: {  	[sflag:s10] =	ssyncset.done $0x0  }
0x63: {  	[sflag:s10] =	ssyncadd.s32 $0xFFFFC000  }
0x64: {  	_ =	swait.ge [sflag:s10], $0x4000  }
0x65: {  	s30 =	rddreg [dreg:$0x2];
	[sflag:s10] =	ssyncset.done $0x0  }
0x66: {  	[sflag:s10] =	ssyncadd.s32 $0xFFFFC000;
	s23 =	sadd.s32 s31, s30  }
0x67: {  	[hbm4b:s23+s2] =	stream.linear.scatter [tilespmem:s11], [sflag:$0x3], $0x8000, $0x38;
	[tilespmem:$0x10400] =	vst v63  }
0x68: {  	_ =	swait.ge [sflag:s12], $0x8000  }
0x69: {  	[sflag:s12] =	ssyncset.done $0x0  }
0x6a: {  	[sflag:s12] =	ssyncadd.s32 $0xFFFF8000  }
0x6b: {  	[tilespmem:s11], [sflag:$0x1] =	stream.indirect.gather [hbm4b:s3+s7], $0x80, s13, s7, $0xb8;
	[tilespmem:$0x10400] =	vst v63  }
0x6c: {  	_ = 	snop  }
0x6d: {  	[tilespmem:s15], [sflag:$0x1] =	stream.indirect.gather [hbm4b:s3+s7], $0x80, s14, s7, $0xb8;
	[tilespmem:$0x10400] =	vst v63  }
0x6e: {  	_ =	swait.ge [sflag:s16], $0x4000  }
0x6f: {  	[sflag:s16] =	ssyncset.done $0x0  }
0x70: {  	[sflag:s16] =	ssyncadd.s32 $0xFFFFC000  }
0x71: {  	_ =	swait.ge [sflag:s16], $0x4000  }
0x72: {  	[sflag:s16] =	ssyncset.done $0x0  }
0x73: {  	s24 =	sadd.s32 $0x1000, s23;
	[sflag:s16] =	ssyncadd.s32 $0xFFFFC000  }
0x74: {  	[hbm4b:s24+s2] =	stream.linear.scatter [tilespmem:s8], [sflag:$0x4], $0x8000, $0x38;
	[tilespmem:$0x10400] =	vst v63  }
0x75: {  	_ =	swait.ge [sflag:s17], $0x8000  }
0x76: {  	[sflag:s17] =	ssyncset.done $0x0  }
0x77: {  	[sflag:s17] =	ssyncadd.s32 $0xFFFF8000  }
0x78: {  	[tilespmem:s8], [sflag:$0x2] =	stream.indirect.gather [hbm4b:s3+s7], $0x80, s18, s7, $0xb8;
	[tilespmem:$0x10400] =	vst v63  }
0x79: {  	_ = 	snop  }
0x7a: {  	[tilespmem:s9], [sflag:$0x2] =	stream.indirect.gather [hbm4b:s3+s7], $0x80, s19, s7, $0xb8;
	[tilespmem:$0x10400] =	vst v63  }
0x7b: {  	_ =	swait.ge [sflag:s10], $0x4000  }
0x7c: {  	[sflag:s10] =	ssyncset.done $0x0  }
0x7d: {  	[sflag:s10] =	ssyncadd.s32 $0xFFFFC000  }
0x7e: {  	_ =	swait.ge [sflag:s10], $0x4000  }
0x7f: {  	[sflag:s10] =	ssyncset.done $0x0  }
0x80: {  	s21 =	sadd.s32 $0x4000, s21;
	s31 =	sadd.s32 $0x2000, s23;
	[sflag:s10] =	ssyncadd.s32 $0xFFFFC000  }
0x81: {  	[hbm4b:s31+s2] =	stream.linear.scatter [tilespmem:s11], [sflag:$0x3], $0x8000, $0x38;
	[tilespmem:$0x10400] =	vst v63  }
0x82: {  	p0 =	sne.s32 s21, $0x10000;
	_ =	swait.ge [sflag:s16], $0x4000  }
.Ltmp0:
0x83: {  	[sflag:s16] =	ssyncset.done $0x0;
	(pc) =	sbr.rel @p0 .LBB2_2-.Ltmp0, $4  }
0x84: {  	[sflag:s16] =	ssyncadd.s32 $0xFFFFC000  }
0x85: {  	_ =	swait.ge [sflag:s16], $0x4000  }
0x86: {  	[sflag:s16] =	ssyncset.done $0x0  }
0x87: {  	s22 =	sadd.s32 $0x80, s22;
	s23 =	sadd.s32 $0x3000, s23;
	[sflag:s16] =	ssyncadd.s32 $0xFFFFC000  }
0x88: {  	[hbm4b:s23+s2] =	stream.linear.scatter [tilespmem:s8], [sflag:$0x4], $0x8000, $0x38;
	[tilespmem:$0x10400] =	vst v63  }
0x89: {  	s20 =	sadd.s32 $0x1, s20  }
0x8a: {  	_ =	swait.ge [sflag:s12], $0x8000;
	p0 =	sne.s32 s20, s4  }
.Ltmp1:
0x8b: {  	[sflag:s12] =	ssyncset.done $0x0;
	(pc) =	sbr.rel @p0 .LBB2_1-.Ltmp1, $4  }
0x8c: {  	[sflag:s12] =	ssyncadd.s32 $0xFFFF8000  }
0x8d: {  	_ =	swait.ge [sflag:s17], $0x8000  }
0x8e: {  	[sflag:s17] =	ssyncset.done $0x0  }
0x8f: {  	[sflag:s17] =	ssyncadd.s32 $0xFFFF8000  }
0x90: {  	_ =	sfence.sel $0x180000  }
0x91: {  	[bflag:$0x0] =	sbarrier.arrive $0xFFFF  }
0x92: {  	p0 =	sne.s32 s1, $0x0;
	_ =	strace $0x90000053  }
0x93: {  	s0 =	sadd.s32 @!p0 $0x100000, s0;
	[bflag:$0x2] =	sbarrier.arrive $0xFFFF  }
0x94: {  	[sflag:s0] =	ssyncadd.tile.s32 @!p0 $0x1;
	_ =	shalt  }
.Lfunc_end2:
_tile_overlayer_lowered:
.L_overlay_start_2:
0x95: {  	(tag) =	ssettag $0x2  }
0x96: {  	s0 =	rddreg [dreg:$0x0];
	s2 =	stileid.u32  }
0x97: {  	s1 =	rddreg [dreg:$0x1];
	p0 =	sne.s32 s2, $0x0  }
0x98: {  	s3 =	rddreg [dreg:$0x2];
	[bflag:$0x3] =	sbarrier.arrive $0xFFFF;
	s2 =	simm.s32 @!p0 $0x1C05  }
0x99: {  	[timem:s3], [sflag:s2] =	dma.local @!p0 [hbm:s0], s1  }
0x9a: {  	s0 =	simm.s32 @!p0 $0x5  }
0x9b: {  	_ =	swait.ge @!p0 [sflag:s0], s1  }
0x9c: {  	s1 =	ssub.s32 @!p0 $0x0, s1;
	[sflag:s0] =	ssyncset.done @!p0 $0x0  }
0x9d: {  	[sflag:s0] =	ssyncadd.s32 @!p0 s1  }
0x9e: {  	[bflag:$0x3] =	sbarrier.arrive $0xFFFF  }
0x9f: {  	_ =	shalt  }

// kernel: kernel.34.cloned.1.call-start
scs
__scs_entry_jumppad:
0x0: {  	(pc) =	sbr.rel $0x88, $3  }
0x1: {  	(tag) =	ssettag $0x0;
	lr =	simm.s32 $0x1  }
0x2: {  	[smem:$0x3F97] =	sst lr;
	_ =	strace $0xD0000000  }
0x3: {  	_ = 	snop  }
0x4: {  	_ = 	snop  }
0x5: {  	_ = 	snop  }
0x6: {  	_ = 	snop  }
0x7: {  	_ = 	snop  }
__scs_overlays_trampoline_lowered:
0x8: {  	[smem:$0x3FA6] =	sst s0  }
0x9: {  	[smem:$0x3FA7] =	sst s1  }
0xa: {  	[smem:$0x3FA8] =	sst s2  }
0xb: {  	[smem:$0x3FA9] =	sst s3  }
0xc: {  	[smem:$0x3FAA] =	sst s4  }
0xd: {  	[smem:$0x3FAB] =	sst s5  }
0xe: {  	[smem:$0x3FAC] =	sst s6  }
0xf: {  	[smem:$0x3FAD] =	sst s7  }
0x10: {  	[smem:$0x3FAE] =	sst s8  }
0x11: {  	[smem:$0x3FAF] =	sst s9;
	s0 =	simm.s32 @!p0 $0x0  }
0x12: {  	s1 =	sld [smem:$0x3F95];
	s0 =	simm.s32 @p0 $0x1  }
0x13: {  	[smem:$0x3FB0] =	sst s0;
	s0 =	simm.s32 @!p1 $0x0  }
0x14: {  	s2 =	sld [smem:$0x3F94];
	s0 =	simm.s32 @p1 $0x1  }
0x15: {  	[smem:$0x3FB1] =	sst s0;
	s0 =	simm.s32 @!p2 $0x0  }
0x16: {  	s3 =	sld [smem:$0x3FDB];
	s0 =	simm.s32 @p2 $0x1  }
0x17: {  	s4 =	simm.s32 $0x1BF5;
	[smem:$0x3FB3] =	sst s0  }
0x18: {  	s0 =	sld [smem:$0x3F96];
	_ =	swait.ge [sflag:s4], $0x0  }
0x19: {  	s7 =	sld [smem:$0x3F97]  }
0x1a: {  	s8 =	sadd.s32 $0xFFFFE003, lr  }
0x1b: {  	s9 =	sadd.s32 $0xFFFFFEF7, lr;
	s5 =	simm.s32 $0xFFFFFFFF;
	p2 =	slt.u32 s8, $0xFFFFF086  }
0x1c: {  	p1 =	slt.u32 s9, $0xF7A;
	s5 =	simm.s32 @!p2 $0x0  }
0x1d: {  	s5 =	simm.s32 @p1 $0x1;
	p0 =	seq.s32 s7, s2  }
0x1e: {  	s7 =	smul.u32 @!p0 $0xF7A, s2;
	p2 =	seq.s32 @!p0 s5, $0x0  }
0x1f: {  	s9 =	smul.u32 $0xF7A, s1;
	s8 =	simm.s32 @!p0 $0x1BF5;
	p2 =	por !p2, p0  }
0x20: {  	[sflag:s8] =	ssyncset.s32 @!p0 $0xFFFFF086;
	s6 =	sadd.s32 @!p0 s3, s7;
	s7 =	simm.s32 @!p0 $0x108  }
0x21: {  	s3 =	sadd.s32 s3, s9;
	s6 =	sadd.s32 @!p0 $0x88, s6;
	s7 =	simm.s32 @p2 $0x1082  }
0x22: {  	[simem:s7], [sflag:s8] =	dma.local @!p0 [hbm:s6], $0xF7A  }
0x23: {  	s9 =	sor.u32 $0xD0000000, s2;
	s6 =	simm.s32 $0x108;
	_ =	swait.ge @!p0 [sflag:s8], $0x0  }
0x24: {  	s3 =	sadd.s32 $0x88, s3;
	s6 =	simm.s32 @!p1 $0x1082;
	[sflag:s4] =	ssyncset.s32 $0xFFFFF086  }
0x25: {  	[simem:s6], [sflag:s4] =	dma.local [hbm:s3], $0xF7A  }
0x26: {  	[smem:$0x3F97] =	sst s1;
	(tag) =	ssettag s2;
	_ =	strace s9  }
0x27: {  	s1 =	sld [smem:$0x3FA7]  }
0x28: {  	s2 =	sld [smem:$0x3FA8]  }
0x29: {  	s4 =	sld [smem:$0x3FAA]  }
0x2a: {  	p0 =	seq.s32 s5, $0x0;
	s5 =	sld [smem:$0x3FAB]  }
0x2b: {  	s6 =	sld [smem:$0x3FAC]  }
0x2c: {  	s7 =	sld [smem:$0x3FAD]  }
0x2d: {  	s3 =	simm.s32 $0x108;
	s8 =	sld [smem:$0x3FAE]  }
0x2e: {  	s3 =	simm.s32 @!p0 $0x1082;
	s9 =	sld [smem:$0x3FAF]  }
0x2f: {  	lr =	sadd.s32 s0, s3;
	s0 =	sld [smem:$0x3FA6]  }
0x30: {  	s3 =	sld [smem:$0x3FA9]  }
0x31: {  	[smem:$0x3FB2] =	sst s10  }
0x32: {  	s10 =	sld [smem:$0x3FB0];
	_ =	sdelay $0x3  }
0x33: {  	p0 =	seq.s32 s10, $0x1;
	s10 =	sld [smem:$0x3FB2];
	_ =	sdelay $0x3  }
0x34: {  	[smem:$0x3FB2] =	sst s10  }
0x35: {  	s10 =	sld [smem:$0x3FB1];
	_ =	sdelay $0x3  }
0x36: {  	p1 =	seq.s32 s10, $0x1;
	s10 =	sld [smem:$0x3FB2];
	_ =	sdelay $0x3  }
0x37: {  	[smem:$0x3FB2] =	sst s10  }
0x38: {  	s10 =	sld [smem:$0x3FB3]  }
0x39: {  	_ = 	snop;
	(pc) =	sbr.ind lr, $3  }
0x3a: {  	_ = 	snop  }
0x3b: {  	_ = 	snop  }
0x3c: {  	p2 =	seq.s32 s10, $0x1;
	s10 =	sld [smem:$0x3FB2]  }
0x3d: {  	_ =	shalt  }
0x3e: {  	_ =	shalt  }
0x3f: {  	_ =	shalt  }
0x40: {  	_ =	shalt  }
0x41: {  	_ =	shalt  }
0x42: {  	_ =	shalt  }
0x43: {  	_ =	shalt  }
0x44: {  	_ =	shalt  }
0x45: {  	_ =	shalt  }
0x46: {  	_ =	shalt  }
0x47: {  	_ =	shalt  }
0x48: {  	_ =	shalt  }
0x49: {  	_ =	shalt  }
0x4a: {  	_ =	shalt  }
0x4b: {  	_ =	shalt  }
0x4c: {  	_ =	shalt  }
0x4d: {  	_ =	shalt  }
0x4e: {  	_ =	shalt  }
0x4f: {  	_ =	shalt  }
0x50: {  	_ =	shalt  }
0x51: {  	_ =	shalt  }
0x52: {  	_ =	shalt  }
0x53: {  	_ =	shalt  }
0x54: {  	_ =	shalt  }
0x55: {  	_ =	shalt  }
0x56: {  	_ =	shalt  }
0x57: {  	_ =	shalt  }
0x58: {  	_ =	shalt  }
0x59: {  	_ =	shalt  }
0x5a: {  	_ =	shalt  }
0x5b: {  	_ =	shalt  }
0x5c: {  	_ =	shalt  }
0x5d: {  	_ =	shalt  }
0x5e: {  	_ =	shalt  }
0x5f: {  	_ =	shalt  }
0x60: {  	_ =	shalt  }
0x61: {  	_ =	shalt  }
0x62: {  	_ =	shalt  }
0x63: {  	_ =	shalt  }
0x64: {  	_ =	shalt  }
0x65: {  	_ =	shalt  }
0x66: {  	_ =	shalt  }
0x67: {  	_ =	shalt  }
0x68: {  	_ =	shalt  }
0x69: {  	_ =	shalt  }
0x6a: {  	_ =	shalt  }
0x6b: {  	_ =	shalt  }
0x6c: {  	_ =	shalt  }
0x6d: {  	_ =	shalt  }
0x6e: {  	_ =	shalt  }
0x6f: {  	_ =	shalt  }
0x70: {  	_ =	shalt  }
0x71: {  	_ =	shalt  }
0x72: {  	_ =	shalt  }
0x73: {  	_ =	shalt  }
0x74: {  	_ =	shalt  }
0x75: {  	_ =	shalt  }
0x76: {  	_ =	shalt  }
0x77: {  	_ =	shalt  }
0x78: {  	_ =	shalt  }
0x79: {  	_ =	shalt  }
0x7a: {  	_ =	shalt  }
0x7b: {  	_ =	shalt  }
0x7c: {  	_ =	shalt  }
0x7d: {  	_ =	shalt  }
0x7e: {  	_ =	shalt  }
0x7f: {  	_ =	shalt  }
0x80: {  	_ =	shalt  }
0x81: {  	_ =	shalt  }
0x82: {  	_ =	shalt  }
0x83: {  	_ =	shalt  }
0x84: {  	_ =	shalt  }
0x85: {  	_ =	shalt  }
0x86: {  	_ =	shalt  }
0x87: {  	_ =	shalt  }
.Lfunc_end0:
.L_simem_size_0:
called_computation.5_lowered:
.L_overlay_start_0:
0x88: {  	s2 =	sld [smem:$0x3FD9]  }
0x89: {  	s3 =	sld [smem:$0x3FFE];
	_ =	sdelay $0x1  }
0x8a: {  	s1 =	srdreg.scid  }
0x8b: {  	s0 =	sand.u32 $0x1, s1  }
0x8c: {  	s17 =	sshll.u32 s0, $0xA;
	s2 =	sadd.s32 s3, s2  }
0x8d: {  	s2 =	sadd.s32 s2, s17  }
0x8e: {  	[smem:$0x3FBE] =	sst s2  }
0x8f: {  	_ = 	snop  }
0x90: {  	(tm) =	ssettm $0x1  }
0x91: {  	s18 =	sld [smem:$0x3FFB];
	_ =	sdelay $0x3  }
0x92: {  	_ =	strace s18  }
0x93: {  	s2 =	sld [smem:$0x3FFC];
	_ =	sdelay $0x3  }
0x94: {  	_ =	strace s2  }
0x95: {  	s2 =	sld [smem:$0x3FFD];
	_ =	sdelay $0x3  }
0x96: {  	_ =	strace s2  }
0x97: {  	_ =	strace $0x8FFFFFFF  }
0x98: {  	s19 =	sld [smem:$0x3FDB];
	_ =	sdelay $0x1  }
0x99: {  	s20 =	simm.s32 $_scs_section_size  }
0x9a: {  	s4 =	simm.s32 $_size__tile_overlayer_lowered;
	s5 =	simm.s32 $_tile_overlayer_lowered  }
0x9b: {  	s6 =	simm.s32 $0x1BFF;
	s21 =	sshll.u32 s5, $0x1;
	s3 =	sadd.s32 s20, s19  }
0x9c: {  	s22 =	simm.s32 $0x0;
	s4 =	sshll.u32 s4, $0x1;
	s5 =	sadd.s32 s21, s3  }
0x9d: {  	[timem:s22], [sflag:s6] =	dma.local [hbm:s5], s4  }
0x9e: {  	_ =	swait.ge [sflag:s6], s4  }
0x9f: {  	s4 =	ssub.s32 $0x0, s4;
	[sflag:s6] =	ssyncset.done $0x0  }
0xa0: {  	[sflag:s6] =	ssyncadd.s32 s4;
	_ =	sdelay $0x1  }
0xa1: {  	s23 =	simm.s32 $0x1B8B  }
0xa2: {  	_ =	swait.ge [sflag:s23], $0x1  }
0xa3: {  	[sflag:s23] =	ssyncset.done $0x0  }
0xa4: {  	[sflag:s23] =	ssyncadd.s32 $0xFFFFFFFF  }
0xa5: {  	s4 =	sld [smem:$0x0]  }
0xa6: {  	s5 =	sand.u32 $0xFFFFFFFE, s1  }
0xa7: {  	p0 =	sne.s32 s1, s5  }
0xa8: {  	s5 =	sshll.u32 @p0 s5, $0xE  }
0xa9: {  	s5 =	sadd.s32 @p0 $0x11B8D, s5;
	s6 =	sshll.u32 @p0 s4, $0x11  }
0xaa: {  	s5 =	sor.u32 @p0 s6, s5  }
0xab: {  	[sflag:s5] =	ssyncadd.remote.s32 @p0 $0x1;
	_ =	sdelay $0x1  }
0xac: {  	s5 =	simm.s32 @p0 $0x1B8D  }
0xad: {  	_ =	swait.eq @p0 [sflag:s5], $0x1  }
0xae: {  	[sflag:s5] =	ssyncadd.s32 @p0 $0xFFFFFFFF  }
0xaf: {  	s6 =	sshll.u32 @!p0 s1, $0xE  }
0xb0: {  	s6 =	sor.u32 @!p0 $0x4000, s6;
	s5 =	simm.s32 @!p0 $0x1B8D  }
0xb1: {  	s4 =	sshll.u32 @!p0 s4, $0x11;
	s6 =	sadd.s32 @!p0 $0x11B8D, s6;
	_ =	swait.eq @!p0 [sflag:s5], $0x1  }
0xb2: {  	s4 =	sor.u32 @!p0 s4, s6;
	[sflag:s5] =	ssyncadd.s32 @!p0 $0xFFFFFFFF  }
0xb3: {  	s25 =	simm.s32 $0x1B8E;
	s24 =	sld [smem:$0x3FFE];
	[sflag:s4] =	ssyncadd.remote.s32 @!p0 $0x1  }
0xb4: {  	s26 =	simm.s32 $execute0_lowered;
	[smem:$0x3FD2] =	sst s25  }
0xb5: {  	s5 =	sshll.u32 s26, $0x1;
	_ =	strace $0x80000055;
	[dreg:$0x1] =	wrdreg $0xFFFFFFFF  }
0xb6: {  	s28 =	simm.s32 $_size_execute0_lowered;
	s3 =	sadd.s32 s3, s5;
	[dreg:$0x0] =	wrdreg $0x0  }
0xb7: {  	s5 =	sshll.u32 s28, $0x1;
	[dreg:$0x2] =	wrdreg s3  }
0xb8: {  	[dreg:$0x3] =	wrdreg s5  }
0xb9: {  	[dreg:$0x4] =	wrdreg $0xC0  }
0xba: {  	_ =	task [dreg:s22], $0x5FFFF  }
0xbb: {  	[dreg:$0x1] =	wrdreg $0xFFFFFFFF  }
0xbc: {  	[dreg:$0x0] =	wrdreg $0x60  }
0xbd: {  	[dreg:$0x2] =	wrdreg s24  }
0xbe: {  	[dreg:$0x3] =	wrdreg $0xE  }
0xbf: {  	_ =	task.clear_ibuf [dreg:s22], $0x4FFFF;
	_ =	strace $0x90000055  }
0xc0: {  	s29 =	simm.s32 $0xE;
	_ =	strace $0x80000057  }
0xc1: {  	_ =	swait.ge [sflag:s29], $0x1  }
0xc2: {  	[sflag:s29] =	ssyncadd.s32 $0xFFFFFFFF  }
0xc3: {  	_ =	strace $0x90000057  }
0xc4: {  	_ =	sfence  }
0xc5: {  	s30 =	sld [smem:$0x0];
	_ =	sdelay $0x2  }
0xc6: {  	s31 =	sshll.u32 s1, $0xD;
	s1 =	sshrl.u32 s1, $0x2  }
0xc7: {  	s4 =	sand.u32 $0x4000, s31;
	s1 =	sadd.s32 s1, s30  }
0xc8: {  	s0 =	sor.u32 s4, s0;
	s1 =	sshll.u32 s1, $0x11  }
0xc9: {  	s0 =	sor.u32 s1, s0  }
0xca: {  	s0 =	sadd.s32 $0x8F2B, s0  }
0xcb: {  	[sflag:s0] =	ssyncadd.remote.s32 $0x1  }
0xcc: {  	_ =	sfence.sel $0xFFFF  }
0xcd: {  	[dreg:$0x0] =	wrdreg $0xFFFFFFFF;
	(pc) =	sbr.abs _section_cstart, $3  }
0xce: {  	[dreg:$0x1] =	wrdreg $0xFFFFFFFF  }
0xcf: {  	_ =	task.clear_ibuf [dreg:s22], $0x2FFFF;
	_ =	strace $0x9FFFFFFF  }
0xd0: {  	(tm) =	ssettm $0x7FFFFFFF  }
0xd1: {  	_ =	shalt  }
tec
execute0_lowered:
.L_overlay_start_1:
0x0: {  	(tag) =	ssettag $0x1  }
0x1: {  	s4 =	rddreg [dreg:$0x0]  }
0x2: {  	s0 =	rddreg [dreg:$0x1];
	s2 =	simm.s32 $0x0;
	s1 =	stileid.u32  }
0x3: {  	s5 =	srdreg.scid;
	s30 =	simm.s32 $0x100;
	s31 =	simm.s32 $0x180  }
0x4: {  	s10 =	simm.s32 $0x1;
	s11 =	simm.s32 $0x400;
	s12 =	simm.s32 $0x3  }
0x5: {  	s13 =	simm.s32 $0x200;
	s14 =	simm.s32 $0x280;
	s15 =	simm.s32 $0x4400  }
0x6: {  	s16 =	simm.s32 $0x2;
	s17 =	simm.s32 $0x4;
	s18 =	simm.s32 $0x300  }
0x7: {  	s19 =	simm.s32 $0x380;
	s20 =	simm.s32 $0x0;
	[smem:$0x7FF] =	sst s2  }
0x8: {  	s3 =	sshll.u32 s1, $0xA;
	s5 =	sand.u32 $0x1, s5;
	s7 =	sshll.u32 s1, $0x11  }
0x9: {  	_ =	strace $0x80000056;
	s6 =	sadd.s32 s3, s4;
	s3 =	sadd.s32 $0x5A00, s4  }
0xa: {  	s8 =	ssub.s32 $0x2, s5;
	s4 =	sadd.s32 s7, s4;
	[dreg:$0x3] =	wrdreg s30  }
0xb: {  	s9 =	sshll.u32 s5, $0x10;
	s5 =	sshll.u32 s5, $0x9;
	[dreg:$0x4] =	wrdreg s31  }
0xc: {  	s26 =	sshrl.u32 s8, $0x1;
	s28 =	sadd.s32 s9, s4;
	s5 =	sadd.s32 s5, s6  }
0xd: {  	s6 =	simm.s32 $0x5;
	s9 =	simm.s32 $0xC400;
	s29 =	sadd.s32 $0x824400, s28  }
0xe: {  	s7 =	ssub.s32 s8, s26;
	s5 =	sadd.s32 $0x41C400, s5;
	s8 =	simm.s32 $0x8400  }
0xf: {  	s4 =	smax.u32 s7, $0x1;
	[dreg:$0x2] =	wrdreg s29;
	s7 =	simm.s32 $0x80  }
.LBB2_1:
0x10: {  	[tilespmem:s2], [sflag:$0x5] =	stream.linear.gather [hbm4b:s5+s2], $0x400, $0x38;
	[tilespmem:$0x10400] =	vst v63  }
0x11: {  	_ =	swait.ge [sflag:s6], $0x400  }
0x12: {  	p0 =	por $0x0, $0x0;
	[sflag:s6] =	ssyncset.done $0x0  }
0x13: {  	s21 =	simm.s32 @p0 $0x3;
	[sflag:s6] =	ssyncadd.s32 $0xFFFFFC00  }
0x14: {  	_ =	swait.ge @p0 [sflag:s21], $0x8000  }
0x15: {  	s22 =	simm.s32 @p0 $0x400;
	[sflag:s21] =	ssyncset.done @p0 $0x0  }
0x16: {  	s23 =	simm.s32 @p0 $0x0;
	[sflag:s21] =	ssyncadd.s32 @p0 $0xFFFF8000;
	s21 =	simm.s32 @p0 $0x80  }
0x17: {  	[tilespmem:s22], [sflag:$0x1] =	stream.indirect.gather @p0 [hbm4b:s3+s21], $0x80, s23, s21, $0xb8;
	[tilespmem:$0x10400] =	vst v63  }
0x18: {  	s22 =	simm.s32 @p0 $0x4400;
	s23 =	simm.s32 @p0 $0x4  }
0x19: {  	[tilespmem:s22], [sflag:$0x1] =	stream.indirect.gather @p0 [hbm4b:s3+s21], $0x80, s21, s21, $0xb8;
	[tilespmem:$0x10400] =	vst v63  }
0x1a: {  	_ =	swait.ge @p0 [sflag:s23], $0x8000  }
0x1b: {  	s21 =	simm.s32 @!p0 $0x400;
	[sflag:s23] =	ssyncset.done @p0 $0x0  }
0x1c: {  	s22 =	simm.s32 @!p0 $0x80;
	[sflag:s23] =	ssyncadd.s32 @p0 $0xFFFF8000;
	s23 =	simm.s32 @!p0 $0x0  }
0x1d: {  	[tilespmem:s21], [sflag:$0x1] =	stream.indirect.gather @!p0 [hbm4b:s3+s22], $0x80, s23, s22, $0xb8;
	[tilespmem:$0x10400] =	vst v63  }
0x1e: {  	s21 =	simm.s32 @!p0 $0x4400  }
0x1f: {  	[tilespmem:s21], [sflag:$0x1] =	stream.indirect.gather @!p0 [hbm4b:s3+s22], $0x80, s22, s22, $0xb8;
	[tilespmem:$0x10400] =	vst v63  }
0x20: {  	s26 =	rddreg [dreg:$0x3]  }
0x21: {  	[tilespmem:s8], [sflag:$0x2] =	stream.indirect.gather [hbm4b:s3+s7], $0x80, s26, s7, $0xb8;
	[tilespmem:$0x10400] =	vst v63  }
0x22: {  	s28 =	rddreg [dreg:$0x4]  }
0x23: {  	[tilespmem:s9], [sflag:$0x2] =	stream.indirect.gather [hbm4b:s3+s7], $0x80, s28, s7, $0xb8;
	[tilespmem:$0x10400] =	vst v63  }
0x24: {  	_ =	swait.ge [sflag:s10], $0x4000  }
0x25: {  	[sflag:s10] =	ssyncset.done $0x0  }
0x26: {  	[sflag:s10] =	ssyncadd.s32 $0xFFFFC000  }
0x27: {  	_ =	swait.ge [sflag:s10], $0x4000  }
0x28: {  	s29 =	rddreg [dreg:$0x2];
	[sflag:s10] =	ssyncset.done $0x0  }
0x29: {  	[sflag:s10] =	ssyncadd.s32 $0xFFFFC000;
	s30 =	sadd.s32 $0x0, s29  }
0x2a: {  	[hbm4b:s30+s2] =	stream.linear.scatter [tilespmem:s11], [sflag:$0x3], $0x8000, $0x38;
	[tilespmem:$0x10400] =	vst v63  }
0x2b: {  	_ =	swait.ge [sflag:s12], $0x8000  }
0x2c: {  	[sflag:s12] =	ssyncset.done $0x0  }
0x2d: {  	[sflag:s12] =	ssyncadd.s32 $0xFFFF8000  }
0x2e: {  	[tilespmem:s11], [sflag:$0x1] =	stream.indirect.gather [hbm4b:s3+s7], $0x80, s13, s7, $0xb8;
	[tilespmem:$0x10400] =	vst v63  }
0x2f: {  	_ = 	snop  }
0x30: {  	[tilespmem:s15], [sflag:$0x1] =	stream.indirect.gather [hbm4b:s3+s7], $0x80, s14, s7, $0xb8;
	[tilespmem:$0x10400] =	vst v63  }
0x31: {  	_ =	swait.ge [sflag:s16], $0x4000  }
0x32: {  	[sflag:s16] =	ssyncset.done $0x0  }
0x33: {  	[sflag:s16] =	ssyncadd.s32 $0xFFFFC000  }
0x34: {  	_ =	swait.ge [sflag:s16], $0x4000  }
0x35: {  	[sflag:s16] =	ssyncset.done $0x0  }
0x36: {  	s21 =	sadd.s32 $0x1000, s30;
	[sflag:s16] =	ssyncadd.s32 $0xFFFFC000  }
0x37: {  	[hbm4b:s21+s2] =	stream.linear.scatter [tilespmem:s8], [sflag:$0x4], $0x8000, $0x38;
	[tilespmem:$0x10400] =	vst v63  }
0x38: {  	_ =	swait.ge [sflag:s17], $0x8000  }
0x39: {  	[sflag:s17] =	ssyncset.done $0x0  }
0x3a: {  	[sflag:s17] =	ssyncadd.s32 $0xFFFF8000  }
0x3b: {  	[tilespmem:s8], [sflag:$0x2] =	stream.indirect.gather [hbm4b:s3+s7], $0x80, s18, s7, $0xb8;
	[tilespmem:$0x10400] =	vst v63  }
0x3c: {  	_ = 	snop  }
0x3d: {  	[tilespmem:s9], [sflag:$0x2] =	stream.indirect.gather [hbm4b:s3+s7], $0x80, s19, s7, $0xb8;
	[tilespmem:$0x10400] =	vst v63  }
0x3e: {  	_ =	swait.ge [sflag:s10], $0x4000  }
0x3f: {  	[sflag:s10] =	ssyncset.done $0x0  }
0x40: {  	[sflag:s10] =	ssyncadd.s32 $0xFFFFC000  }
0x41: {  	_ =	swait.ge [sflag:s10], $0x4000  }
0x42: {  	[sflag:s10] =	ssyncset.done $0x0  }
0x43: {  	s31 =	sadd.s32 $0x2000, s30;
	[sflag:s10] =	ssyncadd.s32 $0xFFFFC000  }
0x44: {  	[hbm4b:s31+s2] =	stream.linear.scatter [tilespmem:s11], [sflag:$0x3], $0x8000, $0x38;
	[tilespmem:$0x10400] =	vst v63  }
0x45: {  	_ =	swait.ge [sflag:s16], $0x4000  }
0x46: {  	[sflag:s16] =	ssyncset.done $0x0  }
0x47: {  	[sflag:s16] =	ssyncadd.s32 $0xFFFFC000  }
0x48: {  	_ =	swait.ge [sflag:s16], $0x4000  }
0x49: {  	s22 =	sadd.s32 $0x80, s5;
	[sflag:s16] =	ssyncset.done $0x0  }
0x4a: {  	s23 =	sadd.s32 $0x3000, s30;
	s21 =	simm.s32 $0x4000;
	[sflag:s16] =	ssyncadd.s32 $0xFFFFC000  }
.LBB2_2:
0x4b: {  	[hbm4b:s23+s2] =	stream.linear.scatter [tilespmem:s8], [sflag:$0x4], $0x8000, $0x38;
	[tilespmem:$0x10400] =	vst v63  }
0x4c: {  	_ = 	snop  }
0x4d: {  	[tilespmem:s2], [sflag:$0x5] =	stream.linear.gather [hbm4b:s22+s2], $0x400, $0x38;
	[tilespmem:$0x10400] =	vst v63  }
0x4e: {  	s31 =	smov.u32 s21;
	_ =	swait.ge [sflag:s6], $0x400  }
0x4f: {  	p1 =	sne.s32 s31, $0x0;
	[sflag:s6] =	ssyncset.done $0x0  }
0x50: {  	s24 =	simm.s32 @p1 $0x3;
	[sflag:s6] =	ssyncadd.s32 $0xFFFFFC00  }
0x51: {  	_ =	swait.ge @p1 [sflag:s24], $0x8000  }
0x52: {  	s25 =	simm.s32 @p1 $0x400;
	[sflag:s24] =	ssyncset.done @p1 $0x0  }
0x53: {  	s26 =	simm.s32 @p1 $0x0;
	[sflag:s24] =	ssyncadd.s32 @p1 $0xFFFF8000;
	s24 =	simm.s32 @p1 $0x80  }
0x54: {  	[tilespmem:s25], [sflag:$0x1] =	stream.indirect.gather @p1 [hbm4b:s3+s24], $0x80, s26, s24, $0xb8;
	[tilespmem:$0x10400] =	vst v63  }
0x55: {  	s25 =	simm.s32 @p1 $0x4400;
	s26 =	simm.s32 @p1 $0x4  }
0x56: {  	[tilespmem:s25], [sflag:$0x1] =	stream.indirect.gather @p1 [hbm4b:s3+s24], $0x80, s24, s24, $0xb8;
	[tilespmem:$0x10400] =	vst v63  }
0x57: {  	_ =	swait.ge @p1 [sflag:s26], $0x8000  }
0x58: {  	s24 =	simm.s32 @!p1 $0x400;
	[sflag:s26] =	ssyncset.done @p1 $0x0  }
0x59: {  	s25 =	simm.s32 @!p1 $0x80;
	[sflag:s26] =	ssyncadd.s32 @p1 $0xFFFF8000;
	s26 =	simm.s32 @!p1 $0x0  }
0x5a: {  	[tilespmem:s24], [sflag:$0x1] =	stream.indirect.gather @!p1 [hbm4b:s3+s25], $0x80, s26, s25, $0xb8;
	[tilespmem:$0x10400] =	vst v63  }
0x5b: {  	s24 =	simm.s32 @!p1 $0x4400  }
0x5c: {  	[tilespmem:s24], [sflag:$0x1] =	stream.indirect.gather @!p1 [hbm4b:s3+s25], $0x80, s25, s25, $0xb8;
	[tilespmem:$0x10400] =	vst v63  }
0x5d: {  	s28 =	rddreg [dreg:$0x3]  }
0x5e: {  	[tilespmem:s8], [sflag:$0x2] =	stream.indirect.gather [hbm4b:s3+s7], $0x80, s28, s7, $0xb8;
	[tilespmem:$0x10400] =	vst v63  }
0x5f: {  	s29 =	rddreg [dreg:$0x4]  }
0x60: {  	[tilespmem:s9], [sflag:$0x2] =	stream.indirect.gather [hbm4b:s3+s7], $0x80, s29, s7, $0xb8;
	[tilespmem:$0x10400] =	vst v63  }
0x61: {  	_ =	swait.ge [sflag:s10], $0x4000  }
0x62: {  	[sflag:s10] =	ssyncset.done $0x0  }
0x63: {  	[sflag:s10] =	ssyncadd.s32 $0xFFFFC000  }
0x64: {  	_ =	swait.ge [sflag:s10], $0x4000  }
0x65: {  	s30 =	rddreg [dreg:$0x2];
	[sflag:s10] =	ssyncset.done $0x0  }
0x66: {  	[sflag:s10] =	ssyncadd.s32 $0xFFFFC000;
	s23 =	sadd.s32 s31, s30  }
0x67: {  	[hbm4b:s23+s2] =	stream.linear.scatter [tilespmem:s11], [sflag:$0x3], $0x8000, $0x38;
	[tilespmem:$0x10400] =	vst v63  }
0x68: {  	_ =	swait.ge [sflag:s12], $0x8000  }
0x69: {  	[sflag:s12] =	ssyncset.done $0x0  }
0x6a: {  	[sflag:s12] =	ssyncadd.s32 $0xFFFF8000  }
0x6b: {  	[tilespmem:s11], [sflag:$0x1] =	stream.indirect.gather [hbm4b:s3+s7], $0x80, s13, s7, $0xb8;
	[tilespmem:$0x10400] =	vst v63  }
0x6c: {  	_ = 	snop  }
0x6d: {  	[tilespmem:s15], [sflag:$0x1] =	stream.indirect.gather [hbm4b:s3+s7], $0x80, s14, s7, $0xb8;
	[tilespmem:$0x10400] =	vst v63  }
0x6e: {  	_ =	swait.ge [sflag:s16], $0x4000  }
0x6f: {  	[sflag:s16] =	ssyncset.done $0x0  }
0x70: {  	[sflag:s16] =	ssyncadd.s32 $0xFFFFC000  }
0x71: {  	_ =	swait.ge [sflag:s16], $0x4000  }
0x72: {  	[sflag:s16] =	ssyncset.done $0x0  }
0x73: {  	s24 =	sadd.s32 $0x1000, s23;
	[sflag:s16] =	ssyncadd.s32 $0xFFFFC000  }
0x74: {  	[hbm4b:s24+s2] =	stream.linear.scatter [tilespmem:s8], [sflag:$0x4], $0x8000, $0x38;
	[tilespmem:$0x10400] =	vst v63  }
0x75: {  	_ =	swait.ge [sflag:s17], $0x8000  }
0x76: {  	[sflag:s17] =	ssyncset.done $0x0  }
0x77: {  	[sflag:s17] =	ssyncadd.s32 $0xFFFF8000  }
0x78: {  	[tilespmem:s8], [sflag:$0x2] =	stream.indirect.gather [hbm4b:s3+s7], $0x80, s18, s7, $0xb8;
	[tilespmem:$0x10400] =	vst v63  }
0x79: {  	_ = 	snop  }
0x7a: {  	[tilespmem:s9], [sflag:$0x2] =	stream.indirect.gather [hbm4b:s3+s7], $0x80, s19, s7, $0xb8;
	[tilespmem:$0x10400] =	vst v63  }
0x7b: {  	_ =	swait.ge [sflag:s10], $0x4000  }
0x7c: {  	[sflag:s10] =	ssyncset.done $0x0  }
0x7d: {  	[sflag:s10] =	ssyncadd.s32 $0xFFFFC000  }
0x7e: {  	_ =	swait.ge [sflag:s10], $0x4000  }
0x7f: {  	[sflag:s10] =	ssyncset.done $0x0  }
0x80: {  	s21 =	sadd.s32 $0x4000, s21;
	s31 =	sadd.s32 $0x2000, s23;
	[sflag:s10] =	ssyncadd.s32 $0xFFFFC000  }
0x81: {  	[hbm4b:s31+s2] =	stream.linear.scatter [tilespmem:s11], [sflag:$0x3], $0x8000, $0x38;
	[tilespmem:$0x10400] =	vst v63  }
0x82: {  	p0 =	sne.s32 s21, $0x10000;
	_ =	swait.ge [sflag:s16], $0x4000  }
.Ltmp0:
0x83: {  	[sflag:s16] =	ssyncset.done $0x0;
	(pc) =	sbr.rel @p0 .LBB2_2-.Ltmp0, $4  }
0x84: {  	[sflag:s16] =	ssyncadd.s32 $0xFFFFC000  }
0x85: {  	_ =	swait.ge [sflag:s16], $0x4000  }
0x86: {  	[sflag:s16] =	ssyncset.done $0x0  }
0x87: {  	s22 =	sadd.s32 $0x80, s22;
	s23 =	sadd.s32 $0x3000, s23;
	[sflag:s16] =	ssyncadd.s32 $0xFFFFC000  }
0x88: {  	[hbm4b:s23+s2] =	stream.linear.scatter [tilespmem:s8], [sflag:$0x4], $0x8000, $0x38;
	[tilespmem:$0x10400] =	vst v63  }
0x89: {  	s20 =	sadd.s32 $0x1, s20  }
0x8a: {  	_ =	swait.ge [sflag:s12], $0x8000;
	p0 =	sne.s32 s20, s4  }
.Ltmp1:
0x8b: {  	[sflag:s12] =	ssyncset.done $0x0;
	(pc) =	sbr.rel @p0 .LBB2_1-.Ltmp1, $4  }
0x8c: {  	[sflag:s12] =	ssyncadd.s32 $0xFFFF8000  }
0x8d: {  	_ =	swait.ge [sflag:s17], $0x8000  }
0x8e: {  	[sflag:s17] =	ssyncset.done $0x0  }
0x8f: {  	[sflag:s17] =	ssyncadd.s32 $0xFFFF8000  }
0x90: {  	_ =	sfence.sel $0x180000  }
0x91: {  	[bflag:$0x0] =	sbarrier.arrive $0xFFFF  }
0x92: {  	p0 =	sne.s32 s1, $0x0;
	_ =	strace $0x90000056  }
0x93: {  	s0 =	sadd.s32 @!p0 $0x100000, s0;
	[bflag:$0x2] =	sbarrier.arrive $0xFFFF  }
0x94: {  	[sflag:s0] =	ssyncadd.tile.s32 @!p0 $0x1;
	_ =	shalt  }
.Lfunc_end2:
_tile_overlayer_lowered:
.L_overlay_start_2:
0x95: {  	(tag) =	ssettag $0x2  }
0x96: {  	s0 =	rddreg [dreg:$0x0];
	s2 =	stileid.u32  }
0x97: {  	s1 =	rddreg [dreg:$0x1];
	p0 =	sne.s32 s2, $0x0  }
0x98: {  	s3 =	rddreg [dreg:$0x2];
	[bflag:$0x3] =	sbarrier.arrive $0xFFFF;
	s2 =	simm.s32 @!p0 $0x1C05  }
0x99: {  	[timem:s3], [sflag:s2] =	dma.local @!p0 [hbm:s0], s1  }
0x9a: {  	s0 =	simm.s32 @!p0 $0x5  }
0x9b: {  	_ =	swait.ge @!p0 [sflag:s0], s1  }
0x9c: {  	s1 =	ssub.s32 @!p0 $0x0, s1;
	[sflag:s0] =	ssyncset.done @!p0 $0x0  }
0x9d: {  	[sflag:s0] =	ssyncadd.s32 @!p0 s1  }
0x9e: {  	[bflag:$0x3] =	sbarrier.arrive $0xFFFF  }
0x9f: {  	_ =	shalt  }

// kernel: kernel.37.cloned.1.call-start
scs
__scs_entry_jumppad:
0x0: {  	(pc) =	sbr.rel $0x88, $3  }
0x1: {  	(tag) =	ssettag $0x0;
	lr =	simm.s32 $0x1  }
0x2: {  	[smem:$0x3F97] =	sst lr;
	_ =	strace $0xD0000000  }
0x3: {  	_ = 	snop  }
0x4: {  	_ = 	snop  }
0x5: {  	_ = 	snop  }
0x6: {  	_ = 	snop  }
0x7: {  	_ = 	snop  }
__scs_overlays_trampoline_lowered:
0x8: {  	[smem:$0x3FA6] =	sst s0  }
0x9: {  	[smem:$0x3FA7] =	sst s1  }
0xa: {  	[smem:$0x3FA8] =	sst s2  }
0xb: {  	[smem:$0x3FA9] =	sst s3  }
0xc: {  	[smem:$0x3FAA] =	sst s4  }
0xd: {  	[smem:$0x3FAB] =	sst s5  }
0xe: {  	[smem:$0x3FAC] =	sst s6  }
0xf: {  	[smem:$0x3FAD] =	sst s7  }
0x10: {  	[smem:$0x3FAE] =	sst s8  }
0x11: {  	[smem:$0x3FAF] =	sst s9;
	s0 =	simm.s32 @!p0 $0x0  }
0x12: {  	s1 =	sld [smem:$0x3F95];
	s0 =	simm.s32 @p0 $0x1  }
0x13: {  	[smem:$0x3FB0] =	sst s0;
	s0 =	simm.s32 @!p1 $0x0  }
0x14: {  	s2 =	sld [smem:$0x3F94];
	s0 =	simm.s32 @p1 $0x1  }
0x15: {  	[smem:$0x3FB1] =	sst s0;
	s0 =	simm.s32 @!p2 $0x0  }
0x16: {  	s3 =	sld [smem:$0x3FDB];
	s0 =	simm.s32 @p2 $0x1  }
0x17: {  	s4 =	simm.s32 $0x1BF5;
	[smem:$0x3FB3] =	sst s0  }
0x18: {  	s0 =	sld [smem:$0x3F96];
	_ =	swait.ge [sflag:s4], $0x0  }
0x19: {  	s7 =	sld [smem:$0x3F97]  }
0x1a: {  	s8 =	sadd.s32 $0xFFFFE003, lr  }
0x1b: {  	s9 =	sadd.s32 $0xFFFFFEF7, lr;
	s5 =	simm.s32 $0xFFFFFFFF;
	p2 =	slt.u32 s8, $0xFFFFF086  }
0x1c: {  	p1 =	slt.u32 s9, $0xF7A;
	s5 =	simm.s32 @!p2 $0x0  }
0x1d: {  	s5 =	simm.s32 @p1 $0x1;
	p0 =	seq.s32 s7, s2  }
0x1e: {  	s7 =	smul.u32 @!p0 $0xF7A, s2;
	p2 =	seq.s32 @!p0 s5, $0x0  }
0x1f: {  	s9 =	smul.u32 $0xF7A, s1;
	s8 =	simm.s32 @!p0 $0x1BF5;
	p2 =	por !p2, p0  }
0x20: {  	[sflag:s8] =	ssyncset.s32 @!p0 $0xFFFFF086;
	s6 =	sadd.s32 @!p0 s3, s7;
	s7 =	simm.s32 @!p0 $0x108  }
0x21: {  	s3 =	sadd.s32 s3, s9;
	s6 =	sadd.s32 @!p0 $0x88, s6;
	s7 =	simm.s32 @p2 $0x1082  }
0x22: {  	[simem:s7], [sflag:s8] =	dma.local @!p0 [hbm:s6], $0xF7A  }
0x23: {  	s9 =	sor.u32 $0xD0000000, s2;
	s6 =	simm.s32 $0x108;
	_ =	swait.ge @!p0 [sflag:s8], $0x0  }
0x24: {  	s3 =	sadd.s32 $0x88, s3;
	s6 =	simm.s32 @!p1 $0x1082;
	[sflag:s4] =	ssyncset.s32 $0xFFFFF086  }
0x25: {  	[simem:s6], [sflag:s4] =	dma.local [hbm:s3], $0xF7A  }
0x26: {  	[smem:$0x3F97] =	sst s1;
	(tag) =	ssettag s2;
	_ =	strace s9  }
0x27: {  	s1 =	sld [smem:$0x3FA7]  }
0x28: {  	s2 =	sld [smem:$0x3FA8]  }
0x29: {  	s4 =	sld [smem:$0x3FAA]  }
0x2a: {  	p0 =	seq.s32 s5, $0x0;
	s5 =	sld [smem:$0x3FAB]  }
0x2b: {  	s6 =	sld [smem:$0x3FAC]  }
0x2c: {  	s7 =	sld [smem:$0x3FAD]  }
0x2d: {  	s3 =	simm.s32 $0x108;
	s8 =	sld [smem:$0x3FAE]  }
0x2e: {  	s3 =	simm.s32 @!p0 $0x1082;
	s9 =	sld [smem:$0x3FAF]  }
0x2f: {  	lr =	sadd.s32 s0, s3;
	s0 =	sld [smem:$0x3FA6]  }
0x30: {  	s3 =	sld [smem:$0x3FA9]  }
0x31: {  	[smem:$0x3FB2] =	sst s10  }
0x32: {  	s10 =	sld [smem:$0x3FB0];
	_ =	sdelay $0x3  }
0x33: {  	p0 =	seq.s32 s10, $0x1;
	s10 =	sld [smem:$0x3FB2];
	_ =	sdelay $0x3  }
0x34: {  	[smem:$0x3FB2] =	sst s10  }
0x35: {  	s10 =	sld [smem:$0x3FB1];
	_ =	sdelay $0x3  }
0x36: {  	p1 =	seq.s32 s10, $0x1;
	s10 =	sld [smem:$0x3FB2];
	_ =	sdelay $0x3  }
0x37: {  	[smem:$0x3FB2] =	sst s10  }
0x38: {  	s10 =	sld [smem:$0x3FB3]  }
0x39: {  	_ = 	snop;
	(pc) =	sbr.ind lr, $3  }
0x3a: {  	_ = 	snop  }
0x3b: {  	_ = 	snop  }
0x3c: {  	p2 =	seq.s32 s10, $0x1;
	s10 =	sld [smem:$0x3FB2]  }
0x3d: {  	_ =	shalt  }
0x3e: {  	_ =	shalt  }
0x3f: {  	_ =	shalt  }
0x40: {  	_ =	shalt  }
0x41: {  	_ =	shalt  }
0x42: {  	_ =	shalt  }
0x43: {  	_ =	shalt  }
0x44: {  	_ =	shalt  }
0x45: {  	_ =	shalt  }
0x46: {  	_ =	shalt  }
0x47: {  	_ =	shalt  }
0x48: {  	_ =	shalt  }
0x49: {  	_ =	shalt  }
0x4a: {  	_ =	shalt  }
0x4b: {  	_ =	shalt  }
0x4c: {  	_ =	shalt  }
0x4d: {  	_ =	shalt  }
0x4e: {  	_ =	shalt  }
0x4f: {  	_ =	shalt  }
0x50: {  	_ =	shalt  }
0x51: {  	_ =	shalt  }
0x52: {  	_ =	shalt  }
0x53: {  	_ =	shalt  }
0x54: {  	_ =	shalt  }
0x55: {  	_ =	shalt  }
0x56: {  	_ =	shalt  }
0x57: {  	_ =	shalt  }
0x58: {  	_ =	shalt  }
0x59: {  	_ =	shalt  }
0x5a: {  	_ =	shalt  }
0x5b: {  	_ =	shalt  }
0x5c: {  	_ =	shalt  }
0x5d: {  	_ =	shalt  }
0x5e: {  	_ =	shalt  }
0x5f: {  	_ =	shalt  }
0x60: {  	_ =	shalt  }
0x61: {  	_ =	shalt  }
0x62: {  	_ =	shalt  }
0x63: {  	_ =	shalt  }
0x64: {  	_ =	shalt  }
0x65: {  	_ =	shalt  }
0x66: {  	_ =	shalt  }
0x67: {  	_ =	shalt  }
0x68: {  	_ =	shalt  }
0x69: {  	_ =	shalt  }
0x6a: {  	_ =	shalt  }
0x6b: {  	_ =	shalt  }
0x6c: {  	_ =	shalt  }
0x6d: {  	_ =	shalt  }
0x6e: {  	_ =	shalt  }
0x6f: {  	_ =	shalt  }
0x70: {  	_ =	shalt  }
0x71: {  	_ =	shalt  }
0x72: {  	_ =	shalt  }
0x73: {  	_ =	shalt  }
0x74: {  	_ =	shalt  }
0x75: {  	_ =	shalt  }
0x76: {  	_ =	shalt  }
0x77: {  	_ =	shalt  }
0x78: {  	_ =	shalt  }
0x79: {  	_ =	shalt  }
0x7a: {  	_ =	shalt  }
0x7b: {  	_ =	shalt  }
0x7c: {  	_ =	shalt  }
0x7d: {  	_ =	shalt  }
0x7e: {  	_ =	shalt  }
0x7f: {  	_ =	shalt  }
0x80: {  	_ =	shalt  }
0x81: {  	_ =	shalt  }
0x82: {  	_ =	shalt  }
0x83: {  	_ =	shalt  }
0x84: {  	_ =	shalt  }
0x85: {  	_ =	shalt  }
0x86: {  	_ =	shalt  }
0x87: {  	_ =	shalt  }
.Lfunc_end0:
.L_simem_size_0:
called_computation.6_lowered:
.L_overlay_start_0:
0x88: {  	s2 =	sld [smem:$0x3FD9]  }
0x89: {  	s3 =	sld [smem:$0x3FFE];
	_ =	sdelay $0x1  }
0x8a: {  	s1 =	srdreg.scid  }
0x8b: {  	s0 =	sand.u32 $0x1, s1  }
0x8c: {  	s17 =	sshll.u32 s0, $0xA;
	s2 =	sadd.s32 s3, s2  }
0x8d: {  	s2 =	sadd.s32 s2, s17  }
0x8e: {  	[smem:$0x3FBE] =	sst s2  }
0x8f: {  	_ = 	snop  }
0x90: {  	(tm) =	ssettm $0x1  }
0x91: {  	s18 =	sld [smem:$0x3FFB];
	_ =	sdelay $0x3  }
0x92: {  	_ =	strace s18  }
0x93: {  	s2 =	sld [smem:$0x3FFC];
	_ =	sdelay $0x3  }
0x94: {  	_ =	strace s2  }
0x95: {  	s2 =	sld [smem:$0x3FFD];
	_ =	sdelay $0x3  }
0x96: {  	_ =	strace s2  }
0x97: {  	_ =	strace $0x8FFFFFFF  }
0x98: {  	s19 =	sld [smem:$0x3FDB];
	_ =	sdelay $0x1  }
0x99: {  	s20 =	simm.s32 $_scs_section_size  }
0x9a: {  	s4 =	simm.s32 $_size__tile_overlayer_lowered;
	s5 =	simm.s32 $_tile_overlayer_lowered  }
0x9b: {  	s6 =	simm.s32 $0x1BFF;
	s21 =	sshll.u32 s5, $0x1;
	s3 =	sadd.s32 s20, s19  }
0x9c: {  	s22 =	simm.s32 $0x0;
	s4 =	sshll.u32 s4, $0x1;
	s5 =	sadd.s32 s21, s3  }
0x9d: {  	[timem:s22], [sflag:s6] =	dma.local [hbm:s5], s4  }
0x9e: {  	_ =	swait.ge [sflag:s6], s4  }
0x9f: {  	s4 =	ssub.s32 $0x0, s4;
	[sflag:s6] =	ssyncset.done $0x0  }
0xa0: {  	[sflag:s6] =	ssyncadd.s32 s4;
	_ =	sdelay $0x1  }
0xa1: {  	s23 =	simm.s32 $0x1B8B  }
0xa2: {  	_ =	swait.ge [sflag:s23], $0x1  }
0xa3: {  	[sflag:s23] =	ssyncset.done $0x0  }
0xa4: {  	[sflag:s23] =	ssyncadd.s32 $0xFFFFFFFF  }
0xa5: {  	s4 =	sld [smem:$0x0]  }
0xa6: {  	s5 =	sand.u32 $0xFFFFFFFE, s1  }
0xa7: {  	p0 =	sne.s32 s1, s5  }
0xa8: {  	s5 =	sshll.u32 @p0 s5, $0xE  }
0xa9: {  	s5 =	sadd.s32 @p0 $0x11B8D, s5;
	s6 =	sshll.u32 @p0 s4, $0x11  }
0xaa: {  	s5 =	sor.u32 @p0 s6, s5  }
0xab: {  	[sflag:s5] =	ssyncadd.remote.s32 @p0 $0x1;
	_ =	sdelay $0x1  }
0xac: {  	s5 =	simm.s32 @p0 $0x1B8D  }
0xad: {  	_ =	swait.eq @p0 [sflag:s5], $0x1  }
0xae: {  	[sflag:s5] =	ssyncadd.s32 @p0 $0xFFFFFFFF  }
0xaf: {  	s6 =	sshll.u32 @!p0 s1, $0xE  }
0xb0: {  	s6 =	sor.u32 @!p0 $0x4000, s6;
	s5 =	simm.s32 @!p0 $0x1B8D  }
0xb1: {  	s4 =	sshll.u32 @!p0 s4, $0x11;
	s6 =	sadd.s32 @!p0 $0x11B8D, s6;
	_ =	swait.eq @!p0 [sflag:s5], $0x1  }
0xb2: {  	s4 =	sor.u32 @!p0 s4, s6;
	[sflag:s5] =	ssyncadd.s32 @!p0 $0xFFFFFFFF  }
0xb3: {  	s25 =	simm.s32 $0x1B8E;
	s24 =	sld [smem:$0x3FFE];
	[sflag:s4] =	ssyncadd.remote.s32 @!p0 $0x1  }
0xb4: {  	s26 =	simm.s32 $execute0_lowered;
	[smem:$0x3FD2] =	sst s25  }
0xb5: {  	s5 =	sshll.u32 s26, $0x1;
	_ =	strace $0x80000058;
	[dreg:$0x1] =	wrdreg $0xFFFFFFFF  }
0xb6: {  	s28 =	simm.s32 $_size_execute0_lowered;
	s3 =	sadd.s32 s3, s5;
	[dreg:$0x0] =	wrdreg $0x0  }
0xb7: {  	s5 =	sshll.u32 s28, $0x1;
	[dreg:$0x2] =	wrdreg s3  }
0xb8: {  	[dreg:$0x3] =	wrdreg s5  }
0xb9: {  	[dreg:$0x4] =	wrdreg $0xC0  }
0xba: {  	_ =	task [dreg:s22], $0x5FFFF  }
0xbb: {  	[dreg:$0x1] =	wrdreg $0xFFFFFFFF  }
0xbc: {  	[dreg:$0x0] =	wrdreg $0x60  }
0xbd: {  	[dreg:$0x2] =	wrdreg s24  }
0xbe: {  	[dreg:$0x3] =	wrdreg $0xF  }
0xbf: {  	_ =	task.clear_ibuf [dreg:s22], $0x4FFFF;
	_ =	strace $0x90000058  }
0xc0: {  	s29 =	simm.s32 $0xF;
	_ =	strace $0x8000005A  }
0xc1: {  	_ =	swait.ge [sflag:s29], $0x1  }
0xc2: {  	[sflag:s29] =	ssyncadd.s32 $0xFFFFFFFF  }
0xc3: {  	_ =	strace $0x9000005A  }
0xc4: {  	_ =	sfence  }
0xc5: {  	s30 =	sld [smem:$0x0];
	_ =	sdelay $0x2  }
0xc6: {  	s31 =	sshll.u32 s1, $0xD;
	s1 =	sshrl.u32 s1, $0x2  }
0xc7: {  	s4 =	sand.u32 $0x4000, s31;
	s1 =	sadd.s32 s1, s30  }
0xc8: {  	s0 =	sor.u32 s4, s0;
	s1 =	sshll.u32 s1, $0x11  }
0xc9: {  	s0 =	sor.u32 s1, s0  }
0xca: {  	s0 =	sadd.s32 $0x8F2B, s0  }
0xcb: {  	[sflag:s0] =	ssyncadd.remote.s32 $0x1  }
0xcc: {  	_ =	sfence.sel $0xFFFF  }
0xcd: {  	[dreg:$0x0] =	wrdreg $0xFFFFFFFF;
	(pc) =	sbr.abs _section_cstart, $3  }
0xce: {  	[dreg:$0x1] =	wrdreg $0xFFFFFFFF  }
0xcf: {  	_ =	task.clear_ibuf [dreg:s22], $0x2FFFF;
	_ =	strace $0x9FFFFFFF  }
0xd0: {  	(tm) =	ssettm $0x7FFFFFFF  }
0xd1: {  	_ =	shalt  }
tec
execute0_lowered:
.L_overlay_start_1:
0x0: {  	(tag) =	ssettag $0x1  }
0x1: {  	s4 =	rddreg [dreg:$0x0]  }
0x2: {  	s0 =	rddreg [dreg:$0x1];
	s2 =	simm.s32 $0x0;
	s1 =	stileid.u32  }
0x3: {  	s5 =	srdreg.scid;
	s30 =	simm.s32 $0x100;
	s31 =	simm.s32 $0x180  }
0x4: {  	s10 =	simm.s32 $0x1;
	s11 =	simm.s32 $0x400;
	s12 =	simm.s32 $0x3  }
0x5: {  	s13 =	simm.s32 $0x200;
	s14 =	simm.s32 $0x280;
	s15 =	simm.s32 $0x4400  }
0x6: {  	s16 =	simm.s32 $0x2;
	s17 =	simm.s32 $0x4;
	s18 =	simm.s32 $0x300  }
0x7: {  	s19 =	simm.s32 $0x380;
	s20 =	simm.s32 $0x0;
	[smem:$0x7FF] =	sst s2  }
0x8: {  	s3 =	sshll.u32 s1, $0xA;
	s5 =	sand.u32 $0x1, s5;
	s7 =	sshll.u32 s1, $0x11  }
0x9: {  	_ =	strace $0x80000059;
	s6 =	sadd.s32 s3, s4;
	s3 =	sadd.s32 $0x5A00, s4  }
0xa: {  	s8 =	ssub.s32 $0x2, s5;
	s4 =	sadd.s32 s7, s4;
	[dreg:$0x3] =	wrdreg s30  }
0xb: {  	s9 =	sshll.u32 s5, $0x10;
	s5 =	sshll.u32 s5, $0x9;
	[dreg:$0x4] =	wrdreg s31  }
0xc: {  	s26 =	sshrl.u32 s8, $0x1;
	s28 =	sadd.s32 s9, s4;
	s5 =	sadd.s32 s5, s6  }
0xd: {  	s6 =	simm.s32 $0x5;
	s9 =	simm.s32 $0xC400;
	s29 =	sadd.s32 $0xA24400, s28  }
0xe: {  	s7 =	ssub.s32 s8, s26;
	s5 =	sadd.s32 $0x420400, s5;
	s8 =	simm.s32 $0x8400  }
0xf: {  	s4 =	smax.u32 s7, $0x1;
	[dreg:$0x2] =	wrdreg s29;
	s7 =	simm.s32 $0x80  }
.LBB2_1:
0x10: {  	[tilespmem:s2], [sflag:$0x5] =	stream.linear.gather [hbm4b:s5+s2], $0x400, $0x38;
	[tilespmem:$0x10400] =	vst v63  }
0x11: {  	_ =	swait.ge [sflag:s6], $0x400  }
0x12: {  	p0 =	por $0x0, $0x0;
	[sflag:s6] =	ssyncset.done $0x0  }
0x13: {  	s21 =	simm.s32 @p0 $0x3;
	[sflag:s6] =	ssyncadd.s32 $0xFFFFFC00  }
0x14: {  	_ =	swait.ge @p0 [sflag:s21], $0x8000  }
0x15: {  	s22 =	simm.s32 @p0 $0x400;
	[sflag:s21] =	ssyncset.done @p0 $0x0  }
0x16: {  	s23 =	simm.s32 @p0 $0x0;
	[sflag:s21] =	ssyncadd.s32 @p0 $0xFFFF8000;
	s21 =	simm.s32 @p0 $0x80  }
0x17: {  	[tilespmem:s22], [sflag:$0x1] =	stream.indirect.gather @p0 [hbm4b:s3+s21], $0x80, s23, s21, $0xb8;
	[tilespmem:$0x10400] =	vst v63  }
0x18: {  	s22 =	simm.s32 @p0 $0x4400;
	s23 =	simm.s32 @p0 $0x4  }
0x19: {  	[tilespmem:s22], [sflag:$0x1] =	stream.indirect.gather @p0 [hbm4b:s3+s21], $0x80, s21, s21, $0xb8;
	[tilespmem:$0x10400] =	vst v63  }
0x1a: {  	_ =	swait.ge @p0 [sflag:s23], $0x8000  }
0x1b: {  	s21 =	simm.s32 @!p0 $0x400;
	[sflag:s23] =	ssyncset.done @p0 $0x0  }
0x1c: {  	s22 =	simm.s32 @!p0 $0x80;
	[sflag:s23] =	ssyncadd.s32 @p0 $0xFFFF8000;
	s23 =	simm.s32 @!p0 $0x0  }
0x1d: {  	[tilespmem:s21], [sflag:$0x1] =	stream.indirect.gather @!p0 [hbm4b:s3+s22], $0x80, s23, s22, $0xb8;
	[tilespmem:$0x10400] =	vst v63  }
0x1e: {  	s21 =	simm.s32 @!p0 $0x4400  }
0x1f: {  	[tilespmem:s21], [sflag:$0x1] =	stream.indirect.gather @!p0 [hbm4b:s3+s22], $0x80, s22, s22, $0xb8;
	[tilespmem:$0x10400] =	vst v63  }
0x20: {  	s26 =	rddreg [dreg:$0x3]  }
0x21: {  	[tilespmem:s8], [sflag:$0x2] =	stream.indirect.gather [hbm4b:s3+s7], $0x80, s26, s7, $0xb8;
	[tilespmem:$0x10400] =	vst v63  }
0x22: {  	s28 =	rddreg [dreg:$0x4]  }
0x23: {  	[tilespmem:s9], [sflag:$0x2] =	stream.indirect.gather [hbm4b:s3+s7], $0x80, s28, s7, $0xb8;
	[tilespmem:$0x10400] =	vst v63  }
0x24: {  	_ =	swait.ge [sflag:s10], $0x4000  }
0x25: {  	[sflag:s10] =	ssyncset.done $0x0  }
0x26: {  	[sflag:s10] =	ssyncadd.s32 $0xFFFFC000  }
0x27: {  	_ =	swait.ge [sflag:s10], $0x4000  }
0x28: {  	s29 =	rddreg [dreg:$0x2];
	[sflag:s10] =	ssyncset.done $0x0  }
0x29: {  	[sflag:s10] =	ssyncadd.s32 $0xFFFFC000;
	s30 =	sadd.s32 $0x0, s29  }
0x2a: {  	[hbm4b:s30+s2] =	stream.linear.scatter [tilespmem:s11], [sflag:$0x3], $0x8000, $0x38;
	[tilespmem:$0x10400] =	vst v63  }
0x2b: {  	_ =	swait.ge [sflag:s12], $0x8000  }
0x2c: {  	[sflag:s12] =	ssyncset.done $0x0  }
0x2d: {  	[sflag:s12] =	ssyncadd.s32 $0xFFFF8000  }
0x2e: {  	[tilespmem:s11], [sflag:$0x1] =	stream.indirect.gather [hbm4b:s3+s7], $0x80, s13, s7, $0xb8;
	[tilespmem:$0x10400] =	vst v63  }
0x2f: {  	_ = 	snop  }
0x30: {  	[tilespmem:s15], [sflag:$0x1] =	stream.indirect.gather [hbm4b:s3+s7], $0x80, s14, s7, $0xb8;
	[tilespmem:$0x10400] =	vst v63  }
0x31: {  	_ =	swait.ge [sflag:s16], $0x4000  }
0x32: {  	[sflag:s16] =	ssyncset.done $0x0  }
0x33: {  	[sflag:s16] =	ssyncadd.s32 $0xFFFFC000  }
0x34: {  	_ =	swait.ge [sflag:s16], $0x4000  }
0x35: {  	[sflag:s16] =	ssyncset.done $0x0  }
0x36: {  	s21 =	sadd.s32 $0x1000, s30;
	[sflag:s16] =	ssyncadd.s32 $0xFFFFC000  }
0x37: {  	[hbm4b:s21+s2] =	stream.linear.scatter [tilespmem:s8], [sflag:$0x4], $0x8000, $0x38;
	[tilespmem:$0x10400] =	vst v63  }
0x38: {  	_ =	swait.ge [sflag:s17], $0x8000  }
0x39: {  	[sflag:s17] =	ssyncset.done $0x0  }
0x3a: {  	[sflag:s17] =	ssyncadd.s32 $0xFFFF8000  }
0x3b: {  	[tilespmem:s8], [sflag:$0x2] =	stream.indirect.gather [hbm4b:s3+s7], $0x80, s18, s7, $0xb8;
	[tilespmem:$0x10400] =	vst v63  }
0x3c: {  	_ = 	snop  }
0x3d: {  	[tilespmem:s9], [sflag:$0x2] =	stream.indirect.gather [hbm4b:s3+s7], $0x80, s19, s7, $0xb8;
	[tilespmem:$0x10400] =	vst v63  }
0x3e: {  	_ =	swait.ge [sflag:s10], $0x4000  }
0x3f: {  	[sflag:s10] =	ssyncset.done $0x0  }
0x40: {  	[sflag:s10] =	ssyncadd.s32 $0xFFFFC000  }
0x41: {  	_ =	swait.ge [sflag:s10], $0x4000  }
0x42: {  	[sflag:s10] =	ssyncset.done $0x0  }
0x43: {  	s31 =	sadd.s32 $0x2000, s30;
	[sflag:s10] =	ssyncadd.s32 $0xFFFFC000  }
0x44: {  	[hbm4b:s31+s2] =	stream.linear.scatter [tilespmem:s11], [sflag:$0x3], $0x8000, $0x38;
	[tilespmem:$0x10400] =	vst v63  }
0x45: {  	_ =	swait.ge [sflag:s16], $0x4000  }
0x46: {  	[sflag:s16] =	ssyncset.done $0x0  }
0x47: {  	[sflag:s16] =	ssyncadd.s32 $0xFFFFC000  }
0x48: {  	_ =	swait.ge [sflag:s16], $0x4000  }
0x49: {  	s22 =	sadd.s32 $0x80, s5;
	[sflag:s16] =	ssyncset.done $0x0  }
0x4a: {  	s23 =	sadd.s32 $0x3000, s30;
	s21 =	simm.s32 $0x4000;
	[sflag:s16] =	ssyncadd.s32 $0xFFFFC000  }
.LBB2_2:
0x4b: {  	[hbm4b:s23+s2] =	stream.linear.scatter [tilespmem:s8], [sflag:$0x4], $0x8000, $0x38;
	[tilespmem:$0x10400] =	vst v63  }
0x4c: {  	_ = 	snop  }
0x4d: {  	[tilespmem:s2], [sflag:$0x5] =	stream.linear.gather [hbm4b:s22+s2], $0x400, $0x38;
	[tilespmem:$0x10400] =	vst v63  }
0x4e: {  	s31 =	smov.u32 s21;
	_ =	swait.ge [sflag:s6], $0x400  }
0x4f: {  	p1 =	sne.s32 s31, $0x0;
	[sflag:s6] =	ssyncset.done $0x0  }
0x50: {  	s24 =	simm.s32 @p1 $0x3;
	[sflag:s6] =	ssyncadd.s32 $0xFFFFFC00  }
0x51: {  	_ =	swait.ge @p1 [sflag:s24], $0x8000  }
0x52: {  	s25 =	simm.s32 @p1 $0x400;
	[sflag:s24] =	ssyncset.done @p1 $0x0  }
0x53: {  	s26 =	simm.s32 @p1 $0x0;
	[sflag:s24] =	ssyncadd.s32 @p1 $0xFFFF8000;
	s24 =	simm.s32 @p1 $0x80  }
0x54: {  	[tilespmem:s25], [sflag:$0x1] =	stream.indirect.gather @p1 [hbm4b:s3+s24], $0x80, s26, s24, $0xb8;
	[tilespmem:$0x10400] =	vst v63  }
0x55: {  	s25 =	simm.s32 @p1 $0x4400;
	s26 =	simm.s32 @p1 $0x4  }
0x56: {  	[tilespmem:s25], [sflag:$0x1] =	stream.indirect.gather @p1 [hbm4b:s3+s24], $0x80, s24, s24, $0xb8;
	[tilespmem:$0x10400] =	vst v63  }
0x57: {  	_ =	swait.ge @p1 [sflag:s26], $0x8000  }
0x58: {  	s24 =	simm.s32 @!p1 $0x400;
	[sflag:s26] =	ssyncset.done @p1 $0x0  }
0x59: {  	s25 =	simm.s32 @!p1 $0x80;
	[sflag:s26] =	ssyncadd.s32 @p1 $0xFFFF8000;
	s26 =	simm.s32 @!p1 $0x0  }
0x5a: {  	[tilespmem:s24], [sflag:$0x1] =	stream.indirect.gather @!p1 [hbm4b:s3+s25], $0x80, s26, s25, $0xb8;
	[tilespmem:$0x10400] =	vst v63  }
0x5b: {  	s24 =	simm.s32 @!p1 $0x4400  }
0x5c: {  	[tilespmem:s24], [sflag:$0x1] =	stream.indirect.gather @!p1 [hbm4b:s3+s25], $0x80, s25, s25, $0xb8;
	[tilespmem:$0x10400] =	vst v63  }
0x5d: {  	s28 =	rddreg [dreg:$0x3]  }
0x5e: {  	[tilespmem:s8], [sflag:$0x2] =	stream.indirect.gather [hbm4b:s3+s7], $0x80, s28, s7, $0xb8;
	[tilespmem:$0x10400] =	vst v63  }
0x5f: {  	s29 =	rddreg [dreg:$0x4]  }
0x60: {  	[tilespmem:s9], [sflag:$0x2] =	stream.indirect.gather [hbm4b:s3+s7], $0x80, s29, s7, $0xb8;
	[tilespmem:$0x10400] =	vst v63  }
0x61: {  	_ =	swait.ge [sflag:s10], $0x4000  }
0x62: {  	[sflag:s10] =	ssyncset.done $0x0  }
0x63: {  	[sflag:s10] =	ssyncadd.s32 $0xFFFFC000  }
0x64: {  	_ =	swait.ge [sflag:s10], $0x4000  }
0x65: {  	s30 =	rddreg [dreg:$0x2];
	[sflag:s10] =	ssyncset.done $0x0  }
0x66: {  	[sflag:s10] =	ssyncadd.s32 $0xFFFFC000;
	s23 =	sadd.s32 s31, s30  }
0x67: {  	[hbm4b:s23+s2] =	stream.linear.scatter [tilespmem:s11], [sflag:$0x3], $0x8000, $0x38;
	[tilespmem:$0x10400] =	vst v63  }
0x68: {  	_ =	swait.ge [sflag:s12], $0x8000  }
0x69: {  	[sflag:s12] =	ssyncset.done $0x0  }
0x6a: {  	[sflag:s12] =	ssyncadd.s32 $0xFFFF8000  }
0x6b: {  	[tilespmem:s11], [sflag:$0x1] =	stream.indirect.gather [hbm4b:s3+s7], $0x80, s13, s7, $0xb8;
	[tilespmem:$0x10400] =	vst v63  }
0x6c: {  	_ = 	snop  }
0x6d: {  	[tilespmem:s15], [sflag:$0x1] =	stream.indirect.gather [hbm4b:s3+s7], $0x80, s14, s7, $0xb8;
	[tilespmem:$0x10400] =	vst v63  }
0x6e: {  	_ =	swait.ge [sflag:s16], $0x4000  }
0x6f: {  	[sflag:s16] =	ssyncset.done $0x0  }
0x70: {  	[sflag:s16] =	ssyncadd.s32 $0xFFFFC000  }
0x71: {  	_ =	swait.ge [sflag:s16], $0x4000  }
0x72: {  	[sflag:s16] =	ssyncset.done $0x0  }
0x73: {  	s24 =	sadd.s32 $0x1000, s23;
	[sflag:s16] =	ssyncadd.s32 $0xFFFFC000  }
0x74: {  	[hbm4b:s24+s2] =	stream.linear.scatter [tilespmem:s8], [sflag:$0x4], $0x8000, $0x38;
	[tilespmem:$0x10400] =	vst v63  }
0x75: {  	_ =	swait.ge [sflag:s17], $0x8000  }
0x76: {  	[sflag:s17] =	ssyncset.done $0x0  }
0x77: {  	[sflag:s17] =	ssyncadd.s32 $0xFFFF8000  }
0x78: {  	[tilespmem:s8], [sflag:$0x2] =	stream.indirect.gather [hbm4b:s3+s7], $0x80, s18, s7, $0xb8;
	[tilespmem:$0x10400] =	vst v63  }
0x79: {  	_ = 	snop  }
0x7a: {  	[tilespmem:s9], [sflag:$0x2] =	stream.indirect.gather [hbm4b:s3+s7], $0x80, s19, s7, $0xb8;
	[tilespmem:$0x10400] =	vst v63  }
0x7b: {  	_ =	swait.ge [sflag:s10], $0x4000  }
0x7c: {  	[sflag:s10] =	ssyncset.done $0x0  }
0x7d: {  	[sflag:s10] =	ssyncadd.s32 $0xFFFFC000  }
0x7e: {  	_ =	swait.ge [sflag:s10], $0x4000  }
0x7f: {  	[sflag:s10] =	ssyncset.done $0x0  }
0x80: {  	s21 =	sadd.s32 $0x4000, s21;
	s31 =	sadd.s32 $0x2000, s23;
	[sflag:s10] =	ssyncadd.s32 $0xFFFFC000  }
0x81: {  	[hbm4b:s31+s2] =	stream.linear.scatter [tilespmem:s11], [sflag:$0x3], $0x8000, $0x38;
	[tilespmem:$0x10400] =	vst v63  }
0x82: {  	p0 =	sne.s32 s21, $0x10000;
	_ =	swait.ge [sflag:s16], $0x4000  }
.Ltmp0:
0x83: {  	[sflag:s16] =	ssyncset.done $0x0;
	(pc) =	sbr.rel @p0 .LBB2_2-.Ltmp0, $4  }
0x84: {  	[sflag:s16] =	ssyncadd.s32 $0xFFFFC000  }
0x85: {  	_ =	swait.ge [sflag:s16], $0x4000  }
0x86: {  	[sflag:s16] =	ssyncset.done $0x0  }
0x87: {  	s22 =	sadd.s32 $0x80, s22;
	s23 =	sadd.s32 $0x3000, s23;
	[sflag:s16] =	ssyncadd.s32 $0xFFFFC000  }
0x88: {  	[hbm4b:s23+s2] =	stream.linear.scatter [tilespmem:s8], [sflag:$0x4], $0x8000, $0x38;
	[tilespmem:$0x10400] =	vst v63  }
0x89: {  	s20 =	sadd.s32 $0x1, s20  }
0x8a: {  	_ =	swait.ge [sflag:s12], $0x8000;
	p0 =	sne.s32 s20, s4  }
.Ltmp1:
0x8b: {  	[sflag:s12] =	ssyncset.done $0x0;
	(pc) =	sbr.rel @p0 .LBB2_1-.Ltmp1, $4  }
0x8c: {  	[sflag:s12] =	ssyncadd.s32 $0xFFFF8000  }
0x8d: {  	_ =	swait.ge [sflag:s17], $0x8000  }
0x8e: {  	[sflag:s17] =	ssyncset.done $0x0  }
0x8f: {  	[sflag:s17] =	ssyncadd.s32 $0xFFFF8000  }
0x90: {  	_ =	sfence.sel $0x180000  }
0x91: {  	[bflag:$0x0] =	sbarrier.arrive $0xFFFF  }
0x92: {  	p0 =	sne.s32 s1, $0x0;
	_ =	strace $0x90000059  }
0x93: {  	s0 =	sadd.s32 @!p0 $0x100000, s0;
	[bflag:$0x2] =	sbarrier.arrive $0xFFFF  }
0x94: {  	[sflag:s0] =	ssyncadd.tile.s32 @!p0 $0x1;
	_ =	shalt  }
.Lfunc_end2:
_tile_overlayer_lowered:
.L_overlay_start_2:
0x95: {  	(tag) =	ssettag $0x2  }
0x96: {  	s0 =	rddreg [dreg:$0x0];
	s2 =	stileid.u32  }
0x97: {  	s1 =	rddreg [dreg:$0x1];
	p0 =	sne.s32 s2, $0x0  }
0x98: {  	s3 =	rddreg [dreg:$0x2];
	[bflag:$0x3] =	sbarrier.arrive $0xFFFF;
	s2 =	simm.s32 @!p0 $0x1C05  }
0x99: {  	[timem:s3], [sflag:s2] =	dma.local @!p0 [hbm:s0], s1  }
0x9a: {  	s0 =	simm.s32 @!p0 $0x5  }
0x9b: {  	_ =	swait.ge @!p0 [sflag:s0], s1  }
0x9c: {  	s1 =	ssub.s32 @!p0 $0x0, s1;
	[sflag:s0] =	ssyncset.done @!p0 $0x0  }
0x9d: {  	[sflag:s0] =	ssyncadd.s32 @!p0 s1  }
0x9e: {  	[bflag:$0x3] =	sbarrier.arrive $0xFFFF  }
0x9f: {  	_ =	shalt  }

// kernel: kernel.40.cloned.1.call-start
scs
__scs_entry_jumppad:
0x0: {  	(pc) =	sbr.rel $0x88, $3  }
0x1: {  	(tag) =	ssettag $0x0;
	lr =	simm.s32 $0x1  }
0x2: {  	[smem:$0x3F97] =	sst lr;
	_ =	strace $0xD0000000  }
0x3: {  	_ = 	snop  }
0x4: {  	_ = 	snop  }
0x5: {  	_ = 	snop  }
0x6: {  	_ = 	snop  }
0x7: {  	_ = 	snop  }
__scs_overlays_trampoline_lowered:
0x8: {  	[smem:$0x3FA6] =	sst s0  }
0x9: {  	[smem:$0x3FA7] =	sst s1  }
0xa: {  	[smem:$0x3FA8] =	sst s2  }
0xb: {  	[smem:$0x3FA9] =	sst s3  }
0xc: {  	[smem:$0x3FAA] =	sst s4  }
0xd: {  	[smem:$0x3FAB] =	sst s5  }
0xe: {  	[smem:$0x3FAC] =	sst s6  }
0xf: {  	[smem:$0x3FAD] =	sst s7  }
0x10: {  	[smem:$0x3FAE] =	sst s8  }
0x11: {  	[smem:$0x3FAF] =	sst s9;
	s0 =	simm.s32 @!p0 $0x0  }
0x12: {  	s1 =	sld [smem:$0x3F95];
	s0 =	simm.s32 @p0 $0x1  }
0x13: {  	[smem:$0x3FB0] =	sst s0;
	s0 =	simm.s32 @!p1 $0x0  }
0x14: {  	s2 =	sld [smem:$0x3F94];
	s0 =	simm.s32 @p1 $0x1  }
0x15: {  	[smem:$0x3FB1] =	sst s0;
	s0 =	simm.s32 @!p2 $0x0  }
0x16: {  	s3 =	sld [smem:$0x3FDB];
	s0 =	simm.s32 @p2 $0x1  }
0x17: {  	s4 =	simm.s32 $0x1BF5;
	[smem:$0x3FB3] =	sst s0  }
0x18: {  	s0 =	sld [smem:$0x3F96];
	_ =	swait.ge [sflag:s4], $0x0  }
0x19: {  	s7 =	sld [smem:$0x3F97]  }
0x1a: {  	s8 =	sadd.s32 $0xFFFFE003, lr  }
0x1b: {  	s9 =	sadd.s32 $0xFFFFFEF7, lr;
	s5 =	simm.s32 $0xFFFFFFFF;
	p2 =	slt.u32 s8, $0xFFFFF086  }
0x1c: {  	p1 =	slt.u32 s9, $0xF7A;
	s5 =	simm.s32 @!p2 $0x0  }
0x1d: {  	s5 =	simm.s32 @p1 $0x1;
	p0 =	seq.s32 s7, s2  }
0x1e: {  	s7 =	smul.u32 @!p0 $0xF7A, s2;
	p2 =	seq.s32 @!p0 s5, $0x0  }
0x1f: {  	s9 =	smul.u32 $0xF7A, s1;
	s8 =	simm.s32 @!p0 $0x1BF5;
	p2 =	por !p2, p0  }
0x20: {  	[sflag:s8] =	ssyncset.s32 @!p0 $0xFFFFF086;
	s6 =	sadd.s32 @!p0 s3, s7;
	s7 =	simm.s32 @!p0 $0x108  }
0x21: {  	s3 =	sadd.s32 s3, s9;
	s6 =	sadd.s32 @!p0 $0x88, s6;
	s7 =	simm.s32 @p2 $0x1082  }
0x22: {  	[simem:s7], [sflag:s8] =	dma.local @!p0 [hbm:s6], $0xF7A  }
0x23: {  	s9 =	sor.u32 $0xD0000000, s2;
	s6 =	simm.s32 $0x108;
	_ =	swait.ge @!p0 [sflag:s8], $0x0  }
0x24: {  	s3 =	sadd.s32 $0x88, s3;
	s6 =	simm.s32 @!p1 $0x1082;
	[sflag:s4] =	ssyncset.s32 $0xFFFFF086  }
0x25: {  	[simem:s6], [sflag:s4] =	dma.local [hbm:s3], $0xF7A  }
0x26: {  	[smem:$0x3F97] =	sst s1;
	(tag) =	ssettag s2;
	_ =	strace s9  }
0x27: {  	s1 =	sld [smem:$0x3FA7]  }
0x28: {  	s2 =	sld [smem:$0x3FA8]  }
0x29: {  	s4 =	sld [smem:$0x3FAA]  }
0x2a: {  	p0 =	seq.s32 s5, $0x0;
	s5 =	sld [smem:$0x3FAB]  }
0x2b: {  	s6 =	sld [smem:$0x3FAC]  }
0x2c: {  	s7 =	sld [smem:$0x3FAD]  }
0x2d: {  	s3 =	simm.s32 $0x108;
	s8 =	sld [smem:$0x3FAE]  }
0x2e: {  	s3 =	simm.s32 @!p0 $0x1082;
	s9 =	sld [smem:$0x3FAF]  }
0x2f: {  	lr =	sadd.s32 s0, s3;
	s0 =	sld [smem:$0x3FA6]  }
0x30: {  	s3 =	sld [smem:$0x3FA9]  }
0x31: {  	[smem:$0x3FB2] =	sst s10  }
0x32: {  	s10 =	sld [smem:$0x3FB0];
	_ =	sdelay $0x3  }
0x33: {  	p0 =	seq.s32 s10, $0x1;
	s10 =	sld [smem:$0x3FB2];
	_ =	sdelay $0x3  }
0x34: {  	[smem:$0x3FB2] =	sst s10  }
0x35: {  	s10 =	sld [smem:$0x3FB1];
	_ =	sdelay $0x3  }
0x36: {  	p1 =	seq.s32 s10, $0x1;
	s10 =	sld [smem:$0x3FB2];
	_ =	sdelay $0x3  }
0x37: {  	[smem:$0x3FB2] =	sst s10  }
0x38: {  	s10 =	sld [smem:$0x3FB3]  }
0x39: {  	_ = 	snop;
	(pc) =	sbr.ind lr, $3  }
0x3a: {  	_ = 	snop  }
0x3b: {  	_ = 	snop  }
0x3c: {  	p2 =	seq.s32 s10, $0x1;
	s10 =	sld [smem:$0x3FB2]  }
0x3d: {  	_ =	shalt  }
0x3e: {  	_ =	shalt  }
0x3f: {  	_ =	shalt  }
0x40: {  	_ =	shalt  }
0x41: {  	_ =	shalt  }
0x42: {  	_ =	shalt  }
0x43: {  	_ =	shalt  }
0x44: {  	_ =	shalt  }
0x45: {  	_ =	shalt  }
0x46: {  	_ =	shalt  }
0x47: {  	_ =	shalt  }
0x48: {  	_ =	shalt  }
0x49: {  	_ =	shalt  }
0x4a: {  	_ =	shalt  }
0x4b: {  	_ =	shalt  }
0x4c: {  	_ =	shalt  }
0x4d: {  	_ =	shalt  }
0x4e: {  	_ =	shalt  }
0x4f: {  	_ =	shalt  }
0x50: {  	_ =	shalt  }
0x51: {  	_ =	shalt  }
0x52: {  	_ =	shalt  }
0x53: {  	_ =	shalt  }
0x54: {  	_ =	shalt  }
0x55: {  	_ =	shalt  }
0x56: {  	_ =	shalt  }
0x57: {  	_ =	shalt  }
0x58: {  	_ =	shalt  }
0x59: {  	_ =	shalt  }
0x5a: {  	_ =	shalt  }
0x5b: {  	_ =	shalt  }
0x5c: {  	_ =	shalt  }
0x5d: {  	_ =	shalt  }
0x5e: {  	_ =	shalt  }
0x5f: {  	_ =	shalt  }
0x60: {  	_ =	shalt  }
0x61: {  	_ =	shalt  }
0x62: {  	_ =	shalt  }
0x63: {  	_ =	shalt  }
0x64: {  	_ =	shalt  }
0x65: {  	_ =	shalt  }
0x66: {  	_ =	shalt  }
0x67: {  	_ =	shalt  }
0x68: {  	_ =	shalt  }
0x69: {  	_ =	shalt  }
0x6a: {  	_ =	shalt  }
0x6b: {  	_ =	shalt  }
0x6c: {  	_ =	shalt  }
0x6d: {  	_ =	shalt  }
0x6e: {  	_ =	shalt  }
0x6f: {  	_ =	shalt  }
0x70: {  	_ =	shalt  }
0x71: {  	_ =	shalt  }
0x72: {  	_ =	shalt  }
0x73: {  	_ =	shalt  }
0x74: {  	_ =	shalt  }
0x75: {  	_ =	shalt  }
0x76: {  	_ =	shalt  }
0x77: {  	_ =	shalt  }
0x78: {  	_ =	shalt  }
0x79: {  	_ =	shalt  }
0x7a: {  	_ =	shalt  }
0x7b: {  	_ =	shalt  }
0x7c: {  	_ =	shalt  }
0x7d: {  	_ =	shalt  }
0x7e: {  	_ =	shalt  }
0x7f: {  	_ =	shalt  }
0x80: {  	_ =	shalt  }
0x81: {  	_ =	shalt  }
0x82: {  	_ =	shalt  }
0x83: {  	_ =	shalt  }
0x84: {  	_ =	shalt  }
0x85: {  	_ =	shalt  }
0x86: {  	_ =	shalt  }
0x87: {  	_ =	shalt  }
.Lfunc_end0:
.L_simem_size_0:
called_computation.7_lowered:
.L_overlay_start_0:
0x88: {  	s2 =	sld [smem:$0x3FD9]  }
0x89: {  	s3 =	sld [smem:$0x3FFE];
	_ =	sdelay $0x1  }
0x8a: {  	s1 =	srdreg.scid  }
0x8b: {  	s0 =	sand.u32 $0x1, s1  }
0x8c: {  	s17 =	sshll.u32 s0, $0xA;
	s2 =	sadd.s32 s3, s2  }
0x8d: {  	s2 =	sadd.s32 s2, s17  }
0x8e: {  	[smem:$0x3FBE] =	sst s2  }
0x8f: {  	_ = 	snop  }
0x90: {  	(tm) =	ssettm $0x1  }
0x91: {  	s18 =	sld [smem:$0x3FFB];
	_ =	sdelay $0x3  }
0x92: {  	_ =	strace s18  }
0x93: {  	s2 =	sld [smem:$0x3FFC];
	_ =	sdelay $0x3  }
0x94: {  	_ =	strace s2  }
0x95: {  	s2 =	sld [smem:$0x3FFD];
	_ =	sdelay $0x3  }
0x96: {  	_ =	strace s2  }
0x97: {  	_ =	strace $0x8FFFFFFF  }
0x98: {  	s19 =	sld [smem:$0x3FDB];
	_ =	sdelay $0x1  }
0x99: {  	s20 =	simm.s32 $_scs_section_size  }
0x9a: {  	s4 =	simm.s32 $_size__tile_overlayer_lowered;
	s5 =	simm.s32 $_tile_overlayer_lowered  }
0x9b: {  	s6 =	simm.s32 $0x1BFF;
	s21 =	sshll.u32 s5, $0x1;
	s3 =	sadd.s32 s20, s19  }
0x9c: {  	s22 =	simm.s32 $0x0;
	s4 =	sshll.u32 s4, $0x1;
	s5 =	sadd.s32 s21, s3  }
0x9d: {  	[timem:s22], [sflag:s6] =	dma.local [hbm:s5], s4  }
0x9e: {  	_ =	swait.ge [sflag:s6], s4  }
0x9f: {  	s4 =	ssub.s32 $0x0, s4;
	[sflag:s6] =	ssyncset.done $0x0  }
0xa0: {  	[sflag:s6] =	ssyncadd.s32 s4;
	_ =	sdelay $0x1  }
0xa1: {  	s23 =	simm.s32 $0x1B8B  }
0xa2: {  	_ =	swait.ge [sflag:s23], $0x1  }
0xa3: {  	[sflag:s23] =	ssyncset.done $0x0  }
0xa4: {  	[sflag:s23] =	ssyncadd.s32 $0xFFFFFFFF  }
0xa5: {  	s4 =	sld [smem:$0x0]  }
0xa6: {  	s5 =	sand.u32 $0xFFFFFFFE, s1  }
0xa7: {  	p0 =	sne.s32 s1, s5  }
0xa8: {  	s5 =	sshll.u32 @p0 s5, $0xE  }
0xa9: {  	s5 =	sadd.s32 @p0 $0x11B8D, s5;
	s6 =	sshll.u32 @p0 s4, $0x11  }
0xaa: {  	s5 =	sor.u32 @p0 s6, s5  }
0xab: {  	[sflag:s5] =	ssyncadd.remote.s32 @p0 $0x1;
	_ =	sdelay $0x1  }
0xac: {  	s5 =	simm.s32 @p0 $0x1B8D  }
0xad: {  	_ =	swait.eq @p0 [sflag:s5], $0x1  }
0xae: {  	[sflag:s5] =	ssyncadd.s32 @p0 $0xFFFFFFFF  }
0xaf: {  	s6 =	sshll.u32 @!p0 s1, $0xE  }
0xb0: {  	s6 =	sor.u32 @!p0 $0x4000, s6;
	s5 =	simm.s32 @!p0 $0x1B8D  }
0xb1: {  	s4 =	sshll.u32 @!p0 s4, $0x11;
	s6 =	sadd.s32 @!p0 $0x11B8D, s6;
	_ =	swait.eq @!p0 [sflag:s5], $0x1  }
0xb2: {  	s4 =	sor.u32 @!p0 s4, s6;
	[sflag:s5] =	ssyncadd.s32 @!p0 $0xFFFFFFFF  }
0xb3: {  	s25 =	simm.s32 $0x1B8E;
	s24 =	sld [smem:$0x3FFE];
	[sflag:s4] =	ssyncadd.remote.s32 @!p0 $0x1  }
0xb4: {  	s26 =	simm.s32 $execute0_lowered;
	[smem:$0x3FD2] =	sst s25  }
0xb5: {  	s5 =	sshll.u32 s26, $0x1;
	_ =	strace $0x8000005B;
	[dreg:$0x1] =	wrdreg $0xFFFFFFFF  }
0xb6: {  	s28 =	simm.s32 $_size_execute0_lowered;
	s3 =	sadd.s32 s3, s5;
	[dreg:$0x0] =	wrdreg $0x0  }
0xb7: {  	s5 =	sshll.u32 s28, $0x1;
	[dreg:$0x2] =	wrdreg s3  }
0xb8: {  	[dreg:$0x3] =	wrdreg s5  }
0xb9: {  	[dreg:$0x4] =	wrdreg $0xC0  }
0xba: {  	_ =	task [dreg:s22], $0x5FFFF  }
0xbb: {  	[dreg:$0x1] =	wrdreg $0xFFFFFFFF  }
0xbc: {  	[dreg:$0x0] =	wrdreg $0x60  }
0xbd: {  	[dreg:$0x2] =	wrdreg s24  }
0xbe: {  	[dreg:$0x3] =	wrdreg $0x10  }
0xbf: {  	_ =	task.clear_ibuf [dreg:s22], $0x4FFFF;
	_ =	strace $0x9000005B  }
0xc0: {  	s29 =	simm.s32 $0x10;
	_ =	strace $0x8000005D  }
0xc1: {  	_ =	swait.ge [sflag:s29], $0x1  }
0xc2: {  	[sflag:s29] =	ssyncadd.s32 $0xFFFFFFFF  }
0xc3: {  	_ =	strace $0x9000005D  }
0xc4: {  	_ =	sfence  }
0xc5: {  	s30 =	sld [smem:$0x0];
	_ =	sdelay $0x2  }
0xc6: {  	s31 =	sshll.u32 s1, $0xD;
	s1 =	sshrl.u32 s1, $0x2  }
0xc7: {  	s4 =	sand.u32 $0x4000, s31;
	s1 =	sadd.s32 s1, s30  }
0xc8: {  	s0 =	sor.u32 s4, s0;
	s1 =	sshll.u32 s1, $0x11  }
0xc9: {  	s0 =	sor.u32 s1, s0  }
0xca: {  	s0 =	sadd.s32 $0x8F2B, s0  }
0xcb: {  	[sflag:s0] =	ssyncadd.remote.s32 $0x1  }
0xcc: {  	_ =	sfence.sel $0xFFFF  }
0xcd: {  	[dreg:$0x0] =	wrdreg $0xFFFFFFFF;
	(pc) =	sbr.abs _section_cstart, $3  }
0xce: {  	[dreg:$0x1] =	wrdreg $0xFFFFFFFF  }
0xcf: {  	_ =	task.clear_ibuf [dreg:s22], $0x2FFFF;
	_ =	strace $0x9FFFFFFF  }
0xd0: {  	(tm) =	ssettm $0x7FFFFFFF  }
0xd1: {  	_ =	shalt  }
tec
execute0_lowered:
.L_overlay_start_1:
0x0: {  	(tag) =	ssettag $0x1  }
0x1: {  	s3 =	rddreg [dreg:$0x0]  }
0x2: {  	s0 =	rddreg [dreg:$0x1];
	s2 =	simm.s32 $0x0;
	s1 =	stileid.u32  }
0x3: {  	s5 =	srdreg.scid;
	s30 =	simm.s32 $0x100;
	s31 =	simm.s32 $0x180  }
0x4: {  	s10 =	simm.s32 $0x1;
	s11 =	simm.s32 $0x400;
	s12 =	simm.s32 $0x3  }
0x5: {  	s13 =	simm.s32 $0x200;
	s14 =	simm.s32 $0x280;
	s15 =	simm.s32 $0x4400  }
0x6: {  	s16 =	simm.s32 $0x2;
	s17 =	simm.s32 $0x4;
	s18 =	simm.s32 $0x300  }
0x7: {  	s19 =	simm.s32 $0x380;
	s20 =	simm.s32 $0x0;
	s4 =	smul.u32 $0x300, s1  }
0x8: {  	[smem:$0x7FF] =	sst s2;
	s6 =	smul.u32 $0x18000, s1;
	s5 =	sand.u32 $0x1, s5  }
0x9: {  	_ =	strace $0x8000005C;
	s8 =	smul.u32 $0xC000, s5;
	[dreg:$0x3] =	wrdreg s30  }
0xa: {  	s29 =	ssub.s32 $0x2, s5;
	s5 =	smul.u32 $0x180, s5;
	[dreg:$0x4] =	wrdreg s31  }
0xb: {  	s7 =	sadd.s32 s4, s3;
	s6 =	sadd.s32 s6, s3;
	s9 =	sshrl.u32 s29, $0x1  }
0xc: {  	s3 =	sadd.s32 $0x5A00, s3;
	s4 =	ssub.s32 s29, s9;
	s6 =	sadd.s32 s8, s6  }
0xd: {  	s5 =	sadd.s32 s5, s7;
	s7 =	simm.s32 $0x80;
	s8 =	simm.s32 $0x8400  }
0xe: {  	s9 =	simm.s32 $0xC400;
	s4 =	smax.u32 s4, $0x1;
	s6 =	sadd.s32 $0xC24400, s6  }
0xf: {  	s5 =	sadd.s32 $0x291400, s5;
	[dreg:$0x2] =	wrdreg s6;
	s6 =	simm.s32 $0x5  }
.LBB2_1:
0x10: {  	[tilespmem:s2], [sflag:$0x5] =	stream.linear.gather [hbm4b:s5+s2], $0x400, $0x38;
	[tilespmem:$0x10400] =	vst v63  }
0x11: {  	_ =	swait.ge [sflag:s6], $0x400  }
0x12: {  	p0 =	por $0x0, $0x0;
	[sflag:s6] =	ssyncset.done $0x0  }
0x13: {  	s21 =	simm.s32 @p0 $0x3;
	[sflag:s6] =	ssyncadd.s32 $0xFFFFFC00  }
0x14: {  	_ =	swait.ge @p0 [sflag:s21], $0x8000  }
0x15: {  	s22 =	simm.s32 @p0 $0x400;
	[sflag:s21] =	ssyncset.done @p0 $0x0  }
0x16: {  	s23 =	simm.s32 @p0 $0x0;
	[sflag:s21] =	ssyncadd.s32 @p0 $0xFFFF8000;
	s21 =	simm.s32 @p0 $0x80  }
0x17: {  	[tilespmem:s22], [sflag:$0x1] =	stream.indirect.gather @p0 [hbm4b:s3+s21], $0x80, s23, s21, $0xb8;
	[tilespmem:$0x10400] =	vst v63  }
0x18: {  	s22 =	simm.s32 @p0 $0x4400;
	s23 =	simm.s32 @p0 $0x4  }
0x19: {  	[tilespmem:s22], [sflag:$0x1] =	stream.indirect.gather @p0 [hbm4b:s3+s21], $0x80, s21, s21, $0xb8;
	[tilespmem:$0x10400] =	vst v63  }
0x1a: {  	_ =	swait.ge @p0 [sflag:s23], $0x8000  }
0x1b: {  	s21 =	simm.s32 @!p0 $0x400;
	[sflag:s23] =	ssyncset.done @p0 $0x0  }
0x1c: {  	s22 =	simm.s32 @!p0 $0x80;
	[sflag:s23] =	ssyncadd.s32 @p0 $0xFFFF8000;
	s23 =	simm.s32 @!p0 $0x0  }
0x1d: {  	[tilespmem:s21], [sflag:$0x1] =	stream.indirect.gather @!p0 [hbm4b:s3+s22], $0x80, s23, s22, $0xb8;
	[tilespmem:$0x10400] =	vst v63  }
0x1e: {  	s21 =	simm.s32 @!p0 $0x4400  }
0x1f: {  	[tilespmem:s21], [sflag:$0x1] =	stream.indirect.gather @!p0 [hbm4b:s3+s22], $0x80, s22, s22, $0xb8;
	[tilespmem:$0x10400] =	vst v63  }
0x20: {  	s26 =	rddreg [dreg:$0x3]  }
0x21: {  	[tilespmem:s8], [sflag:$0x2] =	stream.indirect.gather [hbm4b:s3+s7], $0x80, s26, s7, $0xb8;
	[tilespmem:$0x10400] =	vst v63  }
0x22: {  	s28 =	rddreg [dreg:$0x4]  }
0x23: {  	[tilespmem:s9], [sflag:$0x2] =	stream.indirect.gather [hbm4b:s3+s7], $0x80, s28, s7, $0xb8;
	[tilespmem:$0x10400] =	vst v63  }
0x24: {  	_ =	swait.ge [sflag:s10], $0x4000  }
0x25: {  	[sflag:s10] =	ssyncset.done $0x0  }
0x26: {  	[sflag:s10] =	ssyncadd.s32 $0xFFFFC000  }
0x27: {  	_ =	swait.ge [sflag:s10], $0x4000  }
0x28: {  	s29 =	rddreg [dreg:$0x2];
	[sflag:s10] =	ssyncset.done $0x0  }
0x29: {  	[sflag:s10] =	ssyncadd.s32 $0xFFFFC000;
	s30 =	sadd.s32 $0x0, s29  }
0x2a: {  	[hbm4b:s30+s2] =	stream.linear.scatter [tilespmem:s11], [sflag:$0x3], $0x8000, $0x38;
	[tilespmem:$0x10400] =	vst v63  }
0x2b: {  	_ =	swait.ge [sflag:s12], $0x8000  }
0x2c: {  	[sflag:s12] =	ssyncset.done $0x0  }
0x2d: {  	[sflag:s12] =	ssyncadd.s32 $0xFFFF8000  }
0x2e: {  	[tilespmem:s11], [sflag:$0x1] =	stream.indirect.gather [hbm4b:s3+s7], $0x80, s13, s7, $0xb8;
	[tilespmem:$0x10400] =	vst v63  }
0x2f: {  	_ = 	snop  }
0x30: {  	[tilespmem:s15], [sflag:$0x1] =	stream.indirect.gather [hbm4b:s3+s7], $0x80, s14, s7, $0xb8;
	[tilespmem:$0x10400] =	vst v63  }
0x31: {  	_ =	swait.ge [sflag:s16], $0x4000  }
0x32: {  	[sflag:s16] =	ssyncset.done $0x0  }
0x33: {  	[sflag:s16] =	ssyncadd.s32 $0xFFFFC000  }
0x34: {  	_ =	swait.ge [sflag:s16], $0x4000  }
0x35: {  	[sflag:s16] =	ssyncset.done $0x0  }
0x36: {  	s21 =	sadd.s32 $0x1000, s30;
	[sflag:s16] =	ssyncadd.s32 $0xFFFFC000  }
0x37: {  	[hbm4b:s21+s2] =	stream.linear.scatter [tilespmem:s8], [sflag:$0x4], $0x8000, $0x38;
	[tilespmem:$0x10400] =	vst v63  }
0x38: {  	_ =	swait.ge [sflag:s17], $0x8000  }
0x39: {  	[sflag:s17] =	ssyncset.done $0x0  }
0x3a: {  	[sflag:s17] =	ssyncadd.s32 $0xFFFF8000  }
0x3b: {  	[tilespmem:s8], [sflag:$0x2] =	stream.indirect.gather [hbm4b:s3+s7], $0x80, s18, s7, $0xb8;
	[tilespmem:$0x10400] =	vst v63  }
0x3c: {  	_ = 	snop  }
0x3d: {  	[tilespmem:s9], [sflag:$0x2] =	stream.indirect.gather [hbm4b:s3+s7], $0x80, s19, s7, $0xb8;
	[tilespmem:$0x10400] =	vst v63  }
0x3e: {  	_ =	swait.ge [sflag:s10], $0x4000  }
0x3f: {  	[sflag:s10] =	ssyncset.done $0x0  }
0x40: {  	[sflag:s10] =	ssyncadd.s32 $0xFFFFC000  }
0x41: {  	_ =	swait.ge [sflag:s10], $0x4000  }
0x42: {  	[sflag:s10] =	ssyncset.done $0x0  }
0x43: {  	s31 =	sadd.s32 $0x2000, s30;
	[sflag:s10] =	ssyncadd.s32 $0xFFFFC000  }
0x44: {  	[hbm4b:s31+s2] =	stream.linear.scatter [tilespmem:s11], [sflag:$0x3], $0x8000, $0x38;
	[tilespmem:$0x10400] =	vst v63  }
0x45: {  	_ =	swait.ge [sflag:s16], $0x4000  }
0x46: {  	[sflag:s16] =	ssyncset.done $0x0  }
0x47: {  	[sflag:s16] =	ssyncadd.s32 $0xFFFFC000  }
0x48: {  	_ =	swait.ge [sflag:s16], $0x4000  }
0x49: {  	s22 =	sadd.s32 $0x80, s5;
	[sflag:s16] =	ssyncset.done $0x0  }
0x4a: {  	s23 =	sadd.s32 $0x3000, s30;
	s21 =	simm.s32 $0x4000;
	[sflag:s16] =	ssyncadd.s32 $0xFFFFC000  }
.LBB2_2:
0x4b: {  	[hbm4b:s23+s2] =	stream.linear.scatter [tilespmem:s8], [sflag:$0x4], $0x8000, $0x38;
	[tilespmem:$0x10400] =	vst v63  }
0x4c: {  	_ = 	snop  }
0x4d: {  	[tilespmem:s2], [sflag:$0x5] =	stream.linear.gather [hbm4b:s22+s2], $0x400, $0x38;
	[tilespmem:$0x10400] =	vst v63  }
0x4e: {  	s31 =	smov.u32 s21;
	_ =	swait.ge [sflag:s6], $0x400  }
0x4f: {  	p1 =	sne.s32 s31, $0x0;
	[sflag:s6] =	ssyncset.done $0x0  }
0x50: {  	s24 =	simm.s32 @p1 $0x3;
	[sflag:s6] =	ssyncadd.s32 $0xFFFFFC00  }
0x51: {  	_ =	swait.ge @p1 [sflag:s24], $0x8000  }
0x52: {  	s25 =	simm.s32 @p1 $0x400;
	[sflag:s24] =	ssyncset.done @p1 $0x0  }
0x53: {  	s26 =	simm.s32 @p1 $0x0;
	[sflag:s24] =	ssyncadd.s32 @p1 $0xFFFF8000;
	s24 =	simm.s32 @p1 $0x80  }
0x54: {  	[tilespmem:s25], [sflag:$0x1] =	stream.indirect.gather @p1 [hbm4b:s3+s24], $0x80, s26, s24, $0xb8;
	[tilespmem:$0x10400] =	vst v63  }
0x55: {  	s25 =	simm.s32 @p1 $0x4400;
	s26 =	simm.s32 @p1 $0x4  }
0x56: {  	[tilespmem:s25], [sflag:$0x1] =	stream.indirect.gather @p1 [hbm4b:s3+s24], $0x80, s24, s24, $0xb8;
	[tilespmem:$0x10400] =	vst v63  }
0x57: {  	_ =	swait.ge @p1 [sflag:s26], $0x8000  }
0x58: {  	s24 =	simm.s32 @!p1 $0x400;
	[sflag:s26] =	ssyncset.done @p1 $0x0  }
0x59: {  	s25 =	simm.s32 @!p1 $0x80;
	[sflag:s26] =	ssyncadd.s32 @p1 $0xFFFF8000;
	s26 =	simm.s32 @!p1 $0x0  }
0x5a: {  	[tilespmem:s24], [sflag:$0x1] =	stream.indirect.gather @!p1 [hbm4b:s3+s25], $0x80, s26, s25, $0xb8;
	[tilespmem:$0x10400] =	vst v63  }
0x5b: {  	s24 =	simm.s32 @!p1 $0x4400  }
0x5c: {  	[tilespmem:s24], [sflag:$0x1] =	stream.indirect.gather @!p1 [hbm4b:s3+s25], $0x80, s25, s25, $0xb8;
	[tilespmem:$0x10400] =	vst v63  }
0x5d: {  	s28 =	rddreg [dreg:$0x3]  }
0x5e: {  	[tilespmem:s8], [sflag:$0x2] =	stream.indirect.gather [hbm4b:s3+s7], $0x80, s28, s7, $0xb8;
	[tilespmem:$0x10400] =	vst v63  }
0x5f: {  	s29 =	rddreg [dreg:$0x4]  }
0x60: {  	[tilespmem:s9], [sflag:$0x2] =	stream.indirect.gather [hbm4b:s3+s7], $0x80, s29, s7, $0xb8;
	[tilespmem:$0x10400] =	vst v63  }
0x61: {  	_ =	swait.ge [sflag:s10], $0x4000  }
0x62: {  	[sflag:s10] =	ssyncset.done $0x0  }
0x63: {  	[sflag:s10] =	ssyncadd.s32 $0xFFFFC000  }
0x64: {  	_ =	swait.ge [sflag:s10], $0x4000  }
0x65: {  	s30 =	rddreg [dreg:$0x2];
	[sflag:s10] =	ssyncset.done $0x0  }
0x66: {  	[sflag:s10] =	ssyncadd.s32 $0xFFFFC000;
	s23 =	sadd.s32 s31, s30  }
0x67: {  	[hbm4b:s23+s2] =	stream.linear.scatter [tilespmem:s11], [sflag:$0x3], $0x8000, $0x38;
	[tilespmem:$0x10400] =	vst v63  }
0x68: {  	_ =	swait.ge [sflag:s12], $0x8000  }
0x69: {  	[sflag:s12] =	ssyncset.done $0x0  }
0x6a: {  	[sflag:s12] =	ssyncadd.s32 $0xFFFF8000  }
0x6b: {  	[tilespmem:s11], [sflag:$0x1] =	stream.indirect.gather [hbm4b:s3+s7], $0x80, s13, s7, $0xb8;
	[tilespmem:$0x10400] =	vst v63  }
0x6c: {  	_ = 	snop  }
0x6d: {  	[tilespmem:s15], [sflag:$0x1] =	stream.indirect.gather [hbm4b:s3+s7], $0x80, s14, s7, $0xb8;
	[tilespmem:$0x10400] =	vst v63  }
0x6e: {  	_ =	swait.ge [sflag:s16], $0x4000  }
0x6f: {  	[sflag:s16] =	ssyncset.done $0x0  }
0x70: {  	[sflag:s16] =	ssyncadd.s32 $0xFFFFC000  }
0x71: {  	_ =	swait.ge [sflag:s16], $0x4000  }
0x72: {  	[sflag:s16] =	ssyncset.done $0x0  }
0x73: {  	s24 =	sadd.s32 $0x1000, s23;
	[sflag:s16] =	ssyncadd.s32 $0xFFFFC000  }
0x74: {  	[hbm4b:s24+s2] =	stream.linear.scatter [tilespmem:s8], [sflag:$0x4], $0x8000, $0x38;
	[tilespmem:$0x10400] =	vst v63  }
0x75: {  	_ =	swait.ge [sflag:s17], $0x8000  }
0x76: {  	[sflag:s17] =	ssyncset.done $0x0  }
0x77: {  	[sflag:s17] =	ssyncadd.s32 $0xFFFF8000  }
0x78: {  	[tilespmem:s8], [sflag:$0x2] =	stream.indirect.gather [hbm4b:s3+s7], $0x80, s18, s7, $0xb8;
	[tilespmem:$0x10400] =	vst v63  }
0x79: {  	_ = 	snop  }
0x7a: {  	[tilespmem:s9], [sflag:$0x2] =	stream.indirect.gather [hbm4b:s3+s7], $0x80, s19, s7, $0xb8;
	[tilespmem:$0x10400] =	vst v63  }
0x7b: {  	_ =	swait.ge [sflag:s10], $0x4000  }
0x7c: {  	[sflag:s10] =	ssyncset.done $0x0  }
0x7d: {  	[sflag:s10] =	ssyncadd.s32 $0xFFFFC000  }
0x7e: {  	_ =	swait.ge [sflag:s10], $0x4000  }
0x7f: {  	[sflag:s10] =	ssyncset.done $0x0  }
0x80: {  	s21 =	sadd.s32 $0x4000, s21;
	s31 =	sadd.s32 $0x2000, s23;
	[sflag:s10] =	ssyncadd.s32 $0xFFFFC000  }
0x81: {  	[hbm4b:s31+s2] =	stream.linear.scatter [tilespmem:s11], [sflag:$0x3], $0x8000, $0x38;
	[tilespmem:$0x10400] =	vst v63  }
0x82: {  	p0 =	sne.s32 s21, $0xC000;
	_ =	swait.ge [sflag:s16], $0x4000  }
.Ltmp0:
0x83: {  	[sflag:s16] =	ssyncset.done $0x0;
	(pc) =	sbr.rel @p0 .LBB2_2-.Ltmp0, $4  }
0x84: {  	[sflag:s16] =	ssyncadd.s32 $0xFFFFC000  }
0x85: {  	_ =	swait.ge [sflag:s16], $0x4000  }
0x86: {  	[sflag:s16] =	ssyncset.done $0x0  }
0x87: {  	s22 =	sadd.s32 $0x80, s22;
	s23 =	sadd.s32 $0x3000, s23;
	[sflag:s16] =	ssyncadd.s32 $0xFFFFC000  }
0x88: {  	[hbm4b:s23+s2] =	stream.linear.scatter [tilespmem:s8], [sflag:$0x4], $0x8000, $0x38;
	[tilespmem:$0x10400] =	vst v63  }
0x89: {  	s20 =	sadd.s32 $0x1, s20  }
0x8a: {  	_ =	swait.ge [sflag:s12], $0x8000;
	p0 =	sne.s32 s20, s4  }
.Ltmp1:
0x8b: {  	[sflag:s12] =	ssyncset.done $0x0;
	(pc) =	sbr.rel @p0 .LBB2_1-.Ltmp1, $4  }
0x8c: {  	[sflag:s12] =	ssyncadd.s32 $0xFFFF8000  }
0x8d: {  	_ =	swait.ge [sflag:s17], $0x8000  }
0x8e: {  	[sflag:s17] =	ssyncset.done $0x0  }
0x8f: {  	[sflag:s17] =	ssyncadd.s32 $0xFFFF8000  }
0x90: {  	_ =	sfence.sel $0x180000  }
0x91: {  	[bflag:$0x0] =	sbarrier.arrive $0xFFFF  }
0x92: {  	p0 =	sne.s32 s1, $0x0;
	_ =	strace $0x9000005C  }
0x93: {  	s0 =	sadd.s32 @!p0 $0x100000, s0;
	[bflag:$0x2] =	sbarrier.arrive $0xFFFF  }
0x94: {  	[sflag:s0] =	ssyncadd.tile.s32 @!p0 $0x1;
	_ =	shalt  }
.Lfunc_end2:
_tile_overlayer_lowered:
.L_overlay_start_2:
0x95: {  	(tag) =	ssettag $0x2  }
0x96: {  	s0 =	rddreg [dreg:$0x0];
	s2 =	stileid.u32  }
0x97: {  	s1 =	rddreg [dreg:$0x1];
	p0 =	sne.s32 s2, $0x0  }
0x98: {  	s3 =	rddreg [dreg:$0x2];
	[bflag:$0x3] =	sbarrier.arrive $0xFFFF;
	s2 =	simm.s32 @!p0 $0x1C05  }
0x99: {  	[timem:s3], [sflag:s2] =	dma.local @!p0 [hbm:s0], s1  }
0x9a: {  	s0 =	simm.s32 @!p0 $0x5  }
0x9b: {  	_ =	swait.ge @!p0 [sflag:s0], s1  }
0x9c: {  	s1 =	ssub.s32 @!p0 $0x0, s1;
	[sflag:s0] =	ssyncset.done @!p0 $0x0  }
0x9d: {  	[sflag:s0] =	ssyncadd.s32 @!p0 s1  }
0x9e: {  	[bflag:$0x3] =	sbarrier.arrive $0xFFFF  }
0x9f: {  	_ =	shalt  }

</sc_bundles>
